<compile_context>
chip_gen: v7x
topology: tpu7x:2x2x1
jax: 0.10.2.dev20260603
libtpu: 0.0.44.dev20260713+nightly
codegen_flags: <defaults>
</compile_context>

<pallas_src>
import functools

import jax
import jax.numpy as jnp
from jax import lax
from jax.experimental import pallas as pl
from jax.experimental.pallas import tpu as pltpu
from jax.experimental.pallas import tpu_sc as plsc

K = 16
QT = 256
ROWW = 128
OUTW = 3 + 64


G = 128


def _topk_body(xyz_ref, sxyz_ref, idx_ref):
    q = xyz_ref[0]
    s = sxyz_ref[0]
    n = s.shape[0]
    gs = n // G
    d = -2.0 * lax.dot_general(s, q, (((1,), (1,)), ((), ())),
                               preferred_element_type=jnp.float32)
    q2 = jnp.sum(q * q, axis=1)
    s2 = jnp.sum(s * s, axis=1)
    d = d + q2[None, :]
    d = d + s2[:, None]
    qt = d.shape[1]
    d3 = d.reshape(G, gs, qt)
    gbase = lax.broadcasted_iota(jnp.int32, (G, qt), 0) * gs
    inf = jnp.float32(jnp.inf)

    def cands(d3):
        v = d3
        i = None
        m = gs
        while m > 8:
            h = m // 2
            va, vb = v[:, :h], v[:, h:]
            take = vb < va
            if i is None:
                ia = lax.broadcasted_iota(jnp.int32, va.shape, 1)
                ib = ia + h
            else:
                ia, ib = i[:, :h], i[:, h:]
            v = jnp.where(take, vb, va)
            i = jnp.where(take, ib, ia)
            m = h
        gmin = jnp.min(v, axis=1)
        gaml = jnp.min(jnp.where(v == gmin[:, None, :], i, n), axis=1)
        return gmin, gaml, gaml + gbase

    def mask(d3, gaml):
        lio = lax.broadcasted_iota(jnp.int32, d3.shape, 1)
        return jnp.where(lio == gaml[:, None, :], inf, d3)

    def merge(W, WI, cv, ci):
        ev = jnp.concatenate([W, cv], axis=0)
        ei = jnp.concatenate([WI, ci], axis=0)
        nW, nWI = [], []
        for _ in range(K):
            w = jnp.min(ev, axis=0)
            wm = ev == w[None, :]
            wi = jnp.min(jnp.where(wm, ei, n), axis=0)
            nW.append(w)
            nWI.append(wi)
            ev = jnp.where(wm & (ei == wi[None, :]), inf, ev)
        return jnp.stack(nW), jnp.stack(nWI)

    gmin, gaml, gam = cands(d3)
    W, WI = merge(jnp.full((K, qt), inf), jnp.full((K, qt), n, jnp.int32),
                  gmin, gam)
    for _ in range(2):
        d3 = mask(d3, gaml)
        gmin, gaml, gam = cands(d3)
        W, WI = merge(W, WI, gmin, gam)

    def check(W, WI, gmin, gam):
        t, ti = W[K - 1], WI[K - 1]
        bad = (gmin < t[None, :]) | ((gmin == t[None, :]) & (gam < ti[None, :]))
        return jnp.logical_not(jnp.any(bad))

    def cond(st):
        r, done = st[0], st[1]
        return jnp.logical_and(r < K, jnp.logical_not(done))

    def body(st):
        r, _, d3, gmin, gaml, gam, W, WI = st
        W, WI = merge(W, WI, gmin, gam)
        d3 = mask(d3, gaml)
        gmin, gaml, gam = cands(d3)
        done = check(W, WI, gmin, gam)
        return r + 1, done, d3, gmin, gaml, gam, W, WI

    d3 = mask(d3, gaml)
    gmin, gaml, gam = cands(d3)
    st = (jnp.int32(3), check(W, WI, gmin, gam), d3, gmin, gaml, gam, W, WI)
    _, _, _, _, _, _, W, WI = lax.while_loop(cond, body, st)
    idx_ref[0] = WI


def _topk(s_xyz, xyz):
    B, N, _ = s_xyz.shape
    S = xyz.shape[1]
    return pl.pallas_call(
        _topk_body,
        grid=(B, S // QT),
        in_specs=[
            pl.BlockSpec((1, QT, 3), lambda b, i: (b, i, 0)),
            pl.BlockSpec((1, N, 3), lambda b, i: (b, 0, 0)),
        ],
        out_specs=pl.BlockSpec((1, K, QT), lambda b, i: (b, 0, i)),
        out_shape=jax.ShapeDtypeStruct((B, K, S), jnp.int32),
    )(xyz, s_xyz)


def _make_sc_gather(BS):
    NC, NS = 2, 16
    NW = NC * NS
    QW = BS // NW
    NQ = 8
    NB = QW // NQ
    mesh = plsc.VectorSubcoreMesh(core_axis_name="c", subcore_axis_name="s")

    @functools.partial(
        pl.kernel, mesh=mesh,
        out_type=[
            jax.ShapeDtypeStruct((BS * K * OUTW,), jnp.float32),
            jax.ShapeDtypeStruct((BS * K * 3,), jnp.float32),
        ],
        scratch_types=[
            pltpu.VMEM((2, NQ * K), jnp.int32),
            pltpu.VMEM((2, NQ * K, ROWW), jnp.float32),
            pltpu.VMEM((NQ, 16), jnp.float32),
            pltpu.VMEM((NQ * K * OUTW + 16,), jnp.float32),
            pltpu.VMEM((NQ * K * 3 + 16,), jnp.float32),
            pltpu.SemaphoreType.DMA,
            pltpu.SemaphoreType.DMA,
        ],
    )
    def sc_gather(feat_hbm, gidx_hbm, qpad_hbm, newp_hbm, gxyz_hbm,
                  idx_v, rows_v, q_v, out_v, gx_v, sem0, sem1):
        wid = lax.axis_index("s") * NC + lax.axis_index("c")
        sems = (sem0, sem1)

        def start_gather(t, b):
            qbase = wid * QW + t * NQ
            pltpu.sync_copy(gidx_hbm.at[pl.ds(qbase * K, NQ * K)],
                            idx_v.at[b])
            pltpu.make_async_copy(feat_hbm.at[idx_v.at[b]], rows_v.at[b],
                                  sems[b]).start()

        start_gather(0, 0)

        def pair(tp, _):
            for b in range(2):
                t = tp * 2 + b
                @pl.when(t + 1 < NB)
                def _():
                    start_gather(t + 1, 1 - b)

                pltpu.make_async_copy(feat_hbm.at[idx_v.at[b]],
                                      rows_v.at[b], sems[b]).wait()
                qbase = wid * QW + t * NQ
                pltpu.sync_copy(qpad_hbm.at[pl.ds(qbase, NQ)], q_v)

                def body(i, _):
                    qvec = q_v[i, :]
                    for r in range(K):
                        row = i * K + r
                        d0 = row * OUTW
                        v0 = rows_v[b, row, pl.ds(0, 16)] - qvec
                        out_v[pl.ds(d0, 16)] = v0
                        for j in range(1, 5):
                            out_v[pl.ds(d0 + 16 * j, 16)] = (
                                rows_v[b, row, pl.ds(16 * j, 16)])
                        gx_v[pl.ds(row * 3, 16)] = v0
                    return 0

                lax.fori_loop(0, NQ, body, 0)
                pltpu.sync_copy(out_v.at[pl.ds(0, NQ * K * OUTW)],
                                newp_hbm.at[pl.ds(qbase * K * OUTW,
                                                  NQ * K * OUTW)])
                pltpu.sync_copy(gx_v.at[pl.ds(0, NQ * K * 3)],
                                gxyz_hbm.at[pl.ds(qbase * K * 3, NQ * K * 3)])
            return 0

        lax.fori_loop(0, NB // 2, pair, 0)

    return sc_gather


def kernel(s_xyz, xyz, s_points, nsample):
    B, N, _ = s_xyz.shape
    S = xyz.shape[1]
    D = s_points.shape[2]
    BS = B * S

    idx = _topk(s_xyz, xyz)
    idx = jnp.transpose(idx, (0, 2, 1))

    pad = jnp.zeros((B, N, ROWW - 3 - D), jnp.float32)
    feat = jnp.concatenate([s_xyz, s_points, pad], axis=-1).reshape(B * N, ROWW)
    gidx = (idx + (jnp.arange(B, dtype=jnp.int32) * N)[:, None, None]
            ).reshape(BS * K)
    qpad = jnp.concatenate(
        [xyz, jnp.zeros((B, S, 13), jnp.float32)], axis=-1).reshape(BS, 16)

    newp_rows, gxyz_flat = _make_sc_gather(BS)(feat, gidx, qpad)
    new_points = newp_rows.reshape(B, S, K, OUTW)
    grouped_xyz_norm = gxyz_flat.reshape(B, S, K, 3)
    return new_points, grouped_xyz_norm

# --- scband reference (transcript-rebuilt; emitter-appended) ---
"""Pipeline reference for scband-scene-flow-pwc-17755394801920 (READ-ONLY COPY).

The authoritative reference and input builder live on the scoring server;
editing this copy changes nothing except your own understanding.
"""

import jax, jax.numpy as jnp
import numpy as np


def setup_inputs(seed: int = 0) -> dict:
    key = jax.random.key(seed)
    k1, k2, k3 = jax.random.split(key, 3)
    s_xyz = jax.random.normal(k1, (2, 8192, 3), dtype=jnp.float32)
    xyz = jax.random.normal(k2, (2, 8192, 3), dtype=jnp.float32)
    s_points = jax.random.normal(k3, (2, 8192, 64), dtype=jnp.float32)
    return {"s_xyz": s_xyz, "xyz": xyz, "s_points": s_points, "nsample": 16}


def square_distance(src, dst):
    # src: [B, N, C], dst: [B, M, C] -> [B, N, M]
    dist = -2.0 * jnp.matmul(src, jnp.transpose(dst, (0, 2, 1)))
    dist = dist + jnp.sum(src ** 2, axis=-1)[:, :, None]
    dist = dist + jnp.sum(dst ** 2, axis=-1)[:, None, :]
    return dist


def knn_point(nsample, xyz, new_xyz):
    # returns indices of nsample nearest points in xyz for each query in new_xyz
    sqrdists = square_distance(new_xyz, xyz)  # [B, S, N]
    _, group_idx = jax.lax.top_k(-sqrdists, 16)  # smallest distances
    group_idx = group_idx + jnp.zeros((), group_idx.dtype) * nsample
    return group_idx  # [B, S, nsample]


def index_points_group(points, knn_idx):
    # points: [B, N, C], knn_idx: [B, S, K] -> [B, S, K, C]
    B = points.shape[0]
    batch_idx = jnp.arange(B)[:, None, None]
    return points[batch_idx, knn_idx]


def reference(s_xyz, xyz, s_points, nsample):
    # Faithful jax translation of group_query(nsample, s_xyz, xyz, s_points)
    # from SceneFlowPWC (the kNN cost-volume retrieval kernel).
    B, N, C = s_xyz.shape
    S = xyz.shape[1]
    new_xyz = xyz
    idx = knn_point(nsample, s_xyz, new_xyz)              # [B, S, K]
    grouped_xyz = index_points_group(s_xyz, idx)          # [B, S, K, 3]
    grouped_xyz_norm = grouped_xyz - new_xyz[:, :, None, :]
    grouped_points = index_points_group(s_points, idx)    # [B, S, K, D]
    new_points = jnp.concatenate([grouped_xyz_norm, grouped_points], axis=-1)
    return (new_points, grouped_xyz_norm)

if __name__ == "__main__":
    import jax
    _d = setup_inputs()
    print(jax.jit(kernel)(*tuple(_d.values())))

</pallas_src>

<mosaic_0001>
#map = affine_map<(d0, d1) -> (0, 0)>
#map1 = affine_map<(d0, d1) -> (0)>
module attributes {stable_mosaic.version = 14 : i64} {
  func.func @sc_gather(%arg0: i32, %arg1: i32, %arg2: memref<16384x128xf32, #tpu.memory_space<hbm>>, %arg3: memref<262144xi32, #tpu.memory_space<hbm>>, %arg4: memref<16384x16xf32, #tpu.memory_space<hbm>>, %arg5: memref<17563648xf32, #tpu.memory_space<hbm>>, %arg6: memref<786432xf32, #tpu.memory_space<hbm>>, %arg7: memref<2x128xi32, #tpu.memory_space<vmem>>, %arg8: memref<2x128x128xf32, #tpu.memory_space<vmem>>, %arg9: memref<8x16xf32, #tpu.memory_space<vmem>>, %arg10: memref<8592xf32, #tpu.memory_space<vmem>>, %arg11: memref<400xf32, #tpu.memory_space<vmem>>, %arg12: memref<!tpu.dma_semaphore, #tpu.memory_space<semaphore_mem>>, %arg13: memref<!tpu.dma_semaphore, #tpu.memory_space<semaphore_mem>>) attributes {dimension_semantics = [#tpu.dimension_semantics<core_parallel>, #tpu.dimension_semantics<subcore_parallel>], iteration_bounds = array<i64: 2, 16>, scalar_prefetch = 0 : i64, scratch_operands = 7 : i64, tpu.core_type = #tpu.core_type<sc_vector_subcore>, window_params = [{transform_indices = #map}, {transform_indices = #map1}, {transform_indices = #map}, {transform_indices = #map1}, {transform_indices = #map1}]} {
    %mul3A = arith.constant 2 : i32
    %mul3A_0 = arith.muli %arg1, %mul3A : i32
    %add3A = arith.addi %mul3A_0, %arg0 : i32
    %mul3A_1 = arith.constant 512 : i32
    %mul3A_2 = arith.muli %add3A, %mul3A_1 : i32
    %add3A_3 = arith.constant 0 : i32
    %add3A_4 = arith.addi %mul3A_2, %add3A_3 : i32
    %mul3A_5 = arith.constant 16 : i32
    %mul3A_6 = arith.muli %add3A_4, %mul3A_5 : i32
    %run_scoped3A = arith.constant 0 : i32
    "tpu.region"() ({
      %run_scoped3A_24 = tpu.sem_alloc : memref<!tpu.dma_semaphore, #tpu.memory_space<semaphore_mem>>
      %dma_start3A_25 = arith.constant 0 : i32
      %dma_start3A_26 = tpu.memref_slice %arg7[%run_scoped3A, %dma_start3A_25] : memref<2x128xi32, #tpu.memory_space<vmem>> -> memref<1x128xi32, #tpu.memory_space<vmem>>
      %dma_start3A_27 = tpu.memref_squeeze %dma_start3A_26 : memref<1x128xi32, #tpu.memory_space<vmem>> -> memref<128xi32, #tpu.memory_space<vmem>>
      %dma_start3A_28 = tpu.memref_slice %arg3[%mul3A_6] : memref<262144xi32, #tpu.memory_space<hbm>> -> memref<128xi32, #tpu.memory_space<hbm>>
      %dma_start3A_29 = arith.constant 0 : i32
      %dma_start3A_30 = tpu.memref_slice %arg7[%run_scoped3A, %dma_start3A_29] : memref<2x128xi32, #tpu.memory_space<vmem>> -> memref<1x128xi32, #tpu.memory_space<vmem>>
      %dma_start3A_31 = tpu.memref_squeeze %dma_start3A_30 : memref<1x128xi32, #tpu.memory_space<vmem>> -> memref<128xi32, #tpu.memory_space<vmem>>
      %dma_start3A_32 = tpu.memref_slice %arg3[%mul3A_6] : memref<262144xi32, #tpu.memory_space<hbm>> -> memref<128xi32, #tpu.memory_space<hbm>>
      tpu.enqueue_dma source(%dma_start3A_32 : memref<128xi32, #tpu.memory_space<hbm>>) target(%dma_start3A_31 : memref<128xi32, #tpu.memory_space<vmem>>) target_semaphore(%run_scoped3A_24 : memref<!tpu.dma_semaphore, #tpu.memory_space<semaphore_mem>>)
      %dma_wait3A = arith.constant 0 : i32
      %dma_wait3A_33 = tpu.memref_slice %arg7[%run_scoped3A, %dma_wait3A] : memref<2x128xi32, #tpu.memory_space<vmem>> -> memref<1x128xi32, #tpu.memory_space<vmem>>
      %dma_wait3A_34 = tpu.memref_squeeze %dma_wait3A_33 : memref<1x128xi32, #tpu.memory_space<vmem>> -> memref<128xi32, #tpu.memory_space<vmem>>
      %dma_wait3A_35 = tpu.memref_slice %arg3[%mul3A_6] : memref<262144xi32, #tpu.memory_space<hbm>> -> memref<128xi32, #tpu.memory_space<hbm>>
      %dma_wait3A_36 = arith.constant 0 : i32
      %dma_wait3A_37 = tpu.memref_slice %arg7[%run_scoped3A, %dma_wait3A_36] : memref<2x128xi32, #tpu.memory_space<vmem>> -> memref<1x128xi32, #tpu.memory_space<vmem>>
      %dma_wait3A_38 = tpu.memref_squeeze %dma_wait3A_37 : memref<1x128xi32, #tpu.memory_space<vmem>> -> memref<128xi32, #tpu.memory_space<vmem>>
      %dma_wait3A_39 = tpu.memref_slice %arg3[%mul3A_6] : memref<262144xi32, #tpu.memory_space<hbm>> -> memref<128xi32, #tpu.memory_space<hbm>>
      tpu.wait_dma2 semaphore(%run_scoped3A_24 : memref<!tpu.dma_semaphore, #tpu.memory_space<semaphore_mem>>) src(%dma_wait3A_39 : memref<128xi32, #tpu.memory_space<hbm>>) dst(%dma_wait3A_38 : memref<128xi32, #tpu.memory_space<vmem>>)
      tpu.yield
    }) : () -> ()
    %dma_start3A = arith.constant 0 : i32
    %dma_start3A_7 = arith.constant 0 : i32
    %dma_start3A_8 = arith.constant 0 : i32
    %dma_start3A_9 = arith.constant 0 : i32
    %dma_start3A_10 = tpu.memref_slice %arg8[%dma_start3A_7, %dma_start3A_8, %dma_start3A_9] : memref<2x128x128xf32, #tpu.memory_space<vmem>> -> memref<1x128x128xf32, #tpu.memory_space<vmem>>
    %dma_start3A_11 = tpu.memref_squeeze %dma_start3A_10 : memref<1x128x128xf32, #tpu.memory_space<vmem>> -> memref<128x128xf32, #tpu.memory_space<vmem>>
    %dma_start3A_12 = arith.constant 0 : i32
    %dma_start3A_13 = tpu.memref_slice %arg7[%dma_start3A, %dma_start3A_12] : memref<2x128xi32, #tpu.memory_space<vmem>> -> memref<1x128xi32, #tpu.memory_space<vmem>>
    %dma_start3A_14 = tpu.memref_squeeze %dma_start3A_13 : memref<1x128xi32, #tpu.memory_space<vmem>> -> memref<128xi32, #tpu.memory_space<vmem>>
    %dma_start3A_15 = arith.constant 0 : i32
    %dma_start3A_16 = arith.constant 0 : i32
    %dma_start3A_17 = tpu.memref_slice %arg2[%dma_start3A_15, %dma_start3A_16] : memref<16384x128xf32, #tpu.memory_space<hbm>> -> memref<16384x128xf32, #tpu.memory_space<hbm>>
    tpu.enqueue_indirect_dma source(%dma_start3A_17 : memref<16384x128xf32, #tpu.memory_space<hbm>>) target(%dma_start3A_11 : memref<128x128xf32, #tpu.memory_space<vmem>>) offsets(%dma_start3A_14 : memref<128xi32, #tpu.memory_space<vmem>>) semaphore(%arg12 : memref<!tpu.dma_semaphore, #tpu.memory_space<semaphore_mem>>)
    %scan3A = arith.constant 0 : i32
    %scan3A_18 = arith.constant 0 : i32
    %scan3A_19 = arith.constant 32 : i32
    %scan3A_20 = arith.addi %scan3A_18, %scan3A_19 : i32
    %scan3A_21 = arith.constant 1 : i32
    %scan3A_22 = scf.for %scan3A_24 = %scan3A_18 to %scan3A_20 step %scan3A_21 iter_args(%scan3A_25 = %scan3A) -> (i32)  : i32 {
      %mul3A_26 = arith.constant 2 : i32
      %mul3A_27 = arith.muli %scan3A_24, %mul3A_26 : i32
      %add3A_28 = arith.constant 0 : i32
      %add3A_29 = arith.addi %mul3A_27, %add3A_28 : i32
      %add3A_30 = arith.constant 1 : i32
      %add3A_31 = arith.addi %add3A_29, %add3A_30 : i32
      %lt3A = arith.constant 64 : i32
      %lt3A_32 = arith.cmpi slt, %add3A_31, %lt3A : i32
      %convert_element_type3A = arith.extui %lt3A_32 : i1 to i32
      %cond3A = arith.constant 0 : i32
      %cond3A_33 = arith.cmpi ne, %convert_element_type3A, %cond3A : i32
      scf.if %cond3A_33 {
        %add3A_109 = arith.constant 1 : i32
        %add3A_110 = arith.addi %add3A_29, %add3A_109 : i32
        %mul3A_111 = arith.constant 512 : i32
        %mul3A_112 = arith.muli %add3A, %mul3A_111 : i32
        %mul3A_113 = arith.constant 8 : i32
        %mul3A_114 = arith.muli %add3A_110, %mul3A_113 : i32
        %add3A_115 = arith.addi %mul3A_112, %mul3A_114 : i32
        %mul3A_116 = arith.constant 16 : i32
        %mul3A_117 = arith.muli %add3A_115, %mul3A_116 : i32
        %run_scoped3A_118 = arith.constant 1 : i32
        "tpu.region"() ({
          %run_scoped3A_131 = tpu.sem_alloc : memref<!tpu.dma_semaphore, #tpu.memory_space<semaphore_mem>>
          %dma_start3A_132 = arith.constant 0 : i32
          %dma_start3A_133 = tpu.memref_slice %arg7[%run_scoped3A_118, %dma_start3A_132] : memref<2x128xi32, #tpu.memory_space<vmem>> -> memref<1x128xi32, #tpu.memory_space<vmem>>
          %dma_start3A_134 = tpu.memref_squeeze %dma_start3A_133 : memref<1x128xi32, #tpu.memory_space<vmem>> -> memref<128xi32, #tpu.memory_space<vmem>>
          %dma_start3A_135 = tpu.memref_slice %arg3[%mul3A_117] : memref<262144xi32, #tpu.memory_space<hbm>> -> memref<128xi32, #tpu.memory_space<hbm>>
          %dma_start3A_136 = arith.constant 0 : i32
          %dma_start3A_137 = tpu.memref_slice %arg7[%run_scoped3A_118, %dma_start3A_136] : memref<2x128xi32, #tpu.memory_space<vmem>> -> memref<1x128xi32, #tpu.memory_space<vmem>>
          %dma_start3A_138 = tpu.memref_squeeze %dma_start3A_137 : memref<1x128xi32, #tpu.memory_space<vmem>> -> memref<128xi32, #tpu.memory_space<vmem>>
          %dma_start3A_139 = tpu.memref_slice %arg3[%mul3A_117] : memref<262144xi32, #tpu.memory_space<hbm>> -> memref<128xi32, #tpu.memory_space<hbm>>
          tpu.enqueue_dma source(%dma_start3A_139 : memref<128xi32, #tpu.memory_space<hbm>>) target(%dma_start3A_138 : memref<128xi32, #tpu.memory_space<vmem>>) target_semaphore(%run_scoped3A_131 : memref<!tpu.dma_semaphore, #tpu.memory_space<semaphore_mem>>)
          %dma_wait3A_140 = arith.constant 0 : i32
          %dma_wait3A_141 = tpu.memref_slice %arg7[%run_scoped3A_118, %dma_wait3A_140] : memref<2x128xi32, #tpu.memory_space<vmem>> -> memref<1x128xi32, #tpu.memory_space<vmem>>
          %dma_wait3A_142 = tpu.memref_squeeze %dma_wait3A_141 : memref<1x128xi32, #tpu.memory_space<vmem>> -> memref<128xi32, #tpu.memory_space<vmem>>
          %dma_wait3A_143 = tpu.memref_slice %arg3[%mul3A_117] : memref<262144xi32, #tpu.memory_space<hbm>> -> memref<128xi32, #tpu.memory_space<hbm>>
          %dma_wait3A_144 = arith.constant 0 : i32
          %dma_wait3A_145 = tpu.memref_slice %arg7[%run_scoped3A_118, %dma_wait3A_144] : memref<2x128xi32, #tpu.memory_space<vmem>> -> memref<1x128xi32, #tpu.memory_space<vmem>>
          %dma_wait3A_146 = tpu.memref_squeeze %dma_wait3A_145 : memref<1x128xi32, #tpu.memory_space<vmem>> -> memref<128xi32, #tpu.memory_space<vmem>>
          %dma_wait3A_147 = tpu.memref_slice %arg3[%mul3A_117] : memref<262144xi32, #tpu.memory_space<hbm>> -> memref<128xi32, #tpu.memory_space<hbm>>
          tpu.wait_dma2 semaphore(%run_scoped3A_131 : memref<!tpu.dma_semaphore, #tpu.memory_space<semaphore_mem>>) src(%dma_wait3A_147 : memref<128xi32, #tpu.memory_space<hbm>>) dst(%dma_wait3A_146 : memref<128xi32, #tpu.memory_space<vmem>>)
          tpu.yield
        }) : () -> ()
        %dma_start3A_119 = arith.constant 1 : i32
        %dma_start3A_120 = arith.constant 1 : i32
        %dma_start3A_121 = arith.constant 0 : i32
        %dma_start3A_122 = arith.constant 0 : i32
        %dma_start3A_123 = tpu.memref_slice %arg8[%dma_start3A_120, %dma_start3A_121, %dma_start3A_122] : memref<2x128x128xf32, #tpu.memory_space<vmem>> -> memref<1x128x128xf32, #tpu.memory_space<vmem>>
        %dma_start3A_124 = tpu.memref_squeeze %dma_start3A_123 : memref<1x128x128xf32, #tpu.memory_space<vmem>> -> memref<128x128xf32, #tpu.memory_space<vmem>>
        %dma_start3A_125 = arith.constant 0 : i32
        %dma_start3A_126 = tpu.memref_slice %arg7[%dma_start3A_119, %dma_start3A_125] : memref<2x128xi32, #tpu.memory_space<vmem>> -> memref<1x128xi32, #tpu.memory_space<vmem>>
        %dma_start3A_127 = tpu.memref_squeeze %dma_start3A_126 : memref<1x128xi32, #tpu.memory_space<vmem>> -> memref<128xi32, #tpu.memory_space<vmem>>
        %dma_start3A_128 = arith.constant 0 : i32
        %dma_start3A_129 = arith.constant 0 : i32
        %dma_start3A_130 = tpu.memref_slice %arg2[%dma_start3A_128, %dma_start3A_129] : memref<16384x128xf32, #tpu.memory_space<hbm>> -> memref<16384x128xf32, #tpu.memory_space<hbm>>
        tpu.enqueue_indirect_dma source(%dma_start3A_130 : memref<16384x128xf32, #tpu.memory_space<hbm>>) target(%dma_start3A_124 : memref<128x128xf32, #tpu.memory_space<vmem>>) offsets(%dma_start3A_127 : memref<128xi32, #tpu.memory_space<vmem>>) semaphore(%arg13 : memref<!tpu.dma_semaphore, #tpu.memory_space<semaphore_mem>>)
      } else {
      }
      %dma_wait3A = arith.constant 0 : i32
      %dma_wait3A_34 = arith.constant 0 : i32
      %dma_wait3A_35 = arith.constant 0 : i32
      %dma_wait3A_36 = arith.constant 0 : i32
      %dma_wait3A_37 = tpu.memref_slice %arg8[%dma_wait3A_34, %dma_wait3A_35, %dma_wait3A_36] : memref<2x128x128xf32, #tpu.memory_space<vmem>> -> memref<1x128x128xf32, #tpu.memory_space<vmem>>
      %dma_wait3A_38 = tpu.memref_squeeze %dma_wait3A_37 : memref<1x128x128xf32, #tpu.memory_space<vmem>> -> memref<128x128xf32, #tpu.memory_space<vmem>>
      %dma_wait3A_39 = arith.constant 0 : i32
      %dma_wait3A_40 = tpu.memref_slice %arg7[%dma_wait3A, %dma_wait3A_39] : memref<2x128xi32, #tpu.memory_space<vmem>> -> memref<1x128xi32, #tpu.memory_space<vmem>>
      %dma_wait3A_41 = tpu.memref_squeeze %dma_wait3A_40 : memref<1x128xi32, #tpu.memory_space<vmem>> -> memref<128xi32, #tpu.memory_space<vmem>>
      %dma_wait3A_42 = arith.constant 0 : i32
      %dma_wait3A_43 = arith.constant 0 : i32
      %dma_wait3A_44 = tpu.memref_slice %arg2[%dma_wait3A_42, %dma_wait3A_43] : memref<16384x128xf32, #tpu.memory_space<hbm>> -> memref<16384x128xf32, #tpu.memory_space<hbm>>
      tpu.wait_indirect_dma semaphore(%arg12 : memref<!tpu.dma_semaphore, #tpu.memory_space<semaphore_mem>>) src(%dma_wait3A_44 : memref<16384x128xf32, #tpu.memory_space<hbm>>) dst(%dma_wait3A_38 : memref<128x128xf32, #tpu.memory_space<vmem>>)
      %mul3A_45 = arith.constant 512 : i32
      %mul3A_46 = arith.muli %add3A, %mul3A_45 : i32
      %mul3A_47 = arith.constant 8 : i32
      %mul3A_48 = arith.muli %add3A_29, %mul3A_47 : i32
      %add3A_49 = arith.addi %mul3A_46, %mul3A_48 : i32
      "tpu.region"() ({
        %run_scoped3A_109 = tpu.sem_alloc : memref<!tpu.dma_semaphore, #tpu.memory_space<semaphore_mem>>
        %dma_start3A_110 = arith.constant 0 : i32
        %dma_start3A_111 = tpu.memref_slice %arg4[%add3A_49, %dma_start3A_110] : memref<16384x16xf32, #tpu.memory_space<hbm>> -> memref<8x16xf32, #tpu.memory_space<hbm>>
        %dma_start3A_112 = arith.constant 0 : i32
        %dma_start3A_113 = tpu.memref_slice %arg4[%add3A_49, %dma_start3A_112] : memref<16384x16xf32, #tpu.memory_space<hbm>> -> memref<8x16xf32, #tpu.memory_space<hbm>>
        tpu.enqueue_dma source(%dma_start3A_113 : memref<8x16xf32, #tpu.memory_space<hbm>>) target(%arg9 : memref<8x16xf32, #tpu.memory_space<vmem>>) target_semaphore(%run_scoped3A_109 : memref<!tpu.dma_semaphore, #tpu.memory_space<semaphore_mem>>)
        %dma_wait3A_114 = arith.constant 0 : i32
        %dma_wait3A_115 = tpu.memref_slice %arg4[%add3A_49, %dma_wait3A_114] : memref<16384x16xf32, #tpu.memory_space<hbm>> -> memref<8x16xf32, #tpu.memory_space<hbm>>
        %dma_wait3A_116 = arith.constant 0 : i32
        %dma_wait3A_117 = tpu.memref_slice %arg4[%add3A_49, %dma_wait3A_116] : memref<16384x16xf32, #tpu.memory_space<hbm>> -> memref<8x16xf32, #tpu.memory_space<hbm>>
        tpu.wait_dma2 semaphore(%run_scoped3A_109 : memref<!tpu.dma_semaphore, #tpu.memory_space<semaphore_mem>>) src(%dma_wait3A_117 : memref<8x16xf32, #tpu.memory_space<hbm>>) dst(%arg9 : memref<8x16xf32, #tpu.memory_space<vmem>>)
        tpu.yield
      }) : () -> ()
      %scan3A_50 = arith.constant 0 : i32
      %scan3A_51 = arith.constant 0 : i32
      %scan3A_52 = arith.constant 8 : i32
      %scan3A_53 = arith.addi %scan3A_51, %scan3A_52 : i32
      %scan3A_54 = arith.constant 1 : i32
      %scan3A_55 = scf.for %scan3A_109 = %scan3A_51 to %scan3A_53 step %scan3A_54 iter_args(%scan3A_110 = %scan3A_50) -> (i32)  : i32 {
        %get3A = arith.index_cast %scan3A_109 : i32 to index
        %get3A_111 = arith.constant 0 : index
        %get3A_112 = tpu.vector_load %arg9[%get3A, %get3A_111] {strides = array<i32>} : memref<8x16xf32, #tpu.memory_space<vmem>>, vector<1x16xf32>,
        %get3A_113 = vector.shape_cast %get3A_112 : vector<1x16xf32> to vector<16xf32>
        %mul3A_114 = arith.constant 16 : i32
        %mul3A_115 = arith.muli %scan3A_109, %mul3A_114 : i32
        %add3A_116 = arith.constant 0 : i32
        %add3A_117 = arith.addi %mul3A_115, %add3A_116 : i32
        %mul3A_118 = arith.constant 67 : i32
        %mul3A_119 = arith.muli %add3A_117, %mul3A_118 : i32
        %get3A_120 = arith.constant 0 : i32
        %get3A_121 = arith.index_cast %get3A_120 : i32 to index
        %get3A_122 = arith.index_cast %add3A_117 : i32 to index
        %get3A_123 = arith.constant 0 : index
        %get3A_124 = tpu.vector_load %arg8[%get3A_121, %get3A_122, %get3A_123] {strides = array<i32>} : memref<2x128x128xf32, #tpu.memory_space<vmem>>, vector<1x1x16xf32>,
        %get3A_125 = vector.shape_cast %get3A_124 : vector<1x1x16xf32> to vector<16xf32>
        %sub3A = arith.subf %get3A_125, %get3A_113 : vector<16xf32>
        %swap3A = arith.index_cast %mul3A_119 : i32 to index
        %swap3A_126 = tpu.vector_load %arg10[%swap3A] {strides = array<i32>} : memref<8592xf32, #tpu.memory_space<vmem>>, vector<16xf32>,
        %swap3A_127 = vector.shape_cast %swap3A_126 : vector<16xf32> to vector<16xf32>
        %swap3A_128 = vector.shape_cast %sub3A : vector<16xf32> to vector<16xf32>
        tpu.vector_store %arg10[%swap3A], %swap3A_128 {strides = array<i32>} : memref<8592xf32, #tpu.memory_space<vmem>>, vector<16xf32>,
        %get3A_129 = arith.constant 0 : i32
        %get3A_130 = arith.index_cast %get3A_129 : i32 to index
        %get3A_131 = arith.index_cast %add3A_117 : i32 to index
        %get3A_132 = arith.constant 16 : index
        %get3A_133 = tpu.vector_load %arg8[%get3A_130, %get3A_131, %get3A_132] {strides = array<i32>} : memref<2x128x128xf32, #tpu.memory_space<vmem>>, vector<1x1x16xf32>,
        %get3A_134 = vector.shape_cast %get3A_133 : vector<1x1x16xf32> to vector<16xf32>
        %add3A_135 = arith.constant 16 : i32
        %add3A_136 = arith.addi %mul3A_119, %add3A_135 : i32
        %swap3A_137 = arith.index_cast %add3A_136 : i32 to index
        %swap3A_138 = tpu.vector_load %arg10[%swap3A_137] {strides = array<i32>} : memref<8592xf32, #tpu.memory_space<vmem>>, vector<16xf32>,
        %swap3A_139 = vector.shape_cast %swap3A_138 : vector<16xf32> to vector<16xf32>
        %swap3A_140 = vector.shape_cast %get3A_134 : vector<16xf32> to vector<16xf32>
        tpu.vector_store %arg10[%swap3A_137], %swap3A_140 {strides = array<i32>} : memref<8592xf32, #tpu.memory_space<vmem>>, vector<16xf32>,
        %get3A_141 = arith.constant 0 : i32
        %get3A_142 = arith.index_cast %get3A_141 : i32 to index
        %get3A_143 = arith.index_cast %add3A_117 : i32 to index
        %get3A_144 = arith.constant 32 : index
        %get3A_145 = tpu.vector_load %arg8[%get3A_142, %get3A_143, %get3A_144] {strides = array<i32>} : memref<2x128x128xf32, #tpu.memory_space<vmem>>, vector<1x1x16xf32>,
        %get3A_146 = vector.shape_cast %get3A_145 : vector<1x1x16xf32> to vector<16xf32>
        %add3A_147 = arith.constant 32 : i32
        %add3A_148 = arith.addi %mul3A_119, %add3A_147 : i32
        %swap3A_149 = arith.index_cast %add3A_148 : i32 to index
        %swap3A_150 = tpu.vector_load %arg10[%swap3A_149] {strides = array<i32>} : memref<8592xf32, #tpu.memory_space<vmem>>, vector<16xf32>,
        %swap3A_151 = vector.shape_cast %swap3A_150 : vector<16xf32> to vector<16xf32>
        %swap3A_152 = vector.shape_cast %get3A_146 : vector<16xf32> to vector<16xf32>
        tpu.vector_store %arg10[%swap3A_149], %swap3A_152 {strides = array<i32>} : memref<8592xf32, #tpu.memory_space<vmem>>, vector<16xf32>,
        %get3A_153 = arith.constant 0 : i32
        %get3A_154 = arith.index_cast %get3A_153 : i32 to index
        %get3A_155 = arith.index_cast %add3A_117 : i32 to index
        %get3A_156 = arith.constant 48 : index
        %get3A_157 = tpu.vector_load %arg8[%get3A_154, %get3A_155, %get3A_156] {strides = array<i32>} : memref<2x128x128xf32, #tpu.memory_space<vmem>>, vector<1x1x16xf32>,
        %get3A_158 = vector.shape_cast %get3A_157 : vector<1x1x16xf32> to vector<16xf32>
        %add3A_159 = arith.constant 48 : i32
        %add3A_160 = arith.addi %mul3A_119, %add3A_159 : i32
        %swap3A_161 = arith.index_cast %add3A_160 : i32 to index
        %swap3A_162 = tpu.vector_load %arg10[%swap3A_161] {strides = array<i32>} : memref<8592xf32, #tpu.memory_space<vmem>>, vector<16xf32>,
        %swap3A_163 = vector.shape_cast %swap3A_162 : vector<16xf32> to vector<16xf32>
        %swap3A_164 = vector.shape_cast %get3A_158 : vector<16xf32> to vector<16xf32>
        tpu.vector_store %arg10[%swap3A_161], %swap3A_164 {strides = array<i32>} : memref<8592xf32, #tpu.memory_space<vmem>>, vector<16xf32>,
        %get3A_165 = arith.constant 0 : i32
        %get3A_166 = arith.index_cast %get3A_165 : i32 to index
        %get3A_167 = arith.index_cast %add3A_117 : i32 to index
        %get3A_168 = arith.constant 64 : index
        %get3A_169 = tpu.vector_load %arg8[%get3A_166, %get3A_167, %get3A_168] {strides = array<i32>} : memref<2x128x128xf32, #tpu.memory_space<vmem>>, vector<1x1x16xf32>,
        %get3A_170 = vector.shape_cast %get3A_169 : vector<1x1x16xf32> to vector<16xf32>
        %add3A_171 = arith.constant 64 : i32
        %add3A_172 = arith.addi %mul3A_119, %add3A_171 : i32
        %swap3A_173 = arith.index_cast %add3A_172 : i32 to index
        %swap3A_174 = tpu.vector_load %arg10[%swap3A_173] {strides = array<i32>} : memref<8592xf32, #tpu.memory_space<vmem>>, vector<16xf32>,
        %swap3A_175 = vector.shape_cast %swap3A_174 : vector<16xf32> to vector<16xf32>
        %swap3A_176 = vector.shape_cast %get3A_170 : vector<16xf32> to vector<16xf32>
        tpu.vector_store %arg10[%swap3A_173], %swap3A_176 {strides = array<i32>} : memref<8592xf32, #tpu.memory_space<vmem>>, vector<16xf32>,
        %mul3A_177 = arith.constant 3 : i32
        %mul3A_178 = arith.muli %add3A_117, %mul3A_177 : i32
        %swap3A_179 = arith.index_cast %mul3A_178 : i32 to index
        %swap3A_180 = tpu.vector_load %arg11[%swap3A_179] {strides = array<i32>} : memref<400xf32, #tpu.memory_space<vmem>>, vector<16xf32>,
        %swap3A_181 = vector.shape_cast %swap3A_180 : vector<16xf32> to vector<16xf32>
        %swap3A_182 = vector.shape_cast %sub3A : vector<16xf32> to vector<16xf32>
        tpu.vector_store %arg11[%swap3A_179], %swap3A_182 {strides = array<i32>} : memref<400xf32, #tpu.memory_space<vmem>>, vector<16xf32>,
        %mul3A_183 = arith.constant 16 : i32
        %mul3A_184 = arith.muli %scan3A_109, %mul3A_183 : i32
        %add3A_185 = arith.constant 1 : i32
        %add3A_186 = arith.addi %mul3A_184, %add3A_185 : i32
        %mul3A_187 = arith.constant 67 : i32
        %mul3A_188 = arith.muli %add3A_186, %mul3A_187 : i32
        %get3A_189 = arith.constant 0 : i32
        %get3A_190 = arith.index_cast %get3A_189 : i32 to index
        %get3A_191 = arith.index_cast %add3A_186 : i32 to index
        %get3A_192 = arith.constant 0 : index
        %get3A_193 = tpu.vector_load %arg8[%get3A_190, %get3A_191, %get3A_192] {strides = array<i32>} : memref<2x128x128xf32, #tpu.memory_space<vmem>>, vector<1x1x16xf32>,
        %get3A_194 = vector.shape_cast %get3A_193 : vector<1x1x16xf32> to vector<16xf32>
        %sub3A_195 = arith.subf %get3A_194, %get3A_113 : vector<16xf32>
        %swap3A_196 = arith.index_cast %mul3A_188 : i32 to index
        %swap3A_197 = tpu.vector_load %arg10[%swap3A_196] {strides = array<i32>} : memref<8592xf32, #tpu.memory_space<vmem>>, vector<16xf32>,
        %swap3A_198 = vector.shape_cast %swap3A_197 : vector<16xf32> to vector<16xf32>
        %swap3A_199 = vector.shape_cast %sub3A_195 : vector<16xf32> to vector<16xf32>
        tpu.vector_store %arg10[%swap3A_196], %swap3A_199 {strides = array<i32>} : memref<8592xf32, #tpu.memory_space<vmem>>, vector<16xf32>,
        %get3A_200 = arith.constant 0 : i32
        %get3A_201 = arith.index_cast %get3A_200 : i32 to index
        %get3A_202 = arith.index_cast %add3A_186 : i32 to index
        %get3A_203 = arith.constant 16 : index
        %get3A_204 = tpu.vector_load %arg8[%get3A_201, %get3A_202, %get3A_203] {strides = array<i32>} : memref<2x128x128xf32, #tpu.memory_space<vmem>>, vector<1x1x16xf32>,
        %get3A_205 = vector.shape_cast %get3A_204 : vector<1x1x16xf32> to vector<16xf32>
        %add3A_206 = arith.constant 16 : i32
        %add3A_207 = arith.addi %mul3A_188, %add3A_206 : i32
        %swap3A_208 = arith.index_cast %add3A_207 : i32 to index
        %swap3A_209 = tpu.vector_load %arg10[%swap3A_208] {strides = array<i32>} : memref<8592xf32, #tpu.memory_space<vmem>>, vector<16xf32>,
        %swap3A_210 = vector.shape_cast %swap3A_209 : vector<16xf32> to vector<16xf32>
        %swap3A_211 = vector.shape_cast %get3A_205 : vector<16xf32> to vector<16xf32>
        tpu.vector_store %arg10[%swap3A_208], %swap3A_211 {strides = array<i32>} : memref<8592xf32, #tpu.memory_space<vmem>>, vector<16xf32>,
        %get3A_212 = arith.constant 0 : i32
        %get3A_213 = arith.index_cast %get3A_212 : i32 to index
        %get3A_214 = arith.index_cast %add3A_186 : i32 to index
        %get3A_215 = arith.constant 32 : index
        %get3A_216 = tpu.vector_load %arg8[%get3A_213, %get3A_214, %get3A_215] {strides = array<i32>} : memref<2x128x128xf32, #tpu.memory_space<vmem>>, vector<1x1x16xf32>,
        %get3A_217 = vector.shape_cast %get3A_216 : vector<1x1x16xf32> to vector<16xf32>
        %add3A_218 = arith.constant 32 : i32
        %add3A_219 = arith.addi %mul3A_188, %add3A_218 : i32
        %swap3A_220 = arith.index_cast %add3A_219 : i32 to index
        %swap3A_221 = tpu.vector_load %arg10[%swap3A_220] {strides = array<i32>} : memref<8592xf32, #tpu.memory_space<vmem>>, vector<16xf32>,
        %swap3A_222 = vector.shape_cast %swap3A_221 : vector<16xf32> to vector<16xf32>
        %swap3A_223 = vector.shape_cast %get3A_217 : vector<16xf32> to vector<16xf32>
        tpu.vector_store %arg10[%swap3A_220], %swap3A_223 {strides = array<i32>} : memref<8592xf32, #tpu.memory_space<vmem>>, vector<16xf32>,
        %get3A_224 = arith.constant 0 : i32
        %get3A_225 = arith.index_cast %get3A_224 : i32 to index
        %get3A_226 = arith.index_cast %add3A_186 : i32 to index
        %get3A_227 = arith.constant 48 : index
        %get3A_228 = tpu.vector_load %arg8[%get3A_225, %get3A_226, %get3A_227] {strides = array<i32>} : memref<2x128x128xf32, #tpu.memory_space<vmem>>, vector<1x1x16xf32>,
        %get3A_229 = vector.shape_cast %get3A_228 : vector<1x1x16xf32> to vector<16xf32>
        %add3A_230 = arith.constant 48 : i32
        %add3A_231 = arith.addi %mul3A_188, %add3A_230 : i32
        %swap3A_232 = arith.index_cast %add3A_231 : i32 to index
        %swap3A_233 = tpu.vector_load %arg10[%swap3A_232] {strides = array<i32>} : memref<8592xf32, #tpu.memory_space<vmem>>, vector<16xf32>,
        %swap3A_234 = vector.shape_cast %swap3A_233 : vector<16xf32> to vector<16xf32>
        %swap3A_235 = vector.shape_cast %get3A_229 : vector<16xf32> to vector<16xf32>
        tpu.vector_store %arg10[%swap3A_232], %swap3A_235 {strides = array<i32>} : memref<8592xf32, #tpu.memory_space<vmem>>, vector<16xf32>,
        %get3A_236 = arith.constant 0 : i32
        %get3A_237 = arith.index_cast %get3A_236 : i32 to index
        %get3A_238 = arith.index_cast %add3A_186 : i32 to index
        %get3A_239 = arith.constant 64 : index
        %get3A_240 = tpu.vector_load %arg8[%get3A_237, %get3A_238, %get3A_239] {strides = array<i32>} : memref<2x128x128xf32, #tpu.memory_space<vmem>>, vector<1x1x16xf32>,
        %get3A_241 = vector.shape_cast %get3A_240 : vector<1x1x16xf32> to vector<16xf32>
        %add3A_242 = arith.constant 64 : i32
        %add3A_243 = arith.addi %mul3A_188, %add3A_242 : i32
        %swap3A_244 = arith.index_cast %add3A_243 : i32 to index
        %swap3A_245 = tpu.vector_load %arg10[%swap3A_244] {strides = array<i32>} : memref<8592xf32, #tpu.memory_space<vmem>>, vector<16xf32>,
        %swap3A_246 = vector.shape_cast %swap3A_245 : vector<16xf32> to vector<16xf32>
        %swap3A_247 = vector.shape_cast %get3A_241 : vector<16xf32> to vector<16xf32>
        tpu.vector_store %arg10[%swap3A_244], %swap3A_247 {strides = array<i32>} : memref<8592xf32, #tpu.memory_space<vmem>>, vector<16xf32>,
        %mul3A_248 = arith.constant 3 : i32
        %mul3A_249 = arith.muli %add3A_186, %mul3A_248 : i32
        %swap3A_250 = arith.index_cast %mul3A_249 : i32 to index
        %swap3A_251 = tpu.vector_load %arg11[%swap3A_250] {strides = array<i32>} : memref<400xf32, #tpu.memory_space<vmem>>, vector<16xf32>,
        %swap3A_252 = vector.shape_cast %swap3A_251 : vector<16xf32> to vector<16xf32>
        %swap3A_253 = vector.shape_cast %sub3A_195 : vector<16xf32> to vector<16xf32>
        tpu.vector_store %arg11[%swap3A_250], %swap3A_253 {strides = array<i32>} : memref<400xf32, #tpu.memory_space<vmem>>, vector<16xf32>,
        %mul3A_254 = arith.constant 16 : i32
        %mul3A_255 = arith.muli %scan3A_109, %mul3A_254 : i32
        %add3A_256 = arith.constant 2 : i32
        %add3A_257 = arith.addi %mul3A_255, %add3A_256 : i32
        %mul3A_258 = arith.constant 67 : i32
        %mul3A_259 = arith.muli %add3A_257, %mul3A_258 : i32
        %get3A_260 = arith.constant 0 : i32
        %get3A_261 = arith.index_cast %get3A_260 : i32 to index
        %get3A_262 = arith.index_cast %add3A_257 : i32 to index
        %get3A_263 = arith.constant 0 : index
        %get3A_264 = tpu.vector_load %arg8[%get3A_261, %get3A_262, %get3A_263] {strides = array<i32>} : memref<2x128x128xf32, #tpu.memory_space<vmem>>, vector<1x1x16xf32>,
        %get3A_265 = vector.shape_cast %get3A_264 : vector<1x1x16xf32> to vector<16xf32>
        %sub3A_266 = arith.subf %get3A_265, %get3A_113 : vector<16xf32>
        %swap3A_267 = arith.index_cast %mul3A_259 : i32 to index
        %swap3A_268 = tpu.vector_load %arg10[%swap3A_267] {strides = array<i32>} : memref<8592xf32, #tpu.memory_space<vmem>>, vector<16xf32>,
        %swap3A_269 = vector.shape_cast %swap3A_268 : vector<16xf32> to vector<16xf32>
        %swap3A_270 = vector.shape_cast %sub3A_266 : vector<16xf32> to vector<16xf32>
        tpu.vector_store %arg10[%swap3A_267], %swap3A_270 {strides = array<i32>} : memref<8592xf32, #tpu.memory_space<vmem>>, vector<16xf32>,
        %get3A_271 = arith.constant 0 : i32
        %get3A_272 = arith.index_cast %get3A_271 : i32 to index
        %get3A_273 = arith.index_cast %add3A_257 : i32 to index
        %get3A_274 = arith.constant 16 : index
        %get3A_275 = tpu.vector_load %arg8[%get3A_272, %get3A_273, %get3A_274] {strides = array<i32>} : memref<2x128x128xf32, #tpu.memory_space<vmem>>, vector<1x1x16xf32>,
        %get3A_276 = vector.shape_cast %get3A_275 : vector<1x1x16xf32> to vector<16xf32>
        %add3A_277 = arith.constant 16 : i32
        %add3A_278 = arith.addi %mul3A_259, %add3A_277 : i32
        %swap3A_279 = arith.index_cast %add3A_278 : i32 to index
        %swap3A_280 = tpu.vector_load %arg10[%swap3A_279] {strides = array<i32>} : memref<8592xf32, #tpu.memory_space<vmem>>, vector<16xf32>,
        %swap3A_281 = vector.shape_cast %swap3A_280 : vector<16xf32> to vector<16xf32>
        %swap3A_282 = vector.shape_cast %get3A_276 : vector<16xf32> to vector<16xf32>
        tpu.vector_store %arg10[%swap3A_279], %swap3A_282 {strides = array<i32>} : memref<8592xf32, #tpu.memory_space<vmem>>, vector<16xf32>,
        %get3A_283 = arith.constant 0 : i32
        %get3A_284 = arith.index_cast %get3A_283 : i32 to index
        %get3A_285 = arith.index_cast %add3A_257 : i32 to index
        %get3A_286 = arith.constant 32 : index
        %get3A_287 = tpu.vector_load %arg8[%get3A_284, %get3A_285, %get3A_286] {strides = array<i32>} : memref<2x128x128xf32, #tpu.memory_space<vmem>>, vector<1x1x16xf32>,
        %get3A_288 = vector.shape_cast %get3A_287 : vector<1x1x16xf32> to vector<16xf32>
        %add3A_289 = arith.constant 32 : i32
        %add3A_290 = arith.addi %mul3A_259, %add3A_289 : i32
        %swap3A_291 = arith.index_cast %add3A_290 : i32 to index
        %swap3A_292 = tpu.vector_load %arg10[%swap3A_291] {strides = array<i32>} : memref<8592xf32, #tpu.memory_space<vmem>>, vector<16xf32>,
        %swap3A_293 = vector.shape_cast %swap3A_292 : vector<16xf32> to vector<16xf32>
        %swap3A_294 = vector.shape_cast %get3A_288 : vector<16xf32> to vector<16xf32>
        tpu.vector_store %arg10[%swap3A_291], %swap3A_294 {strides = array<i32>} : memref<8592xf32, #tpu.memory_space<vmem>>, vector<16xf32>,
        %get3A_295 = arith.constant 0 : i32
        %get3A_296 = arith.index_cast %get3A_295 : i32 to index
        %get3A_297 = arith.index_cast %add3A_257 : i32 to index
        %get3A_298 = arith.constant 48 : index
        %get3A_299 = tpu.vector_load %arg8[%get3A_296, %get3A_297, %get3A_298] {strides = array<i32>} : memref<2x128x128xf32, #tpu.memory_space<vmem>>, vector<1x1x16xf32>,
        %get3A_300 = vector.shape_cast %get3A_299 : vector<1x1x16xf32> to vector<16xf32>
        %add3A_301 = arith.constant 48 : i32
        %add3A_302 = arith.addi %mul3A_259, %add3A_301 : i32
        %swap3A_303 = arith.index_cast %add3A_302 : i32 to index
        %swap3A_304 = tpu.vector_load %arg10[%swap3A_303] {strides = array<i32>} : memref<8592xf32, #tpu.memory_space<vmem>>, vector<16xf32>,
        %swap3A_305 = vector.shape_cast %swap3A_304 : vector<16xf32> to vector<16xf32>
        %swap3A_306 = vector.shape_cast %get3A_300 : vector<16xf32> to vector<16xf32>
        tpu.vector_store %arg10[%swap3A_303], %swap3A_306 {strides = array<i32>} : memref<8592xf32, #tpu.memory_space<vmem>>, vector<16xf32>,
        %get3A_307 = arith.constant 0 : i32
        %get3A_308 = arith.index_cast %get3A_307 : i32 to index
        %get3A_309 = arith.index_cast %add3A_257 : i32 to index
        %get3A_310 = arith.constant 64 : index
        %get3A_311 = tpu.vector_load %arg8[%get3A_308, %get3A_309, %get3A_310] {strides = array<i32>} : memref<2x128x128xf32, #tpu.memory_space<vmem>>, vector<1x1x16xf32>,
        %get3A_312 = vector.shape_cast %get3A_311 : vector<1x1x16xf32> to vector<16xf32>
        %add3A_313 = arith.constant 64 : i32
        %add3A_314 = arith.addi %mul3A_259, %add3A_313 : i32
        %swap3A_315 = arith.index_cast %add3A_314 : i32 to index
        %swap3A_316 = tpu.vector_load %arg10[%swap3A_315] {strides = array<i32>} : memref<8592xf32, #tpu.memory_space<vmem>>, vector<16xf32>,
        %swap3A_317 = vector.shape_cast %swap3A_316 : vector<16xf32> to vector<16xf32>
        %swap3A_318 = vector.shape_cast %get3A_312 : vector<16xf32> to vector<16xf32>
        tpu.vector_store %arg10[%swap3A_315], %swap3A_318 {strides = array<i32>} : memref<8592xf32, #tpu.memory_space<vmem>>, vector<16xf32>,
        %mul3A_319 = arith.constant 3 : i32
        %mul3A_320 = arith.muli %add3A_257, %mul3A_319 : i32
        %swap3A_321 = arith.index_cast %mul3A_320 : i32 to index
        %swap3A_322 = tpu.vector_load %arg11[%swap3A_321] {strides = array<i32>} : memref<400xf32, #tpu.memory_space<vmem>>, vector<16xf32>,
        %swap3A_323 = vector.shape_cast %swap3A_322 : vector<16xf32> to vector<16xf32>
        %swap3A_324 = vector.shape_cast %sub3A_266 : vector<16xf32> to vector<16xf32>
        tpu.vector_store %arg11[%swap3A_321], %swap3A_324 {strides = array<i32>} : memref<400xf32, #tpu.memory_space<vmem>>, vector<16xf32>,
        %mul3A_325 = arith.constant 16 : i32
        %mul3A_326 = arith.muli %scan3A_109, %mul3A_325 : i32
        %add3A_327 = arith.constant 3 : i32
        %add3A_328 = arith.addi %mul3A_326, %add3A_327 : i32
        %mul3A_329 = arith.constant 67 : i32
        %mul3A_330 = arith.muli %add3A_328, %mul3A_329 : i32
        %get3A_331 = arith.constant 0 : i32
        %get3A_332 = arith.index_cast %get3A_331 : i32 to index
        %get3A_333 = arith.index_cast %add3A_328 : i32 to index
        %get3A_334 = arith.constant 0 : index
        %get3A_335 = tpu.vector_load %arg8[%get3A_332, %get3A_333, %get3A_334] {strides = array<i32>} : memref<2x128x128xf32, #tpu.memory_space<vmem>>, vector<1x1x16xf32>,
        %get3A_336 = vector.shape_cast %get3A_335 : vector<1x1x16xf32> to vector<16xf32>
        %sub3A_337 = arith.subf %get3A_336, %get3A_113 : vector<16xf32>
        %swap3A_338 = arith.index_cast %mul3A_330 : i32 to index
        %swap3A_339 = tpu.vector_load %arg10[%swap3A_338] {strides = array<i32>} : memref<8592xf32, #tpu.memory_space<vmem>>, vector<16xf32>,
        %swap3A_340 = vector.shape_cast %swap3A_339 : vector<16xf32> to vector<16xf32>
        %swap3A_341 = vector.shape_cast %sub3A_337 : vector<16xf32> to vector<16xf32>
        tpu.vector_store %arg10[%swap3A_338], %swap3A_341 {strides = array<i32>} : memref<8592xf32, #tpu.memory_space<vmem>>, vector<16xf32>,
        %get3A_342 = arith.constant 0 : i32
        %get3A_343 = arith.index_cast %get3A_342 : i32 to index
        %get3A_344 = arith.index_cast %add3A_328 : i32 to index
        %get3A_345 = arith.constant 16 : index
        %get3A_346 = tpu.vector_load %arg8[%get3A_343, %get3A_344, %get3A_345] {strides = array<i32>} : memref<2x128x128xf32, #tpu.memory_space<vmem>>, vector<1x1x16xf32>,
        %get3A_347 = vector.shape_cast %get3A_346 : vector<1x1x16xf32> to vector<16xf32>
        %add3A_348 = arith.constant 16 : i32
        %add3A_349 = arith.addi %mul3A_330, %add3A_348 : i32
        %swap3A_350 = arith.index_cast %add3A_349 : i32 to index
        %swap3A_351 = tpu.vector_load %arg10[%swap3A_350] {strides = array<i32>} : memref<8592xf32, #tpu.memory_space<vmem>>, vector<16xf32>,
        %swap3A_352 = vector.shape_cast %swap3A_351 : vector<16xf32> to vector<16xf32>
        %swap3A_353 = vector.shape_cast %get3A_347 : vector<16xf32> to vector<16xf32>
        tpu.vector_store %arg10[%swap3A_350], %swap3A_353 {strides = array<i32>} : memref<8592xf32, #tpu.memory_space<vmem>>, vector<16xf32>,
        %get3A_354 = arith.constant 0 : i32
        %get3A_355 = arith.index_cast %get3A_354 : i32 to index
        %get3A_356 = arith.index_cast %add3A_328 : i32 to index
        %get3A_357 = arith.constant 32 : index
        %get3A_358 = tpu.vector_load %arg8[%get3A_355, %get3A_356, %get3A_357] {strides = array<i32>} : memref<2x128x128xf32, #tpu.memory_space<vmem>>, vector<1x1x16xf32>,
        %get3A_359 = vector.shape_cast %get3A_358 : vector<1x1x16xf32> to vector<16xf32>
        %add3A_360 = arith.constant 32 : i32
        %add3A_361 = arith.addi %mul3A_330, %add3A_360 : i32
        %swap3A_362 = arith.index_cast %add3A_361 : i32 to index
        %swap3A_363 = tpu.vector_load %arg10[%swap3A_362] {strides = array<i32>} : memref<8592xf32, #tpu.memory_space<vmem>>, vector<16xf32>,
        %swap3A_364 = vector.shape_cast %swap3A_363 : vector<16xf32> to vector<16xf32>
        %swap3A_365 = vector.shape_cast %get3A_359 : vector<16xf32> to vector<16xf32>
        tpu.vector_store %arg10[%swap3A_362], %swap3A_365 {strides = array<i32>} : memref<8592xf32, #tpu.memory_space<vmem>>, vector<16xf32>,
        %get3A_366 = arith.constant 0 : i32
        %get3A_367 = arith.index_cast %get3A_366 : i32 to index
        %get3A_368 = arith.index_cast %add3A_328 : i32 to index
        %get3A_369 = arith.constant 48 : index
        %get3A_370 = tpu.vector_load %arg8[%get3A_367, %get3A_368, %get3A_369] {strides = array<i32>} : memref<2x128x128xf32, #tpu.memory_space<vmem>>, vector<1x1x16xf32>,
        %get3A_371 = vector.shape_cast %get3A_370 : vector<1x1x16xf32> to vector<16xf32>
        %add3A_372 = arith.constant 48 : i32
        %add3A_373 = arith.addi %mul3A_330, %add3A_372 : i32
        %swap3A_374 = arith.index_cast %add3A_373 : i32 to index
        %swap3A_375 = tpu.vector_load %arg10[%swap3A_374] {strides = array<i32>} : memref<8592xf32, #tpu.memory_space<vmem>>, vector<16xf32>,
        %swap3A_376 = vector.shape_cast %swap3A_375 : vector<16xf32> to vector<16xf32>
        %swap3A_377 = vector.shape_cast %get3A_371 : vector<16xf32> to vector<16xf32>
        tpu.vector_store %arg10[%swap3A_374], %swap3A_377 {strides = array<i32>} : memref<8592xf32, #tpu.memory_space<vmem>>, vector<16xf32>,
        %get3A_378 = arith.constant 0 : i32
        %get3A_379 = arith.index_cast %get3A_378 : i32 to index
        %get3A_380 = arith.index_cast %add3A_328 : i32 to index
        %get3A_381 = arith.constant 64 : index
        %get3A_382 = tpu.vector_load %arg8[%get3A_379, %get3A_380, %get3A_381] {strides = array<i32>} : memref<2x128x128xf32, #tpu.memory_space<vmem>>, vector<1x1x16xf32>,
        %get3A_383 = vector.shape_cast %get3A_382 : vector<1x1x16xf32> to vector<16xf32>
        %add3A_384 = arith.constant 64 : i32
        %add3A_385 = arith.addi %mul3A_330, %add3A_384 : i32
        %swap3A_386 = arith.index_cast %add3A_385 : i32 to index
        %swap3A_387 = tpu.vector_load %arg10[%swap3A_386] {strides = array<i32>} : memref<8592xf32, #tpu.memory_space<vmem>>, vector<16xf32>,
        %swap3A_388 = vector.shape_cast %swap3A_387 : vector<16xf32> to vector<16xf32>
        %swap3A_389 = vector.shape_cast %get3A_383 : vector<16xf32> to vector<16xf32>
        tpu.vector_store %arg10[%swap3A_386], %swap3A_389 {strides = array<i32>} : memref<8592xf32, #tpu.memory_space<vmem>>, vector<16xf32>,
        %mul3A_390 = arith.constant 3 : i32
        %mul3A_391 = arith.muli %add3A_328, %mul3A_390 : i32
        %swap3A_392 = arith.index_cast %mul3A_391 : i32 to index
        %swap3A_393 = tpu.vector_load %arg11[%swap3A_392] {strides = array<i32>} : memref<400xf32, #tpu.memory_space<vmem>>, vector<16xf32>,
        %swap3A_394 = vector.shape_cast %swap3A_393 : vector<16xf32> to vector<16xf32>
        %swap3A_395 = vector.shape_cast %sub3A_337 : vector<16xf32> to vector<16xf32>
        tpu.vector_store %arg11[%swap3A_392], %swap3A_395 {strides = array<i32>} : memref<400xf32, #tpu.memory_space<vmem>>, vector<16xf32>,
        %mul3A_396 = arith.constant 16 : i32
        %mul3A_397 = arith.muli %scan3A_109, %mul3A_396 : i32
        %add3A_398 = arith.constant 4 : i32
        %add3A_399 = arith.addi %mul3A_397, %add3A_398 : i32
        %mul3A_400 = arith.constant 67 : i32
        %mul3A_401 = arith.muli %add3A_399, %mul3A_400 : i32
        %get3A_402 = arith.constant 0 : i32
        %get3A_403 = arith.index_cast %get3A_402 : i32 to index
        %get3A_404 = arith.index_cast %add3A_399 : i32 to index
        %get3A_405 = arith.constant 0 : index
        %get3A_406 = tpu.vector_load %arg8[%get3A_403, %get3A_404, %get3A_405] {strides = array<i32>} : memref<2x128x128xf32, #tpu.memory_space<vmem>>, vector<1x1x16xf32>,
        %get3A_407 = vector.shape_cast %get3A_406 : vector<1x1x16xf32> to vector<16xf32>
        %sub3A_408 = arith.subf %get3A_407, %get3A_113 : vector<16xf32>
        %swap3A_409 = arith.index_cast %mul3A_401 : i32 to index
        %swap3A_410 = tpu.vector_load %arg10[%swap3A_409] {strides = array<i32>} : memref<8592xf32, #tpu.memory_space<vmem>>, vector<16xf32>,
        %swap3A_411 = vector.shape_cast %swap3A_410 : vector<16xf32> to vector<16xf32>
        %swap3A_412 = vector.shape_cast %sub3A_408 : vector<16xf32> to vector<16xf32>
        tpu.vector_store %arg10[%swap3A_409], %swap3A_412 {strides = array<i32>} : memref<8592xf32, #tpu.memory_space<vmem>>, vector<16xf32>,
        %get3A_413 = arith.constant 0 : i32
        %get3A_414 = arith.index_cast %get3A_413 : i32 to index
        %get3A_415 = arith.index_cast %add3A_399 : i32 to index
        %get3A_416 = arith.constant 16 : index
        %get3A_417 = tpu.vector_load %arg8[%get3A_414, %get3A_415, %get3A_416] {strides = array<i32>} : memref<2x128x128xf32, #tpu.memory_space<vmem>>, vector<1x1x16xf32>,
        %get3A_418 = vector.shape_cast %get3A_417 : vector<1x1x16xf32> to vector<16xf32>
        %add3A_419 = arith.constant 16 : i32
        %add3A_420 = arith.addi %mul3A_401, %add3A_419 : i32
        %swap3A_421 = arith.index_cast %add3A_420 : i32 to index
        %swap3A_422 = tpu.vector_load %arg10[%swap3A_421] {strides = array<i32>} : memref<8592xf32, #tpu.memory_space<vmem>>, vector<16xf32>,
        %swap3A_423 = vector.shape_cast %swap3A_422 : vector<16xf32> to vector<16xf32>
        %swap3A_424 = vector.shape_cast %get3A_418 : vector<16xf32> to vector<16xf32>
        tpu.vector_store %arg10[%swap3A_421], %swap3A_424 {strides = array<i32>} : memref<8592xf32, #tpu.memory_space<vmem>>, vector<16xf32>,
        %get3A_425 = arith.constant 0 : i32
        %get3A_426 = arith.index_cast %get3A_425 : i32 to index
        %get3A_427 = arith.index_cast %add3A_399 : i32 to index
        %get3A_428 = arith.constant 32 : index
        %get3A_429 = tpu.vector_load %arg8[%get3A_426, %get3A_427, %get3A_428] {strides = array<i32>} : memref<2x128x128xf32, #tpu.memory_space<vmem>>, vector<1x1x16xf32>,
        %get3A_430 = vector.shape_cast %get3A_429 : vector<1x1x16xf32> to vector<16xf32>
        %add3A_431 = arith.constant 32 : i32
        %add3A_432 = arith.addi %mul3A_401, %add3A_431 : i32
        %swap3A_433 = arith.index_cast %add3A_432 : i32 to index
        %swap3A_434 = tpu.vector_load %arg10[%swap3A_433] {strides = array<i32>} : memref<8592xf32, #tpu.memory_space<vmem>>, vector<16xf32>,
        %swap3A_435 = vector.shape_cast %swap3A_434 : vector<16xf32> to vector<16xf32>
        %swap3A_436 = vector.shape_cast %get3A_430 : vector<16xf32> to vector<16xf32>
        tpu.vector_store %arg10[%swap3A_433], %swap3A_436 {strides = array<i32>} : memref<8592xf32, #tpu.memory_space<vmem>>, vector<16xf32>,
        %get3A_437 = arith.constant 0 : i32
        %get3A_438 = arith.index_cast %get3A_437 : i32 to index
        %get3A_439 = arith.index_cast %add3A_399 : i32 to index
        %get3A_440 = arith.constant 48 : index
        %get3A_441 = tpu.vector_load %arg8[%get3A_438, %get3A_439, %get3A_440] {strides = array<i32>} : memref<2x128x128xf32, #tpu.memory_space<vmem>>, vector<1x1x16xf32>,
        %get3A_442 = vector.shape_cast %get3A_441 : vector<1x1x16xf32> to vector<16xf32>
        %add3A_443 = arith.constant 48 : i32
        %add3A_444 = arith.addi %mul3A_401, %add3A_443 : i32
        %swap3A_445 = arith.index_cast %add3A_444 : i32 to index
        %swap3A_446 = tpu.vector_load %arg10[%swap3A_445] {strides = array<i32>} : memref<8592xf32, #tpu.memory_space<vmem>>, vector<16xf32>,
        %swap3A_447 = vector.shape_cast %swap3A_446 : vector<16xf32> to vector<16xf32>
        %swap3A_448 = vector.shape_cast %get3A_442 : vector<16xf32> to vector<16xf32>
        tpu.vector_store %arg10[%swap3A_445], %swap3A_448 {strides = array<i32>} : memref<8592xf32, #tpu.memory_space<vmem>>, vector<16xf32>,
        %get3A_449 = arith.constant 0 : i32
        %get3A_450 = arith.index_cast %get3A_449 : i32 to index
        %get3A_451 = arith.index_cast %add3A_399 : i32 to index
        %get3A_452 = arith.constant 64 : index
        %get3A_453 = tpu.vector_load %arg8[%get3A_450, %get3A_451, %get3A_452] {strides = array<i32>} : memref<2x128x128xf32, #tpu.memory_space<vmem>>, vector<1x1x16xf32>,
        %get3A_454 = vector.shape_cast %get3A_453 : vector<1x1x16xf32> to vector<16xf32>
        %add3A_455 = arith.constant 64 : i32
        %add3A_456 = arith.addi %mul3A_401, %add3A_455 : i32
        %swap3A_457 = arith.index_cast %add3A_456 : i32 to index
        %swap3A_458 = tpu.vector_load %arg10[%swap3A_457] {strides = array<i32>} : memref<8592xf32, #tpu.memory_space<vmem>>, vector<16xf32>,
        %swap3A_459 = vector.shape_cast %swap3A_458 : vector<16xf32> to vector<16xf32>
        %swap3A_460 = vector.shape_cast %get3A_454 : vector<16xf32> to vector<16xf32>
        tpu.vector_store %arg10[%swap3A_457], %swap3A_460 {strides = array<i32>} : memref<8592xf32, #tpu.memory_space<vmem>>, vector<16xf32>,
        %mul3A_461 = arith.constant 3 : i32
        %mul3A_462 = arith.muli %add3A_399, %mul3A_461 : i32
        %swap3A_463 = arith.index_cast %mul3A_462 : i32 to index
        %swap3A_464 = tpu.vector_load %arg11[%swap3A_463] {strides = array<i32>} : memref<400xf32, #tpu.memory_space<vmem>>, vector<16xf32>,
        %swap3A_465 = vector.shape_cast %swap3A_464 : vector<16xf32> to vector<16xf32>
        %swap3A_466 = vector.shape_cast %sub3A_408 : vector<16xf32> to vector<16xf32>
        tpu.vector_store %arg11[%swap3A_463], %swap3A_466 {strides = array<i32>} : memref<400xf32, #tpu.memory_space<vmem>>, vector<16xf32>,
        %mul3A_467 = arith.constant 16 : i32
        %mul3A_468 = arith.muli %scan3A_109, %mul3A_467 : i32
        %add3A_469 = arith.constant 5 : i32
        %add3A_470 = arith.addi %mul3A_468, %add3A_469 : i32
        %mul3A_471 = arith.constant 67 : i32
        %mul3A_472 = arith.muli %add3A_470, %mul3A_471 : i32
        %get3A_473 = arith.constant 0 : i32
        %get3A_474 = arith.index_cast %get3A_473 : i32 to index
        %get3A_475 = arith.index_cast %add3A_470 : i32 to index
        %get3A_476 = arith.constant 0 : index
        %get3A_477 = tpu.vector_load %arg8[%get3A_474, %get3A_475, %get3A_476] {strides = array<i32>} : memref<2x128x128xf32, #tpu.memory_space<vmem>>, vector<1x1x16xf32>,
        %get3A_478 = vector.shape_cast %get3A_477 : vector<1x1x16xf32> to vector<16xf32>
        %sub3A_479 = arith.subf %get3A_478, %get3A_113 : vector<16xf32>
        %swap3A_480 = arith.index_cast %mul3A_472 : i32 to index
        %swap3A_481 = tpu.vector_load %arg10[%swap3A_480] {strides = array<i32>} : memref<8592xf32, #tpu.memory_space<vmem>>, vector<16xf32>,
        %swap3A_482 = vector.shape_cast %swap3A_481 : vector<16xf32> to vector<16xf32>
        %swap3A_483 = vector.shape_cast %sub3A_479 : vector<16xf32> to vector<16xf32>
        tpu.vector_store %arg10[%swap3A_480], %swap3A_483 {strides = array<i32>} : memref<8592xf32, #tpu.memory_space<vmem>>, vector<16xf32>,
        %get3A_484 = arith.constant 0 : i32
        %get3A_485 = arith.index_cast %get3A_484 : i32 to index
        %get3A_486 = arith.index_cast %add3A_470 : i32 to index
        %get3A_487 = arith.constant 16 : index
        %get3A_488 = tpu.vector_load %arg8[%get3A_485, %get3A_486, %get3A_487] {strides = array<i32>} : memref<2x128x128xf32, #tpu.memory_space<vmem>>, vector<1x1x16xf32>,
        %get3A_489 = vector.shape_cast %get3A_488 : vector<1x1x16xf32> to vector<16xf32>
        %add3A_490 = arith.constant 16 : i32
        %add3A_491 = arith.addi %mul3A_472, %add3A_490 : i32
        %swap3A_492 = arith.index_cast %add3A_491 : i32 to index
        %swap3A_493 = tpu.vector_load %arg10[%swap3A_492] {strides = array<i32>} : memref<8592xf32, #tpu.memory_space<vmem>>, vector<16xf32>,
        %swap3A_494 = vector.shape_cast %swap3A_493 : vector<16xf32> to vector<16xf32>
        %swap3A_495 = vector.shape_cast %get3A_489 : vector<16xf32> to vector<16xf32>
        tpu.vector_store %arg10[%swap3A_492], %swap3A_495 {strides = array<i32>} : memref<8592xf32, #tpu.memory_space<vmem>>, vector<16xf32>,
        %get3A_496 = arith.constant 0 : i32
        %get3A_497 = arith.index_cast %get3A_496 : i32 to index
        %get3A_498 = arith.index_cast %add3A_470 : i32 to index
        %get3A_499 = arith.constant 32 : index
        %get3A_500 = tpu.vector_load %arg8[%get3A_497, %get3A_498, %get3A_499] {strides = array<i32>} : memref<2x128x128xf32, #tpu.memory_space<vmem>>, vector<1x1x16xf32>,
        %get3A_501 = vector.shape_cast %get3A_500 : vector<1x1x16xf32> to vector<16xf32>
        %add3A_502 = arith.constant 32 : i32
        %add3A_503 = arith.addi %mul3A_472, %add3A_502 : i32
        %swap3A_504 = arith.index_cast %add3A_503 : i32 to index
        %swap3A_505 = tpu.vector_load %arg10[%swap3A_504] {strides = array<i32>} : memref<8592xf32, #tpu.memory_space<vmem>>, vector<16xf32>,
        %swap3A_506 = vector.shape_cast %swap3A_505 : vector<16xf32> to vector<16xf32>
        %swap3A_507 = vector.shape_cast %get3A_501 : vector<16xf32> to vector<16xf32>
        tpu.vector_store %arg10[%swap3A_504], %swap3A_507 {strides = array<i32>} : memref<8592xf32, #tpu.memory_space<vmem>>, vector<16xf32>,
        %get3A_508 = arith.constant 0 : i32
        %get3A_509 = arith.index_cast %get3A_508 : i32 to index
        %get3A_510 = arith.index_cast %add3A_470 : i32 to index
        %get3A_511 = arith.constant 48 : index
        %get3A_512 = tpu.vector_load %arg8[%get3A_509, %get3A_510, %get3A_511] {strides = array<i32>} : memref<2x128x128xf32, #tpu.memory_space<vmem>>, vector<1x1x16xf32>,
        %get3A_513 = vector.shape_cast %get3A_512 : vector<1x1x16xf32> to vector<16xf32>
        %add3A_514 = arith.constant 48 : i32
        %add3A_515 = arith.addi %mul3A_472, %add3A_514 : i32
        %swap3A_516 = arith.index_cast %add3A_515 : i32 to index
        %swap3A_517 = tpu.vector_load %arg10[%swap3A_516] {strides = array<i32>} : memref<8592xf32, #tpu.memory_space<vmem>>, vector<16xf32>,
        %swap3A_518 = vector.shape_cast %swap3A_517 : vector<16xf32> to vector<16xf32>
        %swap3A_519 = vector.shape_cast %get3A_513 : vector<16xf32> to vector<16xf32>
        tpu.vector_store %arg10[%swap3A_516], %swap3A_519 {strides = array<i32>} : memref<8592xf32, #tpu.memory_space<vmem>>, vector<16xf32>,
        %get3A_520 = arith.constant 0 : i32
        %get3A_521 = arith.index_cast %get3A_520 : i32 to index
        %get3A_522 = arith.index_cast %add3A_470 : i32 to index
        %get3A_523 = arith.constant 64 : index
        %get3A_524 = tpu.vector_load %arg8[%get3A_521, %get3A_522, %get3A_523] {strides = array<i32>} : memref<2x128x128xf32, #tpu.memory_space<vmem>>, vector<1x1x16xf32>,
        %get3A_525 = vector.shape_cast %get3A_524 : vector<1x1x16xf32> to vector<16xf32>
        %add3A_526 = arith.constant 64 : i32
        %add3A_527 = arith.addi %mul3A_472, %add3A_526 : i32
        %swap3A_528 = arith.index_cast %add3A_527 : i32 to index
        %swap3A_529 = tpu.vector_load %arg10[%swap3A_528] {strides = array<i32>} : memref<8592xf32, #tpu.memory_space<vmem>>, vector<16xf32>,
        %swap3A_530 = vector.shape_cast %swap3A_529 : vector<16xf32> to vector<16xf32>
        %swap3A_531 = vector.shape_cast %get3A_525 : vector<16xf32> to vector<16xf32>
        tpu.vector_store %arg10[%swap3A_528], %swap3A_531 {strides = array<i32>} : memref<8592xf32, #tpu.memory_space<vmem>>, vector<16xf32>,
        %mul3A_532 = arith.constant 3 : i32
        %mul3A_533 = arith.muli %add3A_470, %mul3A_532 : i32
        %swap3A_534 = arith.index_cast %mul3A_533 : i32 to index
        %swap3A_535 = tpu.vector_load %arg11[%swap3A_534] {strides = array<i32>} : memref<400xf32, #tpu.memory_space<vmem>>, vector<16xf32>,
        %swap3A_536 = vector.shape_cast %swap3A_535 : vector<16xf32> to vector<16xf32>
        %swap3A_537 = vector.shape_cast %sub3A_479 : vector<16xf32> to vector<16xf32>
        tpu.vector_store %arg11[%swap3A_534], %swap3A_537 {strides = array<i32>} : memref<400xf32, #tpu.memory_space<vmem>>, vector<16xf32>,
        %mul3A_538 = arith.constant 16 : i32
        %mul3A_539 = arith.muli %scan3A_109, %mul3A_538 : i32
        %add3A_540 = arith.constant 6 : i32
        %add3A_541 = arith.addi %mul3A_539, %add3A_540 : i32
        %mul3A_542 = arith.constant 67 : i32
        %mul3A_543 = arith.muli %add3A_541, %mul3A_542 : i32
        %get3A_544 = arith.constant 0 : i32
        %get3A_545 = arith.index_cast %get3A_544 : i32 to index
        %get3A_546 = arith.index_cast %add3A_541 : i32 to index
        %get3A_547 = arith.constant 0 : index
        %get3A_548 = tpu.vector_load %arg8[%get3A_545, %get3A_546, %get3A_547] {strides = array<i32>} : memref<2x128x128xf32, #tpu.memory_space<vmem>>, vector<1x1x16xf32>,
        %get3A_549 = vector.shape_cast %get3A_548 : vector<1x1x16xf32> to vector<16xf32>
        %sub3A_550 = arith.subf %get3A_549, %get3A_113 : vector<16xf32>
        %swap3A_551 = arith.index_cast %mul3A_543 : i32 to index
        %swap3A_552 = tpu.vector_load %arg10[%swap3A_551] {strides = array<i32>} : memref<8592xf32, #tpu.memory_space<vmem>>, vector<16xf32>,
        %swap3A_553 = vector.shape_cast %swap3A_552 : vector<16xf32> to vector<16xf32>
        %swap3A_554 = vector.shape_cast %sub3A_550 : vector<16xf32> to vector<16xf32>
        tpu.vector_store %arg10[%swap3A_551], %swap3A_554 {strides = array<i32>} : memref<8592xf32, #tpu.memory_space<vmem>>, vector<16xf32>,
        %get3A_555 = arith.constant 0 : i32
        %get3A_556 = arith.index_cast %get3A_555 : i32 to index
        %get3A_557 = arith.index_cast %add3A_541 : i32 to index
        %get3A_558 = arith.constant 16 : index
        %get3A_559 = tpu.vector_load %arg8[%get3A_556, %get3A_557, %get3A_558] {strides = array<i32>} : memref<2x128x128xf32, #tpu.memory_space<vmem>>, vector<1x1x16xf32>,
        %get3A_560 = vector.shape_cast %get3A_559 : vector<1x1x16xf32> to vector<16xf32>
        %add3A_561 = arith.constant 16 : i32
        %add3A_562 = arith.addi %mul3A_543, %add3A_561 : i32
        %swap3A_563 = arith.index_cast %add3A_562 : i32 to index
        %swap3A_564 = tpu.vector_load %arg10[%swap3A_563] {strides = array<i32>} : memref<8592xf32, #tpu.memory_space<vmem>>, vector<16xf32>,
        %swap3A_565 = vector.shape_cast %swap3A_564 : vector<16xf32> to vector<16xf32>
        %swap3A_566 = vector.shape_cast %get3A_560 : vector<16xf32> to vector<16xf32>
        tpu.vector_store %arg10[%swap3A_563], %swap3A_566 {strides = array<i32>} : memref<8592xf32, #tpu.memory_space<vmem>>, vector<16xf32>,
        %get3A_567 = arith.constant 0 : i32
        %get3A_568 = arith.index_cast %get3A_567 : i32 to index
        %get3A_569 = arith.index_cast %add3A_541 : i32 to index
        %get3A_570 = arith.constant 32 : index
        %get3A_571 = tpu.vector_load %arg8[%get3A_568, %get3A_569, %get3A_570] {strides = array<i32>} : memref<2x128x128xf32, #tpu.memory_space<vmem>>, vector<1x1x16xf32>,
        %get3A_572 = vector.shape_cast %get3A_571 : vector<1x1x16xf32> to vector<16xf32>
        %add3A_573 = arith.constant 32 : i32
        %add3A_574 = arith.addi %mul3A_543, %add3A_573 : i32
        %swap3A_575 = arith.index_cast %add3A_574 : i32 to index
        %swap3A_576 = tpu.vector_load %arg10[%swap3A_575] {strides = array<i32>} : memref<8592xf32, #tpu.memory_space<vmem>>, vector<16xf32>,
        %swap3A_577 = vector.shape_cast %swap3A_576 : vector<16xf32> to vector<16xf32>
        %swap3A_578 = vector.shape_cast %get3A_572 : vector<16xf32> to vector<16xf32>
        tpu.vector_store %arg10[%swap3A_575], %swap3A_578 {strides = array<i32>} : memref<8592xf32, #tpu.memory_space<vmem>>, vector<16xf32>,
        %get3A_579 = arith.constant 0 : i32
        %get3A_580 = arith.index_cast %get3A_579 : i32 to index
        %get3A_581 = arith.index_cast %add3A_541 : i32 to index
        %get3A_582 = arith.constant 48 : index
        %get3A_583 = tpu.vector_load %arg8[%get3A_580, %get3A_581, %get3A_582] {strides = array<i32>} : memref<2x128x128xf32, #tpu.memory_space<vmem>>, vector<1x1x16xf32>,
        %get3A_584 = vector.shape_cast %get3A_583 : vector<1x1x16xf32> to vector<16xf32>
        %add3A_585 = arith.constant 48 : i32
        %add3A_586 = arith.addi %mul3A_543, %add3A_585 : i32
        %swap3A_587 = arith.index_cast %add3A_586 : i32 to index
        %swap3A_588 = tpu.vector_load %arg10[%swap3A_587] {strides = array<i32>} : memref<8592xf32, #tpu.memory_space<vmem>>, vector<16xf32>,
        %swap3A_589 = vector.shape_cast %swap3A_588 : vector<16xf32> to vector<16xf32>
        %swap3A_590 = vector.shape_cast %get3A_584 : vector<16xf32> to vector<16xf32>
        tpu.vector_store %arg10[%swap3A_587], %swap3A_590 {strides = array<i32>} : memref<8592xf32, #tpu.memory_space<vmem>>, vector<16xf32>,
        %get3A_591 = arith.constant 0 : i32
        %get3A_592 = arith.index_cast %get3A_591 : i32 to index
        %get3A_593 = arith.index_cast %add3A_541 : i32 to index
        %get3A_594 = arith.constant 64 : index
        %get3A_595 = tpu.vector_load %arg8[%get3A_592, %get3A_593, %get3A_594] {strides = array<i32>} : memref<2x128x128xf32, #tpu.memory_space<vmem>>, vector<1x1x16xf32>,
        %get3A_596 = vector.shape_cast %get3A_595 : vector<1x1x16xf32> to vector<16xf32>
        %add3A_597 = arith.constant 64 : i32
        %add3A_598 = arith.addi %mul3A_543, %add3A_597 : i32
        %swap3A_599 = arith.index_cast %add3A_598 : i32 to index
        %swap3A_600 = tpu.vector_load %arg10[%swap3A_599] {strides = array<i32>} : memref<8592xf32, #tpu.memory_space<vmem>>, vector<16xf32>,
        %swap3A_601 = vector.shape_cast %swap3A_600 : vector<16xf32> to vector<16xf32>
        %swap3A_602 = vector.shape_cast %get3A_596 : vector<16xf32> to vector<16xf32>
        tpu.vector_store %arg10[%swap3A_599], %swap3A_602 {strides = array<i32>} : memref<8592xf32, #tpu.memory_space<vmem>>, vector<16xf32>,
        %mul3A_603 = arith.constant 3 : i32
        %mul3A_604 = arith.muli %add3A_541, %mul3A_603 : i32
        %swap3A_605 = arith.index_cast %mul3A_604 : i32 to index
        %swap3A_606 = tpu.vector_load %arg11[%swap3A_605] {strides = array<i32>} : memref<400xf32, #tpu.memory_space<vmem>>, vector<16xf32>,
        %swap3A_607 = vector.shape_cast %swap3A_606 : vector<16xf32> to vector<16xf32>
        %swap3A_608 = vector.shape_cast %sub3A_550 : vector<16xf32> to vector<16xf32>
        tpu.vector_store %arg11[%swap3A_605], %swap3A_608 {strides = array<i32>} : memref<400xf32, #tpu.memory_space<vmem>>, vector<16xf32>,
        %mul3A_609 = arith.constant 16 : i32
        %mul3A_610 = arith.muli %scan3A_109, %mul3A_609 : i32
        %add3A_611 = arith.constant 7 : i32
        %add3A_612 = arith.addi %mul3A_610, %add3A_611 : i32
        %mul3A_613 = arith.constant 67 : i32
        %mul3A_614 = arith.muli %add3A_612, %mul3A_613 : i32
        %get3A_615 = arith.constant 0 : i32
        %get3A_616 = arith.index_cast %get3A_615 : i32 to index
        %get3A_617 = arith.index_cast %add3A_612 : i32 to index
        %get3A_618 = arith.constant 0 : index
        %get3A_619 = tpu.vector_load %arg8[%get3A_616, %get3A_617, %get3A_618] {strides = array<i32>} : memref<2x128x128xf32, #tpu.memory_space<vmem>>, vector<1x1x16xf32>,
        %get3A_620 = vector.shape_cast %get3A_619 : vector<1x1x16xf32> to vector<16xf32>
        %sub3A_621 = arith.subf %get3A_620, %get3A_113 : vector<16xf32>
        %swap3A_622 = arith.index_cast %mul3A_614 : i32 to index
        %swap3A_623 = tpu.vector_load %arg10[%swap3A_622] {strides = array<i32>} : memref<8592xf32, #tpu.memory_space<vmem>>, vector<16xf32>,
        %swap3A_624 = vector.shape_cast %swap3A_623 : vector<16xf32> to vector<16xf32>
        %swap3A_625 = vector.shape_cast %sub3A_621 : vector<16xf32> to vector<16xf32>
        tpu.vector_store %arg10[%swap3A_622], %swap3A_625 {strides = array<i32>} : memref<8592xf32, #tpu.memory_space<vmem>>, vector<16xf32>,
        %get3A_626 = arith.constant 0 : i32
        %get3A_627 = arith.index_cast %get3A_626 : i32 to index
        %get3A_628 = arith.index_cast %add3A_612 : i32 to index
        %get3A_629 = arith.constant 16 : index
        %get3A_630 = tpu.vector_load %arg8[%get3A_627, %get3A_628, %get3A_629] {strides = array<i32>} : memref<2x128x128xf32, #tpu.memory_space<vmem>>, vector<1x1x16xf32>,
        %get3A_631 = vector.shape_cast %get3A_630 : vector<1x1x16xf32> to vector<16xf32>
        %add3A_632 = arith.constant 16 : i32
        %add3A_633 = arith.addi %mul3A_614, %add3A_632 : i32
        %swap3A_634 = arith.index_cast %add3A_633 : i32 to index
        %swap3A_635 = tpu.vector_load %arg10[%swap3A_634] {strides = array<i32>} : memref<8592xf32, #tpu.memory_space<vmem>>, vector<16xf32>,
        %swap3A_636 = vector.shape_cast %swap3A_635 : vector<16xf32> to vector<16xf32>
        %swap3A_637 = vector.shape_cast %get3A_631 : vector<16xf32> to vector<16xf32>
        tpu.vector_store %arg10[%swap3A_634], %swap3A_637 {strides = array<i32>} : memref<8592xf32, #tpu.memory_space<vmem>>, vector<16xf32>,
        %get3A_638 = arith.constant 0 : i32
        %get3A_639 = arith.index_cast %get3A_638 : i32 to index
        %get3A_640 = arith.index_cast %add3A_612 : i32 to index
        %get3A_641 = arith.constant 32 : index
        %get3A_642 = tpu.vector_load %arg8[%get3A_639, %get3A_640, %get3A_641] {strides = array<i32>} : memref<2x128x128xf32, #tpu.memory_space<vmem>>, vector<1x1x16xf32>,
        %get3A_643 = vector.shape_cast %get3A_642 : vector<1x1x16xf32> to vector<16xf32>
        %add3A_644 = arith.constant 32 : i32
        %add3A_645 = arith.addi %mul3A_614, %add3A_644 : i32
        %swap3A_646 = arith.index_cast %add3A_645 : i32 to index
        %swap3A_647 = tpu.vector_load %arg10[%swap3A_646] {strides = array<i32>} : memref<8592xf32, #tpu.memory_space<vmem>>, vector<16xf32>,
        %swap3A_648 = vector.shape_cast %swap3A_647 : vector<16xf32> to vector<16xf32>
        %swap3A_649 = vector.shape_cast %get3A_643 : vector<16xf32> to vector<16xf32>
        tpu.vector_store %arg10[%swap3A_646], %swap3A_649 {strides = array<i32>} : memref<8592xf32, #tpu.memory_space<vmem>>, vector<16xf32>,
        %get3A_650 = arith.constant 0 : i32
        %get3A_651 = arith.index_cast %get3A_650 : i32 to index
        %get3A_652 = arith.index_cast %add3A_612 : i32 to index
        %get3A_653 = arith.constant 48 : index
        %get3A_654 = tpu.vector_load %arg8[%get3A_651, %get3A_652, %get3A_653] {strides = array<i32>} : memref<2x128x128xf32, #tpu.memory_space<vmem>>, vector<1x1x16xf32>,
        %get3A_655 = vector.shape_cast %get3A_654 : vector<1x1x16xf32> to vector<16xf32>
        %add3A_656 = arith.constant 48 : i32
        %add3A_657 = arith.addi %mul3A_614, %add3A_656 : i32
        %swap3A_658 = arith.index_cast %add3A_657 : i32 to index
        %swap3A_659 = tpu.vector_load %arg10[%swap3A_658] {strides = array<i32>} : memref<8592xf32, #tpu.memory_space<vmem>>, vector<16xf32>,
        %swap3A_660 = vector.shape_cast %swap3A_659 : vector<16xf32> to vector<16xf32>
        %swap3A_661 = vector.shape_cast %get3A_655 : vector<16xf32> to vector<16xf32>
        tpu.vector_store %arg10[%swap3A_658], %swap3A_661 {strides = array<i32>} : memref<8592xf32, #tpu.memory_space<vmem>>, vector<16xf32>,
        %get3A_662 = arith.constant 0 : i32
        %get3A_663 = arith.index_cast %get3A_662 : i32 to index
        %get3A_664 = arith.index_cast %add3A_612 : i32 to index
        %get3A_665 = arith.constant 64 : index
        %get3A_666 = tpu.vector_load %arg8[%get3A_663, %get3A_664, %get3A_665] {strides = array<i32>} : memref<2x128x128xf32, #tpu.memory_space<vmem>>, vector<1x1x16xf32>,
        %get3A_667 = vector.shape_cast %get3A_666 : vector<1x1x16xf32> to vector<16xf32>
        %add3A_668 = arith.constant 64 : i32
        %add3A_669 = arith.addi %mul3A_614, %add3A_668 : i32
        %swap3A_670 = arith.index_cast %add3A_669 : i32 to index
        %swap3A_671 = tpu.vector_load %arg10[%swap3A_670] {strides = array<i32>} : memref<8592xf32, #tpu.memory_space<vmem>>, vector<16xf32>,
        %swap3A_672 = vector.shape_cast %swap3A_671 : vector<16xf32> to vector<16xf32>
        %swap3A_673 = vector.shape_cast %get3A_667 : vector<16xf32> to vector<16xf32>
        tpu.vector_store %arg10[%swap3A_670], %swap3A_673 {strides = array<i32>} : memref<8592xf32, #tpu.memory_space<vmem>>, vector<16xf32>,
        %mul3A_674 = arith.constant 3 : i32
        %mul3A_675 = arith.muli %add3A_612, %mul3A_674 : i32
        %swap3A_676 = arith.index_cast %mul3A_675 : i32 to index
        %swap3A_677 = tpu.vector_load %arg11[%swap3A_676] {strides = array<i32>} : memref<400xf32, #tpu.memory_space<vmem>>, vector<16xf32>,
        %swap3A_678 = vector.shape_cast %swap3A_677 : vector<16xf32> to vector<16xf32>
        %swap3A_679 = vector.shape_cast %sub3A_621 : vector<16xf32> to vector<16xf32>
        tpu.vector_store %arg11[%swap3A_676], %swap3A_679 {strides = array<i32>} : memref<400xf32, #tpu.memory_space<vmem>>, vector<16xf32>,
        %mul3A_680 = arith.constant 16 : i32
        %mul3A_681 = arith.muli %scan3A_109, %mul3A_680 : i32
        %add3A_682 = arith.constant 8 : i32
        %add3A_683 = arith.addi %mul3A_681, %add3A_682 : i32
        %mul3A_684 = arith.constant 67 : i32
        %mul3A_685 = arith.muli %add3A_683, %mul3A_684 : i32
        %get3A_686 = arith.constant 0 : i32
        %get3A_687 = arith.index_cast %get3A_686 : i32 to index
        %get3A_688 = arith.index_cast %add3A_683 : i32 to index
        %get3A_689 = arith.constant 0 : index
        %get3A_690 = tpu.vector_load %arg8[%get3A_687, %get3A_688, %get3A_689] {strides = array<i32>} : memref<2x128x128xf32, #tpu.memory_space<vmem>>, vector<1x1x16xf32>,
        %get3A_691 = vector.shape_cast %get3A_690 : vector<1x1x16xf32> to vector<16xf32>
        %sub3A_692 = arith.subf %get3A_691, %get3A_113 : vector<16xf32>
        %swap3A_693 = arith.index_cast %mul3A_685 : i32 to index
        %swap3A_694 = tpu.vector_load %arg10[%swap3A_693] {strides = array<i32>} : memref<8592xf32, #tpu.memory_space<vmem>>, vector<16xf32>,
        %swap3A_695 = vector.shape_cast %swap3A_694 : vector<16xf32> to vector<16xf32>
        %swap3A_696 = vector.shape_cast %sub3A_692 : vector<16xf32> to vector<16xf32>
        tpu.vector_store %arg10[%swap3A_693], %swap3A_696 {strides = array<i32>} : memref<8592xf32, #tpu.memory_space<vmem>>, vector<16xf32>,
        %get3A_697 = arith.constant 0 : i32
        %get3A_698 = arith.index_cast %get3A_697 : i32 to index
        %get3A_699 = arith.index_cast %add3A_683 : i32 to index
        %get3A_700 = arith.constant 16 : index
        %get3A_701 = tpu.vector_load %arg8[%get3A_698, %get3A_699, %get3A_700] {strides = array<i32>} : memref<2x128x128xf32, #tpu.memory_space<vmem>>, vector<1x1x16xf32>,
        %get3A_702 = vector.shape_cast %get3A_701 : vector<1x1x16xf32> to vector<16xf32>
        %add3A_703 = arith.constant 16 : i32
        %add3A_704 = arith.addi %mul3A_685, %add3A_703 : i32
        %swap3A_705 = arith.index_cast %add3A_704 : i32 to index
        %swap3A_706 = tpu.vector_load %arg10[%swap3A_705] {strides = array<i32>} : memref<8592xf32, #tpu.memory_space<vmem>>, vector<16xf32>,
        %swap3A_707 = vector.shape_cast %swap3A_706 : vector<16xf32> to vector<16xf32>
        %swap3A_708 = vector.shape_cast %get3A_702 : vector<16xf32> to vector<16xf32>
        tpu.vector_store %arg10[%swap3A_705], %swap3A_708 {strides = array<i32>} : memref<8592xf32, #tpu.memory_space<vmem>>, vector<16xf32>,
        %get3A_709 = arith.constant 0 : i32
        %get3A_710 = arith.index_cast %get3A_709 : i32 to index
        %get3A_711 = arith.index_cast %add3A_683 : i32 to index
        %get3A_712 = arith.constant 32 : index
        %get3A_713 = tpu.vector_load %arg8[%get3A_710, %get3A_711, %get3A_712] {strides = array<i32>} : memref<2x128x128xf32, #tpu.memory_space<vmem>>, vector<1x1x16xf32>,
        %get3A_714 = vector.shape_cast %get3A_713 : vector<1x1x16xf32> to vector<16xf32>
        %add3A_715 = arith.constant 32 : i32
        %add3A_716 = arith.addi %mul3A_685, %add3A_715 : i32
        %swap3A_717 = arith.index_cast %add3A_716 : i32 to index
        %swap3A_718 = tpu.vector_load %arg10[%swap3A_717] {strides = array<i32>} : memref<8592xf32, #tpu.memory_space<vmem>>, vector<16xf32>,
        %swap3A_719 = vector.shape_cast %swap3A_718 : vector<16xf32> to vector<16xf32>
        %swap3A_720 = vector.shape_cast %get3A_714 : vector<16xf32> to vector<16xf32>
        tpu.vector_store %arg10[%swap3A_717], %swap3A_720 {strides = array<i32>} : memref<8592xf32, #tpu.memory_space<vmem>>, vector<16xf32>,
        %get3A_721 = arith.constant 0 : i32
        %get3A_722 = arith.index_cast %get3A_721 : i32 to index
        %get3A_723 = arith.index_cast %add3A_683 : i32 to index
        %get3A_724 = arith.constant 48 : index
        %get3A_725 = tpu.vector_load %arg8[%get3A_722, %get3A_723, %get3A_724] {strides = array<i32>} : memref<2x128x128xf32, #tpu.memory_space<vmem>>, vector<1x1x16xf32>,
        %get3A_726 = vector.shape_cast %get3A_725 : vector<1x1x16xf32> to vector<16xf32>
        %add3A_727 = arith.constant 48 : i32
        %add3A_728 = arith.addi %mul3A_685, %add3A_727 : i32
        %swap3A_729 = arith.index_cast %add3A_728 : i32 to index
        %swap3A_730 = tpu.vector_load %arg10[%swap3A_729] {strides = array<i32>} : memref<8592xf32, #tpu.memory_space<vmem>>, vector<16xf32>,
        %swap3A_731 = vector.shape_cast %swap3A_730 : vector<16xf32> to vector<16xf32>
        %swap3A_732 = vector.shape_cast %get3A_726 : vector<16xf32> to vector<16xf32>
        tpu.vector_store %arg10[%swap3A_729], %swap3A_732 {strides = array<i32>} : memref<8592xf32, #tpu.memory_space<vmem>>, vector<16xf32>,
        %get3A_733 = arith.constant 0 : i32
        %get3A_734 = arith.index_cast %get3A_733 : i32 to index
        %get3A_735 = arith.index_cast %add3A_683 : i32 to index
        %get3A_736 = arith.constant 64 : index
        %get3A_737 = tpu.vector_load %arg8[%get3A_734, %get3A_735, %get3A_736] {strides = array<i32>} : memref<2x128x128xf32, #tpu.memory_space<vmem>>, vector<1x1x16xf32>,
        %get3A_738 = vector.shape_cast %get3A_737 : vector<1x1x16xf32> to vector<16xf32>
        %add3A_739 = arith.constant 64 : i32
        %add3A_740 = arith.addi %mul3A_685, %add3A_739 : i32
        %swap3A_741 = arith.index_cast %add3A_740 : i32 to index
        %swap3A_742 = tpu.vector_load %arg10[%swap3A_741] {strides = array<i32>} : memref<8592xf32, #tpu.memory_space<vmem>>, vector<16xf32>,
        %swap3A_743 = vector.shape_cast %swap3A_742 : vector<16xf32> to vector<16xf32>
        %swap3A_744 = vector.shape_cast %get3A_738 : vector<16xf32> to vector<16xf32>
        tpu.vector_store %arg10[%swap3A_741], %swap3A_744 {strides = array<i32>} : memref<8592xf32, #tpu.memory_space<vmem>>, vector<16xf32>,
        %mul3A_745 = arith.constant 3 : i32
        %mul3A_746 = arith.muli %add3A_683, %mul3A_745 : i32
        %swap3A_747 = arith.index_cast %mul3A_746 : i32 to index
        %swap3A_748 = tpu.vector_load %arg11[%swap3A_747] {strides = array<i32>} : memref<400xf32, #tpu.memory_space<vmem>>, vector<16xf32>,
        %swap3A_749 = vector.shape_cast %swap3A_748 : vector<16xf32> to vector<16xf32>
        %swap3A_750 = vector.shape_cast %sub3A_692 : vector<16xf32> to vector<16xf32>
        tpu.vector_store %arg11[%swap3A_747], %swap3A_750 {strides = array<i32>} : memref<400xf32, #tpu.memory_space<vmem>>, vector<16xf32>,
        %mul3A_751 = arith.constant 16 : i32
        %mul3A_752 = arith.muli %scan3A_109, %mul3A_751 : i32
        %add3A_753 = arith.constant 9 : i32
        %add3A_754 = arith.addi %mul3A_752, %add3A_753 : i32
        %mul3A_755 = arith.constant 67 : i32
        %mul3A_756 = arith.muli %add3A_754, %mul3A_755 : i32
        %get3A_757 = arith.constant 0 : i32
        %get3A_758 = arith.index_cast %get3A_757 : i32 to index
        %get3A_759 = arith.index_cast %add3A_754 : i32 to index
        %get3A_760 = arith.constant 0 : index
        %get3A_761 = tpu.vector_load %arg8[%get3A_758, %get3A_759, %get3A_760] {strides = array<i32>} : memref<2x128x128xf32, #tpu.memory_space<vmem>>, vector<1x1x16xf32>,
        %get3A_762 = vector.shape_cast %get3A_761 : vector<1x1x16xf32> to vector<16xf32>
        %sub3A_763 = arith.subf %get3A_762, %get3A_113 : vector<16xf32>
        %swap3A_764 = arith.index_cast %mul3A_756 : i32 to index
        %swap3A_765 = tpu.vector_load %arg10[%swap3A_764] {strides = array<i32>} : memref<8592xf32, #tpu.memory_space<vmem>>, vector<16xf32>,
        %swap3A_766 = vector.shape_cast %swap3A_765 : vector<16xf32> to vector<16xf32>
        %swap3A_767 = vector.shape_cast %sub3A_763 : vector<16xf32> to vector<16xf32>
        tpu.vector_store %arg10[%swap3A_764], %swap3A_767 {strides = array<i32>} : memref<8592xf32, #tpu.memory_space<vmem>>, vector<16xf32>,
        %get3A_768 = arith.constant 0 : i32
        %get3A_769 = arith.index_cast %get3A_768 : i32 to index
        %get3A_770 = arith.index_cast %add3A_754 : i32 to index
        %get3A_771 = arith.constant 16 : index
        %get3A_772 = tpu.vector_load %arg8[%get3A_769, %get3A_770, %get3A_771] {strides = array<i32>} : memref<2x128x128xf32, #tpu.memory_space<vmem>>, vector<1x1x16xf32>,
        %get3A_773 = vector.shape_cast %get3A_772 : vector<1x1x16xf32> to vector<16xf32>
        %add3A_774 = arith.constant 16 : i32
        %add3A_775 = arith.addi %mul3A_756, %add3A_774 : i32
        %swap3A_776 = arith.index_cast %add3A_775 : i32 to index
        %swap3A_777 = tpu.vector_load %arg10[%swap3A_776] {strides = array<i32>} : memref<8592xf32, #tpu.memory_space<vmem>>, vector<16xf32>,
        %swap3A_778 = vector.shape_cast %swap3A_777 : vector<16xf32> to vector<16xf32>
        %swap3A_779 = vector.shape_cast %get3A_773 : vector<16xf32> to vector<16xf32>
        tpu.vector_store %arg10[%swap3A_776], %swap3A_779 {strides = array<i32>} : memref<8592xf32, #tpu.memory_space<vmem>>, vector<16xf32>,
        %get3A_780 = arith.constant 0 : i32
        %get3A_781 = arith.index_cast %get3A_780 : i32 to index
        %get3A_782 = arith.index_cast %add3A_754 : i32 to index
        %get3A_783 = arith.constant 32 : index
        %get3A_784 = tpu.vector_load %arg8[%get3A_781, %get3A_782, %get3A_783] {strides = array<i32>} : memref<2x128x128xf32, #tpu.memory_space<vmem>>, vector<1x1x16xf32>,
        %get3A_785 = vector.shape_cast %get3A_784 : vector<1x1x16xf32> to vector<16xf32>
        %add3A_786 = arith.constant 32 : i32
        %add3A_787 = arith.addi %mul3A_756, %add3A_786 : i32
        %swap3A_788 = arith.index_cast %add3A_787 : i32 to index
        %swap3A_789 = tpu.vector_load %arg10[%swap3A_788] {strides = array<i32>} : memref<8592xf32, #tpu.memory_space<vmem>>, vector<16xf32>,
        %swap3A_790 = vector.shape_cast %swap3A_789 : vector<16xf32> to vector<16xf32>
        %swap3A_791 = vector.shape_cast %get3A_785 : vector<16xf32> to vector<16xf32>
        tpu.vector_store %arg10[%swap3A_788], %swap3A_791 {strides = array<i32>} : memref<8592xf32, #tpu.memory_space<vmem>>, vector<16xf32>,
        %get3A_792 = arith.constant 0 : i32
        %get3A_793 = arith.index_cast %get3A_792 : i32 to index
        %get3A_794 = arith.index_cast %add3A_754 : i32 to index
        %get3A_795 = arith.constant 48 : index
        %get3A_796 = tpu.vector_load %arg8[%get3A_793, %get3A_794, %get3A_795] {strides = array<i32>} : memref<2x128x128xf32, #tpu.memory_space<vmem>>, vector<1x1x16xf32>,
        %get3A_797 = vector.shape_cast %get3A_796 : vector<1x1x16xf32> to vector<16xf32>
        %add3A_798 = arith.constant 48 : i32
        %add3A_799 = arith.addi %mul3A_756, %add3A_798 : i32
        %swap3A_800 = arith.index_cast %add3A_799 : i32 to index
        %swap3A_801 = tpu.vector_load %arg10[%swap3A_800] {strides = array<i32>} : memref<8592xf32, #tpu.memory_space<vmem>>, vector<16xf32>,
        %swap3A_802 = vector.shape_cast %swap3A_801 : vector<16xf32> to vector<16xf32>
        %swap3A_803 = vector.shape_cast %get3A_797 : vector<16xf32> to vector<16xf32>
        tpu.vector_store %arg10[%swap3A_800], %swap3A_803 {strides = array<i32>} : memref<8592xf32, #tpu.memory_space<vmem>>, vector<16xf32>,
        %get3A_804 = arith.constant 0 : i32
        %get3A_805 = arith.index_cast %get3A_804 : i32 to index
        %get3A_806 = arith.index_cast %add3A_754 : i32 to index
        %get3A_807 = arith.constant 64 : index
        %get3A_808 = tpu.vector_load %arg8[%get3A_805, %get3A_806, %get3A_807] {strides = array<i32>} : memref<2x128x128xf32, #tpu.memory_space<vmem>>, vector<1x1x16xf32>,
        %get3A_809 = vector.shape_cast %get3A_808 : vector<1x1x16xf32> to vector<16xf32>
        %add3A_810 = arith.constant 64 : i32
        %add3A_811 = arith.addi %mul3A_756, %add3A_810 : i32
        %swap3A_812 = arith.index_cast %add3A_811 : i32 to index
        %swap3A_813 = tpu.vector_load %arg10[%swap3A_812] {strides = array<i32>} : memref<8592xf32, #tpu.memory_space<vmem>>, vector<16xf32>,
        %swap3A_814 = vector.shape_cast %swap3A_813 : vector<16xf32> to vector<16xf32>
        %swap3A_815 = vector.shape_cast %get3A_809 : vector<16xf32> to vector<16xf32>
        tpu.vector_store %arg10[%swap3A_812], %swap3A_815 {strides = array<i32>} : memref<8592xf32, #tpu.memory_space<vmem>>, vector<16xf32>,
        %mul3A_816 = arith.constant 3 : i32
        %mul3A_817 = arith.muli %add3A_754, %mul3A_816 : i32
        %swap3A_818 = arith.index_cast %mul3A_817 : i32 to index
        %swap3A_819 = tpu.vector_load %arg11[%swap3A_818] {strides = array<i32>} : memref<400xf32, #tpu.memory_space<vmem>>, vector<16xf32>,
        %swap3A_820 = vector.shape_cast %swap3A_819 : vector<16xf32> to vector<16xf32>
        %swap3A_821 = vector.shape_cast %sub3A_763 : vector<16xf32> to vector<16xf32>
        tpu.vector_store %arg11[%swap3A_818], %swap3A_821 {strides = array<i32>} : memref<400xf32, #tpu.memory_space<vmem>>, vector<16xf32>,
        %mul3A_822 = arith.constant 16 : i32
        %mul3A_823 = arith.muli %scan3A_109, %mul3A_822 : i32
        %add3A_824 = arith.constant 10 : i32
        %add3A_825 = arith.addi %mul3A_823, %add3A_824 : i32
        %mul3A_826 = arith.constant 67 : i32
        %mul3A_827 = arith.muli %add3A_825, %mul3A_826 : i32
        %get3A_828 = arith.constant 0 : i32
        %get3A_829 = arith.index_cast %get3A_828 : i32 to index
        %get3A_830 = arith.index_cast %add3A_825 : i32 to index
        %get3A_831 = arith.constant 0 : index
        %get3A_832 = tpu.vector_load %arg8[%get3A_829, %get3A_830, %get3A_831] {strides = array<i32>} : memref<2x128x128xf32, #tpu.memory_space<vmem>>, vector<1x1x16xf32>,
        %get3A_833 = vector.shape_cast %get3A_832 : vector<1x1x16xf32> to vector<16xf32>
        %sub3A_834 = arith.subf %get3A_833, %get3A_113 : vector<16xf32>
        %swap3A_835 = arith.index_cast %mul3A_827 : i32 to index
        %swap3A_836 = tpu.vector_load %arg10[%swap3A_835] {strides = array<i32>} : memref<8592xf32, #tpu.memory_space<vmem>>, vector<16xf32>,
        %swap3A_837 = vector.shape_cast %swap3A_836 : vector<16xf32> to vector<16xf32>
        %swap3A_838 = vector.shape_cast %sub3A_834 : vector<16xf32> to vector<16xf32>
        tpu.vector_store %arg10[%swap3A_835], %swap3A_838 {strides = array<i32>} : memref<8592xf32, #tpu.memory_space<vmem>>, vector<16xf32>,
        %get3A_839 = arith.constant 0 : i32
        %get3A_840 = arith.index_cast %get3A_839 : i32 to index
        %get3A_841 = arith.index_cast %add3A_825 : i32 to index
        %get3A_842 = arith.constant 16 : index
        %get3A_843 = tpu.vector_load %arg8[%get3A_840, %get3A_841, %get3A_842] {strides = array<i32>} : memref<2x128x128xf32, #tpu.memory_space<vmem>>, vector<1x1x16xf32>,
        %get3A_844 = vector.shape_cast %get3A_843 : vector<1x1x16xf32> to vector<16xf32>
        %add3A_845 = arith.constant 16 : i32
        %add3A_846 = arith.addi %mul3A_827, %add3A_845 : i32
        %swap3A_847 = arith.index_cast %add3A_846 : i32 to index
        %swap3A_848 = tpu.vector_load %arg10[%swap3A_847] {strides = array<i32>} : memref<8592xf32, #tpu.memory_space<vmem>>, vector<16xf32>,
        %swap3A_849 = vector.shape_cast %swap3A_848 : vector<16xf32> to vector<16xf32>
        %swap3A_850 = vector.shape_cast %get3A_844 : vector<16xf32> to vector<16xf32>
        tpu.vector_store %arg10[%swap3A_847], %swap3A_850 {strides = array<i32>} : memref<8592xf32, #tpu.memory_space<vmem>>, vector<16xf32>,
        %get3A_851 = arith.constant 0 : i32
        %get3A_852 = arith.index_cast %get3A_851 : i32 to index
        %get3A_853 = arith.index_cast %add3A_825 : i32 to index
        %get3A_854 = arith.constant 32 : index
        %get3A_855 = tpu.vector_load %arg8[%get3A_852, %get3A_853, %get3A_854] {strides = array<i32>} : memref<2x128x128xf32, #tpu.memory_space<vmem>>, vector<1x1x16xf32>,
        %get3A_856 = vector.shape_cast %get3A_855 : vector<1x1x16xf32> to vector<16xf32>
        %add3A_857 = arith.constant 32 : i32
        %add3A_858 = arith.addi %mul3A_827, %add3A_857 : i32
        %swap3A_859 = arith.index_cast %add3A_858 : i32 to index
        %swap3A_860 = tpu.vector_load %arg10[%swap3A_859] {strides = array<i32>} : memref<8592xf32, #tpu.memory_space<vmem>>, vector<16xf32>,
        %swap3A_861 = vector.shape_cast %swap3A_860 : vector<16xf32> to vector<16xf32>
        %swap3A_862 = vector.shape_cast %get3A_856 : vector<16xf32> to vector<16xf32>
        tpu.vector_store %arg10[%swap3A_859], %swap3A_862 {strides = array<i32>} : memref<8592xf32, #tpu.memory_space<vmem>>, vector<16xf32>,
        %get3A_863 = arith.constant 0 : i32
        %get3A_864 = arith.index_cast %get3A_863 : i32 to index
        %get3A_865 = arith.index_cast %add3A_825 : i32 to index
        %get3A_866 = arith.constant 48 : index
        %get3A_867 = tpu.vector_load %arg8[%get3A_864, %get3A_865, %get3A_866] {strides = array<i32>} : memref<2x128x128xf32, #tpu.memory_space<vmem>>, vector<1x1x16xf32>,
        %get3A_868 = vector.shape_cast %get3A_867 : vector<1x1x16xf32> to vector<16xf32>
        %add3A_869 = arith.constant 48 : i32
        %add3A_870 = arith.addi %mul3A_827, %add3A_869 : i32
        %swap3A_871 = arith.index_cast %add3A_870 : i32 to index
        %swap3A_872 = tpu.vector_load %arg10[%swap3A_871] {strides = array<i32>} : memref<8592xf32, #tpu.memory_space<vmem>>, vector<16xf32>,
        %swap3A_873 = vector.shape_cast %swap3A_872 : vector<16xf32> to vector<16xf32>
        %swap3A_874 = vector.shape_cast %get3A_868 : vector<16xf32> to vector<16xf32>
        tpu.vector_store %arg10[%swap3A_871], %swap3A_874 {strides = array<i32>} : memref<8592xf32, #tpu.memory_space<vmem>>, vector<16xf32>,
        %get3A_875 = arith.constant 0 : i32
        %get3A_876 = arith.index_cast %get3A_875 : i32 to index
        %get3A_877 = arith.index_cast %add3A_825 : i32 to index
        %get3A_878 = arith.constant 64 : index
        %get3A_879 = tpu.vector_load %arg8[%get3A_876, %get3A_877, %get3A_878] {strides = array<i32>} : memref<2x128x128xf32, #tpu.memory_space<vmem>>, vector<1x1x16xf32>,
        %get3A_880 = vector.shape_cast %get3A_879 : vector<1x1x16xf32> to vector<16xf32>
        %add3A_881 = arith.constant 64 : i32
        %add3A_882 = arith.addi %mul3A_827, %add3A_881 : i32
        %swap3A_883 = arith.index_cast %add3A_882 : i32 to index
        %swap3A_884 = tpu.vector_load %arg10[%swap3A_883] {strides = array<i32>} : memref<8592xf32, #tpu.memory_space<vmem>>, vector<16xf32>,
        %swap3A_885 = vector.shape_cast %swap3A_884 : vector<16xf32> to vector<16xf32>
        %swap3A_886 = vector.shape_cast %get3A_880 : vector<16xf32> to vector<16xf32>
        tpu.vector_store %arg10[%swap3A_883], %swap3A_886 {strides = array<i32>} : memref<8592xf32, #tpu.memory_space<vmem>>, vector<16xf32>,
        %mul3A_887 = arith.constant 3 : i32
        %mul3A_888 = arith.muli %add3A_825, %mul3A_887 : i32
        %swap3A_889 = arith.index_cast %mul3A_888 : i32 to index
        %swap3A_890 = tpu.vector_load %arg11[%swap3A_889] {strides = array<i32>} : memref<400xf32, #tpu.memory_space<vmem>>, vector<16xf32>,
        %swap3A_891 = vector.shape_cast %swap3A_890 : vector<16xf32> to vector<16xf32>
        %swap3A_892 = vector.shape_cast %sub3A_834 : vector<16xf32> to vector<16xf32>
        tpu.vector_store %arg11[%swap3A_889], %swap3A_892 {strides = array<i32>} : memref<400xf32, #tpu.memory_space<vmem>>, vector<16xf32>,
        %mul3A_893 = arith.constant 16 : i32
        %mul3A_894 = arith.muli %scan3A_109, %mul3A_893 : i32
        %add3A_895 = arith.constant 11 : i32
        %add3A_896 = arith.addi %mul3A_894, %add3A_895 : i32
        %mul3A_897 = arith.constant 67 : i32
        %mul3A_898 = arith.muli %add3A_896, %mul3A_897 : i32
        %get3A_899 = arith.constant 0 : i32
        %get3A_900 = arith.index_cast %get3A_899 : i32 to index
        %get3A_901 = arith.index_cast %add3A_896 : i32 to index
        %get3A_902 = arith.constant 0 : index
        %get3A_903 = tpu.vector_load %arg8[%get3A_900, %get3A_901, %get3A_902] {strides = array<i32>} : memref<2x128x128xf32, #tpu.memory_space<vmem>>, vector<1x1x16xf32>,
        %get3A_904 = vector.shape_cast %get3A_903 : vector<1x1x16xf32> to vector<16xf32>
        %sub3A_905 = arith.subf %get3A_904, %get3A_113 : vector<16xf32>
        %swap3A_906 = arith.index_cast %mul3A_898 : i32 to index
        %swap3A_907 = tpu.vector_load %arg10[%swap3A_906] {strides = array<i32>} : memref<8592xf32, #tpu.memory_space<vmem>>, vector<16xf32>,
        %swap3A_908 = vector.shape_cast %swap3A_907 : vector<16xf32> to vector<16xf32>
        %swap3A_909 = vector.shape_cast %sub3A_905 : vector<16xf32> to vector<16xf32>
        tpu.vector_store %arg10[%swap3A_906], %swap3A_909 {strides = array<i32>} : memref<8592xf32, #tpu.memory_space<vmem>>, vector<16xf32>,
        %get3A_910 = arith.constant 0 : i32
        %get3A_911 = arith.index_cast %get3A_910 : i32 to index
        %get3A_912 = arith.index_cast %add3A_896 : i32 to index
        %get3A_913 = arith.constant 16 : index
        %get3A_914 = tpu.vector_load %arg8[%get3A_911, %get3A_912, %get3A_913] {strides = array<i32>} : memref<2x128x128xf32, #tpu.memory_space<vmem>>, vector<1x1x16xf32>,
        %get3A_915 = vector.shape_cast %get3A_914 : vector<1x1x16xf32> to vector<16xf32>
        %add3A_916 = arith.constant 16 : i32
        %add3A_917 = arith.addi %mul3A_898, %add3A_916 : i32
        %swap3A_918 = arith.index_cast %add3A_917 : i32 to index
        %swap3A_919 = tpu.vector_load %arg10[%swap3A_918] {strides = array<i32>} : memref<8592xf32, #tpu.memory_space<vmem>>, vector<16xf32>,
        %swap3A_920 = vector.shape_cast %swap3A_919 : vector<16xf32> to vector<16xf32>
        %swap3A_921 = vector.shape_cast %get3A_915 : vector<16xf32> to vector<16xf32>
        tpu.vector_store %arg10[%swap3A_918], %swap3A_921 {strides = array<i32>} : memref<8592xf32, #tpu.memory_space<vmem>>, vector<16xf32>,
        %get3A_922 = arith.constant 0 : i32
        %get3A_923 = arith.index_cast %get3A_922 : i32 to index
        %get3A_924 = arith.index_cast %add3A_896 : i32 to index
        %get3A_925 = arith.constant 32 : index
        %get3A_926 = tpu.vector_load %arg8[%get3A_923, %get3A_924, %get3A_925] {strides = array<i32>} : memref<2x128x128xf32, #tpu.memory_space<vmem>>, vector<1x1x16xf32>,
        %get3A_927 = vector.shape_cast %get3A_926 : vector<1x1x16xf32> to vector<16xf32>
        %add3A_928 = arith.constant 32 : i32
        %add3A_929 = arith.addi %mul3A_898, %add3A_928 : i32
        %swap3A_930 = arith.index_cast %add3A_929 : i32 to index
        %swap3A_931 = tpu.vector_load %arg10[%swap3A_930] {strides = array<i32>} : memref<8592xf32, #tpu.memory_space<vmem>>, vector<16xf32>,
        %swap3A_932 = vector.shape_cast %swap3A_931 : vector<16xf32> to vector<16xf32>
        %swap3A_933 = vector.shape_cast %get3A_927 : vector<16xf32> to vector<16xf32>
        tpu.vector_store %arg10[%swap3A_930], %swap3A_933 {strides = array<i32>} : memref<8592xf32, #tpu.memory_space<vmem>>, vector<16xf32>,
        %get3A_934 = arith.constant 0 : i32
        %get3A_935 = arith.index_cast %get3A_934 : i32 to index
        %get3A_936 = arith.index_cast %add3A_896 : i32 to index
        %get3A_937 = arith.constant 48 : index
        %get3A_938 = tpu.vector_load %arg8[%get3A_935, %get3A_936, %get3A_937] {strides = array<i32>} : memref<2x128x128xf32, #tpu.memory_space<vmem>>, vector<1x1x16xf32>,
        %get3A_939 = vector.shape_cast %get3A_938 : vector<1x1x16xf32> to vector<16xf32>
        %add3A_940 = arith.constant 48 : i32
        %add3A_941 = arith.addi %mul3A_898, %add3A_940 : i32
        %swap3A_942 = arith.index_cast %add3A_941 : i32 to index
        %swap3A_943 = tpu.vector_load %arg10[%swap3A_942] {strides = array<i32>} : memref<8592xf32, #tpu.memory_space<vmem>>, vector<16xf32>,
        %swap3A_944 = vector.shape_cast %swap3A_943 : vector<16xf32> to vector<16xf32>
        %swap3A_945 = vector.shape_cast %get3A_939 : vector<16xf32> to vector<16xf32>
        tpu.vector_store %arg10[%swap3A_942], %swap3A_945 {strides = array<i32>} : memref<8592xf32, #tpu.memory_space<vmem>>, vector<16xf32>,
        %get3A_946 = arith.constant 0 : i32
        %get3A_947 = arith.index_cast %get3A_946 : i32 to index
        %get3A_948 = arith.index_cast %add3A_896 : i32 to index
        %get3A_949 = arith.constant 64 : index
        %get3A_950 = tpu.vector_load %arg8[%get3A_947, %get3A_948, %get3A_949] {strides = array<i32>} : memref<2x128x128xf32, #tpu.memory_space<vmem>>, vector<1x1x16xf32>,
        %get3A_951 = vector.shape_cast %get3A_950 : vector<1x1x16xf32> to vector<16xf32>
        %add3A_952 = arith.constant 64 : i32
        %add3A_953 = arith.addi %mul3A_898, %add3A_952 : i32
        %swap3A_954 = arith.index_cast %add3A_953 : i32 to index
        %swap3A_955 = tpu.vector_load %arg10[%swap3A_954] {strides = array<i32>} : memref<8592xf32, #tpu.memory_space<vmem>>, vector<16xf32>,
        %swap3A_956 = vector.shape_cast %swap3A_955 : vector<16xf32> to vector<16xf32>
        %swap3A_957 = vector.shape_cast %get3A_951 : vector<16xf32> to vector<16xf32>
        tpu.vector_store %arg10[%swap3A_954], %swap3A_957 {strides = array<i32>} : memref<8592xf32, #tpu.memory_space<vmem>>, vector<16xf32>,
        %mul3A_958 = arith.constant 3 : i32
        %mul3A_959 = arith.muli %add3A_896, %mul3A_958 : i32
        %swap3A_960 = arith.index_cast %mul3A_959 : i32 to index
        %swap3A_961 = tpu.vector_load %arg11[%swap3A_960] {strides = array<i32>} : memref<400xf32, #tpu.memory_space<vmem>>, vector<16xf32>,
        %swap3A_962 = vector.shape_cast %swap3A_961 : vector<16xf32> to vector<16xf32>
        %swap3A_963 = vector.shape_cast %sub3A_905 : vector<16xf32> to vector<16xf32>
        tpu.vector_store %arg11[%swap3A_960], %swap3A_963 {strides = array<i32>} : memref<400xf32, #tpu.memory_space<vmem>>, vector<16xf32>,
        %mul3A_964 = arith.constant 16 : i32
        %mul3A_965 = arith.muli %scan3A_109, %mul3A_964 : i32
        %add3A_966 = arith.constant 12 : i32
        %add3A_967 = arith.addi %mul3A_965, %add3A_966 : i32
        %mul3A_968 = arith.constant 67 : i32
        %mul3A_969 = arith.muli %add3A_967, %mul3A_968 : i32
        %get3A_970 = arith.constant 0 : i32
        %get3A_971 = arith.index_cast %get3A_970 : i32 to index
        %get3A_972 = arith.index_cast %add3A_967 : i32 to index
        %get3A_973 = arith.constant 0 : index
        %get3A_974 = tpu.vector_load %arg8[%get3A_971, %get3A_972, %get3A_973] {strides = array<i32>} : memref<2x128x128xf32, #tpu.memory_space<vmem>>, vector<1x1x16xf32>,
        %get3A_975 = vector.shape_cast %get3A_974 : vector<1x1x16xf32> to vector<16xf32>
        %sub3A_976 = arith.subf %get3A_975, %get3A_113 : vector<16xf32>
        %swap3A_977 = arith.index_cast %mul3A_969 : i32 to index
        %swap3A_978 = tpu.vector_load %arg10[%swap3A_977] {strides = array<i32>} : memref<8592xf32, #tpu.memory_space<vmem>>, vector<16xf32>,
        %swap3A_979 = vector.shape_cast %swap3A_978 : vector<16xf32> to vector<16xf32>
        %swap3A_980 = vector.shape_cast %sub3A_976 : vector<16xf32> to vector<16xf32>
        tpu.vector_store %arg10[%swap3A_977], %swap3A_980 {strides = array<i32>} : memref<8592xf32, #tpu.memory_space<vmem>>, vector<16xf32>,
        %get3A_981 = arith.constant 0 : i32
        %get3A_982 = arith.index_cast %get3A_981 : i32 to index
        %get3A_983 = arith.index_cast %add3A_967 : i32 to index
        %get3A_984 = arith.constant 16 : index
        %get3A_985 = tpu.vector_load %arg8[%get3A_982, %get3A_983, %get3A_984] {strides = array<i32>} : memref<2x128x128xf32, #tpu.memory_space<vmem>>, vector<1x1x16xf32>,
        %get3A_986 = vector.shape_cast %get3A_985 : vector<1x1x16xf32> to vector<16xf32>
        %add3A_987 = arith.constant 16 : i32
        %add3A_988 = arith.addi %mul3A_969, %add3A_987 : i32
        %swap3A_989 = arith.index_cast %add3A_988 : i32 to index
        %swap3A_990 = tpu.vector_load %arg10[%swap3A_989] {strides = array<i32>} : memref<8592xf32, #tpu.memory_space<vmem>>, vector<16xf32>,
        %swap3A_991 = vector.shape_cast %swap3A_990 : vector<16xf32> to vector<16xf32>
        %swap3A_992 = vector.shape_cast %get3A_986 : vector<16xf32> to vector<16xf32>
        tpu.vector_store %arg10[%swap3A_989], %swap3A_992 {strides = array<i32>} : memref<8592xf32, #tpu.memory_space<vmem>>, vector<16xf32>,
        %get3A_993 = arith.constant 0 : i32
        %get3A_994 = arith.index_cast %get3A_993 : i32 to index
        %get3A_995 = arith.index_cast %add3A_967 : i32 to index
        %get3A_996 = arith.constant 32 : index
        %get3A_997 = tpu.vector_load %arg8[%get3A_994, %get3A_995, %get3A_996] {strides = array<i32>} : memref<2x128x128xf32, #tpu.memory_space<vmem>>, vector<1x1x16xf32>,
        %get3A_998 = vector.shape_cast %get3A_997 : vector<1x1x16xf32> to vector<16xf32>
        %add3A_999 = arith.constant 32 : i32
        %add3A_1000 = arith.addi %mul3A_969, %add3A_999 : i32
        %swap3A_1001 = arith.index_cast %add3A_1000 : i32 to index
        %swap3A_1002 = tpu.vector_load %arg10[%swap3A_1001] {strides = array<i32>} : memref<8592xf32, #tpu.memory_space<vmem>>, vector<16xf32>,
        %swap3A_1003 = vector.shape_cast %swap3A_1002 : vector<16xf32> to vector<16xf32>
        %swap3A_1004 = vector.shape_cast %get3A_998 : vector<16xf32> to vector<16xf32>
        tpu.vector_store %arg10[%swap3A_1001], %swap3A_1004 {strides = array<i32>} : memref<8592xf32, #tpu.memory_space<vmem>>, vector<16xf32>,
        %get3A_1005 = arith.constant 0 : i32
        %get3A_1006 = arith.index_cast %get3A_1005 : i32 to index
        %get3A_1007 = arith.index_cast %add3A_967 : i32 to index
        %get3A_1008 = arith.constant 48 : index
        %get3A_1009 = tpu.vector_load %arg8[%get3A_1006, %get3A_1007, %get3A_1008] {strides = array<i32>} : memref<2x128x128xf32, #tpu.memory_space<vmem>>, vector<1x1x16xf32>,
        %get3A_1010 = vector.shape_cast %get3A_1009 : vector<1x1x16xf32> to vector<16xf32>
        %add3A_1011 = arith.constant 48 : i32
        %add3A_1012 = arith.addi %mul3A_969, %add3A_1011 : i32
        %swap3A_1013 = arith.index_cast %add3A_1012 : i32 to index
        %swap3A_1014 = tpu.vector_load %arg10[%swap3A_1013] {strides = array<i32>} : memref<8592xf32, #tpu.memory_space<vmem>>, vector<16xf32>,
        %swap3A_1015 = vector.shape_cast %swap3A_1014 : vector<16xf32> to vector<16xf32>
        %swap3A_1016 = vector.shape_cast %get3A_1010 : vector<16xf32> to vector<16xf32>
        tpu.vector_store %arg10[%swap3A_1013], %swap3A_1016 {strides = array<i32>} : memref<8592xf32, #tpu.memory_space<vmem>>, vector<16xf32>,
        %get3A_1017 = arith.constant 0 : i32
        %get3A_1018 = arith.index_cast %get3A_1017 : i32 to index
        %get3A_1019 = arith.index_cast %add3A_967 : i32 to index
        %get3A_1020 = arith.constant 64 : index
        %get3A_1021 = tpu.vector_load %arg8[%get3A_1018, %get3A_1019, %get3A_1020] {strides = array<i32>} : memref<2x128x128xf32, #tpu.memory_space<vmem>>, vector<1x1x16xf32>,
        %get3A_1022 = vector.shape_cast %get3A_1021 : vector<1x1x16xf32> to vector<16xf32>
        %add3A_1023 = arith.constant 64 : i32
        %add3A_1024 = arith.addi %mul3A_969, %add3A_1023 : i32
        %swap3A_1025 = arith.index_cast %add3A_1024 : i32 to index
        %swap3A_1026 = tpu.vector_load %arg10[%swap3A_1025] {strides = array<i32>} : memref<8592xf32, #tpu.memory_space<vmem>>, vector<16xf32>,
        %swap3A_1027 = vector.shape_cast %swap3A_1026 : vector<16xf32> to vector<16xf32>
        %swap3A_1028 = vector.shape_cast %get3A_1022 : vector<16xf32> to vector<16xf32>
        tpu.vector_store %arg10[%swap3A_1025], %swap3A_1028 {strides = array<i32>} : memref<8592xf32, #tpu.memory_space<vmem>>, vector<16xf32>,
        %mul3A_1029 = arith.constant 3 : i32
        %mul3A_1030 = arith.muli %add3A_967, %mul3A_1029 : i32
        %swap3A_1031 = arith.index_cast %mul3A_1030 : i32 to index
        %swap3A_1032 = tpu.vector_load %arg11[%swap3A_1031] {strides = array<i32>} : memref<400xf32, #tpu.memory_space<vmem>>, vector<16xf32>,
        %swap3A_1033 = vector.shape_cast %swap3A_1032 : vector<16xf32> to vector<16xf32>
        %swap3A_1034 = vector.shape_cast %sub3A_976 : vector<16xf32> to vector<16xf32>
        tpu.vector_store %arg11[%swap3A_1031], %swap3A_1034 {strides = array<i32>} : memref<400xf32, #tpu.memory_space<vmem>>, vector<16xf32>,
        %mul3A_1035 = arith.constant 16 : i32
        %mul3A_1036 = arith.muli %scan3A_109, %mul3A_1035 : i32
        %add3A_1037 = arith.constant 13 : i32
        %add3A_1038 = arith.addi %mul3A_1036, %add3A_1037 : i32
        %mul3A_1039 = arith.constant 67 : i32
        %mul3A_1040 = arith.muli %add3A_1038, %mul3A_1039 : i32
        %get3A_1041 = arith.constant 0 : i32
        %get3A_1042 = arith.index_cast %get3A_1041 : i32 to index
        %get3A_1043 = arith.index_cast %add3A_1038 : i32 to index
        %get3A_1044 = arith.constant 0 : index
        %get3A_1045 = tpu.vector_load %arg8[%get3A_1042, %get3A_1043, %get3A_1044] {strides = array<i32>} : memref<2x128x128xf32, #tpu.memory_space<vmem>>, vector<1x1x16xf32>,
        %get3A_1046 = vector.shape_cast %get3A_1045 : vector<1x1x16xf32> to vector<16xf32>
        %sub3A_1047 = arith.subf %get3A_1046, %get3A_113 : vector<16xf32>
        %swap3A_1048 = arith.index_cast %mul3A_1040 : i32 to index
        %swap3A_1049 = tpu.vector_load %arg10[%swap3A_1048] {strides = array<i32>} : memref<8592xf32, #tpu.memory_space<vmem>>, vector<16xf32>,
        %swap3A_1050 = vector.shape_cast %swap3A_1049 : vector<16xf32> to vector<16xf32>
        %swap3A_1051 = vector.shape_cast %sub3A_1047 : vector<16xf32> to vector<16xf32>
        tpu.vector_store %arg10[%swap3A_1048], %swap3A_1051 {strides = array<i32>} : memref<8592xf32, #tpu.memory_space<vmem>>, vector<16xf32>,
        %get3A_1052 = arith.constant 0 : i32
        %get3A_1053 = arith.index_cast %get3A_1052 : i32 to index
        %get3A_1054 = arith.index_cast %add3A_1038 : i32 to index
        %get3A_1055 = arith.constant 16 : index
        %get3A_1056 = tpu.vector_load %arg8[%get3A_1053, %get3A_1054, %get3A_1055] {strides = array<i32>} : memref<2x128x128xf32, #tpu.memory_space<vmem>>, vector<1x1x16xf32>,
        %get3A_1057 = vector.shape_cast %get3A_1056 : vector<1x1x16xf32> to vector<16xf32>
        %add3A_1058 = arith.constant 16 : i32
        %add3A_1059 = arith.addi %mul3A_1040, %add3A_1058 : i32
        %swap3A_1060 = arith.index_cast %add3A_1059 : i32 to index
        %swap3A_1061 = tpu.vector_load %arg10[%swap3A_1060] {strides = array<i32>} : memref<8592xf32, #tpu.memory_space<vmem>>, vector<16xf32>,
        %swap3A_1062 = vector.shape_cast %swap3A_1061 : vector<16xf32> to vector<16xf32>
        %swap3A_1063 = vector.shape_cast %get3A_1057 : vector<16xf32> to vector<16xf32>
        tpu.vector_store %arg10[%swap3A_1060], %swap3A_1063 {strides = array<i32>} : memref<8592xf32, #tpu.memory_space<vmem>>, vector<16xf32>,
        %get3A_1064 = arith.constant 0 : i32
        %get3A_1065 = arith.index_cast %get3A_1064 : i32 to index
        %get3A_1066 = arith.index_cast %add3A_1038 : i32 to index
        %get3A_1067 = arith.constant 32 : index
        %get3A_1068 = tpu.vector_load %arg8[%get3A_1065, %get3A_1066, %get3A_1067] {strides = array<i32>} : memref<2x128x128xf32, #tpu.memory_space<vmem>>, vector<1x1x16xf32>,
        %get3A_1069 = vector.shape_cast %get3A_1068 : vector<1x1x16xf32> to vector<16xf32>
        %add3A_1070 = arith.constant 32 : i32
        %add3A_1071 = arith.addi %mul3A_1040, %add3A_1070 : i32
        %swap3A_1072 = arith.index_cast %add3A_1071 : i32 to index
        %swap3A_1073 = tpu.vector_load %arg10[%swap3A_1072] {strides = array<i32>} : memref<8592xf32, #tpu.memory_space<vmem>>, vector<16xf32>,
        %swap3A_1074 = vector.shape_cast %swap3A_1073 : vector<16xf32> to vector<16xf32>
        %swap3A_1075 = vector.shape_cast %get3A_1069 : vector<16xf32> to vector<16xf32>
        tpu.vector_store %arg10[%swap3A_1072], %swap3A_1075 {strides = array<i32>} : memref<8592xf32, #tpu.memory_space<vmem>>, vector<16xf32>,
        %get3A_1076 = arith.constant 0 : i32
        %get3A_1077 = arith.index_cast %get3A_1076 : i32 to index
        %get3A_1078 = arith.index_cast %add3A_1038 : i32 to index
        %get3A_1079 = arith.constant 48 : index
        %get3A_1080 = tpu.vector_load %arg8[%get3A_1077, %get3A_1078, %get3A_1079] {strides = array<i32>} : memref<2x128x128xf32, #tpu.memory_space<vmem>>, vector<1x1x16xf32>,
        %get3A_1081 = vector.shape_cast %get3A_1080 : vector<1x1x16xf32> to vector<16xf32>
        %add3A_1082 = arith.constant 48 : i32
        %add3A_1083 = arith.addi %mul3A_1040, %add3A_1082 : i32
        %swap3A_1084 = arith.index_cast %add3A_1083 : i32 to index
        %swap3A_1085 = tpu.vector_load %arg10[%swap3A_1084] {strides = array<i32>} : memref<8592xf32, #tpu.memory_space<vmem>>, vector<16xf32>,
        %swap3A_1086 = vector.shape_cast %swap3A_1085 : vector<16xf32> to vector<16xf32>
        %swap3A_1087 = vector.shape_cast %get3A_1081 : vector<16xf32> to vector<16xf32>
        tpu.vector_store %arg10[%swap3A_1084], %swap3A_1087 {strides = array<i32>} : memref<8592xf32, #tpu.memory_space<vmem>>, vector<16xf32>,
        %get3A_1088 = arith.constant 0 : i32
        %get3A_1089 = arith.index_cast %get3A_1088 : i32 to index
        %get3A_1090 = arith.index_cast %add3A_1038 : i32 to index
        %get3A_1091 = arith.constant 64 : index
        %get3A_1092 = tpu.vector_load %arg8[%get3A_1089, %get3A_1090, %get3A_1091] {strides = array<i32>} : memref<2x128x128xf32, #tpu.memory_space<vmem>>, vector<1x1x16xf32>,
        %get3A_1093 = vector.shape_cast %get3A_1092 : vector<1x1x16xf32> to vector<16xf32>
        %add3A_1094 = arith.constant 64 : i32
        %add3A_1095 = arith.addi %mul3A_1040, %add3A_1094 : i32
        %swap3A_1096 = arith.index_cast %add3A_1095 : i32 to index
        %swap3A_1097 = tpu.vector_load %arg10[%swap3A_1096] {strides = array<i32>} : memref<8592xf32, #tpu.memory_space<vmem>>, vector<16xf32>,
        %swap3A_1098 = vector.shape_cast %swap3A_1097 : vector<16xf32> to vector<16xf32>
        %swap3A_1099 = vector.shape_cast %get3A_1093 : vector<16xf32> to vector<16xf32>
        tpu.vector_store %arg10[%swap3A_1096], %swap3A_1099 {strides = array<i32>} : memref<8592xf32, #tpu.memory_space<vmem>>, vector<16xf32>,
        %mul3A_1100 = arith.constant 3 : i32
        %mul3A_1101 = arith.muli %add3A_1038, %mul3A_1100 : i32
        %swap3A_1102 = arith.index_cast %mul3A_1101 : i32 to index
        %swap3A_1103 = tpu.vector_load %arg11[%swap3A_1102] {strides = array<i32>} : memref<400xf32, #tpu.memory_space<vmem>>, vector<16xf32>,
        %swap3A_1104 = vector.shape_cast %swap3A_1103 : vector<16xf32> to vector<16xf32>
        %swap3A_1105 = vector.shape_cast %sub3A_1047 : vector<16xf32> to vector<16xf32>
        tpu.vector_store %arg11[%swap3A_1102], %swap3A_1105 {strides = array<i32>} : memref<400xf32, #tpu.memory_space<vmem>>, vector<16xf32>,
        %mul3A_1106 = arith.constant 16 : i32
        %mul3A_1107 = arith.muli %scan3A_109, %mul3A_1106 : i32
        %add3A_1108 = arith.constant 14 : i32
        %add3A_1109 = arith.addi %mul3A_1107, %add3A_1108 : i32
        %mul3A_1110 = arith.constant 67 : i32
        %mul3A_1111 = arith.muli %add3A_1109, %mul3A_1110 : i32
        %get3A_1112 = arith.constant 0 : i32
        %get3A_1113 = arith.index_cast %get3A_1112 : i32 to index
        %get3A_1114 = arith.index_cast %add3A_1109 : i32 to index
        %get3A_1115 = arith.constant 0 : index
        %get3A_1116 = tpu.vector_load %arg8[%get3A_1113, %get3A_1114, %get3A_1115] {strides = array<i32>} : memref<2x128x128xf32, #tpu.memory_space<vmem>>, vector<1x1x16xf32>,
        %get3A_1117 = vector.shape_cast %get3A_1116 : vector<1x1x16xf32> to vector<16xf32>
        %sub3A_1118 = arith.subf %get3A_1117, %get3A_113 : vector<16xf32>
        %swap3A_1119 = arith.index_cast %mul3A_1111 : i32 to index
        %swap3A_1120 = tpu.vector_load %arg10[%swap3A_1119] {strides = array<i32>} : memref<8592xf32, #tpu.memory_space<vmem>>, vector<16xf32>,
        %swap3A_1121 = vector.shape_cast %swap3A_1120 : vector<16xf32> to vector<16xf32>
        %swap3A_1122 = vector.shape_cast %sub3A_1118 : vector<16xf32> to vector<16xf32>
        tpu.vector_store %arg10[%swap3A_1119], %swap3A_1122 {strides = array<i32>} : memref<8592xf32, #tpu.memory_space<vmem>>, vector<16xf32>,
        %get3A_1123 = arith.constant 0 : i32
        %get3A_1124 = arith.index_cast %get3A_1123 : i32 to index
        %get3A_1125 = arith.index_cast %add3A_1109 : i32 to index
        %get3A_1126 = arith.constant 16 : index
        %get3A_1127 = tpu.vector_load %arg8[%get3A_1124, %get3A_1125, %get3A_1126] {strides = array<i32>} : memref<2x128x128xf32, #tpu.memory_space<vmem>>, vector<1x1x16xf32>,
        %get3A_1128 = vector.shape_cast %get3A_1127 : vector<1x1x16xf32> to vector<16xf32>
        %add3A_1129 = arith.constant 16 : i32
        %add3A_1130 = arith.addi %mul3A_1111, %add3A_1129 : i32
        %swap3A_1131 = arith.index_cast %add3A_1130 : i32 to index
        %swap3A_1132 = tpu.vector_load %arg10[%swap3A_1131] {strides = array<i32>} : memref<8592xf32, #tpu.memory_space<vmem>>, vector<16xf32>,
        %swap3A_1133 = vector.shape_cast %swap3A_1132 : vector<16xf32> to vector<16xf32>
        %swap3A_1134 = vector.shape_cast %get3A_1128 : vector<16xf32> to vector<16xf32>
        tpu.vector_store %arg10[%swap3A_1131], %swap3A_1134 {strides = array<i32>} : memref<8592xf32, #tpu.memory_space<vmem>>, vector<16xf32>,
        %get3A_1135 = arith.constant 0 : i32
        %get3A_1136 = arith.index_cast %get3A_1135 : i32 to index
        %get3A_1137 = arith.index_cast %add3A_1109 : i32 to index
        %get3A_1138 = arith.constant 32 : index
        %get3A_1139 = tpu.vector_load %arg8[%get3A_1136, %get3A_1137, %get3A_1138] {strides = array<i32>} : memref<2x128x128xf32, #tpu.memory_space<vmem>>, vector<1x1x16xf32>,
        %get3A_1140 = vector.shape_cast %get3A_1139 : vector<1x1x16xf32> to vector<16xf32>
        %add3A_1141 = arith.constant 32 : i32
        %add3A_1142 = arith.addi %mul3A_1111, %add3A_1141 : i32
        %swap3A_1143 = arith.index_cast %add3A_1142 : i32 to index
        %swap3A_1144 = tpu.vector_load %arg10[%swap3A_1143] {strides = array<i32>} : memref<8592xf32, #tpu.memory_space<vmem>>, vector<16xf32>,
        %swap3A_1145 = vector.shape_cast %swap3A_1144 : vector<16xf32> to vector<16xf32>
        %swap3A_1146 = vector.shape_cast %get3A_1140 : vector<16xf32> to vector<16xf32>
        tpu.vector_store %arg10[%swap3A_1143], %swap3A_1146 {strides = array<i32>} : memref<8592xf32, #tpu.memory_space<vmem>>, vector<16xf32>,
        %get3A_1147 = arith.constant 0 : i32
        %get3A_1148 = arith.index_cast %get3A_1147 : i32 to index
        %get3A_1149 = arith.index_cast %add3A_1109 : i32 to index
        %get3A_1150 = arith.constant 48 : index
        %get3A_1151 = tpu.vector_load %arg8[%get3A_1148, %get3A_1149, %get3A_1150] {strides = array<i32>} : memref<2x128x128xf32, #tpu.memory_space<vmem>>, vector<1x1x16xf32>,
        %get3A_1152 = vector.shape_cast %get3A_1151 : vector<1x1x16xf32> to vector<16xf32>
        %add3A_1153 = arith.constant 48 : i32
        %add3A_1154 = arith.addi %mul3A_1111, %add3A_1153 : i32
        %swap3A_1155 = arith.index_cast %add3A_1154 : i32 to index
        %swap3A_1156 = tpu.vector_load %arg10[%swap3A_1155] {strides = array<i32>} : memref<8592xf32, #tpu.memory_space<vmem>>, vector<16xf32>,
        %swap3A_1157 = vector.shape_cast %swap3A_1156 : vector<16xf32> to vector<16xf32>
        %swap3A_1158 = vector.shape_cast %get3A_1152 : vector<16xf32> to vector<16xf32>
        tpu.vector_store %arg10[%swap3A_1155], %swap3A_1158 {strides = array<i32>} : memref<8592xf32, #tpu.memory_space<vmem>>, vector<16xf32>,
        %get3A_1159 = arith.constant 0 : i32
        %get3A_1160 = arith.index_cast %get3A_1159 : i32 to index
        %get3A_1161 = arith.index_cast %add3A_1109 : i32 to index
        %get3A_1162 = arith.constant 64 : index
        %get3A_1163 = tpu.vector_load %arg8[%get3A_1160, %get3A_1161, %get3A_1162] {strides = array<i32>} : memref<2x128x128xf32, #tpu.memory_space<vmem>>, vector<1x1x16xf32>,
        %get3A_1164 = vector.shape_cast %get3A_1163 : vector<1x1x16xf32> to vector<16xf32>
        %add3A_1165 = arith.constant 64 : i32
        %add3A_1166 = arith.addi %mul3A_1111, %add3A_1165 : i32
        %swap3A_1167 = arith.index_cast %add3A_1166 : i32 to index
        %swap3A_1168 = tpu.vector_load %arg10[%swap3A_1167] {strides = array<i32>} : memref<8592xf32, #tpu.memory_space<vmem>>, vector<16xf32>,
        %swap3A_1169 = vector.shape_cast %swap3A_1168 : vector<16xf32> to vector<16xf32>
        %swap3A_1170 = vector.shape_cast %get3A_1164 : vector<16xf32> to vector<16xf32>
        tpu.vector_store %arg10[%swap3A_1167], %swap3A_1170 {strides = array<i32>} : memref<8592xf32, #tpu.memory_space<vmem>>, vector<16xf32>,
        %mul3A_1171 = arith.constant 3 : i32
        %mul3A_1172 = arith.muli %add3A_1109, %mul3A_1171 : i32
        %swap3A_1173 = arith.index_cast %mul3A_1172 : i32 to index
        %swap3A_1174 = tpu.vector_load %arg11[%swap3A_1173] {strides = array<i32>} : memref<400xf32, #tpu.memory_space<vmem>>, vector<16xf32>,
        %swap3A_1175 = vector.shape_cast %swap3A_1174 : vector<16xf32> to vector<16xf32>
        %swap3A_1176 = vector.shape_cast %sub3A_1118 : vector<16xf32> to vector<16xf32>
        tpu.vector_store %arg11[%swap3A_1173], %swap3A_1176 {strides = array<i32>} : memref<400xf32, #tpu.memory_space<vmem>>, vector<16xf32>,
        %mul3A_1177 = arith.constant 16 : i32
        %mul3A_1178 = arith.muli %scan3A_109, %mul3A_1177 : i32
        %add3A_1179 = arith.constant 15 : i32
        %add3A_1180 = arith.addi %mul3A_1178, %add3A_1179 : i32
        %mul3A_1181 = arith.constant 67 : i32
        %mul3A_1182 = arith.muli %add3A_1180, %mul3A_1181 : i32
        %get3A_1183 = arith.constant 0 : i32
        %get3A_1184 = arith.index_cast %get3A_1183 : i32 to index
        %get3A_1185 = arith.index_cast %add3A_1180 : i32 to index
        %get3A_1186 = arith.constant 0 : index
        %get3A_1187 = tpu.vector_load %arg8[%get3A_1184, %get3A_1185, %get3A_1186] {strides = array<i32>} : memref<2x128x128xf32, #tpu.memory_space<vmem>>, vector<1x1x16xf32>,
        %get3A_1188 = vector.shape_cast %get3A_1187 : vector<1x1x16xf32> to vector<16xf32>
        %sub3A_1189 = arith.subf %get3A_1188, %get3A_113 : vector<16xf32>
        %swap3A_1190 = arith.index_cast %mul3A_1182 : i32 to index
        %swap3A_1191 = tpu.vector_load %arg10[%swap3A_1190] {strides = array<i32>} : memref<8592xf32, #tpu.memory_space<vmem>>, vector<16xf32>,
        %swap3A_1192 = vector.shape_cast %swap3A_1191 : vector<16xf32> to vector<16xf32>
        %swap3A_1193 = vector.shape_cast %sub3A_1189 : vector<16xf32> to vector<16xf32>
        tpu.vector_store %arg10[%swap3A_1190], %swap3A_1193 {strides = array<i32>} : memref<8592xf32, #tpu.memory_space<vmem>>, vector<16xf32>,
        %get3A_1194 = arith.constant 0 : i32
        %get3A_1195 = arith.index_cast %get3A_1194 : i32 to index
        %get3A_1196 = arith.index_cast %add3A_1180 : i32 to index
        %get3A_1197 = arith.constant 16 : index
        %get3A_1198 = tpu.vector_load %arg8[%get3A_1195, %get3A_1196, %get3A_1197] {strides = array<i32>} : memref<2x128x128xf32, #tpu.memory_space<vmem>>, vector<1x1x16xf32>,
        %get3A_1199 = vector.shape_cast %get3A_1198 : vector<1x1x16xf32> to vector<16xf32>
        %add3A_1200 = arith.constant 16 : i32
        %add3A_1201 = arith.addi %mul3A_1182, %add3A_1200 : i32
        %swap3A_1202 = arith.index_cast %add3A_1201 : i32 to index
        %swap3A_1203 = tpu.vector_load %arg10[%swap3A_1202] {strides = array<i32>} : memref<8592xf32, #tpu.memory_space<vmem>>, vector<16xf32>,
        %swap3A_1204 = vector.shape_cast %swap3A_1203 : vector<16xf32> to vector<16xf32>
        %swap3A_1205 = vector.shape_cast %get3A_1199 : vector<16xf32> to vector<16xf32>
        tpu.vector_store %arg10[%swap3A_1202], %swap3A_1205 {strides = array<i32>} : memref<8592xf32, #tpu.memory_space<vmem>>, vector<16xf32>,
        %get3A_1206 = arith.constant 0 : i32
        %get3A_1207 = arith.index_cast %get3A_1206 : i32 to index
        %get3A_1208 = arith.index_cast %add3A_1180 : i32 to index
        %get3A_1209 = arith.constant 32 : index
        %get3A_1210 = tpu.vector_load %arg8[%get3A_1207, %get3A_1208, %get3A_1209] {strides = array<i32>} : memref<2x128x128xf32, #tpu.memory_space<vmem>>, vector<1x1x16xf32>,
        %get3A_1211 = vector.shape_cast %get3A_1210 : vector<1x1x16xf32> to vector<16xf32>
        %add3A_1212 = arith.constant 32 : i32
        %add3A_1213 = arith.addi %mul3A_1182, %add3A_1212 : i32
        %swap3A_1214 = arith.index_cast %add3A_1213 : i32 to index
        %swap3A_1215 = tpu.vector_load %arg10[%swap3A_1214] {strides = array<i32>} : memref<8592xf32, #tpu.memory_space<vmem>>, vector<16xf32>,
        %swap3A_1216 = vector.shape_cast %swap3A_1215 : vector<16xf32> to vector<16xf32>
        %swap3A_1217 = vector.shape_cast %get3A_1211 : vector<16xf32> to vector<16xf32>
        tpu.vector_store %arg10[%swap3A_1214], %swap3A_1217 {strides = array<i32>} : memref<8592xf32, #tpu.memory_space<vmem>>, vector<16xf32>,
        %get3A_1218 = arith.constant 0 : i32
        %get3A_1219 = arith.index_cast %get3A_1218 : i32 to index
        %get3A_1220 = arith.index_cast %add3A_1180 : i32 to index
        %get3A_1221 = arith.constant 48 : index
        %get3A_1222 = tpu.vector_load %arg8[%get3A_1219, %get3A_1220, %get3A_1221] {strides = array<i32>} : memref<2x128x128xf32, #tpu.memory_space<vmem>>, vector<1x1x16xf32>,
        %get3A_1223 = vector.shape_cast %get3A_1222 : vector<1x1x16xf32> to vector<16xf32>
        %add3A_1224 = arith.constant 48 : i32
        %add3A_1225 = arith.addi %mul3A_1182, %add3A_1224 : i32
        %swap3A_1226 = arith.index_cast %add3A_1225 : i32 to index
        %swap3A_1227 = tpu.vector_load %arg10[%swap3A_1226] {strides = array<i32>} : memref<8592xf32, #tpu.memory_space<vmem>>, vector<16xf32>,
        %swap3A_1228 = vector.shape_cast %swap3A_1227 : vector<16xf32> to vector<16xf32>
        %swap3A_1229 = vector.shape_cast %get3A_1223 : vector<16xf32> to vector<16xf32>
        tpu.vector_store %arg10[%swap3A_1226], %swap3A_1229 {strides = array<i32>} : memref<8592xf32, #tpu.memory_space<vmem>>, vector<16xf32>,
        %get3A_1230 = arith.constant 0 : i32
        %get3A_1231 = arith.index_cast %get3A_1230 : i32 to index
        %get3A_1232 = arith.index_cast %add3A_1180 : i32 to index
        %get3A_1233 = arith.constant 64 : index
        %get3A_1234 = tpu.vector_load %arg8[%get3A_1231, %get3A_1232, %get3A_1233] {strides = array<i32>} : memref<2x128x128xf32, #tpu.memory_space<vmem>>, vector<1x1x16xf32>,
        %get3A_1235 = vector.shape_cast %get3A_1234 : vector<1x1x16xf32> to vector<16xf32>
        %add3A_1236 = arith.constant 64 : i32
        %add3A_1237 = arith.addi %mul3A_1182, %add3A_1236 : i32
        %swap3A_1238 = arith.index_cast %add3A_1237 : i32 to index
        %swap3A_1239 = tpu.vector_load %arg10[%swap3A_1238] {strides = array<i32>} : memref<8592xf32, #tpu.memory_space<vmem>>, vector<16xf32>,
        %swap3A_1240 = vector.shape_cast %swap3A_1239 : vector<16xf32> to vector<16xf32>
        %swap3A_1241 = vector.shape_cast %get3A_1235 : vector<16xf32> to vector<16xf32>
        tpu.vector_store %arg10[%swap3A_1238], %swap3A_1241 {strides = array<i32>} : memref<8592xf32, #tpu.memory_space<vmem>>, vector<16xf32>,
        %mul3A_1242 = arith.constant 3 : i32
        %mul3A_1243 = arith.muli %add3A_1180, %mul3A_1242 : i32
        %swap3A_1244 = arith.index_cast %mul3A_1243 : i32 to index
        %swap3A_1245 = tpu.vector_load %arg11[%swap3A_1244] {strides = array<i32>} : memref<400xf32, #tpu.memory_space<vmem>>, vector<16xf32>,
        %swap3A_1246 = vector.shape_cast %swap3A_1245 : vector<16xf32> to vector<16xf32>
        %swap3A_1247 = vector.shape_cast %sub3A_1189 : vector<16xf32> to vector<16xf32>
        tpu.vector_store %arg11[%swap3A_1244], %swap3A_1247 {strides = array<i32>} : memref<400xf32, #tpu.memory_space<vmem>>, vector<16xf32>,
        %scan3A_1248 = arith.constant 0 : i32
        scf.yield %scan3A_1248 : i32
      }
      %scan3A_56 = arith.constant 8 : i32
      %mul3A_57 = arith.constant 16 : i32
      %mul3A_58 = arith.muli %add3A_49, %mul3A_57 : i32
      %mul3A_59 = arith.constant 67 : i32
      %mul3A_60 = arith.muli %mul3A_58, %mul3A_59 : i32
      "tpu.region"() ({
        %run_scoped3A_109 = tpu.sem_alloc : memref<!tpu.dma_semaphore, #tpu.memory_space<semaphore_mem>>
        %dma_start3A_110 = arith.constant 0 : i32
        %dma_start3A_111 = tpu.memref_slice %arg10[%dma_start3A_110] : memref<8592xf32, #tpu.memory_space<vmem>> -> memref<8576xf32, #tpu.memory_space<vmem>>
        %dma_start3A_112 = tpu.memref_slice %arg5[%mul3A_60] : memref<17563648xf32, #tpu.memory_space<hbm>> -> memref<8576xf32, #tpu.memory_space<hbm>>
        %dma_start3A_113 = tpu.memref_slice %arg5[%mul3A_60] : memref<17563648xf32, #tpu.memory_space<hbm>> -> memref<8576xf32, #tpu.memory_space<hbm>>
        %dma_start3A_114 = arith.constant 0 : i32
        %dma_start3A_115 = tpu.memref_slice %arg10[%dma_start3A_114] : memref<8592xf32, #tpu.memory_space<vmem>> -> memref<8576xf32, #tpu.memory_space<vmem>>
        tpu.enqueue_dma source(%dma_start3A_115 : memref<8576xf32, #tpu.memory_space<vmem>>) target(%dma_start3A_113 : memref<8576xf32, #tpu.memory_space<hbm>>) target_semaphore(%run_scoped3A_109 : memref<!tpu.dma_semaphore, #tpu.memory_space<semaphore_mem>>)
        %dma_wait3A_116 = arith.constant 0 : i32
        %dma_wait3A_117 = tpu.memref_slice %arg10[%dma_wait3A_116] : memref<8592xf32, #tpu.memory_space<vmem>> -> memref<8576xf32, #tpu.memory_space<vmem>>
        %dma_wait3A_118 = tpu.memref_slice %arg5[%mul3A_60] : memref<17563648xf32, #tpu.memory_space<hbm>> -> memref<8576xf32, #tpu.memory_space<hbm>>
        %dma_wait3A_119 = tpu.memref_slice %arg5[%mul3A_60] : memref<17563648xf32, #tpu.memory_space<hbm>> -> memref<8576xf32, #tpu.memory_space<hbm>>
        %dma_wait3A_120 = arith.constant 0 : i32
        %dma_wait3A_121 = tpu.memref_slice %arg10[%dma_wait3A_120] : memref<8592xf32, #tpu.memory_space<vmem>> -> memref<8576xf32, #tpu.memory_space<vmem>>
        tpu.wait_dma2 semaphore(%run_scoped3A_109 : memref<!tpu.dma_semaphore, #tpu.memory_space<semaphore_mem>>) src(%dma_wait3A_121 : memref<8576xf32, #tpu.memory_space<vmem>>) dst(%dma_wait3A_119 : memref<8576xf32, #tpu.memory_space<hbm>>)
        tpu.yield
      }) : () -> ()
      %mul3A_61 = arith.constant 16 : i32
      %mul3A_62 = arith.muli %add3A_49, %mul3A_61 : i32
      %mul3A_63 = arith.constant 3 : i32
      %mul3A_64 = arith.muli %mul3A_62, %mul3A_63 : i32
      "tpu.region"() ({
        %run_scoped3A_109 = tpu.sem_alloc : memref<!tpu.dma_semaphore, #tpu.memory_space<semaphore_mem>>
        %dma_start3A_110 = arith.constant 0 : i32
        %dma_start3A_111 = tpu.memref_slice %arg11[%dma_start3A_110] : memref<400xf32, #tpu.memory_space<vmem>> -> memref<384xf32, #tpu.memory_space<vmem>>
        %dma_start3A_112 = tpu.memref_slice %arg6[%mul3A_64] : memref<786432xf32, #tpu.memory_space<hbm>> -> memref<384xf32, #tpu.memory_space<hbm>>
        %dma_start3A_113 = tpu.memref_slice %arg6[%mul3A_64] : memref<786432xf32, #tpu.memory_space<hbm>> -> memref<384xf32, #tpu.memory_space<hbm>>
        %dma_start3A_114 = arith.constant 0 : i32
        %dma_start3A_115 = tpu.memref_slice %arg11[%dma_start3A_114] : memref<400xf32, #tpu.memory_space<vmem>> -> memref<384xf32, #tpu.memory_space<vmem>>
        tpu.enqueue_dma source(%dma_start3A_115 : memref<384xf32, #tpu.memory_space<vmem>>) target(%dma_start3A_113 : memref<384xf32, #tpu.memory_space<hbm>>) target_semaphore(%run_scoped3A_109 : memref<!tpu.dma_semaphore, #tpu.memory_space<semaphore_mem>>)
        %dma_wait3A_116 = arith.constant 0 : i32
        %dma_wait3A_117 = tpu.memref_slice %arg11[%dma_wait3A_116] : memref<400xf32, #tpu.memory_space<vmem>> -> memref<384xf32, #tpu.memory_space<vmem>>
        %dma_wait3A_118 = tpu.memref_slice %arg6[%mul3A_64] : memref<786432xf32, #tpu.memory_space<hbm>> -> memref<384xf32, #tpu.memory_space<hbm>>
        %dma_wait3A_119 = tpu.memref_slice %arg6[%mul3A_64] : memref<786432xf32, #tpu.memory_space<hbm>> -> memref<384xf32, #tpu.memory_space<hbm>>
        %dma_wait3A_120 = arith.constant 0 : i32
        %dma_wait3A_121 = tpu.memref_slice %arg11[%dma_wait3A_120] : memref<400xf32, #tpu.memory_space<vmem>> -> memref<384xf32, #tpu.memory_space<vmem>>
        tpu.wait_dma2 semaphore(%run_scoped3A_109 : memref<!tpu.dma_semaphore, #tpu.memory_space<semaphore_mem>>) src(%dma_wait3A_121 : memref<384xf32, #tpu.memory_space<vmem>>) dst(%dma_wait3A_119 : memref<384xf32, #tpu.memory_space<hbm>>)
        tpu.yield
      }) : () -> ()
      %mul3A_65 = arith.constant 2 : i32
      %mul3A_66 = arith.muli %scan3A_24, %mul3A_65 : i32
      %add3A_67 = arith.constant 1 : i32
      %add3A_68 = arith.addi %mul3A_66, %add3A_67 : i32
      %add3A_69 = arith.constant 1 : i32
      %add3A_70 = arith.addi %add3A_68, %add3A_69 : i32
      %lt3A_71 = arith.constant 64 : i32
      %lt3A_72 = arith.cmpi slt, %add3A_70, %lt3A_71 : i32
      %convert_element_type3A_73 = arith.extui %lt3A_72 : i1 to i32
      %cond3A_74 = arith.constant 0 : i32
      %cond3A_75 = arith.cmpi ne, %convert_element_type3A_73, %cond3A_74 : i32
      scf.if %cond3A_75 {
        %add3A_109 = arith.constant 1 : i32
        %add3A_110 = arith.addi %add3A_68, %add3A_109 : i32
        %mul3A_111 = arith.constant 512 : i32
        %mul3A_112 = arith.muli %add3A, %mul3A_111 : i32
        %mul3A_113 = arith.constant 8 : i32
        %mul3A_114 = arith.muli %add3A_110, %mul3A_113 : i32
        %add3A_115 = arith.addi %mul3A_112, %mul3A_114 : i32
        %mul3A_116 = arith.constant 16 : i32
        %mul3A_117 = arith.muli %add3A_115, %mul3A_116 : i32
        %run_scoped3A_118 = arith.constant 0 : i32
        "tpu.region"() ({
          %run_scoped3A_131 = tpu.sem_alloc : memref<!tpu.dma_semaphore, #tpu.memory_space<semaphore_mem>>
          %dma_start3A_132 = arith.constant 0 : i32
          %dma_start3A_133 = tpu.memref_slice %arg7[%run_scoped3A_118, %dma_start3A_132] : memref<2x128xi32, #tpu.memory_space<vmem>> -> memref<1x128xi32, #tpu.memory_space<vmem>>
          %dma_start3A_134 = tpu.memref_squeeze %dma_start3A_133 : memref<1x128xi32, #tpu.memory_space<vmem>> -> memref<128xi32, #tpu.memory_space<vmem>>
          %dma_start3A_135 = tpu.memref_slice %arg3[%mul3A_117] : memref<262144xi32, #tpu.memory_space<hbm>> -> memref<128xi32, #tpu.memory_space<hbm>>
          %dma_start3A_136 = arith.constant 0 : i32
          %dma_start3A_137 = tpu.memref_slice %arg7[%run_scoped3A_118, %dma_start3A_136] : memref<2x128xi32, #tpu.memory_space<vmem>> -> memref<1x128xi32, #tpu.memory_space<vmem>>
          %dma_start3A_138 = tpu.memref_squeeze %dma_start3A_137 : memref<1x128xi32, #tpu.memory_space<vmem>> -> memref<128xi32, #tpu.memory_space<vmem>>
          %dma_start3A_139 = tpu.memref_slice %arg3[%mul3A_117] : memref<262144xi32, #tpu.memory_space<hbm>> -> memref<128xi32, #tpu.memory_space<hbm>>
          tpu.enqueue_dma source(%dma_start3A_139 : memref<128xi32, #tpu.memory_space<hbm>>) target(%dma_start3A_138 : memref<128xi32, #tpu.memory_space<vmem>>) target_semaphore(%run_scoped3A_131 : memref<!tpu.dma_semaphore, #tpu.memory_space<semaphore_mem>>)
          %dma_wait3A_140 = arith.constant 0 : i32
          %dma_wait3A_141 = tpu.memref_slice %arg7[%run_scoped3A_118, %dma_wait3A_140] : memref<2x128xi32, #tpu.memory_space<vmem>> -> memref<1x128xi32, #tpu.memory_space<vmem>>
          %dma_wait3A_142 = tpu.memref_squeeze %dma_wait3A_141 : memref<1x128xi32, #tpu.memory_space<vmem>> -> memref<128xi32, #tpu.memory_space<vmem>>
          %dma_wait3A_143 = tpu.memref_slice %arg3[%mul3A_117] : memref<262144xi32, #tpu.memory_space<hbm>> -> memref<128xi32, #tpu.memory_space<hbm>>
          %dma_wait3A_144 = arith.constant 0 : i32
          %dma_wait3A_145 = tpu.memref_slice %arg7[%run_scoped3A_118, %dma_wait3A_144] : memref<2x128xi32, #tpu.memory_space<vmem>> -> memref<1x128xi32, #tpu.memory_space<vmem>>
          %dma_wait3A_146 = tpu.memref_squeeze %dma_wait3A_145 : memref<1x128xi32, #tpu.memory_space<vmem>> -> memref<128xi32, #tpu.memory_space<vmem>>
          %dma_wait3A_147 = tpu.memref_slice %arg3[%mul3A_117] : memref<262144xi32, #tpu.memory_space<hbm>> -> memref<128xi32, #tpu.memory_space<hbm>>
          tpu.wait_dma2 semaphore(%run_scoped3A_131 : memref<!tpu.dma_semaphore, #tpu.memory_space<semaphore_mem>>) src(%dma_wait3A_147 : memref<128xi32, #tpu.memory_space<hbm>>) dst(%dma_wait3A_146 : memref<128xi32, #tpu.memory_space<vmem>>)
          tpu.yield
        }) : () -> ()
        %dma_start3A_119 = arith.constant 0 : i32
        %dma_start3A_120 = arith.constant 0 : i32
        %dma_start3A_121 = arith.constant 0 : i32
        %dma_start3A_122 = arith.constant 0 : i32
        %dma_start3A_123 = tpu.memref_slice %arg8[%dma_start3A_120, %dma_start3A_121, %dma_start3A_122] : memref<2x128x128xf32, #tpu.memory_space<vmem>> -> memref<1x128x128xf32, #tpu.memory_space<vmem>>
        %dma_start3A_124 = tpu.memref_squeeze %dma_start3A_123 : memref<1x128x128xf32, #tpu.memory_space<vmem>> -> memref<128x128xf32, #tpu.memory_space<vmem>>
        %dma_start3A_125 = arith.constant 0 : i32
        %dma_start3A_126 = tpu.memref_slice %arg7[%dma_start3A_119, %dma_start3A_125] : memref<2x128xi32, #tpu.memory_space<vmem>> -> memref<1x128xi32, #tpu.memory_space<vmem>>
        %dma_start3A_127 = tpu.memref_squeeze %dma_start3A_126 : memref<1x128xi32, #tpu.memory_space<vmem>> -> memref<128xi32, #tpu.memory_space<vmem>>
        %dma_start3A_128 = arith.constant 0 : i32
        %dma_start3A_129 = arith.constant 0 : i32
        %dma_start3A_130 = tpu.memref_slice %arg2[%dma_start3A_128, %dma_start3A_129] : memref<16384x128xf32, #tpu.memory_space<hbm>> -> memref<16384x128xf32, #tpu.memory_space<hbm>>
        tpu.enqueue_indirect_dma source(%dma_start3A_130 : memref<16384x128xf32, #tpu.memory_space<hbm>>) target(%dma_start3A_124 : memref<128x128xf32, #tpu.memory_space<vmem>>) offsets(%dma_start3A_127 : memref<128xi32, #tpu.memory_space<vmem>>) semaphore(%arg12 : memref<!tpu.dma_semaphore, #tpu.memory_space<semaphore_mem>>)
      } else {
      }
      %dma_wait3A_76 = arith.constant 1 : i32
      %dma_wait3A_77 = arith.constant 1 : i32
      %dma_wait3A_78 = arith.constant 0 : i32
      %dma_wait3A_79 = arith.constant 0 : i32
      %dma_wait3A_80 = tpu.memref_slice %arg8[%dma_wait3A_77, %dma_wait3A_78, %dma_wait3A_79] : memref<2x128x128xf32, #tpu.memory_space<vmem>> -> memref<1x128x128xf32, #tpu.memory_space<vmem>>
      %dma_wait3A_81 = tpu.memref_squeeze %dma_wait3A_80 : memref<1x128x128xf32, #tpu.memory_space<vmem>> -> memref<128x128xf32, #tpu.memory_space<vmem>>
      %dma_wait3A_82 = arith.constant 0 : i32
      %dma_wait3A_83 = tpu.memref_slice %arg7[%dma_wait3A_76, %dma_wait3A_82] : memref<2x128xi32, #tpu.memory_space<vmem>> -> memref<1x128xi32, #tpu.memory_space<vmem>>
      %dma_wait3A_84 = tpu.memref_squeeze %dma_wait3A_83 : memref<1x128xi32, #tpu.memory_space<vmem>> -> memref<128xi32, #tpu.memory_space<vmem>>
      %dma_wait3A_85 = arith.constant 0 : i32
      %dma_wait3A_86 = arith.constant 0 : i32
      %dma_wait3A_87 = tpu.memref_slice %arg2[%dma_wait3A_85, %dma_wait3A_86] : memref<16384x128xf32, #tpu.memory_space<hbm>> -> memref<16384x128xf32, #tpu.memory_space<hbm>>
      tpu.wait_indirect_dma semaphore(%arg13 : memref<!tpu.dma_semaphore, #tpu.memory_space<semaphore_mem>>) src(%dma_wait3A_87 : memref<16384x128xf32, #tpu.memory_space<hbm>>) dst(%dma_wait3A_81 : memref<128x128xf32, #tpu.memory_space<vmem>>)
      %mul3A_88 = arith.constant 512 : i32
      %mul3A_89 = arith.muli %add3A, %mul3A_88 : i32
      %mul3A_90 = arith.constant 8 : i32
      %mul3A_91 = arith.muli %add3A_68, %mul3A_90 : i32
      %add3A_92 = arith.addi %mul3A_89, %mul3A_91 : i32
      "tpu.region"() ({
        %run_scoped3A_109 = tpu.sem_alloc : memref<!tpu.dma_semaphore, #tpu.memory_space<semaphore_mem>>
        %dma_start3A_110 = arith.constant 0 : i32
        %dma_start3A_111 = tpu.memref_slice %arg4[%add3A_92, %dma_start3A_110] : memref<16384x16xf32, #tpu.memory_space<hbm>> -> memref<8x16xf32, #tpu.memory_space<hbm>>
        %dma_start3A_112 = arith.constant 0 : i32
        %dma_start3A_113 = tpu.memref_slice %arg4[%add3A_92, %dma_start3A_112] : memref<16384x16xf32, #tpu.memory_space<hbm>> -> memref<8x16xf32, #tpu.memory_space<hbm>>
        tpu.enqueue_dma source(%dma_start3A_113 : memref<8x16xf32, #tpu.memory_space<hbm>>) target(%arg9 : memref<8x16xf32, #tpu.memory_space<vmem>>) target_semaphore(%run_scoped3A_109 : memref<!tpu.dma_semaphore, #tpu.memory_space<semaphore_mem>>)
        %dma_wait3A_114 = arith.constant 0 : i32
        %dma_wait3A_115 = tpu.memref_slice %arg4[%add3A_92, %dma_wait3A_114] : memref<16384x16xf32, #tpu.memory_space<hbm>> -> memref<8x16xf32, #tpu.memory_space<hbm>>
        %dma_wait3A_116 = arith.constant 0 : i32
        %dma_wait3A_117 = tpu.memref_slice %arg4[%add3A_92, %dma_wait3A_116] : memref<16384x16xf32, #tpu.memory_space<hbm>> -> memref<8x16xf32, #tpu.memory_space<hbm>>
        tpu.wait_dma2 semaphore(%run_scoped3A_109 : memref<!tpu.dma_semaphore, #tpu.memory_space<semaphore_mem>>) src(%dma_wait3A_117 : memref<8x16xf32, #tpu.memory_space<hbm>>) dst(%arg9 : memref<8x16xf32, #tpu.memory_space<vmem>>)
        tpu.yield
      }) : () -> ()
      %scan3A_93 = arith.constant 0 : i32
      %scan3A_94 = arith.constant 0 : i32
      %scan3A_95 = arith.constant 8 : i32
      %scan3A_96 = arith.addi %scan3A_94, %scan3A_95 : i32
      %scan3A_97 = arith.constant 1 : i32
      %scan3A_98 = scf.for %scan3A_109 = %scan3A_94 to %scan3A_96 step %scan3A_97 iter_args(%scan3A_110 = %scan3A_93) -> (i32)  : i32 {
        %get3A = arith.index_cast %scan3A_109 : i32 to index
        %get3A_111 = arith.constant 0 : index
        %get3A_112 = tpu.vector_load %arg9[%get3A, %get3A_111] {strides = array<i32>} : memref<8x16xf32, #tpu.memory_space<vmem>>, vector<1x16xf32>,
        %get3A_113 = vector.shape_cast %get3A_112 : vector<1x16xf32> to vector<16xf32>
        %mul3A_114 = arith.constant 16 : i32
        %mul3A_115 = arith.muli %scan3A_109, %mul3A_114 : i32
        %add3A_116 = arith.constant 0 : i32
        %add3A_117 = arith.addi %mul3A_115, %add3A_116 : i32
        %mul3A_118 = arith.constant 67 : i32
        %mul3A_119 = arith.muli %add3A_117, %mul3A_118 : i32
        %get3A_120 = arith.constant 1 : i32
        %get3A_121 = arith.index_cast %get3A_120 : i32 to index
        %get3A_122 = arith.index_cast %add3A_117 : i32 to index
        %get3A_123 = arith.constant 0 : index
        %get3A_124 = tpu.vector_load %arg8[%get3A_121, %get3A_122, %get3A_123] {strides = array<i32>} : memref<2x128x128xf32, #tpu.memory_space<vmem>>, vector<1x1x16xf32>,
        %get3A_125 = vector.shape_cast %get3A_124 : vector<1x1x16xf32> to vector<16xf32>
        %sub3A = arith.subf %get3A_125, %get3A_113 : vector<16xf32>
        %swap3A = arith.index_cast %mul3A_119 : i32 to index
        %swap3A_126 = tpu.vector_load %arg10[%swap3A] {strides = array<i32>} : memref<8592xf32, #tpu.memory_space<vmem>>, vector<16xf32>,
        %swap3A_127 = vector.shape_cast %swap3A_126 : vector<16xf32> to vector<16xf32>
        %swap3A_128 = vector.shape_cast %sub3A : vector<16xf32> to vector<16xf32>
        tpu.vector_store %arg10[%swap3A], %swap3A_128 {strides = array<i32>} : memref<8592xf32, #tpu.memory_space<vmem>>, vector<16xf32>,
        %get3A_129 = arith.constant 1 : i32
        %get3A_130 = arith.index_cast %get3A_129 : i32 to index
        %get3A_131 = arith.index_cast %add3A_117 : i32 to index
        %get3A_132 = arith.constant 16 : index
        %get3A_133 = tpu.vector_load %arg8[%get3A_130, %get3A_131, %get3A_132] {strides = array<i32>} : memref<2x128x128xf32, #tpu.memory_space<vmem>>, vector<1x1x16xf32>,
        %get3A_134 = vector.shape_cast %get3A_133 : vector<1x1x16xf32> to vector<16xf32>
        %add3A_135 = arith.constant 16 : i32
        %add3A_136 = arith.addi %mul3A_119, %add3A_135 : i32
        %swap3A_137 = arith.index_cast %add3A_136 : i32 to index
        %swap3A_138 = tpu.vector_load %arg10[%swap3A_137] {strides = array<i32>} : memref<8592xf32, #tpu.memory_space<vmem>>, vector<16xf32>,
        %swap3A_139 = vector.shape_cast %swap3A_138 : vector<16xf32> to vector<16xf32>
        %swap3A_140 = vector.shape_cast %get3A_134 : vector<16xf32> to vector<16xf32>
        tpu.vector_store %arg10[%swap3A_137], %swap3A_140 {strides = array<i32>} : memref<8592xf32, #tpu.memory_space<vmem>>, vector<16xf32>,
        %get3A_141 = arith.constant 1 : i32
        %get3A_142 = arith.index_cast %get3A_141 : i32 to index
        %get3A_143 = arith.index_cast %add3A_117 : i32 to index
        %get3A_144 = arith.constant 32 : index
        %get3A_145 = tpu.vector_load %arg8[%get3A_142, %get3A_143, %get3A_144] {strides = array<i32>} : memref<2x128x128xf32, #tpu.memory_space<vmem>>, vector<1x1x16xf32>,
        %get3A_146 = vector.shape_cast %get3A_145 : vector<1x1x16xf32> to vector<16xf32>
        %add3A_147 = arith.constant 32 : i32
        %add3A_148 = arith.addi %mul3A_119, %add3A_147 : i32
        %swap3A_149 = arith.index_cast %add3A_148 : i32 to index
        %swap3A_150 = tpu.vector_load %arg10[%swap3A_149] {strides = array<i32>} : memref<8592xf32, #tpu.memory_space<vmem>>, vector<16xf32>,
        %swap3A_151 = vector.shape_cast %swap3A_150 : vector<16xf32> to vector<16xf32>
        %swap3A_152 = vector.shape_cast %get3A_146 : vector<16xf32> to vector<16xf32>
        tpu.vector_store %arg10[%swap3A_149], %swap3A_152 {strides = array<i32>} : memref<8592xf32, #tpu.memory_space<vmem>>, vector<16xf32>,
        %get3A_153 = arith.constant 1 : i32
        %get3A_154 = arith.index_cast %get3A_153 : i32 to index
        %get3A_155 = arith.index_cast %add3A_117 : i32 to index
        %get3A_156 = arith.constant 48 : index
        %get3A_157 = tpu.vector_load %arg8[%get3A_154, %get3A_155, %get3A_156] {strides = array<i32>} : memref<2x128x128xf32, #tpu.memory_space<vmem>>, vector<1x1x16xf32>,
        %get3A_158 = vector.shape_cast %get3A_157 : vector<1x1x16xf32> to vector<16xf32>
        %add3A_159 = arith.constant 48 : i32
        %add3A_160 = arith.addi %mul3A_119, %add3A_159 : i32
        %swap3A_161 = arith.index_cast %add3A_160 : i32 to index
        %swap3A_162 = tpu.vector_load %arg10[%swap3A_161] {strides = array<i32>} : memref<8592xf32, #tpu.memory_space<vmem>>, vector<16xf32>,
        %swap3A_163 = vector.shape_cast %swap3A_162 : vector<16xf32> to vector<16xf32>
        %swap3A_164 = vector.shape_cast %get3A_158 : vector<16xf32> to vector<16xf32>
        tpu.vector_store %arg10[%swap3A_161], %swap3A_164 {strides = array<i32>} : memref<8592xf32, #tpu.memory_space<vmem>>, vector<16xf32>,
        %get3A_165 = arith.constant 1 : i32
        %get3A_166 = arith.index_cast %get3A_165 : i32 to index
        %get3A_167 = arith.index_cast %add3A_117 : i32 to index
        %get3A_168 = arith.constant 64 : index
        %get3A_169 = tpu.vector_load %arg8[%get3A_166, %get3A_167, %get3A_168] {strides = array<i32>} : memref<2x128x128xf32, #tpu.memory_space<vmem>>, vector<1x1x16xf32>,
        %get3A_170 = vector.shape_cast %get3A_169 : vector<1x1x16xf32> to vector<16xf32>
        %add3A_171 = arith.constant 64 : i32
        %add3A_172 = arith.addi %mul3A_119, %add3A_171 : i32
        %swap3A_173 = arith.index_cast %add3A_172 : i32 to index
        %swap3A_174 = tpu.vector_load %arg10[%swap3A_173] {strides = array<i32>} : memref<8592xf32, #tpu.memory_space<vmem>>, vector<16xf32>,
        %swap3A_175 = vector.shape_cast %swap3A_174 : vector<16xf32> to vector<16xf32>
        %swap3A_176 = vector.shape_cast %get3A_170 : vector<16xf32> to vector<16xf32>
        tpu.vector_store %arg10[%swap3A_173], %swap3A_176 {strides = array<i32>} : memref<8592xf32, #tpu.memory_space<vmem>>, vector<16xf32>,
        %mul3A_177 = arith.constant 3 : i32
        %mul3A_178 = arith.muli %add3A_117, %mul3A_177 : i32
        %swap3A_179 = arith.index_cast %mul3A_178 : i32 to index
        %swap3A_180 = tpu.vector_load %arg11[%swap3A_179] {strides = array<i32>} : memref<400xf32, #tpu.memory_space<vmem>>, vector<16xf32>,
        %swap3A_181 = vector.shape_cast %swap3A_180 : vector<16xf32> to vector<16xf32>
        %swap3A_182 = vector.shape_cast %sub3A : vector<16xf32> to vector<16xf32>
        tpu.vector_store %arg11[%swap3A_179], %swap3A_182 {strides = array<i32>} : memref<400xf32, #tpu.memory_space<vmem>>, vector<16xf32>,
        %mul3A_183 = arith.constant 16 : i32
        %mul3A_184 = arith.muli %scan3A_109, %mul3A_183 : i32
        %add3A_185 = arith.constant 1 : i32
        %add3A_186 = arith.addi %mul3A_184, %add3A_185 : i32
        %mul3A_187 = arith.constant 67 : i32
        %mul3A_188 = arith.muli %add3A_186, %mul3A_187 : i32
        %get3A_189 = arith.constant 1 : i32
        %get3A_190 = arith.index_cast %get3A_189 : i32 to index
        %get3A_191 = arith.index_cast %add3A_186 : i32 to index
        %get3A_192 = arith.constant 0 : index
        %get3A_193 = tpu.vector_load %arg8[%get3A_190, %get3A_191, %get3A_192] {strides = array<i32>} : memref<2x128x128xf32, #tpu.memory_space<vmem>>, vector<1x1x16xf32>,
        %get3A_194 = vector.shape_cast %get3A_193 : vector<1x1x16xf32> to vector<16xf32>
        %sub3A_195 = arith.subf %get3A_194, %get3A_113 : vector<16xf32>
        %swap3A_196 = arith.index_cast %mul3A_188 : i32 to index
        %swap3A_197 = tpu.vector_load %arg10[%swap3A_196] {strides = array<i32>} : memref<8592xf32, #tpu.memory_space<vmem>>, vector<16xf32>,
        %swap3A_198 = vector.shape_cast %swap3A_197 : vector<16xf32> to vector<16xf32>
        %swap3A_199 = vector.shape_cast %sub3A_195 : vector<16xf32> to vector<16xf32>
        tpu.vector_store %arg10[%swap3A_196], %swap3A_199 {strides = array<i32>} : memref<8592xf32, #tpu.memory_space<vmem>>, vector<16xf32>,
        %get3A_200 = arith.constant 1 : i32
        %get3A_201 = arith.index_cast %get3A_200 : i32 to index
        %get3A_202 = arith.index_cast %add3A_186 : i32 to index
        %get3A_203 = arith.constant 16 : index
        %get3A_204 = tpu.vector_load %arg8[%get3A_201, %get3A_202, %get3A_203] {strides = array<i32>} : memref<2x128x128xf32, #tpu.memory_space<vmem>>, vector<1x1x16xf32>,
        %get3A_205 = vector.shape_cast %get3A_204 : vector<1x1x16xf32> to vector<16xf32>
        %add3A_206 = arith.constant 16 : i32
        %add3A_207 = arith.addi %mul3A_188, %add3A_206 : i32
        %swap3A_208 = arith.index_cast %add3A_207 : i32 to index
        %swap3A_209 = tpu.vector_load %arg10[%swap3A_208] {strides = array<i32>} : memref<8592xf32, #tpu.memory_space<vmem>>, vector<16xf32>,
        %swap3A_210 = vector.shape_cast %swap3A_209 : vector<16xf32> to vector<16xf32>
        %swap3A_211 = vector.shape_cast %get3A_205 : vector<16xf32> to vector<16xf32>
        tpu.vector_store %arg10[%swap3A_208], %swap3A_211 {strides = array<i32>} : memref<8592xf32, #tpu.memory_space<vmem>>, vector<16xf32>,
        %get3A_212 = arith.constant 1 : i32
        %get3A_213 = arith.index_cast %get3A_212 : i32 to index
        %get3A_214 = arith.index_cast %add3A_186 : i32 to index
        %get3A_215 = arith.constant 32 : index
        %get3A_216 = tpu.vector_load %arg8[%get3A_213, %get3A_214, %get3A_215] {strides = array<i32>} : memref<2x128x128xf32, #tpu.memory_space<vmem>>, vector<1x1x16xf32>,
        %get3A_217 = vector.shape_cast %get3A_216 : vector<1x1x16xf32> to vector<16xf32>
        %add3A_218 = arith.constant 32 : i32
        %add3A_219 = arith.addi %mul3A_188, %add3A_218 : i32
        %swap3A_220 = arith.index_cast %add3A_219 : i32 to index
        %swap3A_221 = tpu.vector_load %arg10[%swap3A_220] {strides = array<i32>} : memref<8592xf32, #tpu.memory_space<vmem>>, vector<16xf32>,
        %swap3A_222 = vector.shape_cast %swap3A_221 : vector<16xf32> to vector<16xf32>
        %swap3A_223 = vector.shape_cast %get3A_217 : vector<16xf32> to vector<16xf32>
        tpu.vector_store %arg10[%swap3A_220], %swap3A_223 {strides = array<i32>} : memref<8592xf32, #tpu.memory_space<vmem>>, vector<16xf32>,
        %get3A_224 = arith.constant 1 : i32
        %get3A_225 = arith.index_cast %get3A_224 : i32 to index
        %get3A_226 = arith.index_cast %add3A_186 : i32 to index
        %get3A_227 = arith.constant 48 : index
        %get3A_228 = tpu.vector_load %arg8[%get3A_225, %get3A_226, %get3A_227] {strides = array<i32>} : memref<2x128x128xf32, #tpu.memory_space<vmem>>, vector<1x1x16xf32>,
        %get3A_229 = vector.shape_cast %get3A_228 : vector<1x1x16xf32> to vector<16xf32>
        %add3A_230 = arith.constant 48 : i32
        %add3A_231 = arith.addi %mul3A_188, %add3A_230 : i32
        %swap3A_232 = arith.index_cast %add3A_231 : i32 to index
        %swap3A_233 = tpu.vector_load %arg10[%swap3A_232] {strides = array<i32>} : memref<8592xf32, #tpu.memory_space<vmem>>, vector<16xf32>,
        %swap3A_234 = vector.shape_cast %swap3A_233 : vector<16xf32> to vector<16xf32>
        %swap3A_235 = vector.shape_cast %get3A_229 : vector<16xf32> to vector<16xf32>
        tpu.vector_store %arg10[%swap3A_232], %swap3A_235 {strides = array<i32>} : memref<8592xf32, #tpu.memory_space<vmem>>, vector<16xf32>,
        %get3A_236 = arith.constant 1 : i32
        %get3A_237 = arith.index_cast %get3A_236 : i32 to index
        %get3A_238 = arith.index_cast %add3A_186 : i32 to index
        %get3A_239 = arith.constant 64 : index
        %get3A_240 = tpu.vector_load %arg8[%get3A_237, %get3A_238, %get3A_239] {strides = array<i32>} : memref<2x128x128xf32, #tpu.memory_space<vmem>>, vector<1x1x16xf32>,
        %get3A_241 = vector.shape_cast %get3A_240 : vector<1x1x16xf32> to vector<16xf32>
        %add3A_242 = arith.constant 64 : i32
        %add3A_243 = arith.addi %mul3A_188, %add3A_242 : i32
        %swap3A_244 = arith.index_cast %add3A_243 : i32 to index
        %swap3A_245 = tpu.vector_load %arg10[%swap3A_244] {strides = array<i32>} : memref<8592xf32, #tpu.memory_space<vmem>>, vector<16xf32>,
        %swap3A_246 = vector.shape_cast %swap3A_245 : vector<16xf32> to vector<16xf32>
        %swap3A_247 = vector.shape_cast %get3A_241 : vector<16xf32> to vector<16xf32>
        tpu.vector_store %arg10[%swap3A_244], %swap3A_247 {strides = array<i32>} : memref<8592xf32, #tpu.memory_space<vmem>>, vector<16xf32>,
        %mul3A_248 = arith.constant 3 : i32
        %mul3A_249 = arith.muli %add3A_186, %mul3A_248 : i32
        %swap3A_250 = arith.index_cast %mul3A_249 : i32 to index
        %swap3A_251 = tpu.vector_load %arg11[%swap3A_250] {strides = array<i32>} : memref<400xf32, #tpu.memory_space<vmem>>, vector<16xf32>,
        %swap3A_252 = vector.shape_cast %swap3A_251 : vector<16xf32> to vector<16xf32>
        %swap3A_253 = vector.shape_cast %sub3A_195 : vector<16xf32> to vector<16xf32>
        tpu.vector_store %arg11[%swap3A_250], %swap3A_253 {strides = array<i32>} : memref<400xf32, #tpu.memory_space<vmem>>, vector<16xf32>,
        %mul3A_254 = arith.constant 16 : i32
        %mul3A_255 = arith.muli %scan3A_109, %mul3A_254 : i32
        %add3A_256 = arith.constant 2 : i32
        %add3A_257 = arith.addi %mul3A_255, %add3A_256 : i32
        %mul3A_258 = arith.constant 67 : i32
        %mul3A_259 = arith.muli %add3A_257, %mul3A_258 : i32
        %get3A_260 = arith.constant 1 : i32
        %get3A_261 = arith.index_cast %get3A_260 : i32 to index
        %get3A_262 = arith.index_cast %add3A_257 : i32 to index
        %get3A_263 = arith.constant 0 : index
        %get3A_264 = tpu.vector_load %arg8[%get3A_261, %get3A_262, %get3A_263] {strides = array<i32>} : memref<2x128x128xf32, #tpu.memory_space<vmem>>, vector<1x1x16xf32>,
        %get3A_265 = vector.shape_cast %get3A_264 : vector<1x1x16xf32> to vector<16xf32>
        %sub3A_266 = arith.subf %get3A_265, %get3A_113 : vector<16xf32>
        %swap3A_267 = arith.index_cast %mul3A_259 : i32 to index
        %swap3A_268 = tpu.vector_load %arg10[%swap3A_267] {strides = array<i32>} : memref<8592xf32, #tpu.memory_space<vmem>>, vector<16xf32>,
        %swap3A_269 = vector.shape_cast %swap3A_268 : vector<16xf32> to vector<16xf32>
        %swap3A_270 = vector.shape_cast %sub3A_266 : vector<16xf32> to vector<16xf32>
        tpu.vector_store %arg10[%swap3A_267], %swap3A_270 {strides = array<i32>} : memref<8592xf32, #tpu.memory_space<vmem>>, vector<16xf32>,
        %get3A_271 = arith.constant 1 : i32
        %get3A_272 = arith.index_cast %get3A_271 : i32 to index
        %get3A_273 = arith.index_cast %add3A_257 : i32 to index
        %get3A_274 = arith.constant 16 : index
        %get3A_275 = tpu.vector_load %arg8[%get3A_272, %get3A_273, %get3A_274] {strides = array<i32>} : memref<2x128x128xf32, #tpu.memory_space<vmem>>, vector<1x1x16xf32>,
        %get3A_276 = vector.shape_cast %get3A_275 : vector<1x1x16xf32> to vector<16xf32>
        %add3A_277 = arith.constant 16 : i32
        %add3A_278 = arith.addi %mul3A_259, %add3A_277 : i32
        %swap3A_279 = arith.index_cast %add3A_278 : i32 to index
        %swap3A_280 = tpu.vector_load %arg10[%swap3A_279] {strides = array<i32>} : memref<8592xf32, #tpu.memory_space<vmem>>, vector<16xf32>,
        %swap3A_281 = vector.shape_cast %swap3A_280 : vector<16xf32> to vector<16xf32>
        %swap3A_282 = vector.shape_cast %get3A_276 : vector<16xf32> to vector<16xf32>
        tpu.vector_store %arg10[%swap3A_279], %swap3A_282 {strides = array<i32>} : memref<8592xf32, #tpu.memory_space<vmem>>, vector<16xf32>,
        %get3A_283 = arith.constant 1 : i32
        %get3A_284 = arith.index_cast %get3A_283 : i32 to index
        %get3A_285 = arith.index_cast %add3A_257 : i32 to index
        %get3A_286 = arith.constant 32 : index
        %get3A_287 = tpu.vector_load %arg8[%get3A_284, %get3A_285, %get3A_286] {strides = array<i32>} : memref<2x128x128xf32, #tpu.memory_space<vmem>>, vector<1x1x16xf32>,
        %get3A_288 = vector.shape_cast %get3A_287 : vector<1x1x16xf32> to vector<16xf32>
        %add3A_289 = arith.constant 32 : i32
        %add3A_290 = arith.addi %mul3A_259, %add3A_289 : i32
        %swap3A_291 = arith.index_cast %add3A_290 : i32 to index
        %swap3A_292 = tpu.vector_load %arg10[%swap3A_291] {strides = array<i32>} : memref<8592xf32, #tpu.memory_space<vmem>>, vector<16xf32>,
        %swap3A_293 = vector.shape_cast %swap3A_292 : vector<16xf32> to vector<16xf32>
        %swap3A_294 = vector.shape_cast %get3A_288 : vector<16xf32> to vector<16xf32>
        tpu.vector_store %arg10[%swap3A_291], %swap3A_294 {strides = array<i32>} : memref<8592xf32, #tpu.memory_space<vmem>>, vector<16xf32>,
        %get3A_295 = arith.constant 1 : i32
        %get3A_296 = arith.index_cast %get3A_295 : i32 to index
        %get3A_297 = arith.index_cast %add3A_257 : i32 to index
        %get3A_298 = arith.constant 48 : index
        %get3A_299 = tpu.vector_load %arg8[%get3A_296, %get3A_297, %get3A_298] {strides = array<i32>} : memref<2x128x128xf32, #tpu.memory_space<vmem>>, vector<1x1x16xf32>,
        %get3A_300 = vector.shape_cast %get3A_299 : vector<1x1x16xf32> to vector<16xf32>
        %add3A_301 = arith.constant 48 : i32
        %add3A_302 = arith.addi %mul3A_259, %add3A_301 : i32
        %swap3A_303 = arith.index_cast %add3A_302 : i32 to index
        %swap3A_304 = tpu.vector_load %arg10[%swap3A_303] {strides = array<i32>} : memref<8592xf32, #tpu.memory_space<vmem>>, vector<16xf32>,
        %swap3A_305 = vector.shape_cast %swap3A_304 : vector<16xf32> to vector<16xf32>
        %swap3A_306 = vector.shape_cast %get3A_300 : vector<16xf32> to vector<16xf32>
        tpu.vector_store %arg10[%swap3A_303], %swap3A_306 {strides = array<i32>} : memref<8592xf32, #tpu.memory_space<vmem>>, vector<16xf32>,
        %get3A_307 = arith.constant 1 : i32
        %get3A_308 = arith.index_cast %get3A_307 : i32 to index
        %get3A_309 = arith.index_cast %add3A_257 : i32 to index
        %get3A_310 = arith.constant 64 : index
        %get3A_311 = tpu.vector_load %arg8[%get3A_308, %get3A_309, %get3A_310] {strides = array<i32>} : memref<2x128x128xf32, #tpu.memory_space<vmem>>, vector<1x1x16xf32>,
        %get3A_312 = vector.shape_cast %get3A_311 : vector<1x1x16xf32> to vector<16xf32>
        %add3A_313 = arith.constant 64 : i32
        %add3A_314 = arith.addi %mul3A_259, %add3A_313 : i32
        %swap3A_315 = arith.index_cast %add3A_314 : i32 to index
        %swap3A_316 = tpu.vector_load %arg10[%swap3A_315] {strides = array<i32>} : memref<8592xf32, #tpu.memory_space<vmem>>, vector<16xf32>,
        %swap3A_317 = vector.shape_cast %swap3A_316 : vector<16xf32> to vector<16xf32>
        %swap3A_318 = vector.shape_cast %get3A_312 : vector<16xf32> to vector<16xf32>
        tpu.vector_store %arg10[%swap3A_315], %swap3A_318 {strides = array<i32>} : memref<8592xf32, #tpu.memory_space<vmem>>, vector<16xf32>,
        %mul3A_319 = arith.constant 3 : i32
        %mul3A_320 = arith.muli %add3A_257, %mul3A_319 : i32
        %swap3A_321 = arith.index_cast %mul3A_320 : i32 to index
        %swap3A_322 = tpu.vector_load %arg11[%swap3A_321] {strides = array<i32>} : memref<400xf32, #tpu.memory_space<vmem>>, vector<16xf32>,
        %swap3A_323 = vector.shape_cast %swap3A_322 : vector<16xf32> to vector<16xf32>
        %swap3A_324 = vector.shape_cast %sub3A_266 : vector<16xf32> to vector<16xf32>
        tpu.vector_store %arg11[%swap3A_321], %swap3A_324 {strides = array<i32>} : memref<400xf32, #tpu.memory_space<vmem>>, vector<16xf32>,
        %mul3A_325 = arith.constant 16 : i32
        %mul3A_326 = arith.muli %scan3A_109, %mul3A_325 : i32
        %add3A_327 = arith.constant 3 : i32
        %add3A_328 = arith.addi %mul3A_326, %add3A_327 : i32
        %mul3A_329 = arith.constant 67 : i32
        %mul3A_330 = arith.muli %add3A_328, %mul3A_329 : i32
        %get3A_331 = arith.constant 1 : i32
        %get3A_332 = arith.index_cast %get3A_331 : i32 to index
        %get3A_333 = arith.index_cast %add3A_328 : i32 to index
        %get3A_334 = arith.constant 0 : index
        %get3A_335 = tpu.vector_load %arg8[%get3A_332, %get3A_333, %get3A_334] {strides = array<i32>} : memref<2x128x128xf32, #tpu.memory_space<vmem>>, vector<1x1x16xf32>,
        %get3A_336 = vector.shape_cast %get3A_335 : vector<1x1x16xf32> to vector<16xf32>
        %sub3A_337 = arith.subf %get3A_336, %get3A_113 : vector<16xf32>
        %swap3A_338 = arith.index_cast %mul3A_330 : i32 to index
        %swap3A_339 = tpu.vector_load %arg10[%swap3A_338] {strides = array<i32>} : memref<8592xf32, #tpu.memory_space<vmem>>, vector<16xf32>,
        %swap3A_340 = vector.shape_cast %swap3A_339 : vector<16xf32> to vector<16xf32>
        %swap3A_341 = vector.shape_cast %sub3A_337 : vector<16xf32> to vector<16xf32>
        tpu.vector_store %arg10[%swap3A_338], %swap3A_341 {strides = array<i32>} : memref<8592xf32, #tpu.memory_space<vmem>>, vector<16xf32>,
        %get3A_342 = arith.constant 1 : i32
        %get3A_343 = arith.index_cast %get3A_342 : i32 to index
        %get3A_344 = arith.index_cast %add3A_328 : i32 to index
        %get3A_345 = arith.constant 16 : index
        %get3A_346 = tpu.vector_load %arg8[%get3A_343, %get3A_344, %get3A_345] {strides = array<i32>} : memref<2x128x128xf32, #tpu.memory_space<vmem>>, vector<1x1x16xf32>,
        %get3A_347 = vector.shape_cast %get3A_346 : vector<1x1x16xf32> to vector<16xf32>
        %add3A_348 = arith.constant 16 : i32
        %add3A_349 = arith.addi %mul3A_330, %add3A_348 : i32
        %swap3A_350 = arith.index_cast %add3A_349 : i32 to index
        %swap3A_351 = tpu.vector_load %arg10[%swap3A_350] {strides = array<i32>} : memref<8592xf32, #tpu.memory_space<vmem>>, vector<16xf32>,
        %swap3A_352 = vector.shape_cast %swap3A_351 : vector<16xf32> to vector<16xf32>
        %swap3A_353 = vector.shape_cast %get3A_347 : vector<16xf32> to vector<16xf32>
        tpu.vector_store %arg10[%swap3A_350], %swap3A_353 {strides = array<i32>} : memref<8592xf32, #tpu.memory_space<vmem>>, vector<16xf32>,
        %get3A_354 = arith.constant 1 : i32
        %get3A_355 = arith.index_cast %get3A_354 : i32 to index
        %get3A_356 = arith.index_cast %add3A_328 : i32 to index
        %get3A_357 = arith.constant 32 : index
        %get3A_358 = tpu.vector_load %arg8[%get3A_355, %get3A_356, %get3A_357] {strides = array<i32>} : memref<2x128x128xf32, #tpu.memory_space<vmem>>, vector<1x1x16xf32>,
        %get3A_359 = vector.shape_cast %get3A_358 : vector<1x1x16xf32> to vector<16xf32>
        %add3A_360 = arith.constant 32 : i32
        %add3A_361 = arith.addi %mul3A_330, %add3A_360 : i32
        %swap3A_362 = arith.index_cast %add3A_361 : i32 to index
        %swap3A_363 = tpu.vector_load %arg10[%swap3A_362] {strides = array<i32>} : memref<8592xf32, #tpu.memory_space<vmem>>, vector<16xf32>,
        %swap3A_364 = vector.shape_cast %swap3A_363 : vector<16xf32> to vector<16xf32>
        %swap3A_365 = vector.shape_cast %get3A_359 : vector<16xf32> to vector<16xf32>
        tpu.vector_store %arg10[%swap3A_362], %swap3A_365 {strides = array<i32>} : memref<8592xf32, #tpu.memory_space<vmem>>, vector<16xf32>,
        %get3A_366 = arith.constant 1 : i32
        %get3A_367 = arith.index_cast %get3A_366 : i32 to index
        %get3A_368 = arith.index_cast %add3A_328 : i32 to index
        %get3A_369 = arith.constant 48 : index
        %get3A_370 = tpu.vector_load %arg8[%get3A_367, %get3A_368, %get3A_369] {strides = array<i32>} : memref<2x128x128xf32, #tpu.memory_space<vmem>>, vector<1x1x16xf32>,
        %get3A_371 = vector.shape_cast %get3A_370 : vector<1x1x16xf32> to vector<16xf32>
        %add3A_372 = arith.constant 48 : i32
        %add3A_373 = arith.addi %mul3A_330, %add3A_372 : i32
        %swap3A_374 = arith.index_cast %add3A_373 : i32 to index
        %swap3A_375 = tpu.vector_load %arg10[%swap3A_374] {strides = array<i32>} : memref<8592xf32, #tpu.memory_space<vmem>>, vector<16xf32>,
        %swap3A_376 = vector.shape_cast %swap3A_375 : vector<16xf32> to vector<16xf32>
        %swap3A_377 = vector.shape_cast %get3A_371 : vector<16xf32> to vector<16xf32>
        tpu.vector_store %arg10[%swap3A_374], %swap3A_377 {strides = array<i32>} : memref<8592xf32, #tpu.memory_space<vmem>>, vector<16xf32>,
        %get3A_378 = arith.constant 1 : i32
        %get3A_379 = arith.index_cast %get3A_378 : i32 to index
        %get3A_380 = arith.index_cast %add3A_328 : i32 to index
        %get3A_381 = arith.constant 64 : index
        %get3A_382 = tpu.vector_load %arg8[%get3A_379, %get3A_380, %get3A_381] {strides = array<i32>} : memref<2x128x128xf32, #tpu.memory_space<vmem>>, vector<1x1x16xf32>,
        %get3A_383 = vector.shape_cast %get3A_382 : vector<1x1x16xf32> to vector<16xf32>
        %add3A_384 = arith.constant 64 : i32
        %add3A_385 = arith.addi %mul3A_330, %add3A_384 : i32
        %swap3A_386 = arith.index_cast %add3A_385 : i32 to index
        %swap3A_387 = tpu.vector_load %arg10[%swap3A_386] {strides = array<i32>} : memref<8592xf32, #tpu.memory_space<vmem>>, vector<16xf32>,
        %swap3A_388 = vector.shape_cast %swap3A_387 : vector<16xf32> to vector<16xf32>
        %swap3A_389 = vector.shape_cast %get3A_383 : vector<16xf32> to vector<16xf32>
        tpu.vector_store %arg10[%swap3A_386], %swap3A_389 {strides = array<i32>} : memref<8592xf32, #tpu.memory_space<vmem>>, vector<16xf32>,
        %mul3A_390 = arith.constant 3 : i32
        %mul3A_391 = arith.muli %add3A_328, %mul3A_390 : i32
        %swap3A_392 = arith.index_cast %mul3A_391 : i32 to index
        %swap3A_393 = tpu.vector_load %arg11[%swap3A_392] {strides = array<i32>} : memref<400xf32, #tpu.memory_space<vmem>>, vector<16xf32>,
        %swap3A_394 = vector.shape_cast %swap3A_393 : vector<16xf32> to vector<16xf32>
        %swap3A_395 = vector.shape_cast %sub3A_337 : vector<16xf32> to vector<16xf32>
        tpu.vector_store %arg11[%swap3A_392], %swap3A_395 {strides = array<i32>} : memref<400xf32, #tpu.memory_space<vmem>>, vector<16xf32>,
        %mul3A_396 = arith.constant 16 : i32
        %mul3A_397 = arith.muli %scan3A_109, %mul3A_396 : i32
        %add3A_398 = arith.constant 4 : i32
        %add3A_399 = arith.addi %mul3A_397, %add3A_398 : i32
        %mul3A_400 = arith.constant 67 : i32
        %mul3A_401 = arith.muli %add3A_399, %mul3A_400 : i32
        %get3A_402 = arith.constant 1 : i32
        %get3A_403 = arith.index_cast %get3A_402 : i32 to index
        %get3A_404 = arith.index_cast %add3A_399 : i32 to index
        %get3A_405 = arith.constant 0 : index
        %get3A_406 = tpu.vector_load %arg8[%get3A_403, %get3A_404, %get3A_405] {strides = array<i32>} : memref<2x128x128xf32, #tpu.memory_space<vmem>>, vector<1x1x16xf32>,
        %get3A_407 = vector.shape_cast %get3A_406 : vector<1x1x16xf32> to vector<16xf32>
        %sub3A_408 = arith.subf %get3A_407, %get3A_113 : vector<16xf32>
        %swap3A_409 = arith.index_cast %mul3A_401 : i32 to index
        %swap3A_410 = tpu.vector_load %arg10[%swap3A_409] {strides = array<i32>} : memref<8592xf32, #tpu.memory_space<vmem>>, vector<16xf32>,
        %swap3A_411 = vector.shape_cast %swap3A_410 : vector<16xf32> to vector<16xf32>
        %swap3A_412 = vector.shape_cast %sub3A_408 : vector<16xf32> to vector<16xf32>
        tpu.vector_store %arg10[%swap3A_409], %swap3A_412 {strides = array<i32>} : memref<8592xf32, #tpu.memory_space<vmem>>, vector<16xf32>,
        %get3A_413 = arith.constant 1 : i32
        %get3A_414 = arith.index_cast %get3A_413 : i32 to index
        %get3A_415 = arith.index_cast %add3A_399 : i32 to index
        %get3A_416 = arith.constant 16 : index
        %get3A_417 = tpu.vector_load %arg8[%get3A_414, %get3A_415, %get3A_416] {strides = array<i32>} : memref<2x128x128xf32, #tpu.memory_space<vmem>>, vector<1x1x16xf32>,
        %get3A_418 = vector.shape_cast %get3A_417 : vector<1x1x16xf32> to vector<16xf32>
        %add3A_419 = arith.constant 16 : i32
        %add3A_420 = arith.addi %mul3A_401, %add3A_419 : i32
        %swap3A_421 = arith.index_cast %add3A_420 : i32 to index
        %swap3A_422 = tpu.vector_load %arg10[%swap3A_421] {strides = array<i32>} : memref<8592xf32, #tpu.memory_space<vmem>>, vector<16xf32>,
        %swap3A_423 = vector.shape_cast %swap3A_422 : vector<16xf32> to vector<16xf32>
        %swap3A_424 = vector.shape_cast %get3A_418 : vector<16xf32> to vector<16xf32>
        tpu.vector_store %arg10[%swap3A_421], %swap3A_424 {strides = array<i32>} : memref<8592xf32, #tpu.memory_space<vmem>>, vector<16xf32>,
        %get3A_425 = arith.constant 1 : i32
        %get3A_426 = arith.index_cast %get3A_425 : i32 to index
        %get3A_427 = arith.index_cast %add3A_399 : i32 to index
        %get3A_428 = arith.constant 32 : index
        %get3A_429 = tpu.vector_load %arg8[%get3A_426, %get3A_427, %get3A_428] {strides = array<i32>} : memref<2x128x128xf32, #tpu.memory_space<vmem>>, vector<1x1x16xf32>,
        %get3A_430 = vector.shape_cast %get3A_429 : vector<1x1x16xf32> to vector<16xf32>
        %add3A_431 = arith.constant 32 : i32
        %add3A_432 = arith.addi %mul3A_401, %add3A_431 : i32
        %swap3A_433 = arith.index_cast %add3A_432 : i32 to index
        %swap3A_434 = tpu.vector_load %arg10[%swap3A_433] {strides = array<i32>} : memref<8592xf32, #tpu.memory_space<vmem>>, vector<16xf32>,
        %swap3A_435 = vector.shape_cast %swap3A_434 : vector<16xf32> to vector<16xf32>
        %swap3A_436 = vector.shape_cast %get3A_430 : vector<16xf32> to vector<16xf32>
        tpu.vector_store %arg10[%swap3A_433], %swap3A_436 {strides = array<i32>} : memref<8592xf32, #tpu.memory_space<vmem>>, vector<16xf32>,
        %get3A_437 = arith.constant 1 : i32
        %get3A_438 = arith.index_cast %get3A_437 : i32 to index
        %get3A_439 = arith.index_cast %add3A_399 : i32 to index
        %get3A_440 = arith.constant 48 : index
        %get3A_441 = tpu.vector_load %arg8[%get3A_438, %get3A_439, %get3A_440] {strides = array<i32>} : memref<2x128x128xf32, #tpu.memory_space<vmem>>, vector<1x1x16xf32>,
        %get3A_442 = vector.shape_cast %get3A_441 : vector<1x1x16xf32> to vector<16xf32>
        %add3A_443 = arith.constant 48 : i32
        %add3A_444 = arith.addi %mul3A_401, %add3A_443 : i32
        %swap3A_445 = arith.index_cast %add3A_444 : i32 to index
        %swap3A_446 = tpu.vector_load %arg10[%swap3A_445] {strides = array<i32>} : memref<8592xf32, #tpu.memory_space<vmem>>, vector<16xf32>,
        %swap3A_447 = vector.shape_cast %swap3A_446 : vector<16xf32> to vector<16xf32>
        %swap3A_448 = vector.shape_cast %get3A_442 : vector<16xf32> to vector<16xf32>
        tpu.vector_store %arg10[%swap3A_445], %swap3A_448 {strides = array<i32>} : memref<8592xf32, #tpu.memory_space<vmem>>, vector<16xf32>,
        %get3A_449 = arith.constant 1 : i32
        %get3A_450 = arith.index_cast %get3A_449 : i32 to index
        %get3A_451 = arith.index_cast %add3A_399 : i32 to index
        %get3A_452 = arith.constant 64 : index
        %get3A_453 = tpu.vector_load %arg8[%get3A_450, %get3A_451, %get3A_452] {strides = array<i32>} : memref<2x128x128xf32, #tpu.memory_space<vmem>>, vector<1x1x16xf32>,
        %get3A_454 = vector.shape_cast %get3A_453 : vector<1x1x16xf32> to vector<16xf32>
        %add3A_455 = arith.constant 64 : i32
        %add3A_456 = arith.addi %mul3A_401, %add3A_455 : i32
        %swap3A_457 = arith.index_cast %add3A_456 : i32 to index
        %swap3A_458 = tpu.vector_load %arg10[%swap3A_457] {strides = array<i32>} : memref<8592xf32, #tpu.memory_space<vmem>>, vector<16xf32>,
        %swap3A_459 = vector.shape_cast %swap3A_458 : vector<16xf32> to vector<16xf32>
        %swap3A_460 = vector.shape_cast %get3A_454 : vector<16xf32> to vector<16xf32>
        tpu.vector_store %arg10[%swap3A_457], %swap3A_460 {strides = array<i32>} : memref<8592xf32, #tpu.memory_space<vmem>>, vector<16xf32>,
        %mul3A_461 = arith.constant 3 : i32
        %mul3A_462 = arith.muli %add3A_399, %mul3A_461 : i32
        %swap3A_463 = arith.index_cast %mul3A_462 : i32 to index
        %swap3A_464 = tpu.vector_load %arg11[%swap3A_463] {strides = array<i32>} : memref<400xf32, #tpu.memory_space<vmem>>, vector<16xf32>,
        %swap3A_465 = vector.shape_cast %swap3A_464 : vector<16xf32> to vector<16xf32>
        %swap3A_466 = vector.shape_cast %sub3A_408 : vector<16xf32> to vector<16xf32>
        tpu.vector_store %arg11[%swap3A_463], %swap3A_466 {strides = array<i32>} : memref<400xf32, #tpu.memory_space<vmem>>, vector<16xf32>,
        %mul3A_467 = arith.constant 16 : i32
        %mul3A_468 = arith.muli %scan3A_109, %mul3A_467 : i32
        %add3A_469 = arith.constant 5 : i32
        %add3A_470 = arith.addi %mul3A_468, %add3A_469 : i32
        %mul3A_471 = arith.constant 67 : i32
        %mul3A_472 = arith.muli %add3A_470, %mul3A_471 : i32
        %get3A_473 = arith.constant 1 : i32
        %get3A_474 = arith.index_cast %get3A_473 : i32 to index
        %get3A_475 = arith.index_cast %add3A_470 : i32 to index
        %get3A_476 = arith.constant 0 : index
        %get3A_477 = tpu.vector_load %arg8[%get3A_474, %get3A_475, %get3A_476] {strides = array<i32>} : memref<2x128x128xf32, #tpu.memory_space<vmem>>, vector<1x1x16xf32>,
        %get3A_478 = vector.shape_cast %get3A_477 : vector<1x1x16xf32> to vector<16xf32>
        %sub3A_479 = arith.subf %get3A_478, %get3A_113 : vector<16xf32>
        %swap3A_480 = arith.index_cast %mul3A_472 : i32 to index
        %swap3A_481 = tpu.vector_load %arg10[%swap3A_480] {strides = array<i32>} : memref<8592xf32, #tpu.memory_space<vmem>>, vector<16xf32>,
        %swap3A_482 = vector.shape_cast %swap3A_481 : vector<16xf32> to vector<16xf32>
        %swap3A_483 = vector.shape_cast %sub3A_479 : vector<16xf32> to vector<16xf32>
        tpu.vector_store %arg10[%swap3A_480], %swap3A_483 {strides = array<i32>} : memref<8592xf32, #tpu.memory_space<vmem>>, vector<16xf32>,
        %get3A_484 = arith.constant 1 : i32
        %get3A_485 = arith.index_cast %get3A_484 : i32 to index
        %get3A_486 = arith.index_cast %add3A_470 : i32 to index
        %get3A_487 = arith.constant 16 : index
        %get3A_488 = tpu.vector_load %arg8[%get3A_485, %get3A_486, %get3A_487] {strides = array<i32>} : memref<2x128x128xf32, #tpu.memory_space<vmem>>, vector<1x1x16xf32>,
        %get3A_489 = vector.shape_cast %get3A_488 : vector<1x1x16xf32> to vector<16xf32>
        %add3A_490 = arith.constant 16 : i32
        %add3A_491 = arith.addi %mul3A_472, %add3A_490 : i32
        %swap3A_492 = arith.index_cast %add3A_491 : i32 to index
        %swap3A_493 = tpu.vector_load %arg10[%swap3A_492] {strides = array<i32>} : memref<8592xf32, #tpu.memory_space<vmem>>, vector<16xf32>,
        %swap3A_494 = vector.shape_cast %swap3A_493 : vector<16xf32> to vector<16xf32>
        %swap3A_495 = vector.shape_cast %get3A_489 : vector<16xf32> to vector<16xf32>
        tpu.vector_store %arg10[%swap3A_492], %swap3A_495 {strides = array<i32>} : memref<8592xf32, #tpu.memory_space<vmem>>, vector<16xf32>,
        %get3A_496 = arith.constant 1 : i32
        %get3A_497 = arith.index_cast %get3A_496 : i32 to index
        %get3A_498 = arith.index_cast %add3A_470 : i32 to index
        %get3A_499 = arith.constant 32 : index
        %get3A_500 = tpu.vector_load %arg8[%get3A_497, %get3A_498, %get3A_499] {strides = array<i32>} : memref<2x128x128xf32, #tpu.memory_space<vmem>>, vector<1x1x16xf32>,
        %get3A_501 = vector.shape_cast %get3A_500 : vector<1x1x16xf32> to vector<16xf32>
        %add3A_502 = arith.constant 32 : i32
        %add3A_503 = arith.addi %mul3A_472, %add3A_502 : i32
        %swap3A_504 = arith.index_cast %add3A_503 : i32 to index
        %swap3A_505 = tpu.vector_load %arg10[%swap3A_504] {strides = array<i32>} : memref<8592xf32, #tpu.memory_space<vmem>>, vector<16xf32>,
        %swap3A_506 = vector.shape_cast %swap3A_505 : vector<16xf32> to vector<16xf32>
        %swap3A_507 = vector.shape_cast %get3A_501 : vector<16xf32> to vector<16xf32>
        tpu.vector_store %arg10[%swap3A_504], %swap3A_507 {strides = array<i32>} : memref<8592xf32, #tpu.memory_space<vmem>>, vector<16xf32>,
        %get3A_508 = arith.constant 1 : i32
        %get3A_509 = arith.index_cast %get3A_508 : i32 to index
        %get3A_510 = arith.index_cast %add3A_470 : i32 to index
        %get3A_511 = arith.constant 48 : index
        %get3A_512 = tpu.vector_load %arg8[%get3A_509, %get3A_510, %get3A_511] {strides = array<i32>} : memref<2x128x128xf32, #tpu.memory_space<vmem>>, vector<1x1x16xf32>,
        %get3A_513 = vector.shape_cast %get3A_512 : vector<1x1x16xf32> to vector<16xf32>
        %add3A_514 = arith.constant 48 : i32
        %add3A_515 = arith.addi %mul3A_472, %add3A_514 : i32
        %swap3A_516 = arith.index_cast %add3A_515 : i32 to index
        %swap3A_517 = tpu.vector_load %arg10[%swap3A_516] {strides = array<i32>} : memref<8592xf32, #tpu.memory_space<vmem>>, vector<16xf32>,
        %swap3A_518 = vector.shape_cast %swap3A_517 : vector<16xf32> to vector<16xf32>
        %swap3A_519 = vector.shape_cast %get3A_513 : vector<16xf32> to vector<16xf32>
        tpu.vector_store %arg10[%swap3A_516], %swap3A_519 {strides = array<i32>} : memref<8592xf32, #tpu.memory_space<vmem>>, vector<16xf32>,
        %get3A_520 = arith.constant 1 : i32
        %get3A_521 = arith.index_cast %get3A_520 : i32 to index
        %get3A_522 = arith.index_cast %add3A_470 : i32 to index
        %get3A_523 = arith.constant 64 : index
        %get3A_524 = tpu.vector_load %arg8[%get3A_521, %get3A_522, %get3A_523] {strides = array<i32>} : memref<2x128x128xf32, #tpu.memory_space<vmem>>, vector<1x1x16xf32>,
        %get3A_525 = vector.shape_cast %get3A_524 : vector<1x1x16xf32> to vector<16xf32>
        %add3A_526 = arith.constant 64 : i32
        %add3A_527 = arith.addi %mul3A_472, %add3A_526 : i32
        %swap3A_528 = arith.index_cast %add3A_527 : i32 to index
        %swap3A_529 = tpu.vector_load %arg10[%swap3A_528] {strides = array<i32>} : memref<8592xf32, #tpu.memory_space<vmem>>, vector<16xf32>,
        %swap3A_530 = vector.shape_cast %swap3A_529 : vector<16xf32> to vector<16xf32>
        %swap3A_531 = vector.shape_cast %get3A_525 : vector<16xf32> to vector<16xf32>
        tpu.vector_store %arg10[%swap3A_528], %swap3A_531 {strides = array<i32>} : memref<8592xf32, #tpu.memory_space<vmem>>, vector<16xf32>,
        %mul3A_532 = arith.constant 3 : i32
        %mul3A_533 = arith.muli %add3A_470, %mul3A_532 : i32
        %swap3A_534 = arith.index_cast %mul3A_533 : i32 to index
        %swap3A_535 = tpu.vector_load %arg11[%swap3A_534] {strides = array<i32>} : memref<400xf32, #tpu.memory_space<vmem>>, vector<16xf32>,
        %swap3A_536 = vector.shape_cast %swap3A_535 : vector<16xf32> to vector<16xf32>
        %swap3A_537 = vector.shape_cast %sub3A_479 : vector<16xf32> to vector<16xf32>
        tpu.vector_store %arg11[%swap3A_534], %swap3A_537 {strides = array<i32>} : memref<400xf32, #tpu.memory_space<vmem>>, vector<16xf32>,
        %mul3A_538 = arith.constant 16 : i32
        %mul3A_539 = arith.muli %scan3A_109, %mul3A_538 : i32
        %add3A_540 = arith.constant 6 : i32
        %add3A_541 = arith.addi %mul3A_539, %add3A_540 : i32
        %mul3A_542 = arith.constant 67 : i32
        %mul3A_543 = arith.muli %add3A_541, %mul3A_542 : i32
        %get3A_544 = arith.constant 1 : i32
        %get3A_545 = arith.index_cast %get3A_544 : i32 to index
        %get3A_546 = arith.index_cast %add3A_541 : i32 to index
        %get3A_547 = arith.constant 0 : index
        %get3A_548 = tpu.vector_load %arg8[%get3A_545, %get3A_546, %get3A_547] {strides = array<i32>} : memref<2x128x128xf32, #tpu.memory_space<vmem>>, vector<1x1x16xf32>,
        %get3A_549 = vector.shape_cast %get3A_548 : vector<1x1x16xf32> to vector<16xf32>
        %sub3A_550 = arith.subf %get3A_549, %get3A_113 : vector<16xf32>
        %swap3A_551 = arith.index_cast %mul3A_543 : i32 to index
        %swap3A_552 = tpu.vector_load %arg10[%swap3A_551] {strides = array<i32>} : memref<8592xf32, #tpu.memory_space<vmem>>, vector<16xf32>,
        %swap3A_553 = vector.shape_cast %swap3A_552 : vector<16xf32> to vector<16xf32>
        %swap3A_554 = vector.shape_cast %sub3A_550 : vector<16xf32> to vector<16xf32>
        tpu.vector_store %arg10[%swap3A_551], %swap3A_554 {strides = array<i32>} : memref<8592xf32, #tpu.memory_space<vmem>>, vector<16xf32>,
        %get3A_555 = arith.constant 1 : i32
        %get3A_556 = arith.index_cast %get3A_555 : i32 to index
        %get3A_557 = arith.index_cast %add3A_541 : i32 to index
        %get3A_558 = arith.constant 16 : index
        %get3A_559 = tpu.vector_load %arg8[%get3A_556, %get3A_557, %get3A_558] {strides = array<i32>} : memref<2x128x128xf32, #tpu.memory_space<vmem>>, vector<1x1x16xf32>,
        %get3A_560 = vector.shape_cast %get3A_559 : vector<1x1x16xf32> to vector<16xf32>
        %add3A_561 = arith.constant 16 : i32
        %add3A_562 = arith.addi %mul3A_543, %add3A_561 : i32
        %swap3A_563 = arith.index_cast %add3A_562 : i32 to index
        %swap3A_564 = tpu.vector_load %arg10[%swap3A_563] {strides = array<i32>} : memref<8592xf32, #tpu.memory_space<vmem>>, vector<16xf32>,
        %swap3A_565 = vector.shape_cast %swap3A_564 : vector<16xf32> to vector<16xf32>
        %swap3A_566 = vector.shape_cast %get3A_560 : vector<16xf32> to vector<16xf32>
        tpu.vector_store %arg10[%swap3A_563], %swap3A_566 {strides = array<i32>} : memref<8592xf32, #tpu.memory_space<vmem>>, vector<16xf32>,
        %get3A_567 = arith.constant 1 : i32
        %get3A_568 = arith.index_cast %get3A_567 : i32 to index
        %get3A_569 = arith.index_cast %add3A_541 : i32 to index
        %get3A_570 = arith.constant 32 : index
        %get3A_571 = tpu.vector_load %arg8[%get3A_568, %get3A_569, %get3A_570] {strides = array<i32>} : memref<2x128x128xf32, #tpu.memory_space<vmem>>, vector<1x1x16xf32>,
        %get3A_572 = vector.shape_cast %get3A_571 : vector<1x1x16xf32> to vector<16xf32>
        %add3A_573 = arith.constant 32 : i32
        %add3A_574 = arith.addi %mul3A_543, %add3A_573 : i32
        %swap3A_575 = arith.index_cast %add3A_574 : i32 to index
        %swap3A_576 = tpu.vector_load %arg10[%swap3A_575] {strides = array<i32>} : memref<8592xf32, #tpu.memory_space<vmem>>, vector<16xf32>,
        %swap3A_577 = vector.shape_cast %swap3A_576 : vector<16xf32> to vector<16xf32>
        %swap3A_578 = vector.shape_cast %get3A_572 : vector<16xf32> to vector<16xf32>
        tpu.vector_store %arg10[%swap3A_575], %swap3A_578 {strides = array<i32>} : memref<8592xf32, #tpu.memory_space<vmem>>, vector<16xf32>,
        %get3A_579 = arith.constant 1 : i32
        %get3A_580 = arith.index_cast %get3A_579 : i32 to index
        %get3A_581 = arith.index_cast %add3A_541 : i32 to index
        %get3A_582 = arith.constant 48 : index
        %get3A_583 = tpu.vector_load %arg8[%get3A_580, %get3A_581, %get3A_582] {strides = array<i32>} : memref<2x128x128xf32, #tpu.memory_space<vmem>>, vector<1x1x16xf32>,
        %get3A_584 = vector.shape_cast %get3A_583 : vector<1x1x16xf32> to vector<16xf32>
        %add3A_585 = arith.constant 48 : i32
        %add3A_586 = arith.addi %mul3A_543, %add3A_585 : i32
        %swap3A_587 = arith.index_cast %add3A_586 : i32 to index
        %swap3A_588 = tpu.vector_load %arg10[%swap3A_587] {strides = array<i32>} : memref<8592xf32, #tpu.memory_space<vmem>>, vector<16xf32>,
        %swap3A_589 = vector.shape_cast %swap3A_588 : vector<16xf32> to vector<16xf32>
        %swap3A_590 = vector.shape_cast %get3A_584 : vector<16xf32> to vector<16xf32>
        tpu.vector_store %arg10[%swap3A_587], %swap3A_590 {strides = array<i32>} : memref<8592xf32, #tpu.memory_space<vmem>>, vector<16xf32>,
        %get3A_591 = arith.constant 1 : i32
        %get3A_592 = arith.index_cast %get3A_591 : i32 to index
        %get3A_593 = arith.index_cast %add3A_541 : i32 to index
        %get3A_594 = arith.constant 64 : index
        %get3A_595 = tpu.vector_load %arg8[%get3A_592, %get3A_593, %get3A_594] {strides = array<i32>} : memref<2x128x128xf32, #tpu.memory_space<vmem>>, vector<1x1x16xf32>,
        %get3A_596 = vector.shape_cast %get3A_595 : vector<1x1x16xf32> to vector<16xf32>
        %add3A_597 = arith.constant 64 : i32
        %add3A_598 = arith.addi %mul3A_543, %add3A_597 : i32
        %swap3A_599 = arith.index_cast %add3A_598 : i32 to index
        %swap3A_600 = tpu.vector_load %arg10[%swap3A_599] {strides = array<i32>} : memref<8592xf32, #tpu.memory_space<vmem>>, vector<16xf32>,
        %swap3A_601 = vector.shape_cast %swap3A_600 : vector<16xf32> to vector<16xf32>
        %swap3A_602 = vector.shape_cast %get3A_596 : vector<16xf32> to vector<16xf32>
        tpu.vector_store %arg10[%swap3A_599], %swap3A_602 {strides = array<i32>} : memref<8592xf32, #tpu.memory_space<vmem>>, vector<16xf32>,
        %mul3A_603 = arith.constant 3 : i32
        %mul3A_604 = arith.muli %add3A_541, %mul3A_603 : i32
        %swap3A_605 = arith.index_cast %mul3A_604 : i32 to index
        %swap3A_606 = tpu.vector_load %arg11[%swap3A_605] {strides = array<i32>} : memref<400xf32, #tpu.memory_space<vmem>>, vector<16xf32>,
        %swap3A_607 = vector.shape_cast %swap3A_606 : vector<16xf32> to vector<16xf32>
        %swap3A_608 = vector.shape_cast %sub3A_550 : vector<16xf32> to vector<16xf32>
        tpu.vector_store %arg11[%swap3A_605], %swap3A_608 {strides = array<i32>} : memref<400xf32, #tpu.memory_space<vmem>>, vector<16xf32>,
        %mul3A_609 = arith.constant 16 : i32
        %mul3A_610 = arith.muli %scan3A_109, %mul3A_609 : i32
        %add3A_611 = arith.constant 7 : i32
        %add3A_612 = arith.addi %mul3A_610, %add3A_611 : i32
        %mul3A_613 = arith.constant 67 : i32
        %mul3A_614 = arith.muli %add3A_612, %mul3A_613 : i32
        %get3A_615 = arith.constant 1 : i32
        %get3A_616 = arith.index_cast %get3A_615 : i32 to index
        %get3A_617 = arith.index_cast %add3A_612 : i32 to index
        %get3A_618 = arith.constant 0 : index
        %get3A_619 = tpu.vector_load %arg8[%get3A_616, %get3A_617, %get3A_618] {strides = array<i32>} : memref<2x128x128xf32, #tpu.memory_space<vmem>>, vector<1x1x16xf32>,
        %get3A_620 = vector.shape_cast %get3A_619 : vector<1x1x16xf32> to vector<16xf32>
        %sub3A_621 = arith.subf %get3A_620, %get3A_113 : vector<16xf32>
        %swap3A_622 = arith.index_cast %mul3A_614 : i32 to index
        %swap3A_623 = tpu.vector_load %arg10[%swap3A_622] {strides = array<i32>} : memref<8592xf32, #tpu.memory_space<vmem>>, vector<16xf32>,
        %swap3A_624 = vector.shape_cast %swap3A_623 : vector<16xf32> to vector<16xf32>
        %swap3A_625 = vector.shape_cast %sub3A_621 : vector<16xf32> to vector<16xf32>
        tpu.vector_store %arg10[%swap3A_622], %swap3A_625 {strides = array<i32>} : memref<8592xf32, #tpu.memory_space<vmem>>, vector<16xf32>,
        %get3A_626 = arith.constant 1 : i32
        %get3A_627 = arith.index_cast %get3A_626 : i32 to index
        %get3A_628 = arith.index_cast %add3A_612 : i32 to index
        %get3A_629 = arith.constant 16 : index
        %get3A_630 = tpu.vector_load %arg8[%get3A_627, %get3A_628, %get3A_629] {strides = array<i32>} : memref<2x128x128xf32, #tpu.memory_space<vmem>>, vector<1x1x16xf32>,
        %get3A_631 = vector.shape_cast %get3A_630 : vector<1x1x16xf32> to vector<16xf32>
        %add3A_632 = arith.constant 16 : i32
        %add3A_633 = arith.addi %mul3A_614, %add3A_632 : i32
        %swap3A_634 = arith.index_cast %add3A_633 : i32 to index
        %swap3A_635 = tpu.vector_load %arg10[%swap3A_634] {strides = array<i32>} : memref<8592xf32, #tpu.memory_space<vmem>>, vector<16xf32>,
        %swap3A_636 = vector.shape_cast %swap3A_635 : vector<16xf32> to vector<16xf32>
        %swap3A_637 = vector.shape_cast %get3A_631 : vector<16xf32> to vector<16xf32>
        tpu.vector_store %arg10[%swap3A_634], %swap3A_637 {strides = array<i32>} : memref<8592xf32, #tpu.memory_space<vmem>>, vector<16xf32>,
        %get3A_638 = arith.constant 1 : i32
        %get3A_639 = arith.index_cast %get3A_638 : i32 to index
        %get3A_640 = arith.index_cast %add3A_612 : i32 to index
        %get3A_641 = arith.constant 32 : index
        %get3A_642 = tpu.vector_load %arg8[%get3A_639, %get3A_640, %get3A_641] {strides = array<i32>} : memref<2x128x128xf32, #tpu.memory_space<vmem>>, vector<1x1x16xf32>,
        %get3A_643 = vector.shape_cast %get3A_642 : vector<1x1x16xf32> to vector<16xf32>
        %add3A_644 = arith.constant 32 : i32
        %add3A_645 = arith.addi %mul3A_614, %add3A_644 : i32
        %swap3A_646 = arith.index_cast %add3A_645 : i32 to index
        %swap3A_647 = tpu.vector_load %arg10[%swap3A_646] {strides = array<i32>} : memref<8592xf32, #tpu.memory_space<vmem>>, vector<16xf32>,
        %swap3A_648 = vector.shape_cast %swap3A_647 : vector<16xf32> to vector<16xf32>
        %swap3A_649 = vector.shape_cast %get3A_643 : vector<16xf32> to vector<16xf32>
        tpu.vector_store %arg10[%swap3A_646], %swap3A_649 {strides = array<i32>} : memref<8592xf32, #tpu.memory_space<vmem>>, vector<16xf32>,
        %get3A_650 = arith.constant 1 : i32
        %get3A_651 = arith.index_cast %get3A_650 : i32 to index
        %get3A_652 = arith.index_cast %add3A_612 : i32 to index
        %get3A_653 = arith.constant 48 : index
        %get3A_654 = tpu.vector_load %arg8[%get3A_651, %get3A_652, %get3A_653] {strides = array<i32>} : memref<2x128x128xf32, #tpu.memory_space<vmem>>, vector<1x1x16xf32>,
        %get3A_655 = vector.shape_cast %get3A_654 : vector<1x1x16xf32> to vector<16xf32>
        %add3A_656 = arith.constant 48 : i32
        %add3A_657 = arith.addi %mul3A_614, %add3A_656 : i32
        %swap3A_658 = arith.index_cast %add3A_657 : i32 to index
        %swap3A_659 = tpu.vector_load %arg10[%swap3A_658] {strides = array<i32>} : memref<8592xf32, #tpu.memory_space<vmem>>, vector<16xf32>,
        %swap3A_660 = vector.shape_cast %swap3A_659 : vector<16xf32> to vector<16xf32>
        %swap3A_661 = vector.shape_cast %get3A_655 : vector<16xf32> to vector<16xf32>
        tpu.vector_store %arg10[%swap3A_658], %swap3A_661 {strides = array<i32>} : memref<8592xf32, #tpu.memory_space<vmem>>, vector<16xf32>,
        %get3A_662 = arith.constant 1 : i32
        %get3A_663 = arith.index_cast %get3A_662 : i32 to index
        %get3A_664 = arith.index_cast %add3A_612 : i32 to index
        %get3A_665 = arith.constant 64 : index
        %get3A_666 = tpu.vector_load %arg8[%get3A_663, %get3A_664, %get3A_665] {strides = array<i32>} : memref<2x128x128xf32, #tpu.memory_space<vmem>>, vector<1x1x16xf32>,
        %get3A_667 = vector.shape_cast %get3A_666 : vector<1x1x16xf32> to vector<16xf32>
        %add3A_668 = arith.constant 64 : i32
        %add3A_669 = arith.addi %mul3A_614, %add3A_668 : i32
        %swap3A_670 = arith.index_cast %add3A_669 : i32 to index
        %swap3A_671 = tpu.vector_load %arg10[%swap3A_670] {strides = array<i32>} : memref<8592xf32, #tpu.memory_space<vmem>>, vector<16xf32>,
        %swap3A_672 = vector.shape_cast %swap3A_671 : vector<16xf32> to vector<16xf32>
        %swap3A_673 = vector.shape_cast %get3A_667 : vector<16xf32> to vector<16xf32>
        tpu.vector_store %arg10[%swap3A_670], %swap3A_673 {strides = array<i32>} : memref<8592xf32, #tpu.memory_space<vmem>>, vector<16xf32>,
        %mul3A_674 = arith.constant 3 : i32
        %mul3A_675 = arith.muli %add3A_612, %mul3A_674 : i32
        %swap3A_676 = arith.index_cast %mul3A_675 : i32 to index
        %swap3A_677 = tpu.vector_load %arg11[%swap3A_676] {strides = array<i32>} : memref<400xf32, #tpu.memory_space<vmem>>, vector<16xf32>,
        %swap3A_678 = vector.shape_cast %swap3A_677 : vector<16xf32> to vector<16xf32>
        %swap3A_679 = vector.shape_cast %sub3A_621 : vector<16xf32> to vector<16xf32>
        tpu.vector_store %arg11[%swap3A_676], %swap3A_679 {strides = array<i32>} : memref<400xf32, #tpu.memory_space<vmem>>, vector<16xf32>,
        %mul3A_680 = arith.constant 16 : i32
        %mul3A_681 = arith.muli %scan3A_109, %mul3A_680 : i32
        %add3A_682 = arith.constant 8 : i32
        %add3A_683 = arith.addi %mul3A_681, %add3A_682 : i32
        %mul3A_684 = arith.constant 67 : i32
        %mul3A_685 = arith.muli %add3A_683, %mul3A_684 : i32
        %get3A_686 = arith.constant 1 : i32
        %get3A_687 = arith.index_cast %get3A_686 : i32 to index
        %get3A_688 = arith.index_cast %add3A_683 : i32 to index
        %get3A_689 = arith.constant 0 : index
        %get3A_690 = tpu.vector_load %arg8[%get3A_687, %get3A_688, %get3A_689] {strides = array<i32>} : memref<2x128x128xf32, #tpu.memory_space<vmem>>, vector<1x1x16xf32>,
        %get3A_691 = vector.shape_cast %get3A_690 : vector<1x1x16xf32> to vector<16xf32>
        %sub3A_692 = arith.subf %get3A_691, %get3A_113 : vector<16xf32>
        %swap3A_693 = arith.index_cast %mul3A_685 : i32 to index
        %swap3A_694 = tpu.vector_load %arg10[%swap3A_693] {strides = array<i32>} : memref<8592xf32, #tpu.memory_space<vmem>>, vector<16xf32>,
        %swap3A_695 = vector.shape_cast %swap3A_694 : vector<16xf32> to vector<16xf32>
        %swap3A_696 = vector.shape_cast %sub3A_692 : vector<16xf32> to vector<16xf32>
        tpu.vector_store %arg10[%swap3A_693], %swap3A_696 {strides = array<i32>} : memref<8592xf32, #tpu.memory_space<vmem>>, vector<16xf32>,
        %get3A_697 = arith.constant 1 : i32
        %get3A_698 = arith.index_cast %get3A_697 : i32 to index
        %get3A_699 = arith.index_cast %add3A_683 : i32 to index
        %get3A_700 = arith.constant 16 : index
        %get3A_701 = tpu.vector_load %arg8[%get3A_698, %get3A_699, %get3A_700] {strides = array<i32>} : memref<2x128x128xf32, #tpu.memory_space<vmem>>, vector<1x1x16xf32>,
        %get3A_702 = vector.shape_cast %get3A_701 : vector<1x1x16xf32> to vector<16xf32>
        %add3A_703 = arith.constant 16 : i32
        %add3A_704 = arith.addi %mul3A_685, %add3A_703 : i32
        %swap3A_705 = arith.index_cast %add3A_704 : i32 to index
        %swap3A_706 = tpu.vector_load %arg10[%swap3A_705] {strides = array<i32>} : memref<8592xf32, #tpu.memory_space<vmem>>, vector<16xf32>,
        %swap3A_707 = vector.shape_cast %swap3A_706 : vector<16xf32> to vector<16xf32>
        %swap3A_708 = vector.shape_cast %get3A_702 : vector<16xf32> to vector<16xf32>
        tpu.vector_store %arg10[%swap3A_705], %swap3A_708 {strides = array<i32>} : memref<8592xf32, #tpu.memory_space<vmem>>, vector<16xf32>,
        %get3A_709 = arith.constant 1 : i32
        %get3A_710 = arith.index_cast %get3A_709 : i32 to index
        %get3A_711 = arith.index_cast %add3A_683 : i32 to index
        %get3A_712 = arith.constant 32 : index
        %get3A_713 = tpu.vector_load %arg8[%get3A_710, %get3A_711, %get3A_712] {strides = array<i32>} : memref<2x128x128xf32, #tpu.memory_space<vmem>>, vector<1x1x16xf32>,
        %get3A_714 = vector.shape_cast %get3A_713 : vector<1x1x16xf32> to vector<16xf32>
        %add3A_715 = arith.constant 32 : i32
        %add3A_716 = arith.addi %mul3A_685, %add3A_715 : i32
        %swap3A_717 = arith.index_cast %add3A_716 : i32 to index
        %swap3A_718 = tpu.vector_load %arg10[%swap3A_717] {strides = array<i32>} : memref<8592xf32, #tpu.memory_space<vmem>>, vector<16xf32>,
        %swap3A_719 = vector.shape_cast %swap3A_718 : vector<16xf32> to vector<16xf32>
        %swap3A_720 = vector.shape_cast %get3A_714 : vector<16xf32> to vector<16xf32>
        tpu.vector_store %arg10[%swap3A_717], %swap3A_720 {strides = array<i32>} : memref<8592xf32, #tpu.memory_space<vmem>>, vector<16xf32>,
        %get3A_721 = arith.constant 1 : i32
        %get3A_722 = arith.index_cast %get3A_721 : i32 to index
        %get3A_723 = arith.index_cast %add3A_683 : i32 to index
        %get3A_724 = arith.constant 48 : index
        %get3A_725 = tpu.vector_load %arg8[%get3A_722, %get3A_723, %get3A_724] {strides = array<i32>} : memref<2x128x128xf32, #tpu.memory_space<vmem>>, vector<1x1x16xf32>,
        %get3A_726 = vector.shape_cast %get3A_725 : vector<1x1x16xf32> to vector<16xf32>
        %add3A_727 = arith.constant 48 : i32
        %add3A_728 = arith.addi %mul3A_685, %add3A_727 : i32
        %swap3A_729 = arith.index_cast %add3A_728 : i32 to index
        %swap3A_730 = tpu.vector_load %arg10[%swap3A_729] {strides = array<i32>} : memref<8592xf32, #tpu.memory_space<vmem>>, vector<16xf32>,
        %swap3A_731 = vector.shape_cast %swap3A_730 : vector<16xf32> to vector<16xf32>
        %swap3A_732 = vector.shape_cast %get3A_726 : vector<16xf32> to vector<16xf32>
        tpu.vector_store %arg10[%swap3A_729], %swap3A_732 {strides = array<i32>} : memref<8592xf32, #tpu.memory_space<vmem>>, vector<16xf32>,
        %get3A_733 = arith.constant 1 : i32
        %get3A_734 = arith.index_cast %get3A_733 : i32 to index
        %get3A_735 = arith.index_cast %add3A_683 : i32 to index
        %get3A_736 = arith.constant 64 : index
        %get3A_737 = tpu.vector_load %arg8[%get3A_734, %get3A_735, %get3A_736] {strides = array<i32>} : memref<2x128x128xf32, #tpu.memory_space<vmem>>, vector<1x1x16xf32>,
        %get3A_738 = vector.shape_cast %get3A_737 : vector<1x1x16xf32> to vector<16xf32>
        %add3A_739 = arith.constant 64 : i32
        %add3A_740 = arith.addi %mul3A_685, %add3A_739 : i32
        %swap3A_741 = arith.index_cast %add3A_740 : i32 to index
        %swap3A_742 = tpu.vector_load %arg10[%swap3A_741] {strides = array<i32>} : memref<8592xf32, #tpu.memory_space<vmem>>, vector<16xf32>,
        %swap3A_743 = vector.shape_cast %swap3A_742 : vector<16xf32> to vector<16xf32>
        %swap3A_744 = vector.shape_cast %get3A_738 : vector<16xf32> to vector<16xf32>
        tpu.vector_store %arg10[%swap3A_741], %swap3A_744 {strides = array<i32>} : memref<8592xf32, #tpu.memory_space<vmem>>, vector<16xf32>,
        %mul3A_745 = arith.constant 3 : i32
        %mul3A_746 = arith.muli %add3A_683, %mul3A_745 : i32
        %swap3A_747 = arith.index_cast %mul3A_746 : i32 to index
        %swap3A_748 = tpu.vector_load %arg11[%swap3A_747] {strides = array<i32>} : memref<400xf32, #tpu.memory_space<vmem>>, vector<16xf32>,
        %swap3A_749 = vector.shape_cast %swap3A_748 : vector<16xf32> to vector<16xf32>
        %swap3A_750 = vector.shape_cast %sub3A_692 : vector<16xf32> to vector<16xf32>
        tpu.vector_store %arg11[%swap3A_747], %swap3A_750 {strides = array<i32>} : memref<400xf32, #tpu.memory_space<vmem>>, vector<16xf32>,
        %mul3A_751 = arith.constant 16 : i32
        %mul3A_752 = arith.muli %scan3A_109, %mul3A_751 : i32
        %add3A_753 = arith.constant 9 : i32
        %add3A_754 = arith.addi %mul3A_752, %add3A_753 : i32
        %mul3A_755 = arith.constant 67 : i32
        %mul3A_756 = arith.muli %add3A_754, %mul3A_755 : i32
        %get3A_757 = arith.constant 1 : i32
        %get3A_758 = arith.index_cast %get3A_757 : i32 to index
        %get3A_759 = arith.index_cast %add3A_754 : i32 to index
        %get3A_760 = arith.constant 0 : index
        %get3A_761 = tpu.vector_load %arg8[%get3A_758, %get3A_759, %get3A_760] {strides = array<i32>} : memref<2x128x128xf32, #tpu.memory_space<vmem>>, vector<1x1x16xf32>,
        %get3A_762 = vector.shape_cast %get3A_761 : vector<1x1x16xf32> to vector<16xf32>
        %sub3A_763 = arith.subf %get3A_762, %get3A_113 : vector<16xf32>
        %swap3A_764 = arith.index_cast %mul3A_756 : i32 to index
        %swap3A_765 = tpu.vector_load %arg10[%swap3A_764] {strides = array<i32>} : memref<8592xf32, #tpu.memory_space<vmem>>, vector<16xf32>,
        %swap3A_766 = vector.shape_cast %swap3A_765 : vector<16xf32> to vector<16xf32>
        %swap3A_767 = vector.shape_cast %sub3A_763 : vector<16xf32> to vector<16xf32>
        tpu.vector_store %arg10[%swap3A_764], %swap3A_767 {strides = array<i32>} : memref<8592xf32, #tpu.memory_space<vmem>>, vector<16xf32>,
        %get3A_768 = arith.constant 1 : i32
        %get3A_769 = arith.index_cast %get3A_768 : i32 to index
        %get3A_770 = arith.index_cast %add3A_754 : i32 to index
        %get3A_771 = arith.constant 16 : index
        %get3A_772 = tpu.vector_load %arg8[%get3A_769, %get3A_770, %get3A_771] {strides = array<i32>} : memref<2x128x128xf32, #tpu.memory_space<vmem>>, vector<1x1x16xf32>,
        %get3A_773 = vector.shape_cast %get3A_772 : vector<1x1x16xf32> to vector<16xf32>
        %add3A_774 = arith.constant 16 : i32
        %add3A_775 = arith.addi %mul3A_756, %add3A_774 : i32
        %swap3A_776 = arith.index_cast %add3A_775 : i32 to index
        %swap3A_777 = tpu.vector_load %arg10[%swap3A_776] {strides = array<i32>} : memref<8592xf32, #tpu.memory_space<vmem>>, vector<16xf32>,
        %swap3A_778 = vector.shape_cast %swap3A_777 : vector<16xf32> to vector<16xf32>
        %swap3A_779 = vector.shape_cast %get3A_773 : vector<16xf32> to vector<16xf32>
        tpu.vector_store %arg10[%swap3A_776], %swap3A_779 {strides = array<i32>} : memref<8592xf32, #tpu.memory_space<vmem>>, vector<16xf32>,
        %get3A_780 = arith.constant 1 : i32
        %get3A_781 = arith.index_cast %get3A_780 : i32 to index
        %get3A_782 = arith.index_cast %add3A_754 : i32 to index
        %get3A_783 = arith.constant 32 : index
        %get3A_784 = tpu.vector_load %arg8[%get3A_781, %get3A_782, %get3A_783] {strides = array<i32>} : memref<2x128x128xf32, #tpu.memory_space<vmem>>, vector<1x1x16xf32>,
        %get3A_785 = vector.shape_cast %get3A_784 : vector<1x1x16xf32> to vector<16xf32>
        %add3A_786 = arith.constant 32 : i32
        %add3A_787 = arith.addi %mul3A_756, %add3A_786 : i32
        %swap3A_788 = arith.index_cast %add3A_787 : i32 to index
        %swap3A_789 = tpu.vector_load %arg10[%swap3A_788] {strides = array<i32>} : memref<8592xf32, #tpu.memory_space<vmem>>, vector<16xf32>,
        %swap3A_790 = vector.shape_cast %swap3A_789 : vector<16xf32> to vector<16xf32>
        %swap3A_791 = vector.shape_cast %get3A_785 : vector<16xf32> to vector<16xf32>
        tpu.vector_store %arg10[%swap3A_788], %swap3A_791 {strides = array<i32>} : memref<8592xf32, #tpu.memory_space<vmem>>, vector<16xf32>,
        %get3A_792 = arith.constant 1 : i32
        %get3A_793 = arith.index_cast %get3A_792 : i32 to index
        %get3A_794 = arith.index_cast %add3A_754 : i32 to index
        %get3A_795 = arith.constant 48 : index
        %get3A_796 = tpu.vector_load %arg8[%get3A_793, %get3A_794, %get3A_795] {strides = array<i32>} : memref<2x128x128xf32, #tpu.memory_space<vmem>>, vector<1x1x16xf32>,
        %get3A_797 = vector.shape_cast %get3A_796 : vector<1x1x16xf32> to vector<16xf32>
        %add3A_798 = arith.constant 48 : i32
        %add3A_799 = arith.addi %mul3A_756, %add3A_798 : i32
        %swap3A_800 = arith.index_cast %add3A_799 : i32 to index
        %swap3A_801 = tpu.vector_load %arg10[%swap3A_800] {strides = array<i32>} : memref<8592xf32, #tpu.memory_space<vmem>>, vector<16xf32>,
        %swap3A_802 = vector.shape_cast %swap3A_801 : vector<16xf32> to vector<16xf32>
        %swap3A_803 = vector.shape_cast %get3A_797 : vector<16xf32> to vector<16xf32>
        tpu.vector_store %arg10[%swap3A_800], %swap3A_803 {strides = array<i32>} : memref<8592xf32, #tpu.memory_space<vmem>>, vector<16xf32>,
        %get3A_804 = arith.constant 1 : i32
        %get3A_805 = arith.index_cast %get3A_804 : i32 to index
        %get3A_806 = arith.index_cast %add3A_754 : i32 to index
        %get3A_807 = arith.constant 64 : index
        %get3A_808 = tpu.vector_load %arg8[%get3A_805, %get3A_806, %get3A_807] {strides = array<i32>} : memref<2x128x128xf32, #tpu.memory_space<vmem>>, vector<1x1x16xf32>,
        %get3A_809 = vector.shape_cast %get3A_808 : vector<1x1x16xf32> to vector<16xf32>
        %add3A_810 = arith.constant 64 : i32
        %add3A_811 = arith.addi %mul3A_756, %add3A_810 : i32
        %swap3A_812 = arith.index_cast %add3A_811 : i32 to index
        %swap3A_813 = tpu.vector_load %arg10[%swap3A_812] {strides = array<i32>} : memref<8592xf32, #tpu.memory_space<vmem>>, vector<16xf32>,
        %swap3A_814 = vector.shape_cast %swap3A_813 : vector<16xf32> to vector<16xf32>
        %swap3A_815 = vector.shape_cast %get3A_809 : vector<16xf32> to vector<16xf32>
        tpu.vector_store %arg10[%swap3A_812], %swap3A_815 {strides = array<i32>} : memref<8592xf32, #tpu.memory_space<vmem>>, vector<16xf32>,
        %mul3A_816 = arith.constant 3 : i32
        %mul3A_817 = arith.muli %add3A_754, %mul3A_816 : i32
        %swap3A_818 = arith.index_cast %mul3A_817 : i32 to index
        %swap3A_819 = tpu.vector_load %arg11[%swap3A_818] {strides = array<i32>} : memref<400xf32, #tpu.memory_space<vmem>>, vector<16xf32>,
        %swap3A_820 = vector.shape_cast %swap3A_819 : vector<16xf32> to vector<16xf32>
        %swap3A_821 = vector.shape_cast %sub3A_763 : vector<16xf32> to vector<16xf32>
        tpu.vector_store %arg11[%swap3A_818], %swap3A_821 {strides = array<i32>} : memref<400xf32, #tpu.memory_space<vmem>>, vector<16xf32>,
        %mul3A_822 = arith.constant 16 : i32
        %mul3A_823 = arith.muli %scan3A_109, %mul3A_822 : i32
        %add3A_824 = arith.constant 10 : i32
        %add3A_825 = arith.addi %mul3A_823, %add3A_824 : i32
        %mul3A_826 = arith.constant 67 : i32
        %mul3A_827 = arith.muli %add3A_825, %mul3A_826 : i32
        %get3A_828 = arith.constant 1 : i32
        %get3A_829 = arith.index_cast %get3A_828 : i32 to index
        %get3A_830 = arith.index_cast %add3A_825 : i32 to index
        %get3A_831 = arith.constant 0 : index
        %get3A_832 = tpu.vector_load %arg8[%get3A_829, %get3A_830, %get3A_831] {strides = array<i32>} : memref<2x128x128xf32, #tpu.memory_space<vmem>>, vector<1x1x16xf32>,
        %get3A_833 = vector.shape_cast %get3A_832 : vector<1x1x16xf32> to vector<16xf32>
        %sub3A_834 = arith.subf %get3A_833, %get3A_113 : vector<16xf32>
        %swap3A_835 = arith.index_cast %mul3A_827 : i32 to index
        %swap3A_836 = tpu.vector_load %arg10[%swap3A_835] {strides = array<i32>} : memref<8592xf32, #tpu.memory_space<vmem>>, vector<16xf32>,
        %swap3A_837 = vector.shape_cast %swap3A_836 : vector<16xf32> to vector<16xf32>
        %swap3A_838 = vector.shape_cast %sub3A_834 : vector<16xf32> to vector<16xf32>
        tpu.vector_store %arg10[%swap3A_835], %swap3A_838 {strides = array<i32>} : memref<8592xf32, #tpu.memory_space<vmem>>, vector<16xf32>,
        %get3A_839 = arith.constant 1 : i32
        %get3A_840 = arith.index_cast %get3A_839 : i32 to index
        %get3A_841 = arith.index_cast %add3A_825 : i32 to index
        %get3A_842 = arith.constant 16 : index
        %get3A_843 = tpu.vector_load %arg8[%get3A_840, %get3A_841, %get3A_842] {strides = array<i32>} : memref<2x128x128xf32, #tpu.memory_space<vmem>>, vector<1x1x16xf32>,
        %get3A_844 = vector.shape_cast %get3A_843 : vector<1x1x16xf32> to vector<16xf32>
        %add3A_845 = arith.constant 16 : i32
        %add3A_846 = arith.addi %mul3A_827, %add3A_845 : i32
        %swap3A_847 = arith.index_cast %add3A_846 : i32 to index
        %swap3A_848 = tpu.vector_load %arg10[%swap3A_847] {strides = array<i32>} : memref<8592xf32, #tpu.memory_space<vmem>>, vector<16xf32>,
        %swap3A_849 = vector.shape_cast %swap3A_848 : vector<16xf32> to vector<16xf32>
        %swap3A_850 = vector.shape_cast %get3A_844 : vector<16xf32> to vector<16xf32>
        tpu.vector_store %arg10[%swap3A_847], %swap3A_850 {strides = array<i32>} : memref<8592xf32, #tpu.memory_space<vmem>>, vector<16xf32>,
        %get3A_851 = arith.constant 1 : i32
        %get3A_852 = arith.index_cast %get3A_851 : i32 to index
        %get3A_853 = arith.index_cast %add3A_825 : i32 to index
        %get3A_854 = arith.constant 32 : index
        %get3A_855 = tpu.vector_load %arg8[%get3A_852, %get3A_853, %get3A_854] {strides = array<i32>} : memref<2x128x128xf32, #tpu.memory_space<vmem>>, vector<1x1x16xf32>,
        %get3A_856 = vector.shape_cast %get3A_855 : vector<1x1x16xf32> to vector<16xf32>
        %add3A_857 = arith.constant 32 : i32
        %add3A_858 = arith.addi %mul3A_827, %add3A_857 : i32
        %swap3A_859 = arith.index_cast %add3A_858 : i32 to index
        %swap3A_860 = tpu.vector_load %arg10[%swap3A_859] {strides = array<i32>} : memref<8592xf32, #tpu.memory_space<vmem>>, vector<16xf32>,
        %swap3A_861 = vector.shape_cast %swap3A_860 : vector<16xf32> to vector<16xf32>
        %swap3A_862 = vector.shape_cast %get3A_856 : vector<16xf32> to vector<16xf32>
        tpu.vector_store %arg10[%swap3A_859], %swap3A_862 {strides = array<i32>} : memref<8592xf32, #tpu.memory_space<vmem>>, vector<16xf32>,
        %get3A_863 = arith.constant 1 : i32
        %get3A_864 = arith.index_cast %get3A_863 : i32 to index
        %get3A_865 = arith.index_cast %add3A_825 : i32 to index
        %get3A_866 = arith.constant 48 : index
        %get3A_867 = tpu.vector_load %arg8[%get3A_864, %get3A_865, %get3A_866] {strides = array<i32>} : memref<2x128x128xf32, #tpu.memory_space<vmem>>, vector<1x1x16xf32>,
        %get3A_868 = vector.shape_cast %get3A_867 : vector<1x1x16xf32> to vector<16xf32>
        %add3A_869 = arith.constant 48 : i32
        %add3A_870 = arith.addi %mul3A_827, %add3A_869 : i32
        %swap3A_871 = arith.index_cast %add3A_870 : i32 to index
        %swap3A_872 = tpu.vector_load %arg10[%swap3A_871] {strides = array<i32>} : memref<8592xf32, #tpu.memory_space<vmem>>, vector<16xf32>,
        %swap3A_873 = vector.shape_cast %swap3A_872 : vector<16xf32> to vector<16xf32>
        %swap3A_874 = vector.shape_cast %get3A_868 : vector<16xf32> to vector<16xf32>
        tpu.vector_store %arg10[%swap3A_871], %swap3A_874 {strides = array<i32>} : memref<8592xf32, #tpu.memory_space<vmem>>, vector<16xf32>,
        %get3A_875 = arith.constant 1 : i32
        %get3A_876 = arith.index_cast %get3A_875 : i32 to index
        %get3A_877 = arith.index_cast %add3A_825 : i32 to index
        %get3A_878 = arith.constant 64 : index
        %get3A_879 = tpu.vector_load %arg8[%get3A_876, %get3A_877, %get3A_878] {strides = array<i32>} : memref<2x128x128xf32, #tpu.memory_space<vmem>>, vector<1x1x16xf32>,
        %get3A_880 = vector.shape_cast %get3A_879 : vector<1x1x16xf32> to vector<16xf32>
        %add3A_881 = arith.constant 64 : i32
        %add3A_882 = arith.addi %mul3A_827, %add3A_881 : i32
        %swap3A_883 = arith.index_cast %add3A_882 : i32 to index
        %swap3A_884 = tpu.vector_load %arg10[%swap3A_883] {strides = array<i32>} : memref<8592xf32, #tpu.memory_space<vmem>>, vector<16xf32>,
        %swap3A_885 = vector.shape_cast %swap3A_884 : vector<16xf32> to vector<16xf32>
        %swap3A_886 = vector.shape_cast %get3A_880 : vector<16xf32> to vector<16xf32>
        tpu.vector_store %arg10[%swap3A_883], %swap3A_886 {strides = array<i32>} : memref<8592xf32, #tpu.memory_space<vmem>>, vector<16xf32>,
        %mul3A_887 = arith.constant 3 : i32
        %mul3A_888 = arith.muli %add3A_825, %mul3A_887 : i32
        %swap3A_889 = arith.index_cast %mul3A_888 : i32 to index
        %swap3A_890 = tpu.vector_load %arg11[%swap3A_889] {strides = array<i32>} : memref<400xf32, #tpu.memory_space<vmem>>, vector<16xf32>,
        %swap3A_891 = vector.shape_cast %swap3A_890 : vector<16xf32> to vector<16xf32>
        %swap3A_892 = vector.shape_cast %sub3A_834 : vector<16xf32> to vector<16xf32>
        tpu.vector_store %arg11[%swap3A_889], %swap3A_892 {strides = array<i32>} : memref<400xf32, #tpu.memory_space<vmem>>, vector<16xf32>,
        %mul3A_893 = arith.constant 16 : i32
        %mul3A_894 = arith.muli %scan3A_109, %mul3A_893 : i32
        %add3A_895 = arith.constant 11 : i32
        %add3A_896 = arith.addi %mul3A_894, %add3A_895 : i32
        %mul3A_897 = arith.constant 67 : i32
        %mul3A_898 = arith.muli %add3A_896, %mul3A_897 : i32
        %get3A_899 = arith.constant 1 : i32
        %get3A_900 = arith.index_cast %get3A_899 : i32 to index
        %get3A_901 = arith.index_cast %add3A_896 : i32 to index
        %get3A_902 = arith.constant 0 : index
        %get3A_903 = tpu.vector_load %arg8[%get3A_900, %get3A_901, %get3A_902] {strides = array<i32>} : memref<2x128x128xf32, #tpu.memory_space<vmem>>, vector<1x1x16xf32>,
        %get3A_904 = vector.shape_cast %get3A_903 : vector<1x1x16xf32> to vector<16xf32>
        %sub3A_905 = arith.subf %get3A_904, %get3A_113 : vector<16xf32>
        %swap3A_906 = arith.index_cast %mul3A_898 : i32 to index
        %swap3A_907 = tpu.vector_load %arg10[%swap3A_906] {strides = array<i32>} : memref<8592xf32, #tpu.memory_space<vmem>>, vector<16xf32>,
        %swap3A_908 = vector.shape_cast %swap3A_907 : vector<16xf32> to vector<16xf32>
        %swap3A_909 = vector.shape_cast %sub3A_905 : vector<16xf32> to vector<16xf32>
        tpu.vector_store %arg10[%swap3A_906], %swap3A_909 {strides = array<i32>} : memref<8592xf32, #tpu.memory_space<vmem>>, vector<16xf32>,
        %get3A_910 = arith.constant 1 : i32
        %get3A_911 = arith.index_cast %get3A_910 : i32 to index
        %get3A_912 = arith.index_cast %add3A_896 : i32 to index
        %get3A_913 = arith.constant 16 : index
        %get3A_914 = tpu.vector_load %arg8[%get3A_911, %get3A_912, %get3A_913] {strides = array<i32>} : memref<2x128x128xf32, #tpu.memory_space<vmem>>, vector<1x1x16xf32>,
        %get3A_915 = vector.shape_cast %get3A_914 : vector<1x1x16xf32> to vector<16xf32>
        %add3A_916 = arith.constant 16 : i32
        %add3A_917 = arith.addi %mul3A_898, %add3A_916 : i32
        %swap3A_918 = arith.index_cast %add3A_917 : i32 to index
        %swap3A_919 = tpu.vector_load %arg10[%swap3A_918] {strides = array<i32>} : memref<8592xf32, #tpu.memory_space<vmem>>, vector<16xf32>,
        %swap3A_920 = vector.shape_cast %swap3A_919 : vector<16xf32> to vector<16xf32>
        %swap3A_921 = vector.shape_cast %get3A_915 : vector<16xf32> to vector<16xf32>
        tpu.vector_store %arg10[%swap3A_918], %swap3A_921 {strides = array<i32>} : memref<8592xf32, #tpu.memory_space<vmem>>, vector<16xf32>,
        %get3A_922 = arith.constant 1 : i32
        %get3A_923 = arith.index_cast %get3A_922 : i32 to index
        %get3A_924 = arith.index_cast %add3A_896 : i32 to index
        %get3A_925 = arith.constant 32 : index
        %get3A_926 = tpu.vector_load %arg8[%get3A_923, %get3A_924, %get3A_925] {strides = array<i32>} : memref<2x128x128xf32, #tpu.memory_space<vmem>>, vector<1x1x16xf32>,
        %get3A_927 = vector.shape_cast %get3A_926 : vector<1x1x16xf32> to vector<16xf32>
        %add3A_928 = arith.constant 32 : i32
        %add3A_929 = arith.addi %mul3A_898, %add3A_928 : i32
        %swap3A_930 = arith.index_cast %add3A_929 : i32 to index
        %swap3A_931 = tpu.vector_load %arg10[%swap3A_930] {strides = array<i32>} : memref<8592xf32, #tpu.memory_space<vmem>>, vector<16xf32>,
        %swap3A_932 = vector.shape_cast %swap3A_931 : vector<16xf32> to vector<16xf32>
        %swap3A_933 = vector.shape_cast %get3A_927 : vector<16xf32> to vector<16xf32>
        tpu.vector_store %arg10[%swap3A_930], %swap3A_933 {strides = array<i32>} : memref<8592xf32, #tpu.memory_space<vmem>>, vector<16xf32>,
        %get3A_934 = arith.constant 1 : i32
        %get3A_935 = arith.index_cast %get3A_934 : i32 to index
        %get3A_936 = arith.index_cast %add3A_896 : i32 to index
        %get3A_937 = arith.constant 48 : index
        %get3A_938 = tpu.vector_load %arg8[%get3A_935, %get3A_936, %get3A_937] {strides = array<i32>} : memref<2x128x128xf32, #tpu.memory_space<vmem>>, vector<1x1x16xf32>,
        %get3A_939 = vector.shape_cast %get3A_938 : vector<1x1x16xf32> to vector<16xf32>
        %add3A_940 = arith.constant 48 : i32
        %add3A_941 = arith.addi %mul3A_898, %add3A_940 : i32
        %swap3A_942 = arith.index_cast %add3A_941 : i32 to index
        %swap3A_943 = tpu.vector_load %arg10[%swap3A_942] {strides = array<i32>} : memref<8592xf32, #tpu.memory_space<vmem>>, vector<16xf32>,
        %swap3A_944 = vector.shape_cast %swap3A_943 : vector<16xf32> to vector<16xf32>
        %swap3A_945 = vector.shape_cast %get3A_939 : vector<16xf32> to vector<16xf32>
        tpu.vector_store %arg10[%swap3A_942], %swap3A_945 {strides = array<i32>} : memref<8592xf32, #tpu.memory_space<vmem>>, vector<16xf32>,
        %get3A_946 = arith.constant 1 : i32
        %get3A_947 = arith.index_cast %get3A_946 : i32 to index
        %get3A_948 = arith.index_cast %add3A_896 : i32 to index
        %get3A_949 = arith.constant 64 : index
        %get3A_950 = tpu.vector_load %arg8[%get3A_947, %get3A_948, %get3A_949] {strides = array<i32>} : memref<2x128x128xf32, #tpu.memory_space<vmem>>, vector<1x1x16xf32>,
        %get3A_951 = vector.shape_cast %get3A_950 : vector<1x1x16xf32> to vector<16xf32>
        %add3A_952 = arith.constant 64 : i32
        %add3A_953 = arith.addi %mul3A_898, %add3A_952 : i32
        %swap3A_954 = arith.index_cast %add3A_953 : i32 to index
        %swap3A_955 = tpu.vector_load %arg10[%swap3A_954] {strides = array<i32>} : memref<8592xf32, #tpu.memory_space<vmem>>, vector<16xf32>,
        %swap3A_956 = vector.shape_cast %swap3A_955 : vector<16xf32> to vector<16xf32>
        %swap3A_957 = vector.shape_cast %get3A_951 : vector<16xf32> to vector<16xf32>
        tpu.vector_store %arg10[%swap3A_954], %swap3A_957 {strides = array<i32>} : memref<8592xf32, #tpu.memory_space<vmem>>, vector<16xf32>,
        %mul3A_958 = arith.constant 3 : i32
        %mul3A_959 = arith.muli %add3A_896, %mul3A_958 : i32
        %swap3A_960 = arith.index_cast %mul3A_959 : i32 to index
        %swap3A_961 = tpu.vector_load %arg11[%swap3A_960] {strides = array<i32>} : memref<400xf32, #tpu.memory_space<vmem>>, vector<16xf32>,
        %swap3A_962 = vector.shape_cast %swap3A_961 : vector<16xf32> to vector<16xf32>
        %swap3A_963 = vector.shape_cast %sub3A_905 : vector<16xf32> to vector<16xf32>
        tpu.vector_store %arg11[%swap3A_960], %swap3A_963 {strides = array<i32>} : memref<400xf32, #tpu.memory_space<vmem>>, vector<16xf32>,
        %mul3A_964 = arith.constant 16 : i32
        %mul3A_965 = arith.muli %scan3A_109, %mul3A_964 : i32
        %add3A_966 = arith.constant 12 : i32
        %add3A_967 = arith.addi %mul3A_965, %add3A_966 : i32
        %mul3A_968 = arith.constant 67 : i32
        %mul3A_969 = arith.muli %add3A_967, %mul3A_968 : i32
        %get3A_970 = arith.constant 1 : i32
        %get3A_971 = arith.index_cast %get3A_970 : i32 to index
        %get3A_972 = arith.index_cast %add3A_967 : i32 to index
        %get3A_973 = arith.constant 0 : index
        %get3A_974 = tpu.vector_load %arg8[%get3A_971, %get3A_972, %get3A_973] {strides = array<i32>} : memref<2x128x128xf32, #tpu.memory_space<vmem>>, vector<1x1x16xf32>,
        %get3A_975 = vector.shape_cast %get3A_974 : vector<1x1x16xf32> to vector<16xf32>
        %sub3A_976 = arith.subf %get3A_975, %get3A_113 : vector<16xf32>
        %swap3A_977 = arith.index_cast %mul3A_969 : i32 to index
        %swap3A_978 = tpu.vector_load %arg10[%swap3A_977] {strides = array<i32>} : memref<8592xf32, #tpu.memory_space<vmem>>, vector<16xf32>,
        %swap3A_979 = vector.shape_cast %swap3A_978 : vector<16xf32> to vector<16xf32>
        %swap3A_980 = vector.shape_cast %sub3A_976 : vector<16xf32> to vector<16xf32>
        tpu.vector_store %arg10[%swap3A_977], %swap3A_980 {strides = array<i32>} : memref<8592xf32, #tpu.memory_space<vmem>>, vector<16xf32>,
        %get3A_981 = arith.constant 1 : i32
        %get3A_982 = arith.index_cast %get3A_981 : i32 to index
        %get3A_983 = arith.index_cast %add3A_967 : i32 to index
        %get3A_984 = arith.constant 16 : index
        %get3A_985 = tpu.vector_load %arg8[%get3A_982, %get3A_983, %get3A_984] {strides = array<i32>} : memref<2x128x128xf32, #tpu.memory_space<vmem>>, vector<1x1x16xf32>,
        %get3A_986 = vector.shape_cast %get3A_985 : vector<1x1x16xf32> to vector<16xf32>
        %add3A_987 = arith.constant 16 : i32
        %add3A_988 = arith.addi %mul3A_969, %add3A_987 : i32
        %swap3A_989 = arith.index_cast %add3A_988 : i32 to index
        %swap3A_990 = tpu.vector_load %arg10[%swap3A_989] {strides = array<i32>} : memref<8592xf32, #tpu.memory_space<vmem>>, vector<16xf32>,
        %swap3A_991 = vector.shape_cast %swap3A_990 : vector<16xf32> to vector<16xf32>
        %swap3A_992 = vector.shape_cast %get3A_986 : vector<16xf32> to vector<16xf32>
        tpu.vector_store %arg10[%swap3A_989], %swap3A_992 {strides = array<i32>} : memref<8592xf32, #tpu.memory_space<vmem>>, vector<16xf32>,
        %get3A_993 = arith.constant 1 : i32
        %get3A_994 = arith.index_cast %get3A_993 : i32 to index
        %get3A_995 = arith.index_cast %add3A_967 : i32 to index
        %get3A_996 = arith.constant 32 : index
        %get3A_997 = tpu.vector_load %arg8[%get3A_994, %get3A_995, %get3A_996] {strides = array<i32>} : memref<2x128x128xf32, #tpu.memory_space<vmem>>, vector<1x1x16xf32>,
        %get3A_998 = vector.shape_cast %get3A_997 : vector<1x1x16xf32> to vector<16xf32>
        %add3A_999 = arith.constant 32 : i32
        %add3A_1000 = arith.addi %mul3A_969, %add3A_999 : i32
        %swap3A_1001 = arith.index_cast %add3A_1000 : i32 to index
        %swap3A_1002 = tpu.vector_load %arg10[%swap3A_1001] {strides = array<i32>} : memref<8592xf32, #tpu.memory_space<vmem>>, vector<16xf32>,
        %swap3A_1003 = vector.shape_cast %swap3A_1002 : vector<16xf32> to vector<16xf32>
        %swap3A_1004 = vector.shape_cast %get3A_998 : vector<16xf32> to vector<16xf32>
        tpu.vector_store %arg10[%swap3A_1001], %swap3A_1004 {strides = array<i32>} : memref<8592xf32, #tpu.memory_space<vmem>>, vector<16xf32>,
        %get3A_1005 = arith.constant 1 : i32
        %get3A_1006 = arith.index_cast %get3A_1005 : i32 to index
        %get3A_1007 = arith.index_cast %add3A_967 : i32 to index
        %get3A_1008 = arith.constant 48 : index
        %get3A_1009 = tpu.vector_load %arg8[%get3A_1006, %get3A_1007, %get3A_1008] {strides = array<i32>} : memref<2x128x128xf32, #tpu.memory_space<vmem>>, vector<1x1x16xf32>,
        %get3A_1010 = vector.shape_cast %get3A_1009 : vector<1x1x16xf32> to vector<16xf32>
        %add3A_1011 = arith.constant 48 : i32
        %add3A_1012 = arith.addi %mul3A_969, %add3A_1011 : i32
        %swap3A_1013 = arith.index_cast %add3A_1012 : i32 to index
        %swap3A_1014 = tpu.vector_load %arg10[%swap3A_1013] {strides = array<i32>} : memref<8592xf32, #tpu.memory_space<vmem>>, vector<16xf32>,
        %swap3A_1015 = vector.shape_cast %swap3A_1014 : vector<16xf32> to vector<16xf32>
        %swap3A_1016 = vector.shape_cast %get3A_1010 : vector<16xf32> to vector<16xf32>
        tpu.vector_store %arg10[%swap3A_1013], %swap3A_1016 {strides = array<i32>} : memref<8592xf32, #tpu.memory_space<vmem>>, vector<16xf32>,
        %get3A_1017 = arith.constant 1 : i32
        %get3A_1018 = arith.index_cast %get3A_1017 : i32 to index
        %get3A_1019 = arith.index_cast %add3A_967 : i32 to index
        %get3A_1020 = arith.constant 64 : index
        %get3A_1021 = tpu.vector_load %arg8[%get3A_1018, %get3A_1019, %get3A_1020] {strides = array<i32>} : memref<2x128x128xf32, #tpu.memory_space<vmem>>, vector<1x1x16xf32>,
        %get3A_1022 = vector.shape_cast %get3A_1021 : vector<1x1x16xf32> to vector<16xf32>
        %add3A_1023 = arith.constant 64 : i32
        %add3A_1024 = arith.addi %mul3A_969, %add3A_1023 : i32
        %swap3A_1025 = arith.index_cast %add3A_1024 : i32 to index
        %swap3A_1026 = tpu.vector_load %arg10[%swap3A_1025] {strides = array<i32>} : memref<8592xf32, #tpu.memory_space<vmem>>, vector<16xf32>,
        %swap3A_1027 = vector.shape_cast %swap3A_1026 : vector<16xf32> to vector<16xf32>
        %swap3A_1028 = vector.shape_cast %get3A_1022 : vector<16xf32> to vector<16xf32>
        tpu.vector_store %arg10[%swap3A_1025], %swap3A_1028 {strides = array<i32>} : memref<8592xf32, #tpu.memory_space<vmem>>, vector<16xf32>,
        %mul3A_1029 = arith.constant 3 : i32
        %mul3A_1030 = arith.muli %add3A_967, %mul3A_1029 : i32
        %swap3A_1031 = arith.index_cast %mul3A_1030 : i32 to index
        %swap3A_1032 = tpu.vector_load %arg11[%swap3A_1031] {strides = array<i32>} : memref<400xf32, #tpu.memory_space<vmem>>, vector<16xf32>,
        %swap3A_1033 = vector.shape_cast %swap3A_1032 : vector<16xf32> to vector<16xf32>
        %swap3A_1034 = vector.shape_cast %sub3A_976 : vector<16xf32> to vector<16xf32>
        tpu.vector_store %arg11[%swap3A_1031], %swap3A_1034 {strides = array<i32>} : memref<400xf32, #tpu.memory_space<vmem>>, vector<16xf32>,
        %mul3A_1035 = arith.constant 16 : i32
        %mul3A_1036 = arith.muli %scan3A_109, %mul3A_1035 : i32
        %add3A_1037 = arith.constant 13 : i32
        %add3A_1038 = arith.addi %mul3A_1036, %add3A_1037 : i32
        %mul3A_1039 = arith.constant 67 : i32
        %mul3A_1040 = arith.muli %add3A_1038, %mul3A_1039 : i32
        %get3A_1041 = arith.constant 1 : i32
        %get3A_1042 = arith.index_cast %get3A_1041 : i32 to index
        %get3A_1043 = arith.index_cast %add3A_1038 : i32 to index
        %get3A_1044 = arith.constant 0 : index
        %get3A_1045 = tpu.vector_load %arg8[%get3A_1042, %get3A_1043, %get3A_1044] {strides = array<i32>} : memref<2x128x128xf32, #tpu.memory_space<vmem>>, vector<1x1x16xf32>,
        %get3A_1046 = vector.shape_cast %get3A_1045 : vector<1x1x16xf32> to vector<16xf32>
        %sub3A_1047 = arith.subf %get3A_1046, %get3A_113 : vector<16xf32>
        %swap3A_1048 = arith.index_cast %mul3A_1040 : i32 to index
        %swap3A_1049 = tpu.vector_load %arg10[%swap3A_1048] {strides = array<i32>} : memref<8592xf32, #tpu.memory_space<vmem>>, vector<16xf32>,
        %swap3A_1050 = vector.shape_cast %swap3A_1049 : vector<16xf32> to vector<16xf32>
        %swap3A_1051 = vector.shape_cast %sub3A_1047 : vector<16xf32> to vector<16xf32>
        tpu.vector_store %arg10[%swap3A_1048], %swap3A_1051 {strides = array<i32>} : memref<8592xf32, #tpu.memory_space<vmem>>, vector<16xf32>,
        %get3A_1052 = arith.constant 1 : i32
        %get3A_1053 = arith.index_cast %get3A_1052 : i32 to index
        %get3A_1054 = arith.index_cast %add3A_1038 : i32 to index
        %get3A_1055 = arith.constant 16 : index
        %get3A_1056 = tpu.vector_load %arg8[%get3A_1053, %get3A_1054, %get3A_1055] {strides = array<i32>} : memref<2x128x128xf32, #tpu.memory_space<vmem>>, vector<1x1x16xf32>,
        %get3A_1057 = vector.shape_cast %get3A_1056 : vector<1x1x16xf32> to vector<16xf32>
        %add3A_1058 = arith.constant 16 : i32
        %add3A_1059 = arith.addi %mul3A_1040, %add3A_1058 : i32
        %swap3A_1060 = arith.index_cast %add3A_1059 : i32 to index
        %swap3A_1061 = tpu.vector_load %arg10[%swap3A_1060] {strides = array<i32>} : memref<8592xf32, #tpu.memory_space<vmem>>, vector<16xf32>,
        %swap3A_1062 = vector.shape_cast %swap3A_1061 : vector<16xf32> to vector<16xf32>
        %swap3A_1063 = vector.shape_cast %get3A_1057 : vector<16xf32> to vector<16xf32>
        tpu.vector_store %arg10[%swap3A_1060], %swap3A_1063 {strides = array<i32>} : memref<8592xf32, #tpu.memory_space<vmem>>, vector<16xf32>,
        %get3A_1064 = arith.constant 1 : i32
        %get3A_1065 = arith.index_cast %get3A_1064 : i32 to index
        %get3A_1066 = arith.index_cast %add3A_1038 : i32 to index
        %get3A_1067 = arith.constant 32 : index
        %get3A_1068 = tpu.vector_load %arg8[%get3A_1065, %get3A_1066, %get3A_1067] {strides = array<i32>} : memref<2x128x128xf32, #tpu.memory_space<vmem>>, vector<1x1x16xf32>,
        %get3A_1069 = vector.shape_cast %get3A_1068 : vector<1x1x16xf32> to vector<16xf32>
        %add3A_1070 = arith.constant 32 : i32
        %add3A_1071 = arith.addi %mul3A_1040, %add3A_1070 : i32
        %swap3A_1072 = arith.index_cast %add3A_1071 : i32 to index
        %swap3A_1073 = tpu.vector_load %arg10[%swap3A_1072] {strides = array<i32>} : memref<8592xf32, #tpu.memory_space<vmem>>, vector<16xf32>,
        %swap3A_1074 = vector.shape_cast %swap3A_1073 : vector<16xf32> to vector<16xf32>
        %swap3A_1075 = vector.shape_cast %get3A_1069 : vector<16xf32> to vector<16xf32>
        tpu.vector_store %arg10[%swap3A_1072], %swap3A_1075 {strides = array<i32>} : memref<8592xf32, #tpu.memory_space<vmem>>, vector<16xf32>,
        %get3A_1076 = arith.constant 1 : i32
        %get3A_1077 = arith.index_cast %get3A_1076 : i32 to index
        %get3A_1078 = arith.index_cast %add3A_1038 : i32 to index
        %get3A_1079 = arith.constant 48 : index
        %get3A_1080 = tpu.vector_load %arg8[%get3A_1077, %get3A_1078, %get3A_1079] {strides = array<i32>} : memref<2x128x128xf32, #tpu.memory_space<vmem>>, vector<1x1x16xf32>,
        %get3A_1081 = vector.shape_cast %get3A_1080 : vector<1x1x16xf32> to vector<16xf32>
        %add3A_1082 = arith.constant 48 : i32
        %add3A_1083 = arith.addi %mul3A_1040, %add3A_1082 : i32
        %swap3A_1084 = arith.index_cast %add3A_1083 : i32 to index
        %swap3A_1085 = tpu.vector_load %arg10[%swap3A_1084] {strides = array<i32>} : memref<8592xf32, #tpu.memory_space<vmem>>, vector<16xf32>,
        %swap3A_1086 = vector.shape_cast %swap3A_1085 : vector<16xf32> to vector<16xf32>
        %swap3A_1087 = vector.shape_cast %get3A_1081 : vector<16xf32> to vector<16xf32>
        tpu.vector_store %arg10[%swap3A_1084], %swap3A_1087 {strides = array<i32>} : memref<8592xf32, #tpu.memory_space<vmem>>, vector<16xf32>,
        %get3A_1088 = arith.constant 1 : i32
        %get3A_1089 = arith.index_cast %get3A_1088 : i32 to index
        %get3A_1090 = arith.index_cast %add3A_1038 : i32 to index
        %get3A_1091 = arith.constant 64 : index
        %get3A_1092 = tpu.vector_load %arg8[%get3A_1089, %get3A_1090, %get3A_1091] {strides = array<i32>} : memref<2x128x128xf32, #tpu.memory_space<vmem>>, vector<1x1x16xf32>,
        %get3A_1093 = vector.shape_cast %get3A_1092 : vector<1x1x16xf32> to vector<16xf32>
        %add3A_1094 = arith.constant 64 : i32
        %add3A_1095 = arith.addi %mul3A_1040, %add3A_1094 : i32
        %swap3A_1096 = arith.index_cast %add3A_1095 : i32 to index
        %swap3A_1097 = tpu.vector_load %arg10[%swap3A_1096] {strides = array<i32>} : memref<8592xf32, #tpu.memory_space<vmem>>, vector<16xf32>,
        %swap3A_1098 = vector.shape_cast %swap3A_1097 : vector<16xf32> to vector<16xf32>
        %swap3A_1099 = vector.shape_cast %get3A_1093 : vector<16xf32> to vector<16xf32>
        tpu.vector_store %arg10[%swap3A_1096], %swap3A_1099 {strides = array<i32>} : memref<8592xf32, #tpu.memory_space<vmem>>, vector<16xf32>,
        %mul3A_1100 = arith.constant 3 : i32
        %mul3A_1101 = arith.muli %add3A_1038, %mul3A_1100 : i32
        %swap3A_1102 = arith.index_cast %mul3A_1101 : i32 to index
        %swap3A_1103 = tpu.vector_load %arg11[%swap3A_1102] {strides = array<i32>} : memref<400xf32, #tpu.memory_space<vmem>>, vector<16xf32>,
        %swap3A_1104 = vector.shape_cast %swap3A_1103 : vector<16xf32> to vector<16xf32>
        %swap3A_1105 = vector.shape_cast %sub3A_1047 : vector<16xf32> to vector<16xf32>
        tpu.vector_store %arg11[%swap3A_1102], %swap3A_1105 {strides = array<i32>} : memref<400xf32, #tpu.memory_space<vmem>>, vector<16xf32>,
        %mul3A_1106 = arith.constant 16 : i32
        %mul3A_1107 = arith.muli %scan3A_109, %mul3A_1106 : i32
        %add3A_1108 = arith.constant 14 : i32
        %add3A_1109 = arith.addi %mul3A_1107, %add3A_1108 : i32
        %mul3A_1110 = arith.constant 67 : i32
        %mul3A_1111 = arith.muli %add3A_1109, %mul3A_1110 : i32
        %get3A_1112 = arith.constant 1 : i32
        %get3A_1113 = arith.index_cast %get3A_1112 : i32 to index
        %get3A_1114 = arith.index_cast %add3A_1109 : i32 to index
        %get3A_1115 = arith.constant 0 : index
        %get3A_1116 = tpu.vector_load %arg8[%get3A_1113, %get3A_1114, %get3A_1115] {strides = array<i32>} : memref<2x128x128xf32, #tpu.memory_space<vmem>>, vector<1x1x16xf32>,
        %get3A_1117 = vector.shape_cast %get3A_1116 : vector<1x1x16xf32> to vector<16xf32>
        %sub3A_1118 = arith.subf %get3A_1117, %get3A_113 : vector<16xf32>
        %swap3A_1119 = arith.index_cast %mul3A_1111 : i32 to index
        %swap3A_1120 = tpu.vector_load %arg10[%swap3A_1119] {strides = array<i32>} : memref<8592xf32, #tpu.memory_space<vmem>>, vector<16xf32>,
        %swap3A_1121 = vector.shape_cast %swap3A_1120 : vector<16xf32> to vector<16xf32>
        %swap3A_1122 = vector.shape_cast %sub3A_1118 : vector<16xf32> to vector<16xf32>
        tpu.vector_store %arg10[%swap3A_1119], %swap3A_1122 {strides = array<i32>} : memref<8592xf32, #tpu.memory_space<vmem>>, vector<16xf32>,
        %get3A_1123 = arith.constant 1 : i32
        %get3A_1124 = arith.index_cast %get3A_1123 : i32 to index
        %get3A_1125 = arith.index_cast %add3A_1109 : i32 to index
        %get3A_1126 = arith.constant 16 : index
        %get3A_1127 = tpu.vector_load %arg8[%get3A_1124, %get3A_1125, %get3A_1126] {strides = array<i32>} : memref<2x128x128xf32, #tpu.memory_space<vmem>>, vector<1x1x16xf32>,
        %get3A_1128 = vector.shape_cast %get3A_1127 : vector<1x1x16xf32> to vector<16xf32>
        %add3A_1129 = arith.constant 16 : i32
        %add3A_1130 = arith.addi %mul3A_1111, %add3A_1129 : i32
        %swap3A_1131 = arith.index_cast %add3A_1130 : i32 to index
        %swap3A_1132 = tpu.vector_load %arg10[%swap3A_1131] {strides = array<i32>} : memref<8592xf32, #tpu.memory_space<vmem>>, vector<16xf32>,
        %swap3A_1133 = vector.shape_cast %swap3A_1132 : vector<16xf32> to vector<16xf32>
        %swap3A_1134 = vector.shape_cast %get3A_1128 : vector<16xf32> to vector<16xf32>
        tpu.vector_store %arg10[%swap3A_1131], %swap3A_1134 {strides = array<i32>} : memref<8592xf32, #tpu.memory_space<vmem>>, vector<16xf32>,
        %get3A_1135 = arith.constant 1 : i32
        %get3A_1136 = arith.index_cast %get3A_1135 : i32 to index
        %get3A_1137 = arith.index_cast %add3A_1109 : i32 to index
        %get3A_1138 = arith.constant 32 : index
        %get3A_1139 = tpu.vector_load %arg8[%get3A_1136, %get3A_1137, %get3A_1138] {strides = array<i32>} : memref<2x128x128xf32, #tpu.memory_space<vmem>>, vector<1x1x16xf32>,
        %get3A_1140 = vector.shape_cast %get3A_1139 : vector<1x1x16xf32> to vector<16xf32>
        %add3A_1141 = arith.constant 32 : i32
        %add3A_1142 = arith.addi %mul3A_1111, %add3A_1141 : i32
        %swap3A_1143 = arith.index_cast %add3A_1142 : i32 to index
        %swap3A_1144 = tpu.vector_load %arg10[%swap3A_1143] {strides = array<i32>} : memref<8592xf32, #tpu.memory_space<vmem>>, vector<16xf32>,
        %swap3A_1145 = vector.shape_cast %swap3A_1144 : vector<16xf32> to vector<16xf32>
        %swap3A_1146 = vector.shape_cast %get3A_1140 : vector<16xf32> to vector<16xf32>
        tpu.vector_store %arg10[%swap3A_1143], %swap3A_1146 {strides = array<i32>} : memref<8592xf32, #tpu.memory_space<vmem>>, vector<16xf32>,
        %get3A_1147 = arith.constant 1 : i32
        %get3A_1148 = arith.index_cast %get3A_1147 : i32 to index
        %get3A_1149 = arith.index_cast %add3A_1109 : i32 to index
        %get3A_1150 = arith.constant 48 : index
        %get3A_1151 = tpu.vector_load %arg8[%get3A_1148, %get3A_1149, %get3A_1150] {strides = array<i32>} : memref<2x128x128xf32, #tpu.memory_space<vmem>>, vector<1x1x16xf32>,
        %get3A_1152 = vector.shape_cast %get3A_1151 : vector<1x1x16xf32> to vector<16xf32>
        %add3A_1153 = arith.constant 48 : i32
        %add3A_1154 = arith.addi %mul3A_1111, %add3A_1153 : i32
        %swap3A_1155 = arith.index_cast %add3A_1154 : i32 to index
        %swap3A_1156 = tpu.vector_load %arg10[%swap3A_1155] {strides = array<i32>} : memref<8592xf32, #tpu.memory_space<vmem>>, vector<16xf32>,
        %swap3A_1157 = vector.shape_cast %swap3A_1156 : vector<16xf32> to vector<16xf32>
        %swap3A_1158 = vector.shape_cast %get3A_1152 : vector<16xf32> to vector<16xf32>
        tpu.vector_store %arg10[%swap3A_1155], %swap3A_1158 {strides = array<i32>} : memref<8592xf32, #tpu.memory_space<vmem>>, vector<16xf32>,
        %get3A_1159 = arith.constant 1 : i32
        %get3A_1160 = arith.index_cast %get3A_1159 : i32 to index
        %get3A_1161 = arith.index_cast %add3A_1109 : i32 to index
        %get3A_1162 = arith.constant 64 : index
        %get3A_1163 = tpu.vector_load %arg8[%get3A_1160, %get3A_1161, %get3A_1162] {strides = array<i32>} : memref<2x128x128xf32, #tpu.memory_space<vmem>>, vector<1x1x16xf32>,
        %get3A_1164 = vector.shape_cast %get3A_1163 : vector<1x1x16xf32> to vector<16xf32>
        %add3A_1165 = arith.constant 64 : i32
        %add3A_1166 = arith.addi %mul3A_1111, %add3A_1165 : i32
        %swap3A_1167 = arith.index_cast %add3A_1166 : i32 to index
        %swap3A_1168 = tpu.vector_load %arg10[%swap3A_1167] {strides = array<i32>} : memref<8592xf32, #tpu.memory_space<vmem>>, vector<16xf32>,
        %swap3A_1169 = vector.shape_cast %swap3A_1168 : vector<16xf32> to vector<16xf32>
        %swap3A_1170 = vector.shape_cast %get3A_1164 : vector<16xf32> to vector<16xf32>
        tpu.vector_store %arg10[%swap3A_1167], %swap3A_1170 {strides = array<i32>} : memref<8592xf32, #tpu.memory_space<vmem>>, vector<16xf32>,
        %mul3A_1171 = arith.constant 3 : i32
        %mul3A_1172 = arith.muli %add3A_1109, %mul3A_1171 : i32
        %swap3A_1173 = arith.index_cast %mul3A_1172 : i32 to index
        %swap3A_1174 = tpu.vector_load %arg11[%swap3A_1173] {strides = array<i32>} : memref<400xf32, #tpu.memory_space<vmem>>, vector<16xf32>,
        %swap3A_1175 = vector.shape_cast %swap3A_1174 : vector<16xf32> to vector<16xf32>
        %swap3A_1176 = vector.shape_cast %sub3A_1118 : vector<16xf32> to vector<16xf32>
        tpu.vector_store %arg11[%swap3A_1173], %swap3A_1176 {strides = array<i32>} : memref<400xf32, #tpu.memory_space<vmem>>, vector<16xf32>,
        %mul3A_1177 = arith.constant 16 : i32
        %mul3A_1178 = arith.muli %scan3A_109, %mul3A_1177 : i32
        %add3A_1179 = arith.constant 15 : i32
        %add3A_1180 = arith.addi %mul3A_1178, %add3A_1179 : i32
        %mul3A_1181 = arith.constant 67 : i32
        %mul3A_1182 = arith.muli %add3A_1180, %mul3A_1181 : i32
        %get3A_1183 = arith.constant 1 : i32
        %get3A_1184 = arith.index_cast %get3A_1183 : i32 to index
        %get3A_1185 = arith.index_cast %add3A_1180 : i32 to index
        %get3A_1186 = arith.constant 0 : index
        %get3A_1187 = tpu.vector_load %arg8[%get3A_1184, %get3A_1185, %get3A_1186] {strides = array<i32>} : memref<2x128x128xf32, #tpu.memory_space<vmem>>, vector<1x1x16xf32>,
        %get3A_1188 = vector.shape_cast %get3A_1187 : vector<1x1x16xf32> to vector<16xf32>
        %sub3A_1189 = arith.subf %get3A_1188, %get3A_113 : vector<16xf32>
        %swap3A_1190 = arith.index_cast %mul3A_1182 : i32 to index
        %swap3A_1191 = tpu.vector_load %arg10[%swap3A_1190] {strides = array<i32>} : memref<8592xf32, #tpu.memory_space<vmem>>, vector<16xf32>,
        %swap3A_1192 = vector.shape_cast %swap3A_1191 : vector<16xf32> to vector<16xf32>
        %swap3A_1193 = vector.shape_cast %sub3A_1189 : vector<16xf32> to vector<16xf32>
        tpu.vector_store %arg10[%swap3A_1190], %swap3A_1193 {strides = array<i32>} : memref<8592xf32, #tpu.memory_space<vmem>>, vector<16xf32>,
        %get3A_1194 = arith.constant 1 : i32
        %get3A_1195 = arith.index_cast %get3A_1194 : i32 to index
        %get3A_1196 = arith.index_cast %add3A_1180 : i32 to index
        %get3A_1197 = arith.constant 16 : index
        %get3A_1198 = tpu.vector_load %arg8[%get3A_1195, %get3A_1196, %get3A_1197] {strides = array<i32>} : memref<2x128x128xf32, #tpu.memory_space<vmem>>, vector<1x1x16xf32>,
        %get3A_1199 = vector.shape_cast %get3A_1198 : vector<1x1x16xf32> to vector<16xf32>
        %add3A_1200 = arith.constant 16 : i32
        %add3A_1201 = arith.addi %mul3A_1182, %add3A_1200 : i32
        %swap3A_1202 = arith.index_cast %add3A_1201 : i32 to index
        %swap3A_1203 = tpu.vector_load %arg10[%swap3A_1202] {strides = array<i32>} : memref<8592xf32, #tpu.memory_space<vmem>>, vector<16xf32>,
        %swap3A_1204 = vector.shape_cast %swap3A_1203 : vector<16xf32> to vector<16xf32>
        %swap3A_1205 = vector.shape_cast %get3A_1199 : vector<16xf32> to vector<16xf32>
        tpu.vector_store %arg10[%swap3A_1202], %swap3A_1205 {strides = array<i32>} : memref<8592xf32, #tpu.memory_space<vmem>>, vector<16xf32>,
        %get3A_1206 = arith.constant 1 : i32
        %get3A_1207 = arith.index_cast %get3A_1206 : i32 to index
        %get3A_1208 = arith.index_cast %add3A_1180 : i32 to index
        %get3A_1209 = arith.constant 32 : index
        %get3A_1210 = tpu.vector_load %arg8[%get3A_1207, %get3A_1208, %get3A_1209] {strides = array<i32>} : memref<2x128x128xf32, #tpu.memory_space<vmem>>, vector<1x1x16xf32>,
        %get3A_1211 = vector.shape_cast %get3A_1210 : vector<1x1x16xf32> to vector<16xf32>
        %add3A_1212 = arith.constant 32 : i32
        %add3A_1213 = arith.addi %mul3A_1182, %add3A_1212 : i32
        %swap3A_1214 = arith.index_cast %add3A_1213 : i32 to index
        %swap3A_1215 = tpu.vector_load %arg10[%swap3A_1214] {strides = array<i32>} : memref<8592xf32, #tpu.memory_space<vmem>>, vector<16xf32>,
        %swap3A_1216 = vector.shape_cast %swap3A_1215 : vector<16xf32> to vector<16xf32>
        %swap3A_1217 = vector.shape_cast %get3A_1211 : vector<16xf32> to vector<16xf32>
        tpu.vector_store %arg10[%swap3A_1214], %swap3A_1217 {strides = array<i32>} : memref<8592xf32, #tpu.memory_space<vmem>>, vector<16xf32>,
        %get3A_1218 = arith.constant 1 : i32
        %get3A_1219 = arith.index_cast %get3A_1218 : i32 to index
        %get3A_1220 = arith.index_cast %add3A_1180 : i32 to index
        %get3A_1221 = arith.constant 48 : index
        %get3A_1222 = tpu.vector_load %arg8[%get3A_1219, %get3A_1220, %get3A_1221] {strides = array<i32>} : memref<2x128x128xf32, #tpu.memory_space<vmem>>, vector<1x1x16xf32>,
        %get3A_1223 = vector.shape_cast %get3A_1222 : vector<1x1x16xf32> to vector<16xf32>
        %add3A_1224 = arith.constant 48 : i32
        %add3A_1225 = arith.addi %mul3A_1182, %add3A_1224 : i32
        %swap3A_1226 = arith.index_cast %add3A_1225 : i32 to index
        %swap3A_1227 = tpu.vector_load %arg10[%swap3A_1226] {strides = array<i32>} : memref<8592xf32, #tpu.memory_space<vmem>>, vector<16xf32>,
        %swap3A_1228 = vector.shape_cast %swap3A_1227 : vector<16xf32> to vector<16xf32>
        %swap3A_1229 = vector.shape_cast %get3A_1223 : vector<16xf32> to vector<16xf32>
        tpu.vector_store %arg10[%swap3A_1226], %swap3A_1229 {strides = array<i32>} : memref<8592xf32, #tpu.memory_space<vmem>>, vector<16xf32>,
        %get3A_1230 = arith.constant 1 : i32
        %get3A_1231 = arith.index_cast %get3A_1230 : i32 to index
        %get3A_1232 = arith.index_cast %add3A_1180 : i32 to index
        %get3A_1233 = arith.constant 64 : index
        %get3A_1234 = tpu.vector_load %arg8[%get3A_1231, %get3A_1232, %get3A_1233] {strides = array<i32>} : memref<2x128x128xf32, #tpu.memory_space<vmem>>, vector<1x1x16xf32>,
        %get3A_1235 = vector.shape_cast %get3A_1234 : vector<1x1x16xf32> to vector<16xf32>
        %add3A_1236 = arith.constant 64 : i32
        %add3A_1237 = arith.addi %mul3A_1182, %add3A_1236 : i32
        %swap3A_1238 = arith.index_cast %add3A_1237 : i32 to index
        %swap3A_1239 = tpu.vector_load %arg10[%swap3A_1238] {strides = array<i32>} : memref<8592xf32, #tpu.memory_space<vmem>>, vector<16xf32>,
        %swap3A_1240 = vector.shape_cast %swap3A_1239 : vector<16xf32> to vector<16xf32>
        %swap3A_1241 = vector.shape_cast %get3A_1235 : vector<16xf32> to vector<16xf32>
        tpu.vector_store %arg10[%swap3A_1238], %swap3A_1241 {strides = array<i32>} : memref<8592xf32, #tpu.memory_space<vmem>>, vector<16xf32>,
        %mul3A_1242 = arith.constant 3 : i32
        %mul3A_1243 = arith.muli %add3A_1180, %mul3A_1242 : i32
        %swap3A_1244 = arith.index_cast %mul3A_1243 : i32 to index
        %swap3A_1245 = tpu.vector_load %arg11[%swap3A_1244] {strides = array<i32>} : memref<400xf32, #tpu.memory_space<vmem>>, vector<16xf32>,
        %swap3A_1246 = vector.shape_cast %swap3A_1245 : vector<16xf32> to vector<16xf32>
        %swap3A_1247 = vector.shape_cast %sub3A_1189 : vector<16xf32> to vector<16xf32>
        tpu.vector_store %arg11[%swap3A_1244], %swap3A_1247 {strides = array<i32>} : memref<400xf32, #tpu.memory_space<vmem>>, vector<16xf32>,
        %scan3A_1248 = arith.constant 0 : i32
        scf.yield %scan3A_1248 : i32
      }
      %scan3A_99 = arith.constant 8 : i32
      %mul3A_100 = arith.constant 16 : i32
      %mul3A_101 = arith.muli %add3A_92, %mul3A_100 : i32
      %mul3A_102 = arith.constant 67 : i32
      %mul3A_103 = arith.muli %mul3A_101, %mul3A_102 : i32
      "tpu.region"() ({
        %run_scoped3A_109 = tpu.sem_alloc : memref<!tpu.dma_semaphore, #tpu.memory_space<semaphore_mem>>
        %dma_start3A_110 = arith.constant 0 : i32
        %dma_start3A_111 = tpu.memref_slice %arg10[%dma_start3A_110] : memref<8592xf32, #tpu.memory_space<vmem>> -> memref<8576xf32, #tpu.memory_space<vmem>>
        %dma_start3A_112 = tpu.memref_slice %arg5[%mul3A_103] : memref<17563648xf32, #tpu.memory_space<hbm>> -> memref<8576xf32, #tpu.memory_space<hbm>>
        %dma_start3A_113 = tpu.memref_slice %arg5[%mul3A_103] : memref<17563648xf32, #tpu.memory_space<hbm>> -> memref<8576xf32, #tpu.memory_space<hbm>>
        %dma_start3A_114 = arith.constant 0 : i32
        %dma_start3A_115 = tpu.memref_slice %arg10[%dma_start3A_114] : memref<8592xf32, #tpu.memory_space<vmem>> -> memref<8576xf32, #tpu.memory_space<vmem>>
        tpu.enqueue_dma source(%dma_start3A_115 : memref<8576xf32, #tpu.memory_space<vmem>>) target(%dma_start3A_113 : memref<8576xf32, #tpu.memory_space<hbm>>) target_semaphore(%run_scoped3A_109 : memref<!tpu.dma_semaphore, #tpu.memory_space<semaphore_mem>>)
        %dma_wait3A_116 = arith.constant 0 : i32
        %dma_wait3A_117 = tpu.memref_slice %arg10[%dma_wait3A_116] : memref<8592xf32, #tpu.memory_space<vmem>> -> memref<8576xf32, #tpu.memory_space<vmem>>
        %dma_wait3A_118 = tpu.memref_slice %arg5[%mul3A_103] : memref<17563648xf32, #tpu.memory_space<hbm>> -> memref<8576xf32, #tpu.memory_space<hbm>>
        %dma_wait3A_119 = tpu.memref_slice %arg5[%mul3A_103] : memref<17563648xf32, #tpu.memory_space<hbm>> -> memref<8576xf32, #tpu.memory_space<hbm>>
        %dma_wait3A_120 = arith.constant 0 : i32
        %dma_wait3A_121 = tpu.memref_slice %arg10[%dma_wait3A_120] : memref<8592xf32, #tpu.memory_space<vmem>> -> memref<8576xf32, #tpu.memory_space<vmem>>
        tpu.wait_dma2 semaphore(%run_scoped3A_109 : memref<!tpu.dma_semaphore, #tpu.memory_space<semaphore_mem>>) src(%dma_wait3A_121 : memref<8576xf32, #tpu.memory_space<vmem>>) dst(%dma_wait3A_119 : memref<8576xf32, #tpu.memory_space<hbm>>)
        tpu.yield
      }) : () -> ()
      %mul3A_104 = arith.constant 16 : i32
      %mul3A_105 = arith.muli %add3A_92, %mul3A_104 : i32
      %mul3A_106 = arith.constant 3 : i32
      %mul3A_107 = arith.muli %mul3A_105, %mul3A_106 : i32
      "tpu.region"() ({
        %run_scoped3A_109 = tpu.sem_alloc : memref<!tpu.dma_semaphore, #tpu.memory_space<semaphore_mem>>
        %dma_start3A_110 = arith.constant 0 : i32
        %dma_start3A_111 = tpu.memref_slice %arg11[%dma_start3A_110] : memref<400xf32, #tpu.memory_space<vmem>> -> memref<384xf32, #tpu.memory_space<vmem>>
        %dma_start3A_112 = tpu.memref_slice %arg6[%mul3A_107] : memref<786432xf32, #tpu.memory_space<hbm>> -> memref<384xf32, #tpu.memory_space<hbm>>
        %dma_start3A_113 = tpu.memref_slice %arg6[%mul3A_107] : memref<786432xf32, #tpu.memory_space<hbm>> -> memref<384xf32, #tpu.memory_space<hbm>>
        %dma_start3A_114 = arith.constant 0 : i32
        %dma_start3A_115 = tpu.memref_slice %arg11[%dma_start3A_114] : memref<400xf32, #tpu.memory_space<vmem>> -> memref<384xf32, #tpu.memory_space<vmem>>
        tpu.enqueue_dma source(%dma_start3A_115 : memref<384xf32, #tpu.memory_space<vmem>>) target(%dma_start3A_113 : memref<384xf32, #tpu.memory_space<hbm>>) target_semaphore(%run_scoped3A_109 : memref<!tpu.dma_semaphore, #tpu.memory_space<semaphore_mem>>)
        %dma_wait3A_116 = arith.constant 0 : i32
        %dma_wait3A_117 = tpu.memref_slice %arg11[%dma_wait3A_116] : memref<400xf32, #tpu.memory_space<vmem>> -> memref<384xf32, #tpu.memory_space<vmem>>
        %dma_wait3A_118 = tpu.memref_slice %arg6[%mul3A_107] : memref<786432xf32, #tpu.memory_space<hbm>> -> memref<384xf32, #tpu.memory_space<hbm>>
        %dma_wait3A_119 = tpu.memref_slice %arg6[%mul3A_107] : memref<786432xf32, #tpu.memory_space<hbm>> -> memref<384xf32, #tpu.memory_space<hbm>>
        %dma_wait3A_120 = arith.constant 0 : i32
        %dma_wait3A_121 = tpu.memref_slice %arg11[%dma_wait3A_120] : memref<400xf32, #tpu.memory_space<vmem>> -> memref<384xf32, #tpu.memory_space<vmem>>
        tpu.wait_dma2 semaphore(%run_scoped3A_109 : memref<!tpu.dma_semaphore, #tpu.memory_space<semaphore_mem>>) src(%dma_wait3A_121 : memref<384xf32, #tpu.memory_space<vmem>>) dst(%dma_wait3A_119 : memref<384xf32, #tpu.memory_space<hbm>>)
        tpu.yield
      }) : () -> ()
      %scan3A_108 = arith.constant 0 : i32
      scf.yield %scan3A_108 : i32
    }
    %scan3A_23 = arith.constant 32 : i32
    return
  }
}

module attributes {stable_mosaic.version = 14 : i64} {
  func.func @_topk_body(%arg0: i32, %arg1: i32, %arg2: memref<1x256x3xf32, #tpu.memory_space<vmem>>, %arg3: memref<1x8192x3xf32, #tpu.memory_space<vmem>>, %arg4: memref<1x16x256xi32, #tpu.memory_space<vmem>>) attributes {dimension_semantics = [#tpu.dimension_semantics<arbitrary>, #tpu.dimension_semantics<arbitrary>], iteration_bounds = array<i64: 2, 32>, scalar_prefetch = 0 : i64, scratch_operands = 0 : i64, tpu.core_type = #tpu.core_type<tc>, window_params = [{transform_indices = @transform_0, window_bounds = array<i64: 1, 256, 3>}, {transform_indices = @transform_1, window_bounds = array<i64: 1, 8192, 3>}, {transform_indices = @transform_2, window_bounds = array<i64: 1, 16, 256>}]} {
    %get3A = arith.constant 0 : index
    %get3A_0 = arith.constant 0 : index
    %get3A_1 = arith.constant 0 : index
    %get3A_2 = vector.load %arg2[%get3A, %get3A_0, %get3A_1] : memref<1x256x3xf32, #tpu.memory_space<vmem>>, vector<1x256x3xf32>
    %get3A_3 = vector.shape_cast %get3A_2 : vector<1x256x3xf32> to vector<256x3xf32>
    %get3A_4 = arith.constant 0 : index
    %get3A_5 = arith.constant 0 : index
    %get3A_6 = arith.constant 0 : index
    %get3A_7 = vector.load %arg3[%get3A_4, %get3A_5, %get3A_6] : memref<1x8192x3xf32, #tpu.memory_space<vmem>>, vector<1x8192x3xf32>
    %get3A_8 = vector.shape_cast %get3A_7 : vector<1x8192x3xf32> to vector<8192x3xf32>
    %dot_general3A = arith.constant dense<0.000000e+00> : vector<8192x256xf32>
    %dot_general3A_9 = tpu.matmul %get3A_8, %get3A_3, %dot_general3A {dimension_numbers = #tpu.dot_dimension_numbers<[1], [1], [0], [0], [0, 0, 1, 0], [], []>, transpose_lhs_hint = false} : vector<8192x3xf32>, vector<256x3xf32>, vector<8192x256xf32> -> vector<8192x256xf32>
    %mul3A = arith.constant -2.000000e+00 : f32
    %mul3A_10 = vector.broadcast %mul3A : f32 to vector<8192x256xf32>
    %mul3A_11 = arith.mulf %mul3A_10, %dot_general3A_9 : vector<8192x256xf32>
    %mul3A_12 = arith.mulf %get3A_3, %get3A_3 : vector<256x3xf32>
    %reduce_sum3A = arith.constant dense<0.000000e+00> : vector<256xf32>
    %reduce_sum3A_13 = vector.multi_reduction <add>, %mul3A_12, %reduce_sum3A [1] : vector<256x3xf32> to vector<256xf32>
    %mul3A_14 = arith.mulf %get3A_8, %get3A_8 : vector<8192x3xf32>
    %reduce_sum3A_15 = arith.constant dense<0.000000e+00> : vector<8192xf32>
    %reduce_sum3A_16 = vector.multi_reduction <add>, %mul3A_14, %reduce_sum3A_15 [1] : vector<8192x3xf32> to vector<8192xf32>
    %broadcast_in_dim3A = vector.shape_cast %reduce_sum3A_13 : vector<256xf32> to vector<1x256xf32>
    %add3A = vector.broadcast %broadcast_in_dim3A : vector<1x256xf32> to vector<8192x256xf32>
    %add3A_17 = arith.addf %mul3A_11, %add3A : vector<8192x256xf32>
    %broadcast_in_dim3A_18 = vector.shape_cast %reduce_sum3A_16 : vector<8192xf32> to vector<8192x1xf32>
    %add3A_19 = vector.broadcast %broadcast_in_dim3A_18 : vector<8192x1xf32> to vector<8192x256xf32>
    %add3A_20 = arith.addf %add3A_17, %add3A_19 : vector<8192x256xf32>
    %reshape3A = vector.shape_cast %add3A_20 : vector<8192x256xf32> to vector<128x64x256xf32>
    %iota3A = tpu.iota {dimensions = array<i32: 0>} : vector<128x256xi32>
    %mul3A_21 = arith.constant 64 : i32
    %mul3A_22 = vector.broadcast %mul3A_21 : i32 to vector<128x256xi32>
    %mul3A_23 = arith.muli %iota3A, %mul3A_22 : vector<128x256xi32>
    %slice3A = vector.extract_strided_slice %reshape3A {offsets = [0, 0, 0], sizes = [128, 32, 256], strides = [1, 1, 1]} : vector<128x64x256xf32> to vector<128x32x256xf32>
    %slice3A_24 = vector.extract_strided_slice %reshape3A {offsets = [0, 32, 0], sizes = [128, 32, 256], strides = [1, 1, 1]} : vector<128x64x256xf32> to vector<128x32x256xf32>
    %lt3A = arith.cmpf olt, %slice3A_24, %slice3A : vector<128x32x256xf32>
    %iota3A_25 = tpu.iota {dimensions = array<i32: 1>} : vector<128x32x256xi32>
    %add3A_26 = arith.constant 32 : i32
    %add3A_27 = vector.broadcast %add3A_26 : i32 to vector<128x32x256xi32>
    %add3A_28 = arith.addi %iota3A_25, %add3A_27 : vector<128x32x256xi32>
    %select_n3A = arith.select %lt3A, %slice3A_24, %slice3A : vector<128x32x256xi1>, vector<128x32x256xf32>
    %select_n3A_29 = arith.select %lt3A, %add3A_28, %iota3A_25 : vector<128x32x256xi1>, vector<128x32x256xi32>
    %slice3A_30 = vector.extract_strided_slice %select_n3A {offsets = [0, 0, 0], sizes = [128, 16, 256], strides = [1, 1, 1]} : vector<128x32x256xf32> to vector<128x16x256xf32>
    %slice3A_31 = vector.extract_strided_slice %select_n3A {offsets = [0, 16, 0], sizes = [128, 16, 256], strides = [1, 1, 1]} : vector<128x32x256xf32> to vector<128x16x256xf32>
    %lt3A_32 = arith.cmpf olt, %slice3A_31, %slice3A_30 : vector<128x16x256xf32>
    %slice3A_33 = vector.extract_strided_slice %select_n3A_29 {offsets = [0, 0, 0], sizes = [128, 16, 256], strides = [1, 1, 1]} : vector<128x32x256xi32> to vector<128x16x256xi32>
    %slice3A_34 = vector.extract_strided_slice %select_n3A_29 {offsets = [0, 16, 0], sizes = [128, 16, 256], strides = [1, 1, 1]} : vector<128x32x256xi32> to vector<128x16x256xi32>
    %select_n3A_35 = arith.select %lt3A_32, %slice3A_31, %slice3A_30 : vector<128x16x256xi1>, vector<128x16x256xf32>
    %select_n3A_36 = arith.select %lt3A_32, %slice3A_34, %slice3A_33 : vector<128x16x256xi1>, vector<128x16x256xi32>
    %slice3A_37 = vector.extract_strided_slice %select_n3A_35 {offsets = [0, 0, 0], sizes = [128, 8, 256], strides = [1, 1, 1]} : vector<128x16x256xf32> to vector<128x8x256xf32>
    %slice3A_38 = vector.extract_strided_slice %select_n3A_35 {offsets = [0, 8, 0], sizes = [128, 8, 256], strides = [1, 1, 1]} : vector<128x16x256xf32> to vector<128x8x256xf32>
    %lt3A_39 = arith.cmpf olt, %slice3A_38, %slice3A_37 : vector<128x8x256xf32>
    %slice3A_40 = vector.extract_strided_slice %select_n3A_36 {offsets = [0, 0, 0], sizes = [128, 8, 256], strides = [1, 1, 1]} : vector<128x16x256xi32> to vector<128x8x256xi32>
    %slice3A_41 = vector.extract_strided_slice %select_n3A_36 {offsets = [0, 8, 0], sizes = [128, 8, 256], strides = [1, 1, 1]} : vector<128x16x256xi32> to vector<128x8x256xi32>
    %select_n3A_42 = arith.select %lt3A_39, %slice3A_38, %slice3A_37 : vector<128x8x256xi1>, vector<128x8x256xf32>
    %select_n3A_43 = arith.select %lt3A_39, %slice3A_41, %slice3A_40 : vector<128x8x256xi1>, vector<128x8x256xi32>
    %reduce_min3A = arith.constant dense<0x7F800000> : vector<128x256xf32>
    %reduce_min3A_44 = vector.multi_reduction <minimumf>, %select_n3A_42, %reduce_min3A [1] : vector<128x8x256xf32> to vector<128x256xf32>
    %broadcast_in_dim3A_45 = vector.shape_cast %reduce_min3A_44 : vector<128x256xf32> to vector<128x1x256xf32>
    %eq3A = vector.broadcast %broadcast_in_dim3A_45 : vector<128x1x256xf32> to vector<128x8x256xf32>
    %eq3A_46 = arith.cmpf oeq, %select_n3A_42, %eq3A : vector<128x8x256xf32>
    %jit3A = arith.constant 8192 : i32
    %broadcast_in_dim3A_47 = vector.broadcast %jit3A : i32 to vector<128x8x256xi32>
    %select_n3A_48 = arith.select %eq3A_46, %select_n3A_43, %broadcast_in_dim3A_47 : vector<128x8x256xi1>, vector<128x8x256xi32>
    %reduce_min3A_49 = arith.constant dense<2147483647> : vector<128x256xi32>
    %reduce_min3A_50 = vector.multi_reduction <minsi>, %select_n3A_48, %reduce_min3A_49 [1] : vector<128x8x256xi32> to vector<128x256xi32>
    %add3A_51 = arith.addi %reduce_min3A_50, %mul3A_23 : vector<128x256xi32>
    %broadcast_in_dim3A_52 = arith.constant 0x7F800000 : f32
    %broadcast_in_dim3A_53 = vector.broadcast %broadcast_in_dim3A_52 : f32 to vector<16x256xf32>
    %broadcast_in_dim3A_54 = arith.constant 8192 : i32
    %broadcast_in_dim3A_55 = vector.broadcast %broadcast_in_dim3A_54 : i32 to vector<16x256xi32>
    %concatenate3A = tpu.concatenate %broadcast_in_dim3A_53, %reduce_min3A_44 in 0 : vector<16x256xf32>, vector<128x256xf32> -> vector<144x256xf32>
    %concatenate3A_56 = tpu.concatenate %broadcast_in_dim3A_55, %add3A_51 in 0 : vector<16x256xi32>, vector<128x256xi32> -> vector<144x256xi32>
    %reduce_min3A_57 = arith.constant dense<0x7F800000> : vector<256xf32>
    %reduce_min3A_58 = vector.multi_reduction <minimumf>, %concatenate3A, %reduce_min3A_57 [0] : vector<144x256xf32> to vector<256xf32>
    %broadcast_in_dim3A_59 = vector.shape_cast %reduce_min3A_58 : vector<256xf32> to vector<1x256xf32>
    %eq3A_60 = vector.broadcast %broadcast_in_dim3A_59 : vector<1x256xf32> to vector<144x256xf32>
    %eq3A_61 = arith.cmpf oeq, %concatenate3A, %eq3A_60 : vector<144x256xf32>
    %jit3A_62 = arith.constant 8192 : i32
    %broadcast_in_dim3A_63 = vector.broadcast %jit3A_62 : i32 to vector<144x256xi32>
    %select_n3A_64 = arith.select %eq3A_61, %concatenate3A_56, %broadcast_in_dim3A_63 : vector<144x256xi1>, vector<144x256xi32>
    %reduce_min3A_65 = arith.constant dense<2147483647> : vector<256xi32>
    %reduce_min3A_66 = vector.multi_reduction <minsi>, %select_n3A_64, %reduce_min3A_65 [0] : vector<144x256xi32> to vector<256xi32>
    %broadcast_in_dim3A_67 = vector.shape_cast %reduce_min3A_66 : vector<256xi32> to vector<1x256xi32>
    %eq3A_68 = vector.broadcast %broadcast_in_dim3A_67 : vector<1x256xi32> to vector<144x256xi32>
    %eq3A_69 = arith.cmpi eq, %concatenate3A_56, %eq3A_68 : vector<144x256xi32>
    %and3A = arith.andi %eq3A_61, %eq3A_69 : vector<144x256xi1>
    %jit3A_70 = arith.constant 0x7F800000 : f32
    %broadcast_in_dim3A_71 = vector.broadcast %jit3A_70 : f32 to vector<144x256xf32>
    %select_n3A_72 = arith.select %and3A, %broadcast_in_dim3A_71, %concatenate3A : vector<144x256xi1>, vector<144x256xf32>
    %reduce_min3A_73 = arith.constant dense<0x7F800000> : vector<256xf32>
    %reduce_min3A_74 = vector.multi_reduction <minimumf>, %select_n3A_72, %reduce_min3A_73 [0] : vector<144x256xf32> to vector<256xf32>
    %broadcast_in_dim3A_75 = vector.shape_cast %reduce_min3A_74 : vector<256xf32> to vector<1x256xf32>
    %eq3A_76 = vector.broadcast %broadcast_in_dim3A_75 : vector<1x256xf32> to vector<144x256xf32>
    %eq3A_77 = arith.cmpf oeq, %select_n3A_72, %eq3A_76 : vector<144x256xf32>
    %jit3A_78 = arith.constant 8192 : i32
    %broadcast_in_dim3A_79 = vector.broadcast %jit3A_78 : i32 to vector<144x256xi32>
    %select_n3A_80 = arith.select %eq3A_77, %concatenate3A_56, %broadcast_in_dim3A_79 : vector<144x256xi1>, vector<144x256xi32>
    %reduce_min3A_81 = arith.constant dense<2147483647> : vector<256xi32>
    %reduce_min3A_82 = vector.multi_reduction <minsi>, %select_n3A_80, %reduce_min3A_81 [0] : vector<144x256xi32> to vector<256xi32>
    %broadcast_in_dim3A_83 = vector.shape_cast %reduce_min3A_82 : vector<256xi32> to vector<1x256xi32>
    %eq3A_84 = vector.broadcast %broadcast_in_dim3A_83 : vector<1x256xi32> to vector<144x256xi32>
    %eq3A_85 = arith.cmpi eq, %concatenate3A_56, %eq3A_84 : vector<144x256xi32>
    %and3A_86 = arith.andi %eq3A_77, %eq3A_85 : vector<144x256xi1>
    %jit3A_87 = arith.constant 0x7F800000 : f32
    %broadcast_in_dim3A_88 = vector.broadcast %jit3A_87 : f32 to vector<144x256xf32>
    %select_n3A_89 = arith.select %and3A_86, %broadcast_in_dim3A_88, %select_n3A_72 : vector<144x256xi1>, vector<144x256xf32>
    %reduce_min3A_90 = arith.constant dense<0x7F800000> : vector<256xf32>
    %reduce_min3A_91 = vector.multi_reduction <minimumf>, %select_n3A_89, %reduce_min3A_90 [0] : vector<144x256xf32> to vector<256xf32>
    %broadcast_in_dim3A_92 = vector.shape_cast %reduce_min3A_91 : vector<256xf32> to vector<1x256xf32>
    %eq3A_93 = vector.broadcast %broadcast_in_dim3A_92 : vector<1x256xf32> to vector<144x256xf32>
    %eq3A_94 = arith.cmpf oeq, %select_n3A_89, %eq3A_93 : vector<144x256xf32>
    %jit3A_95 = arith.constant 8192 : i32
    %broadcast_in_dim3A_96 = vector.broadcast %jit3A_95 : i32 to vector<144x256xi32>
    %select_n3A_97 = arith.select %eq3A_94, %concatenate3A_56, %broadcast_in_dim3A_96 : vector<144x256xi1>, vector<144x256xi32>
    %reduce_min3A_98 = arith.constant dense<2147483647> : vector<256xi32>
    %reduce_min3A_99 = vector.multi_reduction <minsi>, %select_n3A_97, %reduce_min3A_98 [0] : vector<144x256xi32> to vector<256xi32>
    %broadcast_in_dim3A_100 = vector.shape_cast %reduce_min3A_99 : vector<256xi32> to vector<1x256xi32>
    %eq3A_101 = vector.broadcast %broadcast_in_dim3A_100 : vector<1x256xi32> to vector<144x256xi32>
    %eq3A_102 = arith.cmpi eq, %concatenate3A_56, %eq3A_101 : vector<144x256xi32>
    %and3A_103 = arith.andi %eq3A_94, %eq3A_102 : vector<144x256xi1>
    %jit3A_104 = arith.constant 0x7F800000 : f32
    %broadcast_in_dim3A_105 = vector.broadcast %jit3A_104 : f32 to vector<144x256xf32>
    %select_n3A_106 = arith.select %and3A_103, %broadcast_in_dim3A_105, %select_n3A_89 : vector<144x256xi1>, vector<144x256xf32>
    %reduce_min3A_107 = arith.constant dense<0x7F800000> : vector<256xf32>
    %reduce_min3A_108 = vector.multi_reduction <minimumf>, %select_n3A_106, %reduce_min3A_107 [0] : vector<144x256xf32> to vector<256xf32>
    %broadcast_in_dim3A_109 = vector.shape_cast %reduce_min3A_108 : vector<256xf32> to vector<1x256xf32>
    %eq3A_110 = vector.broadcast %broadcast_in_dim3A_109 : vector<1x256xf32> to vector<144x256xf32>
    %eq3A_111 = arith.cmpf oeq, %select_n3A_106, %eq3A_110 : vector<144x256xf32>
    %jit3A_112 = arith.constant 8192 : i32
    %broadcast_in_dim3A_113 = vector.broadcast %jit3A_112 : i32 to vector<144x256xi32>
    %select_n3A_114 = arith.select %eq3A_111, %concatenate3A_56, %broadcast_in_dim3A_113 : vector<144x256xi1>, vector<144x256xi32>
    %reduce_min3A_115 = arith.constant dense<2147483647> : vector<256xi32>
    %reduce_min3A_116 = vector.multi_reduction <minsi>, %select_n3A_114, %reduce_min3A_115 [0] : vector<144x256xi32> to vector<256xi32>
    %broadcast_in_dim3A_117 = vector.shape_cast %reduce_min3A_116 : vector<256xi32> to vector<1x256xi32>
    %eq3A_118 = vector.broadcast %broadcast_in_dim3A_117 : vector<1x256xi32> to vector<144x256xi32>
    %eq3A_119 = arith.cmpi eq, %concatenate3A_56, %eq3A_118 : vector<144x256xi32>
    %and3A_120 = arith.andi %eq3A_111, %eq3A_119 : vector<144x256xi1>
    %jit3A_121 = arith.constant 0x7F800000 : f32
    %broadcast_in_dim3A_122 = vector.broadcast %jit3A_121 : f32 to vector<144x256xf32>
    %select_n3A_123 = arith.select %and3A_120, %broadcast_in_dim3A_122, %select_n3A_106 : vector<144x256xi1>, vector<144x256xf32>
    %reduce_min3A_124 = arith.constant dense<0x7F800000> : vector<256xf32>
    %reduce_min3A_125 = vector.multi_reduction <minimumf>, %select_n3A_123, %reduce_min3A_124 [0] : vector<144x256xf32> to vector<256xf32>
    %broadcast_in_dim3A_126 = vector.shape_cast %reduce_min3A_125 : vector<256xf32> to vector<1x256xf32>
    %eq3A_127 = vector.broadcast %broadcast_in_dim3A_126 : vector<1x256xf32> to vector<144x256xf32>
    %eq3A_128 = arith.cmpf oeq, %select_n3A_123, %eq3A_127 : vector<144x256xf32>
    %jit3A_129 = arith.constant 8192 : i32
    %broadcast_in_dim3A_130 = vector.broadcast %jit3A_129 : i32 to vector<144x256xi32>
    %select_n3A_131 = arith.select %eq3A_128, %concatenate3A_56, %broadcast_in_dim3A_130 : vector<144x256xi1>, vector<144x256xi32>
    %reduce_min3A_132 = arith.constant dense<2147483647> : vector<256xi32>
    %reduce_min3A_133 = vector.multi_reduction <minsi>, %select_n3A_131, %reduce_min3A_132 [0] : vector<144x256xi32> to vector<256xi32>
    %broadcast_in_dim3A_134 = vector.shape_cast %reduce_min3A_133 : vector<256xi32> to vector<1x256xi32>
    %eq3A_135 = vector.broadcast %broadcast_in_dim3A_134 : vector<1x256xi32> to vector<144x256xi32>
    %eq3A_136 = arith.cmpi eq, %concatenate3A_56, %eq3A_135 : vector<144x256xi32>
    %and3A_137 = arith.andi %eq3A_128, %eq3A_136 : vector<144x256xi1>
    %jit3A_138 = arith.constant 0x7F800000 : f32
    %broadcast_in_dim3A_139 = vector.broadcast %jit3A_138 : f32 to vector<144x256xf32>
    %select_n3A_140 = arith.select %and3A_137, %broadcast_in_dim3A_139, %select_n3A_123 : vector<144x256xi1>, vector<144x256xf32>
    %reduce_min3A_141 = arith.constant dense<0x7F800000> : vector<256xf32>
    %reduce_min3A_142 = vector.multi_reduction <minimumf>, %select_n3A_140, %reduce_min3A_141 [0] : vector<144x256xf32> to vector<256xf32>
    %broadcast_in_dim3A_143 = vector.shape_cast %reduce_min3A_142 : vector<256xf32> to vector<1x256xf32>
    %eq3A_144 = vector.broadcast %broadcast_in_dim3A_143 : vector<1x256xf32> to vector<144x256xf32>
    %eq3A_145 = arith.cmpf oeq, %select_n3A_140, %eq3A_144 : vector<144x256xf32>
    %jit3A_146 = arith.constant 8192 : i32
    %broadcast_in_dim3A_147 = vector.broadcast %jit3A_146 : i32 to vector<144x256xi32>
    %select_n3A_148 = arith.select %eq3A_145, %concatenate3A_56, %broadcast_in_dim3A_147 : vector<144x256xi1>, vector<144x256xi32>
    %reduce_min3A_149 = arith.constant dense<2147483647> : vector<256xi32>
    %reduce_min3A_150 = vector.multi_reduction <minsi>, %select_n3A_148, %reduce_min3A_149 [0] : vector<144x256xi32> to vector<256xi32>
    %broadcast_in_dim3A_151 = vector.shape_cast %reduce_min3A_150 : vector<256xi32> to vector<1x256xi32>
    %eq3A_152 = vector.broadcast %broadcast_in_dim3A_151 : vector<1x256xi32> to vector<144x256xi32>
    %eq3A_153 = arith.cmpi eq, %concatenate3A_56, %eq3A_152 : vector<144x256xi32>
    %and3A_154 = arith.andi %eq3A_145, %eq3A_153 : vector<144x256xi1>
    %jit3A_155 = arith.constant 0x7F800000 : f32
    %broadcast_in_dim3A_156 = vector.broadcast %jit3A_155 : f32 to vector<144x256xf32>
    %select_n3A_157 = arith.select %and3A_154, %broadcast_in_dim3A_156, %select_n3A_140 : vector<144x256xi1>, vector<144x256xf32>
    %reduce_min3A_158 = arith.constant dense<0x7F800000> : vector<256xf32>
    %reduce_min3A_159 = vector.multi_reduction <minimumf>, %select_n3A_157, %reduce_min3A_158 [0] : vector<144x256xf32> to vector<256xf32>
    %broadcast_in_dim3A_160 = vector.shape_cast %reduce_min3A_159 : vector<256xf32> to vector<1x256xf32>
    %eq3A_161 = vector.broadcast %broadcast_in_dim3A_160 : vector<1x256xf32> to vector<144x256xf32>
    %eq3A_162 = arith.cmpf oeq, %select_n3A_157, %eq3A_161 : vector<144x256xf32>
    %jit3A_163 = arith.constant 8192 : i32
    %broadcast_in_dim3A_164 = vector.broadcast %jit3A_163 : i32 to vector<144x256xi32>
    %select_n3A_165 = arith.select %eq3A_162, %concatenate3A_56, %broadcast_in_dim3A_164 : vector<144x256xi1>, vector<144x256xi32>
    %reduce_min3A_166 = arith.constant dense<2147483647> : vector<256xi32>
    %reduce_min3A_167 = vector.multi_reduction <minsi>, %select_n3A_165, %reduce_min3A_166 [0] : vector<144x256xi32> to vector<256xi32>
    %broadcast_in_dim3A_168 = vector.shape_cast %reduce_min3A_167 : vector<256xi32> to vector<1x256xi32>
    %eq3A_169 = vector.broadcast %broadcast_in_dim3A_168 : vector<1x256xi32> to vector<144x256xi32>
    %eq3A_170 = arith.cmpi eq, %concatenate3A_56, %eq3A_169 : vector<144x256xi32>
    %and3A_171 = arith.andi %eq3A_162, %eq3A_170 : vector<144x256xi1>
    %jit3A_172 = arith.constant 0x7F800000 : f32
    %broadcast_in_dim3A_173 = vector.broadcast %jit3A_172 : f32 to vector<144x256xf32>
    %select_n3A_174 = arith.select %and3A_171, %broadcast_in_dim3A_173, %select_n3A_157 : vector<144x256xi1>, vector<144x256xf32>
    %reduce_min3A_175 = arith.constant dense<0x7F800000> : vector<256xf32>
    %reduce_min3A_176 = vector.multi_reduction <minimumf>, %select_n3A_174, %reduce_min3A_175 [0] : vector<144x256xf32> to vector<256xf32>
    %broadcast_in_dim3A_177 = vector.shape_cast %reduce_min3A_176 : vector<256xf32> to vector<1x256xf32>
    %eq3A_178 = vector.broadcast %broadcast_in_dim3A_177 : vector<1x256xf32> to vector<144x256xf32>
    %eq3A_179 = arith.cmpf oeq, %select_n3A_174, %eq3A_178 : vector<144x256xf32>
    %jit3A_180 = arith.constant 8192 : i32
    %broadcast_in_dim3A_181 = vector.broadcast %jit3A_180 : i32 to vector<144x256xi32>
    %select_n3A_182 = arith.select %eq3A_179, %concatenate3A_56, %broadcast_in_dim3A_181 : vector<144x256xi1>, vector<144x256xi32>
    %reduce_min3A_183 = arith.constant dense<2147483647> : vector<256xi32>
    %reduce_min3A_184 = vector.multi_reduction <minsi>, %select_n3A_182, %reduce_min3A_183 [0] : vector<144x256xi32> to vector<256xi32>
    %broadcast_in_dim3A_185 = vector.shape_cast %reduce_min3A_184 : vector<256xi32> to vector<1x256xi32>
    %eq3A_186 = vector.broadcast %broadcast_in_dim3A_185 : vector<1x256xi32> to vector<144x256xi32>
    %eq3A_187 = arith.cmpi eq, %concatenate3A_56, %eq3A_186 : vector<144x256xi32>
    %and3A_188 = arith.andi %eq3A_179, %eq3A_187 : vector<144x256xi1>
    %jit3A_189 = arith.constant 0x7F800000 : f32
    %broadcast_in_dim3A_190 = vector.broadcast %jit3A_189 : f32 to vector<144x256xf32>
    %select_n3A_191 = arith.select %and3A_188, %broadcast_in_dim3A_190, %select_n3A_174 : vector<144x256xi1>, vector<144x256xf32>
    %reduce_min3A_192 = arith.constant dense<0x7F800000> : vector<256xf32>
    %reduce_min3A_193 = vector.multi_reduction <minimumf>, %select_n3A_191, %reduce_min3A_192 [0] : vector<144x256xf32> to vector<256xf32>
    %broadcast_in_dim3A_194 = vector.shape_cast %reduce_min3A_193 : vector<256xf32> to vector<1x256xf32>
    %eq3A_195 = vector.broadcast %broadcast_in_dim3A_194 : vector<1x256xf32> to vector<144x256xf32>
    %eq3A_196 = arith.cmpf oeq, %select_n3A_191, %eq3A_195 : vector<144x256xf32>
    %jit3A_197 = arith.constant 8192 : i32
    %broadcast_in_dim3A_198 = vector.broadcast %jit3A_197 : i32 to vector<144x256xi32>
    %select_n3A_199 = arith.select %eq3A_196, %concatenate3A_56, %broadcast_in_dim3A_198 : vector<144x256xi1>, vector<144x256xi32>
    %reduce_min3A_200 = arith.constant dense<2147483647> : vector<256xi32>
    %reduce_min3A_201 = vector.multi_reduction <minsi>, %select_n3A_199, %reduce_min3A_200 [0] : vector<144x256xi32> to vector<256xi32>
    %broadcast_in_dim3A_202 = vector.shape_cast %reduce_min3A_201 : vector<256xi32> to vector<1x256xi32>
    %eq3A_203 = vector.broadcast %broadcast_in_dim3A_202 : vector<1x256xi32> to vector<144x256xi32>
    %eq3A_204 = arith.cmpi eq, %concatenate3A_56, %eq3A_203 : vector<144x256xi32>
    %and3A_205 = arith.andi %eq3A_196, %eq3A_204 : vector<144x256xi1>
    %jit3A_206 = arith.constant 0x7F800000 : f32
    %broadcast_in_dim3A_207 = vector.broadcast %jit3A_206 : f32 to vector<144x256xf32>
    %select_n3A_208 = arith.select %and3A_205, %broadcast_in_dim3A_207, %select_n3A_191 : vector<144x256xi1>, vector<144x256xf32>
    %reduce_min3A_209 = arith.constant dense<0x7F800000> : vector<256xf32>
    %reduce_min3A_210 = vector.multi_reduction <minimumf>, %select_n3A_208, %reduce_min3A_209 [0] : vector<144x256xf32> to vector<256xf32>
    %broadcast_in_dim3A_211 = vector.shape_cast %reduce_min3A_210 : vector<256xf32> to vector<1x256xf32>
    %eq3A_212 = vector.broadcast %broadcast_in_dim3A_211 : vector<1x256xf32> to vector<144x256xf32>
    %eq3A_213 = arith.cmpf oeq, %select_n3A_208, %eq3A_212 : vector<144x256xf32>
    %jit3A_214 = arith.constant 8192 : i32
    %broadcast_in_dim3A_215 = vector.broadcast %jit3A_214 : i32 to vector<144x256xi32>
    %select_n3A_216 = arith.select %eq3A_213, %concatenate3A_56, %broadcast_in_dim3A_215 : vector<144x256xi1>, vector<144x256xi32>
    %reduce_min3A_217 = arith.constant dense<2147483647> : vector<256xi32>
    %reduce_min3A_218 = vector.multi_reduction <minsi>, %select_n3A_216, %reduce_min3A_217 [0] : vector<144x256xi32> to vector<256xi32>
    %broadcast_in_dim3A_219 = vector.shape_cast %reduce_min3A_218 : vector<256xi32> to vector<1x256xi32>
    %eq3A_220 = vector.broadcast %broadcast_in_dim3A_219 : vector<1x256xi32> to vector<144x256xi32>
    %eq3A_221 = arith.cmpi eq, %concatenate3A_56, %eq3A_220 : vector<144x256xi32>
    %and3A_222 = arith.andi %eq3A_213, %eq3A_221 : vector<144x256xi1>
    %jit3A_223 = arith.constant 0x7F800000 : f32
    %broadcast_in_dim3A_224 = vector.broadcast %jit3A_223 : f32 to vector<144x256xf32>
    %select_n3A_225 = arith.select %and3A_222, %broadcast_in_dim3A_224, %select_n3A_208 : vector<144x256xi1>, vector<144x256xf32>
    %reduce_min3A_226 = arith.constant dense<0x7F800000> : vector<256xf32>
    %reduce_min3A_227 = vector.multi_reduction <minimumf>, %select_n3A_225, %reduce_min3A_226 [0] : vector<144x256xf32> to vector<256xf32>
    %broadcast_in_dim3A_228 = vector.shape_cast %reduce_min3A_227 : vector<256xf32> to vector<1x256xf32>
    %eq3A_229 = vector.broadcast %broadcast_in_dim3A_228 : vector<1x256xf32> to vector<144x256xf32>
    %eq3A_230 = arith.cmpf oeq, %select_n3A_225, %eq3A_229 : vector<144x256xf32>
    %jit3A_231 = arith.constant 8192 : i32
    %broadcast_in_dim3A_232 = vector.broadcast %jit3A_231 : i32 to vector<144x256xi32>
    %select_n3A_233 = arith.select %eq3A_230, %concatenate3A_56, %broadcast_in_dim3A_232 : vector<144x256xi1>, vector<144x256xi32>
    %reduce_min3A_234 = arith.constant dense<2147483647> : vector<256xi32>
    %reduce_min3A_235 = vector.multi_reduction <minsi>, %select_n3A_233, %reduce_min3A_234 [0] : vector<144x256xi32> to vector<256xi32>
    %broadcast_in_dim3A_236 = vector.shape_cast %reduce_min3A_235 : vector<256xi32> to vector<1x256xi32>
    %eq3A_237 = vector.broadcast %broadcast_in_dim3A_236 : vector<1x256xi32> to vector<144x256xi32>
    %eq3A_238 = arith.cmpi eq, %concatenate3A_56, %eq3A_237 : vector<144x256xi32>
    %and3A_239 = arith.andi %eq3A_230, %eq3A_238 : vector<144x256xi1>
    %jit3A_240 = arith.constant 0x7F800000 : f32
    %broadcast_in_dim3A_241 = vector.broadcast %jit3A_240 : f32 to vector<144x256xf32>
    %select_n3A_242 = arith.select %and3A_239, %broadcast_in_dim3A_241, %select_n3A_225 : vector<144x256xi1>, vector<144x256xf32>
    %reduce_min3A_243 = arith.constant dense<0x7F800000> : vector<256xf32>
    %reduce_min3A_244 = vector.multi_reduction <minimumf>, %select_n3A_242, %reduce_min3A_243 [0] : vector<144x256xf32> to vector<256xf32>
    %broadcast_in_dim3A_245 = vector.shape_cast %reduce_min3A_244 : vector<256xf32> to vector<1x256xf32>
    %eq3A_246 = vector.broadcast %broadcast_in_dim3A_245 : vector<1x256xf32> to vector<144x256xf32>
    %eq3A_247 = arith.cmpf oeq, %select_n3A_242, %eq3A_246 : vector<144x256xf32>
    %jit3A_248 = arith.constant 8192 : i32
    %broadcast_in_dim3A_249 = vector.broadcast %jit3A_248 : i32 to vector<144x256xi32>
    %select_n3A_250 = arith.select %eq3A_247, %concatenate3A_56, %broadcast_in_dim3A_249 : vector<144x256xi1>, vector<144x256xi32>
    %reduce_min3A_251 = arith.constant dense<2147483647> : vector<256xi32>
    %reduce_min3A_252 = vector.multi_reduction <minsi>, %select_n3A_250, %reduce_min3A_251 [0] : vector<144x256xi32> to vector<256xi32>
    %broadcast_in_dim3A_253 = vector.shape_cast %reduce_min3A_252 : vector<256xi32> to vector<1x256xi32>
    %eq3A_254 = vector.broadcast %broadcast_in_dim3A_253 : vector<1x256xi32> to vector<144x256xi32>
    %eq3A_255 = arith.cmpi eq, %concatenate3A_56, %eq3A_254 : vector<144x256xi32>
    %and3A_256 = arith.andi %eq3A_247, %eq3A_255 : vector<144x256xi1>
    %jit3A_257 = arith.constant 0x7F800000 : f32
    %broadcast_in_dim3A_258 = vector.broadcast %jit3A_257 : f32 to vector<144x256xf32>
    %select_n3A_259 = arith.select %and3A_256, %broadcast_in_dim3A_258, %select_n3A_242 : vector<144x256xi1>, vector<144x256xf32>
    %reduce_min3A_260 = arith.constant dense<0x7F800000> : vector<256xf32>
    %reduce_min3A_261 = vector.multi_reduction <minimumf>, %select_n3A_259, %reduce_min3A_260 [0] : vector<144x256xf32> to vector<256xf32>
    %broadcast_in_dim3A_262 = vector.shape_cast %reduce_min3A_261 : vector<256xf32> to vector<1x256xf32>
    %eq3A_263 = vector.broadcast %broadcast_in_dim3A_262 : vector<1x256xf32> to vector<144x256xf32>
    %eq3A_264 = arith.cmpf oeq, %select_n3A_259, %eq3A_263 : vector<144x256xf32>
    %jit3A_265 = arith.constant 8192 : i32
    %broadcast_in_dim3A_266 = vector.broadcast %jit3A_265 : i32 to vector<144x256xi32>
    %select_n3A_267 = arith.select %eq3A_264, %concatenate3A_56, %broadcast_in_dim3A_266 : vector<144x256xi1>, vector<144x256xi32>
    %reduce_min3A_268 = arith.constant dense<2147483647> : vector<256xi32>
    %reduce_min3A_269 = vector.multi_reduction <minsi>, %select_n3A_267, %reduce_min3A_268 [0] : vector<144x256xi32> to vector<256xi32>
    %broadcast_in_dim3A_270 = vector.shape_cast %reduce_min3A_269 : vector<256xi32> to vector<1x256xi32>
    %eq3A_271 = vector.broadcast %broadcast_in_dim3A_270 : vector<1x256xi32> to vector<144x256xi32>
    %eq3A_272 = arith.cmpi eq, %concatenate3A_56, %eq3A_271 : vector<144x256xi32>
    %and3A_273 = arith.andi %eq3A_264, %eq3A_272 : vector<144x256xi1>
    %jit3A_274 = arith.constant 0x7F800000 : f32
    %broadcast_in_dim3A_275 = vector.broadcast %jit3A_274 : f32 to vector<144x256xf32>
    %select_n3A_276 = arith.select %and3A_273, %broadcast_in_dim3A_275, %select_n3A_259 : vector<144x256xi1>, vector<144x256xf32>
    %reduce_min3A_277 = arith.constant dense<0x7F800000> : vector<256xf32>
    %reduce_min3A_278 = vector.multi_reduction <minimumf>, %select_n3A_276, %reduce_min3A_277 [0] : vector<144x256xf32> to vector<256xf32>
    %broadcast_in_dim3A_279 = vector.shape_cast %reduce_min3A_278 : vector<256xf32> to vector<1x256xf32>
    %eq3A_280 = vector.broadcast %broadcast_in_dim3A_279 : vector<1x256xf32> to vector<144x256xf32>
    %eq3A_281 = arith.cmpf oeq, %select_n3A_276, %eq3A_280 : vector<144x256xf32>
    %jit3A_282 = arith.constant 8192 : i32
    %broadcast_in_dim3A_283 = vector.broadcast %jit3A_282 : i32 to vector<144x256xi32>
    %select_n3A_284 = arith.select %eq3A_281, %concatenate3A_56, %broadcast_in_dim3A_283 : vector<144x256xi1>, vector<144x256xi32>
    %reduce_min3A_285 = arith.constant dense<2147483647> : vector<256xi32>
    %reduce_min3A_286 = vector.multi_reduction <minsi>, %select_n3A_284, %reduce_min3A_285 [0] : vector<144x256xi32> to vector<256xi32>
    %broadcast_in_dim3A_287 = vector.shape_cast %reduce_min3A_286 : vector<256xi32> to vector<1x256xi32>
    %eq3A_288 = vector.broadcast %broadcast_in_dim3A_287 : vector<1x256xi32> to vector<144x256xi32>
    %eq3A_289 = arith.cmpi eq, %concatenate3A_56, %eq3A_288 : vector<144x256xi32>
    %and3A_290 = arith.andi %eq3A_281, %eq3A_289 : vector<144x256xi1>
    %jit3A_291 = arith.constant 0x7F800000 : f32
    %broadcast_in_dim3A_292 = vector.broadcast %jit3A_291 : f32 to vector<144x256xf32>
    %select_n3A_293 = arith.select %and3A_290, %broadcast_in_dim3A_292, %select_n3A_276 : vector<144x256xi1>, vector<144x256xf32>
    %reduce_min3A_294 = arith.constant dense<0x7F800000> : vector<256xf32>
    %reduce_min3A_295 = vector.multi_reduction <minimumf>, %select_n3A_293, %reduce_min3A_294 [0] : vector<144x256xf32> to vector<256xf32>
    %broadcast_in_dim3A_296 = vector.shape_cast %reduce_min3A_295 : vector<256xf32> to vector<1x256xf32>
    %eq3A_297 = vector.broadcast %broadcast_in_dim3A_296 : vector<1x256xf32> to vector<144x256xf32>
    %eq3A_298 = arith.cmpf oeq, %select_n3A_293, %eq3A_297 : vector<144x256xf32>
    %jit3A_299 = arith.constant 8192 : i32
    %broadcast_in_dim3A_300 = vector.broadcast %jit3A_299 : i32 to vector<144x256xi32>
    %select_n3A_301 = arith.select %eq3A_298, %concatenate3A_56, %broadcast_in_dim3A_300 : vector<144x256xi1>, vector<144x256xi32>
    %reduce_min3A_302 = arith.constant dense<2147483647> : vector<256xi32>
    %reduce_min3A_303 = vector.multi_reduction <minsi>, %select_n3A_301, %reduce_min3A_302 [0] : vector<144x256xi32> to vector<256xi32>
    %broadcast_in_dim3A_304 = vector.shape_cast %reduce_min3A_303 : vector<256xi32> to vector<1x256xi32>
    %eq3A_305 = vector.broadcast %broadcast_in_dim3A_304 : vector<1x256xi32> to vector<144x256xi32>
    %eq3A_306 = arith.cmpi eq, %concatenate3A_56, %eq3A_305 : vector<144x256xi32>
    %and3A_307 = arith.andi %eq3A_298, %eq3A_306 : vector<144x256xi1>
    %jit3A_308 = arith.constant 0x7F800000 : f32
    %broadcast_in_dim3A_309 = vector.broadcast %jit3A_308 : f32 to vector<144x256xf32>
    %select_n3A_310 = arith.select %and3A_307, %broadcast_in_dim3A_309, %select_n3A_293 : vector<144x256xi1>, vector<144x256xf32>
    %reduce_min3A_311 = arith.constant dense<0x7F800000> : vector<256xf32>
    %reduce_min3A_312 = vector.multi_reduction <minimumf>, %select_n3A_310, %reduce_min3A_311 [0] : vector<144x256xf32> to vector<256xf32>
    %broadcast_in_dim3A_313 = vector.shape_cast %reduce_min3A_312 : vector<256xf32> to vector<1x256xf32>
    %eq3A_314 = vector.broadcast %broadcast_in_dim3A_313 : vector<1x256xf32> to vector<144x256xf32>
    %eq3A_315 = arith.cmpf oeq, %select_n3A_310, %eq3A_314 : vector<144x256xf32>
    %jit3A_316 = arith.constant 8192 : i32
    %broadcast_in_dim3A_317 = vector.broadcast %jit3A_316 : i32 to vector<144x256xi32>
    %select_n3A_318 = arith.select %eq3A_315, %concatenate3A_56, %broadcast_in_dim3A_317 : vector<144x256xi1>, vector<144x256xi32>
    %reduce_min3A_319 = arith.constant dense<2147483647> : vector<256xi32>
    %reduce_min3A_320 = vector.multi_reduction <minsi>, %select_n3A_318, %reduce_min3A_319 [0] : vector<144x256xi32> to vector<256xi32>
    %stack3A = vector.shape_cast %reduce_min3A_58 : vector<256xf32> to vector<1x256xf32>
    %stack3A_321 = vector.shape_cast %reduce_min3A_74 : vector<256xf32> to vector<1x256xf32>
    %stack3A_322 = vector.shape_cast %reduce_min3A_91 : vector<256xf32> to vector<1x256xf32>
    %stack3A_323 = vector.shape_cast %reduce_min3A_108 : vector<256xf32> to vector<1x256xf32>
    %stack3A_324 = vector.shape_cast %reduce_min3A_125 : vector<256xf32> to vector<1x256xf32>
    %stack3A_325 = vector.shape_cast %reduce_min3A_142 : vector<256xf32> to vector<1x256xf32>
    %stack3A_326 = vector.shape_cast %reduce_min3A_159 : vector<256xf32> to vector<1x256xf32>
    %stack3A_327 = vector.shape_cast %reduce_min3A_176 : vector<256xf32> to vector<1x256xf32>
    %stack3A_328 = vector.shape_cast %reduce_min3A_193 : vector<256xf32> to vector<1x256xf32>
    %stack3A_329 = vector.shape_cast %reduce_min3A_210 : vector<256xf32> to vector<1x256xf32>
    %stack3A_330 = vector.shape_cast %reduce_min3A_227 : vector<256xf32> to vector<1x256xf32>
    %stack3A_331 = vector.shape_cast %reduce_min3A_244 : vector<256xf32> to vector<1x256xf32>
    %stack3A_332 = vector.shape_cast %reduce_min3A_261 : vector<256xf32> to vector<1x256xf32>
    %stack3A_333 = vector.shape_cast %reduce_min3A_278 : vector<256xf32> to vector<1x256xf32>
    %stack3A_334 = vector.shape_cast %reduce_min3A_295 : vector<256xf32> to vector<1x256xf32>
    %stack3A_335 = vector.shape_cast %reduce_min3A_312 : vector<256xf32> to vector<1x256xf32>
    %stack3A_336 = tpu.concatenate %stack3A, %stack3A_321, %stack3A_322, %stack3A_323, %stack3A_324, %stack3A_325, %stack3A_326, %stack3A_327, %stack3A_328, %stack3A_329, %stack3A_330, %stack3A_331, %stack3A_332, %stack3A_333, %stack3A_334, %stack3A_335 in 0 : vector<1x256xf32>, vector<1x256xf32>, vector<1x256xf32>, vector<1x256xf32>, vector<1x256xf32>, vector<1x256xf32>, vector<1x256xf32>, vector<1x256xf32>, vector<1x256xf32>, vector<1x256xf32>, vector<1x256xf32>, vector<1x256xf32>, vector<1x256xf32>, vector<1x256xf32>, vector<1x256xf32>, vector<1x256xf32> -> vector<16x256xf32>
    %stack3A_337 = vector.shape_cast %reduce_min3A_66 : vector<256xi32> to vector<1x256xi32>
    %stack3A_338 = vector.shape_cast %reduce_min3A_82 : vector<256xi32> to vector<1x256xi32>
    %stack3A_339 = vector.shape_cast %reduce_min3A_99 : vector<256xi32> to vector<1x256xi32>
    %stack3A_340 = vector.shape_cast %reduce_min3A_116 : vector<256xi32> to vector<1x256xi32>
    %stack3A_341 = vector.shape_cast %reduce_min3A_133 : vector<256xi32> to vector<1x256xi32>
    %stack3A_342 = vector.shape_cast %reduce_min3A_150 : vector<256xi32> to vector<1x256xi32>
    %stack3A_343 = vector.shape_cast %reduce_min3A_167 : vector<256xi32> to vector<1x256xi32>
    %stack3A_344 = vector.shape_cast %reduce_min3A_184 : vector<256xi32> to vector<1x256xi32>
    %stack3A_345 = vector.shape_cast %reduce_min3A_201 : vector<256xi32> to vector<1x256xi32>
    %stack3A_346 = vector.shape_cast %reduce_min3A_218 : vector<256xi32> to vector<1x256xi32>
    %stack3A_347 = vector.shape_cast %reduce_min3A_235 : vector<256xi32> to vector<1x256xi32>
    %stack3A_348 = vector.shape_cast %reduce_min3A_252 : vector<256xi32> to vector<1x256xi32>
    %stack3A_349 = vector.shape_cast %reduce_min3A_269 : vector<256xi32> to vector<1x256xi32>
    %stack3A_350 = vector.shape_cast %reduce_min3A_286 : vector<256xi32> to vector<1x256xi32>
    %stack3A_351 = vector.shape_cast %reduce_min3A_303 : vector<256xi32> to vector<1x256xi32>
    %stack3A_352 = vector.shape_cast %reduce_min3A_320 : vector<256xi32> to vector<1x256xi32>
    %stack3A_353 = tpu.concatenate %stack3A_337, %stack3A_338, %stack3A_339, %stack3A_340, %stack3A_341, %stack3A_342, %stack3A_343, %stack3A_344, %stack3A_345, %stack3A_346, %stack3A_347, %stack3A_348, %stack3A_349, %stack3A_350, %stack3A_351, %stack3A_352 in 0 : vector<1x256xi32>, vector<1x256xi32>, vector<1x256xi32>, vector<1x256xi32>, vector<1x256xi32>, vector<1x256xi32>, vector<1x256xi32>, vector<1x256xi32>, vector<1x256xi32>, vector<1x256xi32>, vector<1x256xi32>, vector<1x256xi32>, vector<1x256xi32>, vector<1x256xi32>, vector<1x256xi32>, vector<1x256xi32> -> vector<16x256xi32>
    %iota3A_354 = tpu.iota {dimensions = array<i32: 1>} : vector<128x64x256xi32>
    %broadcast_in_dim3A_355 = vector.shape_cast %reduce_min3A_50 : vector<128x256xi32> to vector<128x1x256xi32>
    %eq3A_356 = vector.broadcast %broadcast_in_dim3A_355 : vector<128x1x256xi32> to vector<128x64x256xi32>
    %eq3A_357 = arith.cmpi eq, %iota3A_354, %eq3A_356 : vector<128x64x256xi32>
    %jit3A_358 = arith.constant 0x7F800000 : f32
    %broadcast_in_dim3A_359 = vector.broadcast %jit3A_358 : f32 to vector<128x64x256xf32>
    %select_n3A_360 = arith.select %eq3A_357, %broadcast_in_dim3A_359, %reshape3A : vector<128x64x256xi1>, vector<128x64x256xf32>
    %slice3A_361 = vector.extract_strided_slice %select_n3A_360 {offsets = [0, 0, 0], sizes = [128, 32, 256], strides = [1, 1, 1]} : vector<128x64x256xf32> to vector<128x32x256xf32>
    %slice3A_362 = vector.extract_strided_slice %select_n3A_360 {offsets = [0, 32, 0], sizes = [128, 32, 256], strides = [1, 1, 1]} : vector<128x64x256xf32> to vector<128x32x256xf32>
    %lt3A_363 = arith.cmpf olt, %slice3A_362, %slice3A_361 : vector<128x32x256xf32>
    %iota3A_364 = tpu.iota {dimensions = array<i32: 1>} : vector<128x32x256xi32>
    %add3A_365 = arith.constant 32 : i32
    %add3A_366 = vector.broadcast %add3A_365 : i32 to vector<128x32x256xi32>
    %add3A_367 = arith.addi %iota3A_364, %add3A_366 : vector<128x32x256xi32>
    %select_n3A_368 = arith.select %lt3A_363, %slice3A_362, %slice3A_361 : vector<128x32x256xi1>, vector<128x32x256xf32>
    %select_n3A_369 = arith.select %lt3A_363, %add3A_367, %iota3A_364 : vector<128x32x256xi1>, vector<128x32x256xi32>
    %slice3A_370 = vector.extract_strided_slice %select_n3A_368 {offsets = [0, 0, 0], sizes = [128, 16, 256], strides = [1, 1, 1]} : vector<128x32x256xf32> to vector<128x16x256xf32>
    %slice3A_371 = vector.extract_strided_slice %select_n3A_368 {offsets = [0, 16, 0], sizes = [128, 16, 256], strides = [1, 1, 1]} : vector<128x32x256xf32> to vector<128x16x256xf32>
    %lt3A_372 = arith.cmpf olt, %slice3A_371, %slice3A_370 : vector<128x16x256xf32>
    %slice3A_373 = vector.extract_strided_slice %select_n3A_369 {offsets = [0, 0, 0], sizes = [128, 16, 256], strides = [1, 1, 1]} : vector<128x32x256xi32> to vector<128x16x256xi32>
    %slice3A_374 = vector.extract_strided_slice %select_n3A_369 {offsets = [0, 16, 0], sizes = [128, 16, 256], strides = [1, 1, 1]} : vector<128x32x256xi32> to vector<128x16x256xi32>
    %select_n3A_375 = arith.select %lt3A_372, %slice3A_371, %slice3A_370 : vector<128x16x256xi1>, vector<128x16x256xf32>
    %select_n3A_376 = arith.select %lt3A_372, %slice3A_374, %slice3A_373 : vector<128x16x256xi1>, vector<128x16x256xi32>
    %slice3A_377 = vector.extract_strided_slice %select_n3A_375 {offsets = [0, 0, 0], sizes = [128, 8, 256], strides = [1, 1, 1]} : vector<128x16x256xf32> to vector<128x8x256xf32>
    %slice3A_378 = vector.extract_strided_slice %select_n3A_375 {offsets = [0, 8, 0], sizes = [128, 8, 256], strides = [1, 1, 1]} : vector<128x16x256xf32> to vector<128x8x256xf32>
    %lt3A_379 = arith.cmpf olt, %slice3A_378, %slice3A_377 : vector<128x8x256xf32>
    %slice3A_380 = vector.extract_strided_slice %select_n3A_376 {offsets = [0, 0, 0], sizes = [128, 8, 256], strides = [1, 1, 1]} : vector<128x16x256xi32> to vector<128x8x256xi32>
    %slice3A_381 = vector.extract_strided_slice %select_n3A_376 {offsets = [0, 8, 0], sizes = [128, 8, 256], strides = [1, 1, 1]} : vector<128x16x256xi32> to vector<128x8x256xi32>
    %select_n3A_382 = arith.select %lt3A_379, %slice3A_378, %slice3A_377 : vector<128x8x256xi1>, vector<128x8x256xf32>
    %select_n3A_383 = arith.select %lt3A_379, %slice3A_381, %slice3A_380 : vector<128x8x256xi1>, vector<128x8x256xi32>
    %reduce_min3A_384 = arith.constant dense<0x7F800000> : vector<128x256xf32>
    %reduce_min3A_385 = vector.multi_reduction <minimumf>, %select_n3A_382, %reduce_min3A_384 [1] : vector<128x8x256xf32> to vector<128x256xf32>
    %broadcast_in_dim3A_386 = vector.shape_cast %reduce_min3A_385 : vector<128x256xf32> to vector<128x1x256xf32>
    %eq3A_387 = vector.broadcast %broadcast_in_dim3A_386 : vector<128x1x256xf32> to vector<128x8x256xf32>
    %eq3A_388 = arith.cmpf oeq, %select_n3A_382, %eq3A_387 : vector<128x8x256xf32>
    %jit3A_389 = arith.constant 8192 : i32
    %broadcast_in_dim3A_390 = vector.broadcast %jit3A_389 : i32 to vector<128x8x256xi32>
    %select_n3A_391 = arith.select %eq3A_388, %select_n3A_383, %broadcast_in_dim3A_390 : vector<128x8x256xi1>, vector<128x8x256xi32>
    %reduce_min3A_392 = arith.constant dense<2147483647> : vector<128x256xi32>
    %reduce_min3A_393 = vector.multi_reduction <minsi>, %select_n3A_391, %reduce_min3A_392 [1] : vector<128x8x256xi32> to vector<128x256xi32>
    %add3A_394 = arith.addi %reduce_min3A_393, %mul3A_23 : vector<128x256xi32>
    %concatenate3A_395 = tpu.concatenate %stack3A_336, %reduce_min3A_385 in 0 : vector<16x256xf32>, vector<128x256xf32> -> vector<144x256xf32>
    %concatenate3A_396 = tpu.concatenate %stack3A_353, %add3A_394 in 0 : vector<16x256xi32>, vector<128x256xi32> -> vector<144x256xi32>
    %reduce_min3A_397 = arith.constant dense<0x7F800000> : vector<256xf32>
    %reduce_min3A_398 = vector.multi_reduction <minimumf>, %concatenate3A_395, %reduce_min3A_397 [0] : vector<144x256xf32> to vector<256xf32>
    %broadcast_in_dim3A_399 = vector.shape_cast %reduce_min3A_398 : vector<256xf32> to vector<1x256xf32>
    %eq3A_400 = vector.broadcast %broadcast_in_dim3A_399 : vector<1x256xf32> to vector<144x256xf32>
    %eq3A_401 = arith.cmpf oeq, %concatenate3A_395, %eq3A_400 : vector<144x256xf32>
    %jit3A_402 = arith.constant 8192 : i32
    %broadcast_in_dim3A_403 = vector.broadcast %jit3A_402 : i32 to vector<144x256xi32>
    %select_n3A_404 = arith.select %eq3A_401, %concatenate3A_396, %broadcast_in_dim3A_403 : vector<144x256xi1>, vector<144x256xi32>
    %reduce_min3A_405 = arith.constant dense<2147483647> : vector<256xi32>
    %reduce_min3A_406 = vector.multi_reduction <minsi>, %select_n3A_404, %reduce_min3A_405 [0] : vector<144x256xi32> to vector<256xi32>
    %broadcast_in_dim3A_407 = vector.shape_cast %reduce_min3A_406 : vector<256xi32> to vector<1x256xi32>
    %eq3A_408 = vector.broadcast %broadcast_in_dim3A_407 : vector<1x256xi32> to vector<144x256xi32>
    %eq3A_409 = arith.cmpi eq, %concatenate3A_396, %eq3A_408 : vector<144x256xi32>
    %and3A_410 = arith.andi %eq3A_401, %eq3A_409 : vector<144x256xi1>
    %jit3A_411 = arith.constant 0x7F800000 : f32
    %broadcast_in_dim3A_412 = vector.broadcast %jit3A_411 : f32 to vector<144x256xf32>
    %select_n3A_413 = arith.select %and3A_410, %broadcast_in_dim3A_412, %concatenate3A_395 : vector<144x256xi1>, vector<144x256xf32>
    %reduce_min3A_414 = arith.constant dense<0x7F800000> : vector<256xf32>
    %reduce_min3A_415 = vector.multi_reduction <minimumf>, %select_n3A_413, %reduce_min3A_414 [0] : vector<144x256xf32> to vector<256xf32>
    %broadcast_in_dim3A_416 = vector.shape_cast %reduce_min3A_415 : vector<256xf32> to vector<1x256xf32>
    %eq3A_417 = vector.broadcast %broadcast_in_dim3A_416 : vector<1x256xf32> to vector<144x256xf32>
    %eq3A_418 = arith.cmpf oeq, %select_n3A_413, %eq3A_417 : vector<144x256xf32>
    %jit3A_419 = arith.constant 8192 : i32
    %broadcast_in_dim3A_420 = vector.broadcast %jit3A_419 : i32 to vector<144x256xi32>
    %select_n3A_421 = arith.select %eq3A_418, %concatenate3A_396, %broadcast_in_dim3A_420 : vector<144x256xi1>, vector<144x256xi32>
    %reduce_min3A_422 = arith.constant dense<2147483647> : vector<256xi32>
    %reduce_min3A_423 = vector.multi_reduction <minsi>, %select_n3A_421, %reduce_min3A_422 [0] : vector<144x256xi32> to vector<256xi32>
    %broadcast_in_dim3A_424 = vector.shape_cast %reduce_min3A_423 : vector<256xi32> to vector<1x256xi32>
    %eq3A_425 = vector.broadcast %broadcast_in_dim3A_424 : vector<1x256xi32> to vector<144x256xi32>
    %eq3A_426 = arith.cmpi eq, %concatenate3A_396, %eq3A_425 : vector<144x256xi32>
    %and3A_427 = arith.andi %eq3A_418, %eq3A_426 : vector<144x256xi1>
    %jit3A_428 = arith.constant 0x7F800000 : f32
    %broadcast_in_dim3A_429 = vector.broadcast %jit3A_428 : f32 to vector<144x256xf32>
    %select_n3A_430 = arith.select %and3A_427, %broadcast_in_dim3A_429, %select_n3A_413 : vector<144x256xi1>, vector<144x256xf32>
    %reduce_min3A_431 = arith.constant dense<0x7F800000> : vector<256xf32>
    %reduce_min3A_432 = vector.multi_reduction <minimumf>, %select_n3A_430, %reduce_min3A_431 [0] : vector<144x256xf32> to vector<256xf32>
    %broadcast_in_dim3A_433 = vector.shape_cast %reduce_min3A_432 : vector<256xf32> to vector<1x256xf32>
    %eq3A_434 = vector.broadcast %broadcast_in_dim3A_433 : vector<1x256xf32> to vector<144x256xf32>
    %eq3A_435 = arith.cmpf oeq, %select_n3A_430, %eq3A_434 : vector<144x256xf32>
    %jit3A_436 = arith.constant 8192 : i32
    %broadcast_in_dim3A_437 = vector.broadcast %jit3A_436 : i32 to vector<144x256xi32>
    %select_n3A_438 = arith.select %eq3A_435, %concatenate3A_396, %broadcast_in_dim3A_437 : vector<144x256xi1>, vector<144x256xi32>
    %reduce_min3A_439 = arith.constant dense<2147483647> : vector<256xi32>
    %reduce_min3A_440 = vector.multi_reduction <minsi>, %select_n3A_438, %reduce_min3A_439 [0] : vector<144x256xi32> to vector<256xi32>
    %broadcast_in_dim3A_441 = vector.shape_cast %reduce_min3A_440 : vector<256xi32> to vector<1x256xi32>
    %eq3A_442 = vector.broadcast %broadcast_in_dim3A_441 : vector<1x256xi32> to vector<144x256xi32>
    %eq3A_443 = arith.cmpi eq, %concatenate3A_396, %eq3A_442 : vector<144x256xi32>
    %and3A_444 = arith.andi %eq3A_435, %eq3A_443 : vector<144x256xi1>
    %jit3A_445 = arith.constant 0x7F800000 : f32
    %broadcast_in_dim3A_446 = vector.broadcast %jit3A_445 : f32 to vector<144x256xf32>
    %select_n3A_447 = arith.select %and3A_444, %broadcast_in_dim3A_446, %select_n3A_430 : vector<144x256xi1>, vector<144x256xf32>
    %reduce_min3A_448 = arith.constant dense<0x7F800000> : vector<256xf32>
    %reduce_min3A_449 = vector.multi_reduction <minimumf>, %select_n3A_447, %reduce_min3A_448 [0] : vector<144x256xf32> to vector<256xf32>
    %broadcast_in_dim3A_450 = vector.shape_cast %reduce_min3A_449 : vector<256xf32> to vector<1x256xf32>
    %eq3A_451 = vector.broadcast %broadcast_in_dim3A_450 : vector<1x256xf32> to vector<144x256xf32>
    %eq3A_452 = arith.cmpf oeq, %select_n3A_447, %eq3A_451 : vector<144x256xf32>
    %jit3A_453 = arith.constant 8192 : i32
    %broadcast_in_dim3A_454 = vector.broadcast %jit3A_453 : i32 to vector<144x256xi32>
    %select_n3A_455 = arith.select %eq3A_452, %concatenate3A_396, %broadcast_in_dim3A_454 : vector<144x256xi1>, vector<144x256xi32>
    %reduce_min3A_456 = arith.constant dense<2147483647> : vector<256xi32>
    %reduce_min3A_457 = vector.multi_reduction <minsi>, %select_n3A_455, %reduce_min3A_456 [0] : vector<144x256xi32> to vector<256xi32>
    %broadcast_in_dim3A_458 = vector.shape_cast %reduce_min3A_457 : vector<256xi32> to vector<1x256xi32>
    %eq3A_459 = vector.broadcast %broadcast_in_dim3A_458 : vector<1x256xi32> to vector<144x256xi32>
    %eq3A_460 = arith.cmpi eq, %concatenate3A_396, %eq3A_459 : vector<144x256xi32>
    %and3A_461 = arith.andi %eq3A_452, %eq3A_460 : vector<144x256xi1>
    %jit3A_462 = arith.constant 0x7F800000 : f32
    %broadcast_in_dim3A_463 = vector.broadcast %jit3A_462 : f32 to vector<144x256xf32>
    %select_n3A_464 = arith.select %and3A_461, %broadcast_in_dim3A_463, %select_n3A_447 : vector<144x256xi1>, vector<144x256xf32>
    %reduce_min3A_465 = arith.constant dense<0x7F800000> : vector<256xf32>
    %reduce_min3A_466 = vector.multi_reduction <minimumf>, %select_n3A_464, %reduce_min3A_465 [0] : vector<144x256xf32> to vector<256xf32>
    %broadcast_in_dim3A_467 = vector.shape_cast %reduce_min3A_466 : vector<256xf32> to vector<1x256xf32>
    %eq3A_468 = vector.broadcast %broadcast_in_dim3A_467 : vector<1x256xf32> to vector<144x256xf32>
    %eq3A_469 = arith.cmpf oeq, %select_n3A_464, %eq3A_468 : vector<144x256xf32>
    %jit3A_470 = arith.constant 8192 : i32
    %broadcast_in_dim3A_471 = vector.broadcast %jit3A_470 : i32 to vector<144x256xi32>
    %select_n3A_472 = arith.select %eq3A_469, %concatenate3A_396, %broadcast_in_dim3A_471 : vector<144x256xi1>, vector<144x256xi32>
    %reduce_min3A_473 = arith.constant dense<2147483647> : vector<256xi32>
    %reduce_min3A_474 = vector.multi_reduction <minsi>, %select_n3A_472, %reduce_min3A_473 [0] : vector<144x256xi32> to vector<256xi32>
    %broadcast_in_dim3A_475 = vector.shape_cast %reduce_min3A_474 : vector<256xi32> to vector<1x256xi32>
    %eq3A_476 = vector.broadcast %broadcast_in_dim3A_475 : vector<1x256xi32> to vector<144x256xi32>
    %eq3A_477 = arith.cmpi eq, %concatenate3A_396, %eq3A_476 : vector<144x256xi32>
    %and3A_478 = arith.andi %eq3A_469, %eq3A_477 : vector<144x256xi1>
    %jit3A_479 = arith.constant 0x7F800000 : f32
    %broadcast_in_dim3A_480 = vector.broadcast %jit3A_479 : f32 to vector<144x256xf32>
    %select_n3A_481 = arith.select %and3A_478, %broadcast_in_dim3A_480, %select_n3A_464 : vector<144x256xi1>, vector<144x256xf32>
    %reduce_min3A_482 = arith.constant dense<0x7F800000> : vector<256xf32>
    %reduce_min3A_483 = vector.multi_reduction <minimumf>, %select_n3A_481, %reduce_min3A_482 [0] : vector<144x256xf32> to vector<256xf32>
    %broadcast_in_dim3A_484 = vector.shape_cast %reduce_min3A_483 : vector<256xf32> to vector<1x256xf32>
    %eq3A_485 = vector.broadcast %broadcast_in_dim3A_484 : vector<1x256xf32> to vector<144x256xf32>
    %eq3A_486 = arith.cmpf oeq, %select_n3A_481, %eq3A_485 : vector<144x256xf32>
    %jit3A_487 = arith.constant 8192 : i32
    %broadcast_in_dim3A_488 = vector.broadcast %jit3A_487 : i32 to vector<144x256xi32>
    %select_n3A_489 = arith.select %eq3A_486, %concatenate3A_396, %broadcast_in_dim3A_488 : vector<144x256xi1>, vector<144x256xi32>
    %reduce_min3A_490 = arith.constant dense<2147483647> : vector<256xi32>
    %reduce_min3A_491 = vector.multi_reduction <minsi>, %select_n3A_489, %reduce_min3A_490 [0] : vector<144x256xi32> to vector<256xi32>
    %broadcast_in_dim3A_492 = vector.shape_cast %reduce_min3A_491 : vector<256xi32> to vector<1x256xi32>
    %eq3A_493 = vector.broadcast %broadcast_in_dim3A_492 : vector<1x256xi32> to vector<144x256xi32>
    %eq3A_494 = arith.cmpi eq, %concatenate3A_396, %eq3A_493 : vector<144x256xi32>
    %and3A_495 = arith.andi %eq3A_486, %eq3A_494 : vector<144x256xi1>
    %jit3A_496 = arith.constant 0x7F800000 : f32
    %broadcast_in_dim3A_497 = vector.broadcast %jit3A_496 : f32 to vector<144x256xf32>
    %select_n3A_498 = arith.select %and3A_495, %broadcast_in_dim3A_497, %select_n3A_481 : vector<144x256xi1>, vector<144x256xf32>
    %reduce_min3A_499 = arith.constant dense<0x7F800000> : vector<256xf32>
    %reduce_min3A_500 = vector.multi_reduction <minimumf>, %select_n3A_498, %reduce_min3A_499 [0] : vector<144x256xf32> to vector<256xf32>
    %broadcast_in_dim3A_501 = vector.shape_cast %reduce_min3A_500 : vector<256xf32> to vector<1x256xf32>
    %eq3A_502 = vector.broadcast %broadcast_in_dim3A_501 : vector<1x256xf32> to vector<144x256xf32>
    %eq3A_503 = arith.cmpf oeq, %select_n3A_498, %eq3A_502 : vector<144x256xf32>
    %jit3A_504 = arith.constant 8192 : i32
    %broadcast_in_dim3A_505 = vector.broadcast %jit3A_504 : i32 to vector<144x256xi32>
    %select_n3A_506 = arith.select %eq3A_503, %concatenate3A_396, %broadcast_in_dim3A_505 : vector<144x256xi1>, vector<144x256xi32>
    %reduce_min3A_507 = arith.constant dense<2147483647> : vector<256xi32>
    %reduce_min3A_508 = vector.multi_reduction <minsi>, %select_n3A_506, %reduce_min3A_507 [0] : vector<144x256xi32> to vector<256xi32>
    %broadcast_in_dim3A_509 = vector.shape_cast %reduce_min3A_508 : vector<256xi32> to vector<1x256xi32>
    %eq3A_510 = vector.broadcast %broadcast_in_dim3A_509 : vector<1x256xi32> to vector<144x256xi32>
    %eq3A_511 = arith.cmpi eq, %concatenate3A_396, %eq3A_510 : vector<144x256xi32>
    %and3A_512 = arith.andi %eq3A_503, %eq3A_511 : vector<144x256xi1>
    %jit3A_513 = arith.constant 0x7F800000 : f32
    %broadcast_in_dim3A_514 = vector.broadcast %jit3A_513 : f32 to vector<144x256xf32>
    %select_n3A_515 = arith.select %and3A_512, %broadcast_in_dim3A_514, %select_n3A_498 : vector<144x256xi1>, vector<144x256xf32>
    %reduce_min3A_516 = arith.constant dense<0x7F800000> : vector<256xf32>
    %reduce_min3A_517 = vector.multi_reduction <minimumf>, %select_n3A_515, %reduce_min3A_516 [0] : vector<144x256xf32> to vector<256xf32>
    %broadcast_in_dim3A_518 = vector.shape_cast %reduce_min3A_517 : vector<256xf32> to vector<1x256xf32>
    %eq3A_519 = vector.broadcast %broadcast_in_dim3A_518 : vector<1x256xf32> to vector<144x256xf32>
    %eq3A_520 = arith.cmpf oeq, %select_n3A_515, %eq3A_519 : vector<144x256xf32>
    %jit3A_521 = arith.constant 8192 : i32
    %broadcast_in_dim3A_522 = vector.broadcast %jit3A_521 : i32 to vector<144x256xi32>
    %select_n3A_523 = arith.select %eq3A_520, %concatenate3A_396, %broadcast_in_dim3A_522 : vector<144x256xi1>, vector<144x256xi32>
    %reduce_min3A_524 = arith.constant dense<2147483647> : vector<256xi32>
    %reduce_min3A_525 = vector.multi_reduction <minsi>, %select_n3A_523, %reduce_min3A_524 [0] : vector<144x256xi32> to vector<256xi32>
    %broadcast_in_dim3A_526 = vector.shape_cast %reduce_min3A_525 : vector<256xi32> to vector<1x256xi32>
    %eq3A_527 = vector.broadcast %broadcast_in_dim3A_526 : vector<1x256xi32> to vector<144x256xi32>
    %eq3A_528 = arith.cmpi eq, %concatenate3A_396, %eq3A_527 : vector<144x256xi32>
    %and3A_529 = arith.andi %eq3A_520, %eq3A_528 : vector<144x256xi1>
    %jit3A_530 = arith.constant 0x7F800000 : f32
    %broadcast_in_dim3A_531 = vector.broadcast %jit3A_530 : f32 to vector<144x256xf32>
    %select_n3A_532 = arith.select %and3A_529, %broadcast_in_dim3A_531, %select_n3A_515 : vector<144x256xi1>, vector<144x256xf32>
    %reduce_min3A_533 = arith.constant dense<0x7F800000> : vector<256xf32>
    %reduce_min3A_534 = vector.multi_reduction <minimumf>, %select_n3A_532, %reduce_min3A_533 [0] : vector<144x256xf32> to vector<256xf32>
    %broadcast_in_dim3A_535 = vector.shape_cast %reduce_min3A_534 : vector<256xf32> to vector<1x256xf32>
    %eq3A_536 = vector.broadcast %broadcast_in_dim3A_535 : vector<1x256xf32> to vector<144x256xf32>
    %eq3A_537 = arith.cmpf oeq, %select_n3A_532, %eq3A_536 : vector<144x256xf32>
    %jit3A_538 = arith.constant 8192 : i32
    %broadcast_in_dim3A_539 = vector.broadcast %jit3A_538 : i32 to vector<144x256xi32>
    %select_n3A_540 = arith.select %eq3A_537, %concatenate3A_396, %broadcast_in_dim3A_539 : vector<144x256xi1>, vector<144x256xi32>
    %reduce_min3A_541 = arith.constant dense<2147483647> : vector<256xi32>
    %reduce_min3A_542 = vector.multi_reduction <minsi>, %select_n3A_540, %reduce_min3A_541 [0] : vector<144x256xi32> to vector<256xi32>
    %broadcast_in_dim3A_543 = vector.shape_cast %reduce_min3A_542 : vector<256xi32> to vector<1x256xi32>
    %eq3A_544 = vector.broadcast %broadcast_in_dim3A_543 : vector<1x256xi32> to vector<144x256xi32>
    %eq3A_545 = arith.cmpi eq, %concatenate3A_396, %eq3A_544 : vector<144x256xi32>
    %and3A_546 = arith.andi %eq3A_537, %eq3A_545 : vector<144x256xi1>
    %jit3A_547 = arith.constant 0x7F800000 : f32
    %broadcast_in_dim3A_548 = vector.broadcast %jit3A_547 : f32 to vector<144x256xf32>
    %select_n3A_549 = arith.select %and3A_546, %broadcast_in_dim3A_548, %select_n3A_532 : vector<144x256xi1>, vector<144x256xf32>
    %reduce_min3A_550 = arith.constant dense<0x7F800000> : vector<256xf32>
    %reduce_min3A_551 = vector.multi_reduction <minimumf>, %select_n3A_549, %reduce_min3A_550 [0] : vector<144x256xf32> to vector<256xf32>
    %broadcast_in_dim3A_552 = vector.shape_cast %reduce_min3A_551 : vector<256xf32> to vector<1x256xf32>
    %eq3A_553 = vector.broadcast %broadcast_in_dim3A_552 : vector<1x256xf32> to vector<144x256xf32>
    %eq3A_554 = arith.cmpf oeq, %select_n3A_549, %eq3A_553 : vector<144x256xf32>
    %jit3A_555 = arith.constant 8192 : i32
    %broadcast_in_dim3A_556 = vector.broadcast %jit3A_555 : i32 to vector<144x256xi32>
    %select_n3A_557 = arith.select %eq3A_554, %concatenate3A_396, %broadcast_in_dim3A_556 : vector<144x256xi1>, vector<144x256xi32>
    %reduce_min3A_558 = arith.constant dense<2147483647> : vector<256xi32>
    %reduce_min3A_559 = vector.multi_reduction <minsi>, %select_n3A_557, %reduce_min3A_558 [0] : vector<144x256xi32> to vector<256xi32>
    %broadcast_in_dim3A_560 = vector.shape_cast %reduce_min3A_559 : vector<256xi32> to vector<1x256xi32>
    %eq3A_561 = vector.broadcast %broadcast_in_dim3A_560 : vector<1x256xi32> to vector<144x256xi32>
    %eq3A_562 = arith.cmpi eq, %concatenate3A_396, %eq3A_561 : vector<144x256xi32>
    %and3A_563 = arith.andi %eq3A_554, %eq3A_562 : vector<144x256xi1>
    %jit3A_564 = arith.constant 0x7F800000 : f32
    %broadcast_in_dim3A_565 = vector.broadcast %jit3A_564 : f32 to vector<144x256xf32>
    %select_n3A_566 = arith.select %and3A_563, %broadcast_in_dim3A_565, %select_n3A_549 : vector<144x256xi1>, vector<144x256xf32>
    %reduce_min3A_567 = arith.constant dense<0x7F800000> : vector<256xf32>
    %reduce_min3A_568 = vector.multi_reduction <minimumf>, %select_n3A_566, %reduce_min3A_567 [0] : vector<144x256xf32> to vector<256xf32>
    %broadcast_in_dim3A_569 = vector.shape_cast %reduce_min3A_568 : vector<256xf32> to vector<1x256xf32>
    %eq3A_570 = vector.broadcast %broadcast_in_dim3A_569 : vector<1x256xf32> to vector<144x256xf32>
    %eq3A_571 = arith.cmpf oeq, %select_n3A_566, %eq3A_570 : vector<144x256xf32>
    %jit3A_572 = arith.constant 8192 : i32
    %broadcast_in_dim3A_573 = vector.broadcast %jit3A_572 : i32 to vector<144x256xi32>
    %select_n3A_574 = arith.select %eq3A_571, %concatenate3A_396, %broadcast_in_dim3A_573 : vector<144x256xi1>, vector<144x256xi32>
    %reduce_min3A_575 = arith.constant dense<2147483647> : vector<256xi32>
    %reduce_min3A_576 = vector.multi_reduction <minsi>, %select_n3A_574, %reduce_min3A_575 [0] : vector<144x256xi32> to vector<256xi32>
    %broadcast_in_dim3A_577 = vector.shape_cast %reduce_min3A_576 : vector<256xi32> to vector<1x256xi32>
    %eq3A_578 = vector.broadcast %broadcast_in_dim3A_577 : vector<1x256xi32> to vector<144x256xi32>
    %eq3A_579 = arith.cmpi eq, %concatenate3A_396, %eq3A_578 : vector<144x256xi32>
    %and3A_580 = arith.andi %eq3A_571, %eq3A_579 : vector<144x256xi1>
    %jit3A_581 = arith.constant 0x7F800000 : f32
    %broadcast_in_dim3A_582 = vector.broadcast %jit3A_581 : f32 to vector<144x256xf32>
    %select_n3A_583 = arith.select %and3A_580, %broadcast_in_dim3A_582, %select_n3A_566 : vector<144x256xi1>, vector<144x256xf32>
    %reduce_min3A_584 = arith.constant dense<0x7F800000> : vector<256xf32>
    %reduce_min3A_585 = vector.multi_reduction <minimumf>, %select_n3A_583, %reduce_min3A_584 [0] : vector<144x256xf32> to vector<256xf32>
    %broadcast_in_dim3A_586 = vector.shape_cast %reduce_min3A_585 : vector<256xf32> to vector<1x256xf32>
    %eq3A_587 = vector.broadcast %broadcast_in_dim3A_586 : vector<1x256xf32> to vector<144x256xf32>
    %eq3A_588 = arith.cmpf oeq, %select_n3A_583, %eq3A_587 : vector<144x256xf32>
    %jit3A_589 = arith.constant 8192 : i32
    %broadcast_in_dim3A_590 = vector.broadcast %jit3A_589 : i32 to vector<144x256xi32>
    %select_n3A_591 = arith.select %eq3A_588, %concatenate3A_396, %broadcast_in_dim3A_590 : vector<144x256xi1>, vector<144x256xi32>
    %reduce_min3A_592 = arith.constant dense<2147483647> : vector<256xi32>
    %reduce_min3A_593 = vector.multi_reduction <minsi>, %select_n3A_591, %reduce_min3A_592 [0] : vector<144x256xi32> to vector<256xi32>
    %broadcast_in_dim3A_594 = vector.shape_cast %reduce_min3A_593 : vector<256xi32> to vector<1x256xi32>
    %eq3A_595 = vector.broadcast %broadcast_in_dim3A_594 : vector<1x256xi32> to vector<144x256xi32>
    %eq3A_596 = arith.cmpi eq, %concatenate3A_396, %eq3A_595 : vector<144x256xi32>
    %and3A_597 = arith.andi %eq3A_588, %eq3A_596 : vector<144x256xi1>
    %jit3A_598 = arith.constant 0x7F800000 : f32
    %broadcast_in_dim3A_599 = vector.broadcast %jit3A_598 : f32 to vector<144x256xf32>
    %select_n3A_600 = arith.select %and3A_597, %broadcast_in_dim3A_599, %select_n3A_583 : vector<144x256xi1>, vector<144x256xf32>
    %reduce_min3A_601 = arith.constant dense<0x7F800000> : vector<256xf32>
    %reduce_min3A_602 = vector.multi_reduction <minimumf>, %select_n3A_600, %reduce_min3A_601 [0] : vector<144x256xf32> to vector<256xf32>
    %broadcast_in_dim3A_603 = vector.shape_cast %reduce_min3A_602 : vector<256xf32> to vector<1x256xf32>
    %eq3A_604 = vector.broadcast %broadcast_in_dim3A_603 : vector<1x256xf32> to vector<144x256xf32>
    %eq3A_605 = arith.cmpf oeq, %select_n3A_600, %eq3A_604 : vector<144x256xf32>
    %jit3A_606 = arith.constant 8192 : i32
    %broadcast_in_dim3A_607 = vector.broadcast %jit3A_606 : i32 to vector<144x256xi32>
    %select_n3A_608 = arith.select %eq3A_605, %concatenate3A_396, %broadcast_in_dim3A_607 : vector<144x256xi1>, vector<144x256xi32>
    %reduce_min3A_609 = arith.constant dense<2147483647> : vector<256xi32>
    %reduce_min3A_610 = vector.multi_reduction <minsi>, %select_n3A_608, %reduce_min3A_609 [0] : vector<144x256xi32> to vector<256xi32>
    %broadcast_in_dim3A_611 = vector.shape_cast %reduce_min3A_610 : vector<256xi32> to vector<1x256xi32>
    %eq3A_612 = vector.broadcast %broadcast_in_dim3A_611 : vector<1x256xi32> to vector<144x256xi32>
    %eq3A_613 = arith.cmpi eq, %concatenate3A_396, %eq3A_612 : vector<144x256xi32>
    %and3A_614 = arith.andi %eq3A_605, %eq3A_613 : vector<144x256xi1>
    %jit3A_615 = arith.constant 0x7F800000 : f32
    %broadcast_in_dim3A_616 = vector.broadcast %jit3A_615 : f32 to vector<144x256xf32>
    %select_n3A_617 = arith.select %and3A_614, %broadcast_in_dim3A_616, %select_n3A_600 : vector<144x256xi1>, vector<144x256xf32>
    %reduce_min3A_618 = arith.constant dense<0x7F800000> : vector<256xf32>
    %reduce_min3A_619 = vector.multi_reduction <minimumf>, %select_n3A_617, %reduce_min3A_618 [0] : vector<144x256xf32> to vector<256xf32>
    %broadcast_in_dim3A_620 = vector.shape_cast %reduce_min3A_619 : vector<256xf32> to vector<1x256xf32>
    %eq3A_621 = vector.broadcast %broadcast_in_dim3A_620 : vector<1x256xf32> to vector<144x256xf32>
    %eq3A_622 = arith.cmpf oeq, %select_n3A_617, %eq3A_621 : vector<144x256xf32>
    %jit3A_623 = arith.constant 8192 : i32
    %broadcast_in_dim3A_624 = vector.broadcast %jit3A_623 : i32 to vector<144x256xi32>
    %select_n3A_625 = arith.select %eq3A_622, %concatenate3A_396, %broadcast_in_dim3A_624 : vector<144x256xi1>, vector<144x256xi32>
    %reduce_min3A_626 = arith.constant dense<2147483647> : vector<256xi32>
    %reduce_min3A_627 = vector.multi_reduction <minsi>, %select_n3A_625, %reduce_min3A_626 [0] : vector<144x256xi32> to vector<256xi32>
    %broadcast_in_dim3A_628 = vector.shape_cast %reduce_min3A_627 : vector<256xi32> to vector<1x256xi32>
    %eq3A_629 = vector.broadcast %broadcast_in_dim3A_628 : vector<1x256xi32> to vector<144x256xi32>
    %eq3A_630 = arith.cmpi eq, %concatenate3A_396, %eq3A_629 : vector<144x256xi32>
    %and3A_631 = arith.andi %eq3A_622, %eq3A_630 : vector<144x256xi1>
    %jit3A_632 = arith.constant 0x7F800000 : f32
    %broadcast_in_dim3A_633 = vector.broadcast %jit3A_632 : f32 to vector<144x256xf32>
    %select_n3A_634 = arith.select %and3A_631, %broadcast_in_dim3A_633, %select_n3A_617 : vector<144x256xi1>, vector<144x256xf32>
    %reduce_min3A_635 = arith.constant dense<0x7F800000> : vector<256xf32>
    %reduce_min3A_636 = vector.multi_reduction <minimumf>, %select_n3A_634, %reduce_min3A_635 [0] : vector<144x256xf32> to vector<256xf32>
    %broadcast_in_dim3A_637 = vector.shape_cast %reduce_min3A_636 : vector<256xf32> to vector<1x256xf32>
    %eq3A_638 = vector.broadcast %broadcast_in_dim3A_637 : vector<1x256xf32> to vector<144x256xf32>
    %eq3A_639 = arith.cmpf oeq, %select_n3A_634, %eq3A_638 : vector<144x256xf32>
    %jit3A_640 = arith.constant 8192 : i32
    %broadcast_in_dim3A_641 = vector.broadcast %jit3A_640 : i32 to vector<144x256xi32>
    %select_n3A_642 = arith.select %eq3A_639, %concatenate3A_396, %broadcast_in_dim3A_641 : vector<144x256xi1>, vector<144x256xi32>
    %reduce_min3A_643 = arith.constant dense<2147483647> : vector<256xi32>
    %reduce_min3A_644 = vector.multi_reduction <minsi>, %select_n3A_642, %reduce_min3A_643 [0] : vector<144x256xi32> to vector<256xi32>
    %broadcast_in_dim3A_645 = vector.shape_cast %reduce_min3A_644 : vector<256xi32> to vector<1x256xi32>
    %eq3A_646 = vector.broadcast %broadcast_in_dim3A_645 : vector<1x256xi32> to vector<144x256xi32>
    %eq3A_647 = arith.cmpi eq, %concatenate3A_396, %eq3A_646 : vector<144x256xi32>
    %and3A_648 = arith.andi %eq3A_639, %eq3A_647 : vector<144x256xi1>
    %jit3A_649 = arith.constant 0x7F800000 : f32
    %broadcast_in_dim3A_650 = vector.broadcast %jit3A_649 : f32 to vector<144x256xf32>
    %select_n3A_651 = arith.select %and3A_648, %broadcast_in_dim3A_650, %select_n3A_634 : vector<144x256xi1>, vector<144x256xf32>
    %reduce_min3A_652 = arith.constant dense<0x7F800000> : vector<256xf32>
    %reduce_min3A_653 = vector.multi_reduction <minimumf>, %select_n3A_651, %reduce_min3A_652 [0] : vector<144x256xf32> to vector<256xf32>
    %broadcast_in_dim3A_654 = vector.shape_cast %reduce_min3A_653 : vector<256xf32> to vector<1x256xf32>
    %eq3A_655 = vector.broadcast %broadcast_in_dim3A_654 : vector<1x256xf32> to vector<144x256xf32>
    %eq3A_656 = arith.cmpf oeq, %select_n3A_651, %eq3A_655 : vector<144x256xf32>
    %jit3A_657 = arith.constant 8192 : i32
    %broadcast_in_dim3A_658 = vector.broadcast %jit3A_657 : i32 to vector<144x256xi32>
    %select_n3A_659 = arith.select %eq3A_656, %concatenate3A_396, %broadcast_in_dim3A_658 : vector<144x256xi1>, vector<144x256xi32>
    %reduce_min3A_660 = arith.constant dense<2147483647> : vector<256xi32>
    %reduce_min3A_661 = vector.multi_reduction <minsi>, %select_n3A_659, %reduce_min3A_660 [0] : vector<144x256xi32> to vector<256xi32>
    %stack3A_662 = vector.shape_cast %reduce_min3A_398 : vector<256xf32> to vector<1x256xf32>
    %stack3A_663 = vector.shape_cast %reduce_min3A_415 : vector<256xf32> to vector<1x256xf32>
    %stack3A_664 = vector.shape_cast %reduce_min3A_432 : vector<256xf32> to vector<1x256xf32>
    %stack3A_665 = vector.shape_cast %reduce_min3A_449 : vector<256xf32> to vector<1x256xf32>
    %stack3A_666 = vector.shape_cast %reduce_min3A_466 : vector<256xf32> to vector<1x256xf32>
    %stack3A_667 = vector.shape_cast %reduce_min3A_483 : vector<256xf32> to vector<1x256xf32>
    %stack3A_668 = vector.shape_cast %reduce_min3A_500 : vector<256xf32> to vector<1x256xf32>
    %stack3A_669 = vector.shape_cast %reduce_min3A_517 : vector<256xf32> to vector<1x256xf32>
    %stack3A_670 = vector.shape_cast %reduce_min3A_534 : vector<256xf32> to vector<1x256xf32>
    %stack3A_671 = vector.shape_cast %reduce_min3A_551 : vector<256xf32> to vector<1x256xf32>
    %stack3A_672 = vector.shape_cast %reduce_min3A_568 : vector<256xf32> to vector<1x256xf32>
    %stack3A_673 = vector.shape_cast %reduce_min3A_585 : vector<256xf32> to vector<1x256xf32>
    %stack3A_674 = vector.shape_cast %reduce_min3A_602 : vector<256xf32> to vector<1x256xf32>
    %stack3A_675 = vector.shape_cast %reduce_min3A_619 : vector<256xf32> to vector<1x256xf32>
    %stack3A_676 = vector.shape_cast %reduce_min3A_636 : vector<256xf32> to vector<1x256xf32>
    %stack3A_677 = vector.shape_cast %reduce_min3A_653 : vector<256xf32> to vector<1x256xf32>
    %stack3A_678 = tpu.concatenate %stack3A_662, %stack3A_663, %stack3A_664, %stack3A_665, %stack3A_666, %stack3A_667, %stack3A_668, %stack3A_669, %stack3A_670, %stack3A_671, %stack3A_672, %stack3A_673, %stack3A_674, %stack3A_675, %stack3A_676, %stack3A_677 in 0 : vector<1x256xf32>, vector<1x256xf32>, vector<1x256xf32>, vector<1x256xf32>, vector<1x256xf32>, vector<1x256xf32>, vector<1x256xf32>, vector<1x256xf32>, vector<1x256xf32>, vector<1x256xf32>, vector<1x256xf32>, vector<1x256xf32>, vector<1x256xf32>, vector<1x256xf32>, vector<1x256xf32>, vector<1x256xf32> -> vector<16x256xf32>
    %stack3A_679 = vector.shape_cast %reduce_min3A_406 : vector<256xi32> to vector<1x256xi32>
    %stack3A_680 = vector.shape_cast %reduce_min3A_423 : vector<256xi32> to vector<1x256xi32>
    %stack3A_681 = vector.shape_cast %reduce_min3A_440 : vector<256xi32> to vector<1x256xi32>
    %stack3A_682 = vector.shape_cast %reduce_min3A_457 : vector<256xi32> to vector<1x256xi32>
    %stack3A_683 = vector.shape_cast %reduce_min3A_474 : vector<256xi32> to vector<1x256xi32>
    %stack3A_684 = vector.shape_cast %reduce_min3A_491 : vector<256xi32> to vector<1x256xi32>
    %stack3A_685 = vector.shape_cast %reduce_min3A_508 : vector<256xi32> to vector<1x256xi32>
    %stack3A_686 = vector.shape_cast %reduce_min3A_525 : vector<256xi32> to vector<1x256xi32>
    %stack3A_687 = vector.shape_cast %reduce_min3A_542 : vector<256xi32> to vector<1x256xi32>
    %stack3A_688 = vector.shape_cast %reduce_min3A_559 : vector<256xi32> to vector<1x256xi32>
    %stack3A_689 = vector.shape_cast %reduce_min3A_576 : vector<256xi32> to vector<1x256xi32>
    %stack3A_690 = vector.shape_cast %reduce_min3A_593 : vector<256xi32> to vector<1x256xi32>
    %stack3A_691 = vector.shape_cast %reduce_min3A_610 : vector<256xi32> to vector<1x256xi32>
    %stack3A_692 = vector.shape_cast %reduce_min3A_627 : vector<256xi32> to vector<1x256xi32>
    %stack3A_693 = vector.shape_cast %reduce_min3A_644 : vector<256xi32> to vector<1x256xi32>
    %stack3A_694 = vector.shape_cast %reduce_min3A_661 : vector<256xi32> to vector<1x256xi32>
    %stack3A_695 = tpu.concatenate %stack3A_679, %stack3A_680, %stack3A_681, %stack3A_682, %stack3A_683, %stack3A_684, %stack3A_685, %stack3A_686, %stack3A_687, %stack3A_688, %stack3A_689, %stack3A_690, %stack3A_691, %stack3A_692, %stack3A_693, %stack3A_694 in 0 : vector<1x256xi32>, vector<1x256xi32>, vector<1x256xi32>, vector<1x256xi32>, vector<1x256xi32>, vector<1x256xi32>, vector<1x256xi32>, vector<1x256xi32>, vector<1x256xi32>, vector<1x256xi32>, vector<1x256xi32>, vector<1x256xi32>, vector<1x256xi32>, vector<1x256xi32>, vector<1x256xi32>, vector<1x256xi32> -> vector<16x256xi32>
    %iota3A_696 = tpu.iota {dimensions = array<i32: 1>} : vector<128x64x256xi32>
    %broadcast_in_dim3A_697 = vector.shape_cast %reduce_min3A_393 : vector<128x256xi32> to vector<128x1x256xi32>
    %eq3A_698 = vector.broadcast %broadcast_in_dim3A_697 : vector<128x1x256xi32> to vector<128x64x256xi32>
    %eq3A_699 = arith.cmpi eq, %iota3A_696, %eq3A_698 : vector<128x64x256xi32>
    %jit3A_700 = arith.constant 0x7F800000 : f32
    %broadcast_in_dim3A_701 = vector.broadcast %jit3A_700 : f32 to vector<128x64x256xf32>
    %select_n3A_702 = arith.select %eq3A_699, %broadcast_in_dim3A_701, %select_n3A_360 : vector<128x64x256xi1>, vector<128x64x256xf32>
    %slice3A_703 = vector.extract_strided_slice %select_n3A_702 {offsets = [0, 0, 0], sizes = [128, 32, 256], strides = [1, 1, 1]} : vector<128x64x256xf32> to vector<128x32x256xf32>
    %slice3A_704 = vector.extract_strided_slice %select_n3A_702 {offsets = [0, 32, 0], sizes = [128, 32, 256], strides = [1, 1, 1]} : vector<128x64x256xf32> to vector<128x32x256xf32>
    %lt3A_705 = arith.cmpf olt, %slice3A_704, %slice3A_703 : vector<128x32x256xf32>
    %iota3A_706 = tpu.iota {dimensions = array<i32: 1>} : vector<128x32x256xi32>
    %add3A_707 = arith.constant 32 : i32
    %add3A_708 = vector.broadcast %add3A_707 : i32 to vector<128x32x256xi32>
    %add3A_709 = arith.addi %iota3A_706, %add3A_708 : vector<128x32x256xi32>
    %select_n3A_710 = arith.select %lt3A_705, %slice3A_704, %slice3A_703 : vector<128x32x256xi1>, vector<128x32x256xf32>
    %select_n3A_711 = arith.select %lt3A_705, %add3A_709, %iota3A_706 : vector<128x32x256xi1>, vector<128x32x256xi32>
    %slice3A_712 = vector.extract_strided_slice %select_n3A_710 {offsets = [0, 0, 0], sizes = [128, 16, 256], strides = [1, 1, 1]} : vector<128x32x256xf32> to vector<128x16x256xf32>
    %slice3A_713 = vector.extract_strided_slice %select_n3A_710 {offsets = [0, 16, 0], sizes = [128, 16, 256], strides = [1, 1, 1]} : vector<128x32x256xf32> to vector<128x16x256xf32>
    %lt3A_714 = arith.cmpf olt, %slice3A_713, %slice3A_712 : vector<128x16x256xf32>
    %slice3A_715 = vector.extract_strided_slice %select_n3A_711 {offsets = [0, 0, 0], sizes = [128, 16, 256], strides = [1, 1, 1]} : vector<128x32x256xi32> to vector<128x16x256xi32>
    %slice3A_716 = vector.extract_strided_slice %select_n3A_711 {offsets = [0, 16, 0], sizes = [128, 16, 256], strides = [1, 1, 1]} : vector<128x32x256xi32> to vector<128x16x256xi32>
    %select_n3A_717 = arith.select %lt3A_714, %slice3A_713, %slice3A_712 : vector<128x16x256xi1>, vector<128x16x256xf32>
    %select_n3A_718 = arith.select %lt3A_714, %slice3A_716, %slice3A_715 : vector<128x16x256xi1>, vector<128x16x256xi32>
    %slice3A_719 = vector.extract_strided_slice %select_n3A_717 {offsets = [0, 0, 0], sizes = [128, 8, 256], strides = [1, 1, 1]} : vector<128x16x256xf32> to vector<128x8x256xf32>
    %slice3A_720 = vector.extract_strided_slice %select_n3A_717 {offsets = [0, 8, 0], sizes = [128, 8, 256], strides = [1, 1, 1]} : vector<128x16x256xf32> to vector<128x8x256xf32>
    %lt3A_721 = arith.cmpf olt, %slice3A_720, %slice3A_719 : vector<128x8x256xf32>
    %slice3A_722 = vector.extract_strided_slice %select_n3A_718 {offsets = [0, 0, 0], sizes = [128, 8, 256], strides = [1, 1, 1]} : vector<128x16x256xi32> to vector<128x8x256xi32>
    %slice3A_723 = vector.extract_strided_slice %select_n3A_718 {offsets = [0, 8, 0], sizes = [128, 8, 256], strides = [1, 1, 1]} : vector<128x16x256xi32> to vector<128x8x256xi32>
    %select_n3A_724 = arith.select %lt3A_721, %slice3A_720, %slice3A_719 : vector<128x8x256xi1>, vector<128x8x256xf32>
    %select_n3A_725 = arith.select %lt3A_721, %slice3A_723, %slice3A_722 : vector<128x8x256xi1>, vector<128x8x256xi32>
    %reduce_min3A_726 = arith.constant dense<0x7F800000> : vector<128x256xf32>
    %reduce_min3A_727 = vector.multi_reduction <minimumf>, %select_n3A_724, %reduce_min3A_726 [1] : vector<128x8x256xf32> to vector<128x256xf32>
    %broadcast_in_dim3A_728 = vector.shape_cast %reduce_min3A_727 : vector<128x256xf32> to vector<128x1x256xf32>
    %eq3A_729 = vector.broadcast %broadcast_in_dim3A_728 : vector<128x1x256xf32> to vector<128x8x256xf32>
    %eq3A_730 = arith.cmpf oeq, %select_n3A_724, %eq3A_729 : vector<128x8x256xf32>
    %jit3A_731 = arith.constant 8192 : i32
    %broadcast_in_dim3A_732 = vector.broadcast %jit3A_731 : i32 to vector<128x8x256xi32>
    %select_n3A_733 = arith.select %eq3A_730, %select_n3A_725, %broadcast_in_dim3A_732 : vector<128x8x256xi1>, vector<128x8x256xi32>
    %reduce_min3A_734 = arith.constant dense<2147483647> : vector<128x256xi32>
    %reduce_min3A_735 = vector.multi_reduction <minsi>, %select_n3A_733, %reduce_min3A_734 [1] : vector<128x8x256xi32> to vector<128x256xi32>
    %add3A_736 = arith.addi %reduce_min3A_735, %mul3A_23 : vector<128x256xi32>
    %concatenate3A_737 = tpu.concatenate %stack3A_678, %reduce_min3A_727 in 0 : vector<16x256xf32>, vector<128x256xf32> -> vector<144x256xf32>
    %concatenate3A_738 = tpu.concatenate %stack3A_695, %add3A_736 in 0 : vector<16x256xi32>, vector<128x256xi32> -> vector<144x256xi32>
    %reduce_min3A_739 = arith.constant dense<0x7F800000> : vector<256xf32>
    %reduce_min3A_740 = vector.multi_reduction <minimumf>, %concatenate3A_737, %reduce_min3A_739 [0] : vector<144x256xf32> to vector<256xf32>
    %broadcast_in_dim3A_741 = vector.shape_cast %reduce_min3A_740 : vector<256xf32> to vector<1x256xf32>
    %eq3A_742 = vector.broadcast %broadcast_in_dim3A_741 : vector<1x256xf32> to vector<144x256xf32>
    %eq3A_743 = arith.cmpf oeq, %concatenate3A_737, %eq3A_742 : vector<144x256xf32>
    %jit3A_744 = arith.constant 8192 : i32
    %broadcast_in_dim3A_745 = vector.broadcast %jit3A_744 : i32 to vector<144x256xi32>
    %select_n3A_746 = arith.select %eq3A_743, %concatenate3A_738, %broadcast_in_dim3A_745 : vector<144x256xi1>, vector<144x256xi32>
    %reduce_min3A_747 = arith.constant dense<2147483647> : vector<256xi32>
    %reduce_min3A_748 = vector.multi_reduction <minsi>, %select_n3A_746, %reduce_min3A_747 [0] : vector<144x256xi32> to vector<256xi32>
    %broadcast_in_dim3A_749 = vector.shape_cast %reduce_min3A_748 : vector<256xi32> to vector<1x256xi32>
    %eq3A_750 = vector.broadcast %broadcast_in_dim3A_749 : vector<1x256xi32> to vector<144x256xi32>
    %eq3A_751 = arith.cmpi eq, %concatenate3A_738, %eq3A_750 : vector<144x256xi32>
    %and3A_752 = arith.andi %eq3A_743, %eq3A_751 : vector<144x256xi1>
    %jit3A_753 = arith.constant 0x7F800000 : f32
    %broadcast_in_dim3A_754 = vector.broadcast %jit3A_753 : f32 to vector<144x256xf32>
    %select_n3A_755 = arith.select %and3A_752, %broadcast_in_dim3A_754, %concatenate3A_737 : vector<144x256xi1>, vector<144x256xf32>
    %reduce_min3A_756 = arith.constant dense<0x7F800000> : vector<256xf32>
    %reduce_min3A_757 = vector.multi_reduction <minimumf>, %select_n3A_755, %reduce_min3A_756 [0] : vector<144x256xf32> to vector<256xf32>
    %broadcast_in_dim3A_758 = vector.shape_cast %reduce_min3A_757 : vector<256xf32> to vector<1x256xf32>
    %eq3A_759 = vector.broadcast %broadcast_in_dim3A_758 : vector<1x256xf32> to vector<144x256xf32>
    %eq3A_760 = arith.cmpf oeq, %select_n3A_755, %eq3A_759 : vector<144x256xf32>
    %jit3A_761 = arith.constant 8192 : i32
    %broadcast_in_dim3A_762 = vector.broadcast %jit3A_761 : i32 to vector<144x256xi32>
    %select_n3A_763 = arith.select %eq3A_760, %concatenate3A_738, %broadcast_in_dim3A_762 : vector<144x256xi1>, vector<144x256xi32>
    %reduce_min3A_764 = arith.constant dense<2147483647> : vector<256xi32>
    %reduce_min3A_765 = vector.multi_reduction <minsi>, %select_n3A_763, %reduce_min3A_764 [0] : vector<144x256xi32> to vector<256xi32>
    %broadcast_in_dim3A_766 = vector.shape_cast %reduce_min3A_765 : vector<256xi32> to vector<1x256xi32>
    %eq3A_767 = vector.broadcast %broadcast_in_dim3A_766 : vector<1x256xi32> to vector<144x256xi32>
    %eq3A_768 = arith.cmpi eq, %concatenate3A_738, %eq3A_767 : vector<144x256xi32>
    %and3A_769 = arith.andi %eq3A_760, %eq3A_768 : vector<144x256xi1>
    %jit3A_770 = arith.constant 0x7F800000 : f32
    %broadcast_in_dim3A_771 = vector.broadcast %jit3A_770 : f32 to vector<144x256xf32>
    %select_n3A_772 = arith.select %and3A_769, %broadcast_in_dim3A_771, %select_n3A_755 : vector<144x256xi1>, vector<144x256xf32>
    %reduce_min3A_773 = arith.constant dense<0x7F800000> : vector<256xf32>
    %reduce_min3A_774 = vector.multi_reduction <minimumf>, %select_n3A_772, %reduce_min3A_773 [0] : vector<144x256xf32> to vector<256xf32>
    %broadcast_in_dim3A_775 = vector.shape_cast %reduce_min3A_774 : vector<256xf32> to vector<1x256xf32>
    %eq3A_776 = vector.broadcast %broadcast_in_dim3A_775 : vector<1x256xf32> to vector<144x256xf32>
    %eq3A_777 = arith.cmpf oeq, %select_n3A_772, %eq3A_776 : vector<144x256xf32>
    %jit3A_778 = arith.constant 8192 : i32
    %broadcast_in_dim3A_779 = vector.broadcast %jit3A_778 : i32 to vector<144x256xi32>
    %select_n3A_780 = arith.select %eq3A_777, %concatenate3A_738, %broadcast_in_dim3A_779 : vector<144x256xi1>, vector<144x256xi32>
    %reduce_min3A_781 = arith.constant dense<2147483647> : vector<256xi32>
    %reduce_min3A_782 = vector.multi_reduction <minsi>, %select_n3A_780, %reduce_min3A_781 [0] : vector<144x256xi32> to vector<256xi32>
    %broadcast_in_dim3A_783 = vector.shape_cast %reduce_min3A_782 : vector<256xi32> to vector<1x256xi32>
    %eq3A_784 = vector.broadcast %broadcast_in_dim3A_783 : vector<1x256xi32> to vector<144x256xi32>
    %eq3A_785 = arith.cmpi eq, %concatenate3A_738, %eq3A_784 : vector<144x256xi32>
    %and3A_786 = arith.andi %eq3A_777, %eq3A_785 : vector<144x256xi1>
    %jit3A_787 = arith.constant 0x7F800000 : f32
    %broadcast_in_dim3A_788 = vector.broadcast %jit3A_787 : f32 to vector<144x256xf32>
    %select_n3A_789 = arith.select %and3A_786, %broadcast_in_dim3A_788, %select_n3A_772 : vector<144x256xi1>, vector<144x256xf32>
    %reduce_min3A_790 = arith.constant dense<0x7F800000> : vector<256xf32>
    %reduce_min3A_791 = vector.multi_reduction <minimumf>, %select_n3A_789, %reduce_min3A_790 [0] : vector<144x256xf32> to vector<256xf32>
    %broadcast_in_dim3A_792 = vector.shape_cast %reduce_min3A_791 : vector<256xf32> to vector<1x256xf32>
    %eq3A_793 = vector.broadcast %broadcast_in_dim3A_792 : vector<1x256xf32> to vector<144x256xf32>
    %eq3A_794 = arith.cmpf oeq, %select_n3A_789, %eq3A_793 : vector<144x256xf32>
    %jit3A_795 = arith.constant 8192 : i32
    %broadcast_in_dim3A_796 = vector.broadcast %jit3A_795 : i32 to vector<144x256xi32>
    %select_n3A_797 = arith.select %eq3A_794, %concatenate3A_738, %broadcast_in_dim3A_796 : vector<144x256xi1>, vector<144x256xi32>
    %reduce_min3A_798 = arith.constant dense<2147483647> : vector<256xi32>
    %reduce_min3A_799 = vector.multi_reduction <minsi>, %select_n3A_797, %reduce_min3A_798 [0] : vector<144x256xi32> to vector<256xi32>
    %broadcast_in_dim3A_800 = vector.shape_cast %reduce_min3A_799 : vector<256xi32> to vector<1x256xi32>
    %eq3A_801 = vector.broadcast %broadcast_in_dim3A_800 : vector<1x256xi32> to vector<144x256xi32>
    %eq3A_802 = arith.cmpi eq, %concatenate3A_738, %eq3A_801 : vector<144x256xi32>
    %and3A_803 = arith.andi %eq3A_794, %eq3A_802 : vector<144x256xi1>
    %jit3A_804 = arith.constant 0x7F800000 : f32
    %broadcast_in_dim3A_805 = vector.broadcast %jit3A_804 : f32 to vector<144x256xf32>
    %select_n3A_806 = arith.select %and3A_803, %broadcast_in_dim3A_805, %select_n3A_789 : vector<144x256xi1>, vector<144x256xf32>
    %reduce_min3A_807 = arith.constant dense<0x7F800000> : vector<256xf32>
    %reduce_min3A_808 = vector.multi_reduction <minimumf>, %select_n3A_806, %reduce_min3A_807 [0] : vector<144x256xf32> to vector<256xf32>
    %broadcast_in_dim3A_809 = vector.shape_cast %reduce_min3A_808 : vector<256xf32> to vector<1x256xf32>
    %eq3A_810 = vector.broadcast %broadcast_in_dim3A_809 : vector<1x256xf32> to vector<144x256xf32>
    %eq3A_811 = arith.cmpf oeq, %select_n3A_806, %eq3A_810 : vector<144x256xf32>
    %jit3A_812 = arith.constant 8192 : i32
    %broadcast_in_dim3A_813 = vector.broadcast %jit3A_812 : i32 to vector<144x256xi32>
    %select_n3A_814 = arith.select %eq3A_811, %concatenate3A_738, %broadcast_in_dim3A_813 : vector<144x256xi1>, vector<144x256xi32>
    %reduce_min3A_815 = arith.constant dense<2147483647> : vector<256xi32>
    %reduce_min3A_816 = vector.multi_reduction <minsi>, %select_n3A_814, %reduce_min3A_815 [0] : vector<144x256xi32> to vector<256xi32>
    %broadcast_in_dim3A_817 = vector.shape_cast %reduce_min3A_816 : vector<256xi32> to vector<1x256xi32>
    %eq3A_818 = vector.broadcast %broadcast_in_dim3A_817 : vector<1x256xi32> to vector<144x256xi32>
    %eq3A_819 = arith.cmpi eq, %concatenate3A_738, %eq3A_818 : vector<144x256xi32>
    %and3A_820 = arith.andi %eq3A_811, %eq3A_819 : vector<144x256xi1>
    %jit3A_821 = arith.constant 0x7F800000 : f32
    %broadcast_in_dim3A_822 = vector.broadcast %jit3A_821 : f32 to vector<144x256xf32>
    %select_n3A_823 = arith.select %and3A_820, %broadcast_in_dim3A_822, %select_n3A_806 : vector<144x256xi1>, vector<144x256xf32>
    %reduce_min3A_824 = arith.constant dense<0x7F800000> : vector<256xf32>
    %reduce_min3A_825 = vector.multi_reduction <minimumf>, %select_n3A_823, %reduce_min3A_824 [0] : vector<144x256xf32> to vector<256xf32>
    %broadcast_in_dim3A_826 = vector.shape_cast %reduce_min3A_825 : vector<256xf32> to vector<1x256xf32>
    %eq3A_827 = vector.broadcast %broadcast_in_dim3A_826 : vector<1x256xf32> to vector<144x256xf32>
    %eq3A_828 = arith.cmpf oeq, %select_n3A_823, %eq3A_827 : vector<144x256xf32>
    %jit3A_829 = arith.constant 8192 : i32
    %broadcast_in_dim3A_830 = vector.broadcast %jit3A_829 : i32 to vector<144x256xi32>
    %select_n3A_831 = arith.select %eq3A_828, %concatenate3A_738, %broadcast_in_dim3A_830 : vector<144x256xi1>, vector<144x256xi32>
    %reduce_min3A_832 = arith.constant dense<2147483647> : vector<256xi32>
    %reduce_min3A_833 = vector.multi_reduction <minsi>, %select_n3A_831, %reduce_min3A_832 [0] : vector<144x256xi32> to vector<256xi32>
    %broadcast_in_dim3A_834 = vector.shape_cast %reduce_min3A_833 : vector<256xi32> to vector<1x256xi32>
    %eq3A_835 = vector.broadcast %broadcast_in_dim3A_834 : vector<1x256xi32> to vector<144x256xi32>
    %eq3A_836 = arith.cmpi eq, %concatenate3A_738, %eq3A_835 : vector<144x256xi32>
    %and3A_837 = arith.andi %eq3A_828, %eq3A_836 : vector<144x256xi1>
    %jit3A_838 = arith.constant 0x7F800000 : f32
    %broadcast_in_dim3A_839 = vector.broadcast %jit3A_838 : f32 to vector<144x256xf32>
    %select_n3A_840 = arith.select %and3A_837, %broadcast_in_dim3A_839, %select_n3A_823 : vector<144x256xi1>, vector<144x256xf32>
    %reduce_min3A_841 = arith.constant dense<0x7F800000> : vector<256xf32>
    %reduce_min3A_842 = vector.multi_reduction <minimumf>, %select_n3A_840, %reduce_min3A_841 [0] : vector<144x256xf32> to vector<256xf32>
    %broadcast_in_dim3A_843 = vector.shape_cast %reduce_min3A_842 : vector<256xf32> to vector<1x256xf32>
    %eq3A_844 = vector.broadcast %broadcast_in_dim3A_843 : vector<1x256xf32> to vector<144x256xf32>
    %eq3A_845 = arith.cmpf oeq, %select_n3A_840, %eq3A_844 : vector<144x256xf32>
    %jit3A_846 = arith.constant 8192 : i32
    %broadcast_in_dim3A_847 = vector.broadcast %jit3A_846 : i32 to vector<144x256xi32>
    %select_n3A_848 = arith.select %eq3A_845, %concatenate3A_738, %broadcast_in_dim3A_847 : vector<144x256xi1>, vector<144x256xi32>
    %reduce_min3A_849 = arith.constant dense<2147483647> : vector<256xi32>
    %reduce_min3A_850 = vector.multi_reduction <minsi>, %select_n3A_848, %reduce_min3A_849 [0] : vector<144x256xi32> to vector<256xi32>
    %broadcast_in_dim3A_851 = vector.shape_cast %reduce_min3A_850 : vector<256xi32> to vector<1x256xi32>
    %eq3A_852 = vector.broadcast %broadcast_in_dim3A_851 : vector<1x256xi32> to vector<144x256xi32>
    %eq3A_853 = arith.cmpi eq, %concatenate3A_738, %eq3A_852 : vector<144x256xi32>
    %and3A_854 = arith.andi %eq3A_845, %eq3A_853 : vector<144x256xi1>
    %jit3A_855 = arith.constant 0x7F800000 : f32
    %broadcast_in_dim3A_856 = vector.broadcast %jit3A_855 : f32 to vector<144x256xf32>
    %select_n3A_857 = arith.select %and3A_854, %broadcast_in_dim3A_856, %select_n3A_840 : vector<144x256xi1>, vector<144x256xf32>
    %reduce_min3A_858 = arith.constant dense<0x7F800000> : vector<256xf32>
    %reduce_min3A_859 = vector.multi_reduction <minimumf>, %select_n3A_857, %reduce_min3A_858 [0] : vector<144x256xf32> to vector<256xf32>
    %broadcast_in_dim3A_860 = vector.shape_cast %reduce_min3A_859 : vector<256xf32> to vector<1x256xf32>
    %eq3A_861 = vector.broadcast %broadcast_in_dim3A_860 : vector<1x256xf32> to vector<144x256xf32>
    %eq3A_862 = arith.cmpf oeq, %select_n3A_857, %eq3A_861 : vector<144x256xf32>
    %jit3A_863 = arith.constant 8192 : i32
    %broadcast_in_dim3A_864 = vector.broadcast %jit3A_863 : i32 to vector<144x256xi32>
    %select_n3A_865 = arith.select %eq3A_862, %concatenate3A_738, %broadcast_in_dim3A_864 : vector<144x256xi1>, vector<144x256xi32>
    %reduce_min3A_866 = arith.constant dense<2147483647> : vector<256xi32>
    %reduce_min3A_867 = vector.multi_reduction <minsi>, %select_n3A_865, %reduce_min3A_866 [0] : vector<144x256xi32> to vector<256xi32>
    %broadcast_in_dim3A_868 = vector.shape_cast %reduce_min3A_867 : vector<256xi32> to vector<1x256xi32>
    %eq3A_869 = vector.broadcast %broadcast_in_dim3A_868 : vector<1x256xi32> to vector<144x256xi32>
    %eq3A_870 = arith.cmpi eq, %concatenate3A_738, %eq3A_869 : vector<144x256xi32>
    %and3A_871 = arith.andi %eq3A_862, %eq3A_870 : vector<144x256xi1>
    %jit3A_872 = arith.constant 0x7F800000 : f32
    %broadcast_in_dim3A_873 = vector.broadcast %jit3A_872 : f32 to vector<144x256xf32>
    %select_n3A_874 = arith.select %and3A_871, %broadcast_in_dim3A_873, %select_n3A_857 : vector<144x256xi1>, vector<144x256xf32>
    %reduce_min3A_875 = arith.constant dense<0x7F800000> : vector<256xf32>
    %reduce_min3A_876 = vector.multi_reduction <minimumf>, %select_n3A_874, %reduce_min3A_875 [0] : vector<144x256xf32> to vector<256xf32>
    %broadcast_in_dim3A_877 = vector.shape_cast %reduce_min3A_876 : vector<256xf32> to vector<1x256xf32>
    %eq3A_878 = vector.broadcast %broadcast_in_dim3A_877 : vector<1x256xf32> to vector<144x256xf32>
    %eq3A_879 = arith.cmpf oeq, %select_n3A_874, %eq3A_878 : vector<144x256xf32>
    %jit3A_880 = arith.constant 8192 : i32
    %broadcast_in_dim3A_881 = vector.broadcast %jit3A_880 : i32 to vector<144x256xi32>
    %select_n3A_882 = arith.select %eq3A_879, %concatenate3A_738, %broadcast_in_dim3A_881 : vector<144x256xi1>, vector<144x256xi32>
    %reduce_min3A_883 = arith.constant dense<2147483647> : vector<256xi32>
    %reduce_min3A_884 = vector.multi_reduction <minsi>, %select_n3A_882, %reduce_min3A_883 [0] : vector<144x256xi32> to vector<256xi32>
    %broadcast_in_dim3A_885 = vector.shape_cast %reduce_min3A_884 : vector<256xi32> to vector<1x256xi32>
    %eq3A_886 = vector.broadcast %broadcast_in_dim3A_885 : vector<1x256xi32> to vector<144x256xi32>
    %eq3A_887 = arith.cmpi eq, %concatenate3A_738, %eq3A_886 : vector<144x256xi32>
    %and3A_888 = arith.andi %eq3A_879, %eq3A_887 : vector<144x256xi1>
    %jit3A_889 = arith.constant 0x7F800000 : f32
    %broadcast_in_dim3A_890 = vector.broadcast %jit3A_889 : f32 to vector<144x256xf32>
    %select_n3A_891 = arith.select %and3A_888, %broadcast_in_dim3A_890, %select_n3A_874 : vector<144x256xi1>, vector<144x256xf32>
    %reduce_min3A_892 = arith.constant dense<0x7F800000> : vector<256xf32>
    %reduce_min3A_893 = vector.multi_reduction <minimumf>, %select_n3A_891, %reduce_min3A_892 [0] : vector<144x256xf32> to vector<256xf32>
    %broadcast_in_dim3A_894 = vector.shape_cast %reduce_min3A_893 : vector<256xf32> to vector<1x256xf32>
    %eq3A_895 = vector.broadcast %broadcast_in_dim3A_894 : vector<1x256xf32> to vector<144x256xf32>
    %eq3A_896 = arith.cmpf oeq, %select_n3A_891, %eq3A_895 : vector<144x256xf32>
    %jit3A_897 = arith.constant 8192 : i32
    %broadcast_in_dim3A_898 = vector.broadcast %jit3A_897 : i32 to vector<144x256xi32>
    %select_n3A_899 = arith.select %eq3A_896, %concatenate3A_738, %broadcast_in_dim3A_898 : vector<144x256xi1>, vector<144x256xi32>
    %reduce_min3A_900 = arith.constant dense<2147483647> : vector<256xi32>
    %reduce_min3A_901 = vector.multi_reduction <minsi>, %select_n3A_899, %reduce_min3A_900 [0] : vector<144x256xi32> to vector<256xi32>
    %broadcast_in_dim3A_902 = vector.shape_cast %reduce_min3A_901 : vector<256xi32> to vector<1x256xi32>
    %eq3A_903 = vector.broadcast %broadcast_in_dim3A_902 : vector<1x256xi32> to vector<144x256xi32>
    %eq3A_904 = arith.cmpi eq, %concatenate3A_738, %eq3A_903 : vector<144x256xi32>
    %and3A_905 = arith.andi %eq3A_896, %eq3A_904 : vector<144x256xi1>
    %jit3A_906 = arith.constant 0x7F800000 : f32
    %broadcast_in_dim3A_907 = vector.broadcast %jit3A_906 : f32 to vector<144x256xf32>
    %select_n3A_908 = arith.select %and3A_905, %broadcast_in_dim3A_907, %select_n3A_891 : vector<144x256xi1>, vector<144x256xf32>
    %reduce_min3A_909 = arith.constant dense<0x7F800000> : vector<256xf32>
    %reduce_min3A_910 = vector.multi_reduction <minimumf>, %select_n3A_908, %reduce_min3A_909 [0] : vector<144x256xf32> to vector<256xf32>
    %broadcast_in_dim3A_911 = vector.shape_cast %reduce_min3A_910 : vector<256xf32> to vector<1x256xf32>
    %eq3A_912 = vector.broadcast %broadcast_in_dim3A_911 : vector<1x256xf32> to vector<144x256xf32>
    %eq3A_913 = arith.cmpf oeq, %select_n3A_908, %eq3A_912 : vector<144x256xf32>
    %jit3A_914 = arith.constant 8192 : i32
    %broadcast_in_dim3A_915 = vector.broadcast %jit3A_914 : i32 to vector<144x256xi32>
    %select_n3A_916 = arith.select %eq3A_913, %concatenate3A_738, %broadcast_in_dim3A_915 : vector<144x256xi1>, vector<144x256xi32>
    %reduce_min3A_917 = arith.constant dense<2147483647> : vector<256xi32>
    %reduce_min3A_918 = vector.multi_reduction <minsi>, %select_n3A_916, %reduce_min3A_917 [0] : vector<144x256xi32> to vector<256xi32>
    %broadcast_in_dim3A_919 = vector.shape_cast %reduce_min3A_918 : vector<256xi32> to vector<1x256xi32>
    %eq3A_920 = vector.broadcast %broadcast_in_dim3A_919 : vector<1x256xi32> to vector<144x256xi32>
    %eq3A_921 = arith.cmpi eq, %concatenate3A_738, %eq3A_920 : vector<144x256xi32>
    %and3A_922 = arith.andi %eq3A_913, %eq3A_921 : vector<144x256xi1>
    %jit3A_923 = arith.constant 0x7F800000 : f32
    %broadcast_in_dim3A_924 = vector.broadcast %jit3A_923 : f32 to vector<144x256xf32>
    %select_n3A_925 = arith.select %and3A_922, %broadcast_in_dim3A_924, %select_n3A_908 : vector<144x256xi1>, vector<144x256xf32>
    %reduce_min3A_926 = arith.constant dense<0x7F800000> : vector<256xf32>
    %reduce_min3A_927 = vector.multi_reduction <minimumf>, %select_n3A_925, %reduce_min3A_926 [0] : vector<144x256xf32> to vector<256xf32>
    %broadcast_in_dim3A_928 = vector.shape_cast %reduce_min3A_927 : vector<256xf32> to vector<1x256xf32>
    %eq3A_929 = vector.broadcast %broadcast_in_dim3A_928 : vector<1x256xf32> to vector<144x256xf32>
    %eq3A_930 = arith.cmpf oeq, %select_n3A_925, %eq3A_929 : vector<144x256xf32>
    %jit3A_931 = arith.constant 8192 : i32
    %broadcast_in_dim3A_932 = vector.broadcast %jit3A_931 : i32 to vector<144x256xi32>
    %select_n3A_933 = arith.select %eq3A_930, %concatenate3A_738, %broadcast_in_dim3A_932 : vector<144x256xi1>, vector<144x256xi32>
    %reduce_min3A_934 = arith.constant dense<2147483647> : vector<256xi32>
    %reduce_min3A_935 = vector.multi_reduction <minsi>, %select_n3A_933, %reduce_min3A_934 [0] : vector<144x256xi32> to vector<256xi32>
    %broadcast_in_dim3A_936 = vector.shape_cast %reduce_min3A_935 : vector<256xi32> to vector<1x256xi32>
    %eq3A_937 = vector.broadcast %broadcast_in_dim3A_936 : vector<1x256xi32> to vector<144x256xi32>
    %eq3A_938 = arith.cmpi eq, %concatenate3A_738, %eq3A_937 : vector<144x256xi32>
    %and3A_939 = arith.andi %eq3A_930, %eq3A_938 : vector<144x256xi1>
    %jit3A_940 = arith.constant 0x7F800000 : f32
    %broadcast_in_dim3A_941 = vector.broadcast %jit3A_940 : f32 to vector<144x256xf32>
    %select_n3A_942 = arith.select %and3A_939, %broadcast_in_dim3A_941, %select_n3A_925 : vector<144x256xi1>, vector<144x256xf32>
    %reduce_min3A_943 = arith.constant dense<0x7F800000> : vector<256xf32>
    %reduce_min3A_944 = vector.multi_reduction <minimumf>, %select_n3A_942, %reduce_min3A_943 [0] : vector<144x256xf32> to vector<256xf32>
    %broadcast_in_dim3A_945 = vector.shape_cast %reduce_min3A_944 : vector<256xf32> to vector<1x256xf32>
    %eq3A_946 = vector.broadcast %broadcast_in_dim3A_945 : vector<1x256xf32> to vector<144x256xf32>
    %eq3A_947 = arith.cmpf oeq, %select_n3A_942, %eq3A_946 : vector<144x256xf32>
    %jit3A_948 = arith.constant 8192 : i32
    %broadcast_in_dim3A_949 = vector.broadcast %jit3A_948 : i32 to vector<144x256xi32>
    %select_n3A_950 = arith.select %eq3A_947, %concatenate3A_738, %broadcast_in_dim3A_949 : vector<144x256xi1>, vector<144x256xi32>
    %reduce_min3A_951 = arith.constant dense<2147483647> : vector<256xi32>
    %reduce_min3A_952 = vector.multi_reduction <minsi>, %select_n3A_950, %reduce_min3A_951 [0] : vector<144x256xi32> to vector<256xi32>
    %broadcast_in_dim3A_953 = vector.shape_cast %reduce_min3A_952 : vector<256xi32> to vector<1x256xi32>
    %eq3A_954 = vector.broadcast %broadcast_in_dim3A_953 : vector<1x256xi32> to vector<144x256xi32>
    %eq3A_955 = arith.cmpi eq, %concatenate3A_738, %eq3A_954 : vector<144x256xi32>
    %and3A_956 = arith.andi %eq3A_947, %eq3A_955 : vector<144x256xi1>
    %jit3A_957 = arith.constant 0x7F800000 : f32
    %broadcast_in_dim3A_958 = vector.broadcast %jit3A_957 : f32 to vector<144x256xf32>
    %select_n3A_959 = arith.select %and3A_956, %broadcast_in_dim3A_958, %select_n3A_942 : vector<144x256xi1>, vector<144x256xf32>
    %reduce_min3A_960 = arith.constant dense<0x7F800000> : vector<256xf32>
    %reduce_min3A_961 = vector.multi_reduction <minimumf>, %select_n3A_959, %reduce_min3A_960 [0] : vector<144x256xf32> to vector<256xf32>
    %broadcast_in_dim3A_962 = vector.shape_cast %reduce_min3A_961 : vector<256xf32> to vector<1x256xf32>
    %eq3A_963 = vector.broadcast %broadcast_in_dim3A_962 : vector<1x256xf32> to vector<144x256xf32>
    %eq3A_964 = arith.cmpf oeq, %select_n3A_959, %eq3A_963 : vector<144x256xf32>
    %jit3A_965 = arith.constant 8192 : i32
    %broadcast_in_dim3A_966 = vector.broadcast %jit3A_965 : i32 to vector<144x256xi32>
    %select_n3A_967 = arith.select %eq3A_964, %concatenate3A_738, %broadcast_in_dim3A_966 : vector<144x256xi1>, vector<144x256xi32>
    %reduce_min3A_968 = arith.constant dense<2147483647> : vector<256xi32>
    %reduce_min3A_969 = vector.multi_reduction <minsi>, %select_n3A_967, %reduce_min3A_968 [0] : vector<144x256xi32> to vector<256xi32>
    %broadcast_in_dim3A_970 = vector.shape_cast %reduce_min3A_969 : vector<256xi32> to vector<1x256xi32>
    %eq3A_971 = vector.broadcast %broadcast_in_dim3A_970 : vector<1x256xi32> to vector<144x256xi32>
    %eq3A_972 = arith.cmpi eq, %concatenate3A_738, %eq3A_971 : vector<144x256xi32>
    %and3A_973 = arith.andi %eq3A_964, %eq3A_972 : vector<144x256xi1>
    %jit3A_974 = arith.constant 0x7F800000 : f32
    %broadcast_in_dim3A_975 = vector.broadcast %jit3A_974 : f32 to vector<144x256xf32>
    %select_n3A_976 = arith.select %and3A_973, %broadcast_in_dim3A_975, %select_n3A_959 : vector<144x256xi1>, vector<144x256xf32>
    %reduce_min3A_977 = arith.constant dense<0x7F800000> : vector<256xf32>
    %reduce_min3A_978 = vector.multi_reduction <minimumf>, %select_n3A_976, %reduce_min3A_977 [0] : vector<144x256xf32> to vector<256xf32>
    %broadcast_in_dim3A_979 = vector.shape_cast %reduce_min3A_978 : vector<256xf32> to vector<1x256xf32>
    %eq3A_980 = vector.broadcast %broadcast_in_dim3A_979 : vector<1x256xf32> to vector<144x256xf32>
    %eq3A_981 = arith.cmpf oeq, %select_n3A_976, %eq3A_980 : vector<144x256xf32>
    %jit3A_982 = arith.constant 8192 : i32
    %broadcast_in_dim3A_983 = vector.broadcast %jit3A_982 : i32 to vector<144x256xi32>
    %select_n3A_984 = arith.select %eq3A_981, %concatenate3A_738, %broadcast_in_dim3A_983 : vector<144x256xi1>, vector<144x256xi32>
    %reduce_min3A_985 = arith.constant dense<2147483647> : vector<256xi32>
    %reduce_min3A_986 = vector.multi_reduction <minsi>, %select_n3A_984, %reduce_min3A_985 [0] : vector<144x256xi32> to vector<256xi32>
    %broadcast_in_dim3A_987 = vector.shape_cast %reduce_min3A_986 : vector<256xi32> to vector<1x256xi32>
    %eq3A_988 = vector.broadcast %broadcast_in_dim3A_987 : vector<1x256xi32> to vector<144x256xi32>
    %eq3A_989 = arith.cmpi eq, %concatenate3A_738, %eq3A_988 : vector<144x256xi32>
    %and3A_990 = arith.andi %eq3A_981, %eq3A_989 : vector<144x256xi1>
    %jit3A_991 = arith.constant 0x7F800000 : f32
    %broadcast_in_dim3A_992 = vector.broadcast %jit3A_991 : f32 to vector<144x256xf32>
    %select_n3A_993 = arith.select %and3A_990, %broadcast_in_dim3A_992, %select_n3A_976 : vector<144x256xi1>, vector<144x256xf32>
    %reduce_min3A_994 = arith.constant dense<0x7F800000> : vector<256xf32>
    %reduce_min3A_995 = vector.multi_reduction <minimumf>, %select_n3A_993, %reduce_min3A_994 [0] : vector<144x256xf32> to vector<256xf32>
    %broadcast_in_dim3A_996 = vector.shape_cast %reduce_min3A_995 : vector<256xf32> to vector<1x256xf32>
    %eq3A_997 = vector.broadcast %broadcast_in_dim3A_996 : vector<1x256xf32> to vector<144x256xf32>
    %eq3A_998 = arith.cmpf oeq, %select_n3A_993, %eq3A_997 : vector<144x256xf32>
    %jit3A_999 = arith.constant 8192 : i32
    %broadcast_in_dim3A_1000 = vector.broadcast %jit3A_999 : i32 to vector<144x256xi32>
    %select_n3A_1001 = arith.select %eq3A_998, %concatenate3A_738, %broadcast_in_dim3A_1000 : vector<144x256xi1>, vector<144x256xi32>
    %reduce_min3A_1002 = arith.constant dense<2147483647> : vector<256xi32>
    %reduce_min3A_1003 = vector.multi_reduction <minsi>, %select_n3A_1001, %reduce_min3A_1002 [0] : vector<144x256xi32> to vector<256xi32>
    %stack3A_1004 = vector.shape_cast %reduce_min3A_740 : vector<256xf32> to vector<1x256xf32>
    %stack3A_1005 = vector.shape_cast %reduce_min3A_757 : vector<256xf32> to vector<1x256xf32>
    %stack3A_1006 = vector.shape_cast %reduce_min3A_774 : vector<256xf32> to vector<1x256xf32>
    %stack3A_1007 = vector.shape_cast %reduce_min3A_791 : vector<256xf32> to vector<1x256xf32>
    %stack3A_1008 = vector.shape_cast %reduce_min3A_808 : vector<256xf32> to vector<1x256xf32>
    %stack3A_1009 = vector.shape_cast %reduce_min3A_825 : vector<256xf32> to vector<1x256xf32>
    %stack3A_1010 = vector.shape_cast %reduce_min3A_842 : vector<256xf32> to vector<1x256xf32>
    %stack3A_1011 = vector.shape_cast %reduce_min3A_859 : vector<256xf32> to vector<1x256xf32>
    %stack3A_1012 = vector.shape_cast %reduce_min3A_876 : vector<256xf32> to vector<1x256xf32>
    %stack3A_1013 = vector.shape_cast %reduce_min3A_893 : vector<256xf32> to vector<1x256xf32>
    %stack3A_1014 = vector.shape_cast %reduce_min3A_910 : vector<256xf32> to vector<1x256xf32>
    %stack3A_1015 = vector.shape_cast %reduce_min3A_927 : vector<256xf32> to vector<1x256xf32>
    %stack3A_1016 = vector.shape_cast %reduce_min3A_944 : vector<256xf32> to vector<1x256xf32>
    %stack3A_1017 = vector.shape_cast %reduce_min3A_961 : vector<256xf32> to vector<1x256xf32>
    %stack3A_1018 = vector.shape_cast %reduce_min3A_978 : vector<256xf32> to vector<1x256xf32>
    %stack3A_1019 = vector.shape_cast %reduce_min3A_995 : vector<256xf32> to vector<1x256xf32>
    %stack3A_1020 = tpu.concatenate %stack3A_1004, %stack3A_1005, %stack3A_1006, %stack3A_1007, %stack3A_1008, %stack3A_1009, %stack3A_1010, %stack3A_1011, %stack3A_1012, %stack3A_1013, %stack3A_1014, %stack3A_1015, %stack3A_1016, %stack3A_1017, %stack3A_1018, %stack3A_1019 in 0 : vector<1x256xf32>, vector<1x256xf32>, vector<1x256xf32>, vector<1x256xf32>, vector<1x256xf32>, vector<1x256xf32>, vector<1x256xf32>, vector<1x256xf32>, vector<1x256xf32>, vector<1x256xf32>, vector<1x256xf32>, vector<1x256xf32>, vector<1x256xf32>, vector<1x256xf32>, vector<1x256xf32>, vector<1x256xf32> -> vector<16x256xf32>
    %stack3A_1021 = vector.shape_cast %reduce_min3A_748 : vector<256xi32> to vector<1x256xi32>
    %stack3A_1022 = vector.shape_cast %reduce_min3A_765 : vector<256xi32> to vector<1x256xi32>
    %stack3A_1023 = vector.shape_cast %reduce_min3A_782 : vector<256xi32> to vector<1x256xi32>
    %stack3A_1024 = vector.shape_cast %reduce_min3A_799 : vector<256xi32> to vector<1x256xi32>
    %stack3A_1025 = vector.shape_cast %reduce_min3A_816 : vector<256xi32> to vector<1x256xi32>
    %stack3A_1026 = vector.shape_cast %reduce_min3A_833 : vector<256xi32> to vector<1x256xi32>
    %stack3A_1027 = vector.shape_cast %reduce_min3A_850 : vector<256xi32> to vector<1x256xi32>
    %stack3A_1028 = vector.shape_cast %reduce_min3A_867 : vector<256xi32> to vector<1x256xi32>
    %stack3A_1029 = vector.shape_cast %reduce_min3A_884 : vector<256xi32> to vector<1x256xi32>
    %stack3A_1030 = vector.shape_cast %reduce_min3A_901 : vector<256xi32> to vector<1x256xi32>
    %stack3A_1031 = vector.shape_cast %reduce_min3A_918 : vector<256xi32> to vector<1x256xi32>
    %stack3A_1032 = vector.shape_cast %reduce_min3A_935 : vector<256xi32> to vector<1x256xi32>
    %stack3A_1033 = vector.shape_cast %reduce_min3A_952 : vector<256xi32> to vector<1x256xi32>
    %stack3A_1034 = vector.shape_cast %reduce_min3A_969 : vector<256xi32> to vector<1x256xi32>
    %stack3A_1035 = vector.shape_cast %reduce_min3A_986 : vector<256xi32> to vector<1x256xi32>
    %stack3A_1036 = vector.shape_cast %reduce_min3A_1003 : vector<256xi32> to vector<1x256xi32>
    %stack3A_1037 = tpu.concatenate %stack3A_1021, %stack3A_1022, %stack3A_1023, %stack3A_1024, %stack3A_1025, %stack3A_1026, %stack3A_1027, %stack3A_1028, %stack3A_1029, %stack3A_1030, %stack3A_1031, %stack3A_1032, %stack3A_1033, %stack3A_1034, %stack3A_1035, %stack3A_1036 in 0 : vector<1x256xi32>, vector<1x256xi32>, vector<1x256xi32>, vector<1x256xi32>, vector<1x256xi32>, vector<1x256xi32>, vector<1x256xi32>, vector<1x256xi32>, vector<1x256xi32>, vector<1x256xi32>, vector<1x256xi32>, vector<1x256xi32>, vector<1x256xi32>, vector<1x256xi32>, vector<1x256xi32>, vector<1x256xi32> -> vector<16x256xi32>
    %iota3A_1038 = tpu.iota {dimensions = array<i32: 1>} : vector<128x64x256xi32>
    %broadcast_in_dim3A_1039 = vector.shape_cast %reduce_min3A_735 : vector<128x256xi32> to vector<128x1x256xi32>
    %eq3A_1040 = vector.broadcast %broadcast_in_dim3A_1039 : vector<128x1x256xi32> to vector<128x64x256xi32>
    %eq3A_1041 = arith.cmpi eq, %iota3A_1038, %eq3A_1040 : vector<128x64x256xi32>
    %jit3A_1042 = arith.constant 0x7F800000 : f32
    %broadcast_in_dim3A_1043 = vector.broadcast %jit3A_1042 : f32 to vector<128x64x256xf32>
    %select_n3A_1044 = arith.select %eq3A_1041, %broadcast_in_dim3A_1043, %select_n3A_702 : vector<128x64x256xi1>, vector<128x64x256xf32>
    %slice3A_1045 = vector.extract_strided_slice %select_n3A_1044 {offsets = [0, 0, 0], sizes = [128, 32, 256], strides = [1, 1, 1]} : vector<128x64x256xf32> to vector<128x32x256xf32>
    %slice3A_1046 = vector.extract_strided_slice %select_n3A_1044 {offsets = [0, 32, 0], sizes = [128, 32, 256], strides = [1, 1, 1]} : vector<128x64x256xf32> to vector<128x32x256xf32>
    %lt3A_1047 = arith.cmpf olt, %slice3A_1046, %slice3A_1045 : vector<128x32x256xf32>
    %iota3A_1048 = tpu.iota {dimensions = array<i32: 1>} : vector<128x32x256xi32>
    %add3A_1049 = arith.constant 32 : i32
    %add3A_1050 = vector.broadcast %add3A_1049 : i32 to vector<128x32x256xi32>
    %add3A_1051 = arith.addi %iota3A_1048, %add3A_1050 : vector<128x32x256xi32>
    %select_n3A_1052 = arith.select %lt3A_1047, %slice3A_1046, %slice3A_1045 : vector<128x32x256xi1>, vector<128x32x256xf32>
    %select_n3A_1053 = arith.select %lt3A_1047, %add3A_1051, %iota3A_1048 : vector<128x32x256xi1>, vector<128x32x256xi32>
    %slice3A_1054 = vector.extract_strided_slice %select_n3A_1052 {offsets = [0, 0, 0], sizes = [128, 16, 256], strides = [1, 1, 1]} : vector<128x32x256xf32> to vector<128x16x256xf32>
    %slice3A_1055 = vector.extract_strided_slice %select_n3A_1052 {offsets = [0, 16, 0], sizes = [128, 16, 256], strides = [1, 1, 1]} : vector<128x32x256xf32> to vector<128x16x256xf32>
    %lt3A_1056 = arith.cmpf olt, %slice3A_1055, %slice3A_1054 : vector<128x16x256xf32>
    %slice3A_1057 = vector.extract_strided_slice %select_n3A_1053 {offsets = [0, 0, 0], sizes = [128, 16, 256], strides = [1, 1, 1]} : vector<128x32x256xi32> to vector<128x16x256xi32>
    %slice3A_1058 = vector.extract_strided_slice %select_n3A_1053 {offsets = [0, 16, 0], sizes = [128, 16, 256], strides = [1, 1, 1]} : vector<128x32x256xi32> to vector<128x16x256xi32>
    %select_n3A_1059 = arith.select %lt3A_1056, %slice3A_1055, %slice3A_1054 : vector<128x16x256xi1>, vector<128x16x256xf32>
    %select_n3A_1060 = arith.select %lt3A_1056, %slice3A_1058, %slice3A_1057 : vector<128x16x256xi1>, vector<128x16x256xi32>
    %slice3A_1061 = vector.extract_strided_slice %select_n3A_1059 {offsets = [0, 0, 0], sizes = [128, 8, 256], strides = [1, 1, 1]} : vector<128x16x256xf32> to vector<128x8x256xf32>
    %slice3A_1062 = vector.extract_strided_slice %select_n3A_1059 {offsets = [0, 8, 0], sizes = [128, 8, 256], strides = [1, 1, 1]} : vector<128x16x256xf32> to vector<128x8x256xf32>
    %lt3A_1063 = arith.cmpf olt, %slice3A_1062, %slice3A_1061 : vector<128x8x256xf32>
    %slice3A_1064 = vector.extract_strided_slice %select_n3A_1060 {offsets = [0, 0, 0], sizes = [128, 8, 256], strides = [1, 1, 1]} : vector<128x16x256xi32> to vector<128x8x256xi32>
    %slice3A_1065 = vector.extract_strided_slice %select_n3A_1060 {offsets = [0, 8, 0], sizes = [128, 8, 256], strides = [1, 1, 1]} : vector<128x16x256xi32> to vector<128x8x256xi32>
    %select_n3A_1066 = arith.select %lt3A_1063, %slice3A_1062, %slice3A_1061 : vector<128x8x256xi1>, vector<128x8x256xf32>
    %select_n3A_1067 = arith.select %lt3A_1063, %slice3A_1065, %slice3A_1064 : vector<128x8x256xi1>, vector<128x8x256xi32>
    %reduce_min3A_1068 = arith.constant dense<0x7F800000> : vector<128x256xf32>
    %reduce_min3A_1069 = vector.multi_reduction <minimumf>, %select_n3A_1066, %reduce_min3A_1068 [1] : vector<128x8x256xf32> to vector<128x256xf32>
    %broadcast_in_dim3A_1070 = vector.shape_cast %reduce_min3A_1069 : vector<128x256xf32> to vector<128x1x256xf32>
    %eq3A_1071 = vector.broadcast %broadcast_in_dim3A_1070 : vector<128x1x256xf32> to vector<128x8x256xf32>
    %eq3A_1072 = arith.cmpf oeq, %select_n3A_1066, %eq3A_1071 : vector<128x8x256xf32>
    %jit3A_1073 = arith.constant 8192 : i32
    %broadcast_in_dim3A_1074 = vector.broadcast %jit3A_1073 : i32 to vector<128x8x256xi32>
    %select_n3A_1075 = arith.select %eq3A_1072, %select_n3A_1067, %broadcast_in_dim3A_1074 : vector<128x8x256xi1>, vector<128x8x256xi32>
    %reduce_min3A_1076 = arith.constant dense<2147483647> : vector<128x256xi32>
    %reduce_min3A_1077 = vector.multi_reduction <minsi>, %select_n3A_1075, %reduce_min3A_1076 [1] : vector<128x8x256xi32> to vector<128x256xi32>
    %add3A_1078 = arith.addi %reduce_min3A_1077, %mul3A_23 : vector<128x256xi32>
    %slice3A_1079 = vector.extract_strided_slice %stack3A_1020 {offsets = [15, 0], sizes = [1, 256], strides = [1, 1]} : vector<16x256xf32> to vector<1x256xf32>
    %squeeze3A = vector.shape_cast %slice3A_1079 : vector<1x256xf32> to vector<256xf32>
    %slice3A_1080 = vector.extract_strided_slice %stack3A_1037 {offsets = [15, 0], sizes = [1, 256], strides = [1, 1]} : vector<16x256xi32> to vector<1x256xi32>
    %squeeze3A_1081 = vector.shape_cast %slice3A_1080 : vector<1x256xi32> to vector<256xi32>
    %broadcast_in_dim3A_1082 = vector.shape_cast %squeeze3A : vector<256xf32> to vector<1x256xf32>
    %lt3A_1083 = vector.broadcast %broadcast_in_dim3A_1082 : vector<1x256xf32> to vector<128x256xf32>
    %lt3A_1084 = arith.cmpf olt, %reduce_min3A_1069, %lt3A_1083 : vector<128x256xf32>
    %broadcast_in_dim3A_1085 = vector.shape_cast %squeeze3A : vector<256xf32> to vector<1x256xf32>
    %eq3A_1086 = vector.broadcast %broadcast_in_dim3A_1085 : vector<1x256xf32> to vector<128x256xf32>
    %eq3A_1087 = arith.cmpf oeq, %reduce_min3A_1069, %eq3A_1086 : vector<128x256xf32>
    %broadcast_in_dim3A_1088 = vector.shape_cast %squeeze3A_1081 : vector<256xi32> to vector<1x256xi32>
    %lt3A_1089 = vector.broadcast %broadcast_in_dim3A_1088 : vector<1x256xi32> to vector<128x256xi32>
    %lt3A_1090 = arith.cmpi slt, %add3A_1078, %lt3A_1089 : vector<128x256xi32>
    %and3A_1091 = arith.andi %eq3A_1087, %lt3A_1090 : vector<128x256xi1>
    %or3A = arith.ori %lt3A_1084, %and3A_1091 : vector<128x256xi1>
    %reduce_or3A = arith.constant 1.000000e+00 : f32
    %reduce_or3A_1092 = arith.constant 0.000000e+00 : f32
    %reduce_or3A_1093 = vector.broadcast %reduce_or3A : f32 to vector<128x256xf32>
    %reduce_or3A_1094 = vector.broadcast %reduce_or3A_1092 : f32 to vector<128x256xf32>
    %reduce_or3A_1095 = arith.select %or3A, %reduce_or3A_1093, %reduce_or3A_1094 : vector<128x256xi1>, vector<128x256xf32>
    %reduce_or3A_1096 = vector.shape_cast %reduce_or3A_1095 : vector<128x256xf32> to vector<1x128x256xf32>
    %reduce_or3A_1097 = arith.constant dense<0xFF800000> : vector<1xf32>
    %reduce_or3A_1098 = vector.multi_reduction <maximumf>, %reduce_or3A_1096, %reduce_or3A_1097 [1, 2] : vector<1x128x256xf32> to vector<1xf32>
    %reduce_or3A_1099 = vector.shape_cast %reduce_or3A_1098 : vector<1xf32> to vector<1x1x1xf32>
    %reduce_or3A_1100 = vector.extract %reduce_or3A_1099[0, 0, 0] : f32 from vector<1x1x1xf32>
    %reduce_or3A_1101 = arith.constant 0.000000e+00 : f32
    %reduce_or3A_1102 = arith.cmpf ogt, %reduce_or3A_1100, %reduce_or3A_1101 : f32
    %not3A = arith.constant true
    %not3A_1103 = arith.xori %reduce_or3A_1102, %not3A : i1
    %while3A = arith.constant 0x7F800000 : f32
    %while3A_1104 = arith.constant 3 : i32
    %while3A_1105:8 = scf.while (%while3A_1111 = %while3A_1104, %while3A_1112 = %not3A_1103, %while3A_1113 = %select_n3A_1044, %while3A_1114 = %reduce_min3A_1069, %while3A_1115 = %reduce_min3A_1077, %while3A_1116 = %add3A_1078, %while3A_1117 = %stack3A_1020, %while3A_1118 = %stack3A_1037) : (i32, i1, vector<128x64x256xf32>, vector<128x256xf32>, vector<128x256xi32>, vector<128x256xi32>, vector<16x256xf32>, vector<16x256xi32>) -> (i32, i1, vector<128x64x256xf32>, vector<128x256xf32>, vector<128x256xi32>, vector<128x256xi32>, vector<16x256xf32>, vector<16x256xi32>) {
      %lt3A_1119 = arith.constant 16 : i32
      %lt3A_1120 = arith.cmpi slt, %while3A_1111, %lt3A_1119 : i32
      %not3A_1121 = arith.constant true
      %not3A_1122 = arith.xori %while3A_1112, %not3A_1121 : i1
      %and3A_1123 = arith.andi %lt3A_1120, %not3A_1122 : i1
      scf.condition(%and3A_1123) %while3A_1111, %while3A_1112, %while3A_1113, %while3A_1114, %while3A_1115, %while3A_1116, %while3A_1117, %while3A_1118 : i32, i1, vector<128x64x256xf32>, vector<128x256xf32>, vector<128x256xi32>, vector<128x256xi32>, vector<16x256xf32>, vector<16x256xi32>
    } do {
    ^bb0(%while3A_1111: i32, %while3A_1112: i1, %while3A_1113: vector<128x64x256xf32>, %while3A_1114: vector<128x256xf32>, %while3A_1115: vector<128x256xi32>, %while3A_1116: vector<128x256xi32>, %while3A_1117: vector<16x256xf32>, %while3A_1118: vector<16x256xi32>):
      %concatenate3A_1119 = tpu.concatenate %while3A_1117, %while3A_1114 in 0 : vector<16x256xf32>, vector<128x256xf32> -> vector<144x256xf32>
      %concatenate3A_1120 = tpu.concatenate %while3A_1118, %while3A_1116 in 0 : vector<16x256xi32>, vector<128x256xi32> -> vector<144x256xi32>
      %reduce_min3A_1121 = arith.constant dense<0x7F800000> : vector<256xf32>
      %reduce_min3A_1122 = vector.multi_reduction <minimumf>, %concatenate3A_1119, %reduce_min3A_1121 [0] : vector<144x256xf32> to vector<256xf32>
      %broadcast_in_dim3A_1123 = vector.shape_cast %reduce_min3A_1122 : vector<256xf32> to vector<1x256xf32>
      %eq3A_1124 = vector.broadcast %broadcast_in_dim3A_1123 : vector<1x256xf32> to vector<144x256xf32>
      %eq3A_1125 = arith.cmpf oeq, %concatenate3A_1119, %eq3A_1124 : vector<144x256xf32>
      %jit3A_1126 = arith.constant 8192 : i32
      %broadcast_in_dim3A_1127 = vector.broadcast %jit3A_1126 : i32 to vector<144x256xi32>
      %select_n3A_1128 = arith.select %eq3A_1125, %concatenate3A_1120, %broadcast_in_dim3A_1127 : vector<144x256xi1>, vector<144x256xi32>
      %reduce_min3A_1129 = arith.constant dense<2147483647> : vector<256xi32>
      %reduce_min3A_1130 = vector.multi_reduction <minsi>, %select_n3A_1128, %reduce_min3A_1129 [0] : vector<144x256xi32> to vector<256xi32>
      %broadcast_in_dim3A_1131 = vector.shape_cast %reduce_min3A_1130 : vector<256xi32> to vector<1x256xi32>
      %eq3A_1132 = vector.broadcast %broadcast_in_dim3A_1131 : vector<1x256xi32> to vector<144x256xi32>
      %eq3A_1133 = arith.cmpi eq, %concatenate3A_1120, %eq3A_1132 : vector<144x256xi32>
      %and3A_1134 = arith.andi %eq3A_1125, %eq3A_1133 : vector<144x256xi1>
      %broadcast_in_dim3A_1135 = vector.broadcast %while3A : f32 to vector<144x256xf32>
      %select_n3A_1136 = arith.select %and3A_1134, %broadcast_in_dim3A_1135, %concatenate3A_1119 : vector<144x256xi1>, vector<144x256xf32>
      %reduce_min3A_1137 = arith.constant dense<0x7F800000> : vector<256xf32>
      %reduce_min3A_1138 = vector.multi_reduction <minimumf>, %select_n3A_1136, %reduce_min3A_1137 [0] : vector<144x256xf32> to vector<256xf32>
      %broadcast_in_dim3A_1139 = vector.shape_cast %reduce_min3A_1138 : vector<256xf32> to vector<1x256xf32>
      %eq3A_1140 = vector.broadcast %broadcast_in_dim3A_1139 : vector<1x256xf32> to vector<144x256xf32>
      %eq3A_1141 = arith.cmpf oeq, %select_n3A_1136, %eq3A_1140 : vector<144x256xf32>
      %jit3A_1142 = arith.constant 8192 : i32
      %broadcast_in_dim3A_1143 = vector.broadcast %jit3A_1142 : i32 to vector<144x256xi32>
      %select_n3A_1144 = arith.select %eq3A_1141, %concatenate3A_1120, %broadcast_in_dim3A_1143 : vector<144x256xi1>, vector<144x256xi32>
      %reduce_min3A_1145 = arith.constant dense<2147483647> : vector<256xi32>
      %reduce_min3A_1146 = vector.multi_reduction <minsi>, %select_n3A_1144, %reduce_min3A_1145 [0] : vector<144x256xi32> to vector<256xi32>
      %broadcast_in_dim3A_1147 = vector.shape_cast %reduce_min3A_1146 : vector<256xi32> to vector<1x256xi32>
      %eq3A_1148 = vector.broadcast %broadcast_in_dim3A_1147 : vector<1x256xi32> to vector<144x256xi32>
      %eq3A_1149 = arith.cmpi eq, %concatenate3A_1120, %eq3A_1148 : vector<144x256xi32>
      %and3A_1150 = arith.andi %eq3A_1141, %eq3A_1149 : vector<144x256xi1>
      %broadcast_in_dim3A_1151 = vector.broadcast %while3A : f32 to vector<144x256xf32>
      %select_n3A_1152 = arith.select %and3A_1150, %broadcast_in_dim3A_1151, %select_n3A_1136 : vector<144x256xi1>, vector<144x256xf32>
      %reduce_min3A_1153 = arith.constant dense<0x7F800000> : vector<256xf32>
      %reduce_min3A_1154 = vector.multi_reduction <minimumf>, %select_n3A_1152, %reduce_min3A_1153 [0] : vector<144x256xf32> to vector<256xf32>
      %broadcast_in_dim3A_1155 = vector.shape_cast %reduce_min3A_1154 : vector<256xf32> to vector<1x256xf32>
      %eq3A_1156 = vector.broadcast %broadcast_in_dim3A_1155 : vector<1x256xf32> to vector<144x256xf32>
      %eq3A_1157 = arith.cmpf oeq, %select_n3A_1152, %eq3A_1156 : vector<144x256xf32>
      %jit3A_1158 = arith.constant 8192 : i32
      %broadcast_in_dim3A_1159 = vector.broadcast %jit3A_1158 : i32 to vector<144x256xi32>
      %select_n3A_1160 = arith.select %eq3A_1157, %concatenate3A_1120, %broadcast_in_dim3A_1159 : vector<144x256xi1>, vector<144x256xi32>
      %reduce_min3A_1161 = arith.constant dense<2147483647> : vector<256xi32>
      %reduce_min3A_1162 = vector.multi_reduction <minsi>, %select_n3A_1160, %reduce_min3A_1161 [0] : vector<144x256xi32> to vector<256xi32>
      %broadcast_in_dim3A_1163 = vector.shape_cast %reduce_min3A_1162 : vector<256xi32> to vector<1x256xi32>
      %eq3A_1164 = vector.broadcast %broadcast_in_dim3A_1163 : vector<1x256xi32> to vector<144x256xi32>
      %eq3A_1165 = arith.cmpi eq, %concatenate3A_1120, %eq3A_1164 : vector<144x256xi32>
      %and3A_1166 = arith.andi %eq3A_1157, %eq3A_1165 : vector<144x256xi1>
      %broadcast_in_dim3A_1167 = vector.broadcast %while3A : f32 to vector<144x256xf32>
      %select_n3A_1168 = arith.select %and3A_1166, %broadcast_in_dim3A_1167, %select_n3A_1152 : vector<144x256xi1>, vector<144x256xf32>
      %reduce_min3A_1169 = arith.constant dense<0x7F800000> : vector<256xf32>
      %reduce_min3A_1170 = vector.multi_reduction <minimumf>, %select_n3A_1168, %reduce_min3A_1169 [0] : vector<144x256xf32> to vector<256xf32>
      %broadcast_in_dim3A_1171 = vector.shape_cast %reduce_min3A_1170 : vector<256xf32> to vector<1x256xf32>
      %eq3A_1172 = vector.broadcast %broadcast_in_dim3A_1171 : vector<1x256xf32> to vector<144x256xf32>
      %eq3A_1173 = arith.cmpf oeq, %select_n3A_1168, %eq3A_1172 : vector<144x256xf32>
      %jit3A_1174 = arith.constant 8192 : i32
      %broadcast_in_dim3A_1175 = vector.broadcast %jit3A_1174 : i32 to vector<144x256xi32>
      %select_n3A_1176 = arith.select %eq3A_1173, %concatenate3A_1120, %broadcast_in_dim3A_1175 : vector<144x256xi1>, vector<144x256xi32>
      %reduce_min3A_1177 = arith.constant dense<2147483647> : vector<256xi32>
      %reduce_min3A_1178 = vector.multi_reduction <minsi>, %select_n3A_1176, %reduce_min3A_1177 [0] : vector<144x256xi32> to vector<256xi32>
      %broadcast_in_dim3A_1179 = vector.shape_cast %reduce_min3A_1178 : vector<256xi32> to vector<1x256xi32>
      %eq3A_1180 = vector.broadcast %broadcast_in_dim3A_1179 : vector<1x256xi32> to vector<144x256xi32>
      %eq3A_1181 = arith.cmpi eq, %concatenate3A_1120, %eq3A_1180 : vector<144x256xi32>
      %and3A_1182 = arith.andi %eq3A_1173, %eq3A_1181 : vector<144x256xi1>
      %broadcast_in_dim3A_1183 = vector.broadcast %while3A : f32 to vector<144x256xf32>
      %select_n3A_1184 = arith.select %and3A_1182, %broadcast_in_dim3A_1183, %select_n3A_1168 : vector<144x256xi1>, vector<144x256xf32>
      %reduce_min3A_1185 = arith.constant dense<0x7F800000> : vector<256xf32>
      %reduce_min3A_1186 = vector.multi_reduction <minimumf>, %select_n3A_1184, %reduce_min3A_1185 [0] : vector<144x256xf32> to vector<256xf32>
      %broadcast_in_dim3A_1187 = vector.shape_cast %reduce_min3A_1186 : vector<256xf32> to vector<1x256xf32>
      %eq3A_1188 = vector.broadcast %broadcast_in_dim3A_1187 : vector<1x256xf32> to vector<144x256xf32>
      %eq3A_1189 = arith.cmpf oeq, %select_n3A_1184, %eq3A_1188 : vector<144x256xf32>
      %jit3A_1190 = arith.constant 8192 : i32
      %broadcast_in_dim3A_1191 = vector.broadcast %jit3A_1190 : i32 to vector<144x256xi32>
      %select_n3A_1192 = arith.select %eq3A_1189, %concatenate3A_1120, %broadcast_in_dim3A_1191 : vector<144x256xi1>, vector<144x256xi32>
      %reduce_min3A_1193 = arith.constant dense<2147483647> : vector<256xi32>
      %reduce_min3A_1194 = vector.multi_reduction <minsi>, %select_n3A_1192, %reduce_min3A_1193 [0] : vector<144x256xi32> to vector<256xi32>
      %broadcast_in_dim3A_1195 = vector.shape_cast %reduce_min3A_1194 : vector<256xi32> to vector<1x256xi32>
      %eq3A_1196 = vector.broadcast %broadcast_in_dim3A_1195 : vector<1x256xi32> to vector<144x256xi32>
      %eq3A_1197 = arith.cmpi eq, %concatenate3A_1120, %eq3A_1196 : vector<144x256xi32>
      %and3A_1198 = arith.andi %eq3A_1189, %eq3A_1197 : vector<144x256xi1>
      %broadcast_in_dim3A_1199 = vector.broadcast %while3A : f32 to vector<144x256xf32>
      %select_n3A_1200 = arith.select %and3A_1198, %broadcast_in_dim3A_1199, %select_n3A_1184 : vector<144x256xi1>, vector<144x256xf32>
      %reduce_min3A_1201 = arith.constant dense<0x7F800000> : vector<256xf32>
      %reduce_min3A_1202 = vector.multi_reduction <minimumf>, %select_n3A_1200, %reduce_min3A_1201 [0] : vector<144x256xf32> to vector<256xf32>
      %broadcast_in_dim3A_1203 = vector.shape_cast %reduce_min3A_1202 : vector<256xf32> to vector<1x256xf32>
      %eq3A_1204 = vector.broadcast %broadcast_in_dim3A_1203 : vector<1x256xf32> to vector<144x256xf32>
      %eq3A_1205 = arith.cmpf oeq, %select_n3A_1200, %eq3A_1204 : vector<144x256xf32>
      %jit3A_1206 = arith.constant 8192 : i32
      %broadcast_in_dim3A_1207 = vector.broadcast %jit3A_1206 : i32 to vector<144x256xi32>
      %select_n3A_1208 = arith.select %eq3A_1205, %concatenate3A_1120, %broadcast_in_dim3A_1207 : vector<144x256xi1>, vector<144x256xi32>
      %reduce_min3A_1209 = arith.constant dense<2147483647> : vector<256xi32>
      %reduce_min3A_1210 = vector.multi_reduction <minsi>, %select_n3A_1208, %reduce_min3A_1209 [0] : vector<144x256xi32> to vector<256xi32>
      %broadcast_in_dim3A_1211 = vector.shape_cast %reduce_min3A_1210 : vector<256xi32> to vector<1x256xi32>
      %eq3A_1212 = vector.broadcast %broadcast_in_dim3A_1211 : vector<1x256xi32> to vector<144x256xi32>
      %eq3A_1213 = arith.cmpi eq, %concatenate3A_1120, %eq3A_1212 : vector<144x256xi32>
      %and3A_1214 = arith.andi %eq3A_1205, %eq3A_1213 : vector<144x256xi1>
      %broadcast_in_dim3A_1215 = vector.broadcast %while3A : f32 to vector<144x256xf32>
      %select_n3A_1216 = arith.select %and3A_1214, %broadcast_in_dim3A_1215, %select_n3A_1200 : vector<144x256xi1>, vector<144x256xf32>
      %reduce_min3A_1217 = arith.constant dense<0x7F800000> : vector<256xf32>
      %reduce_min3A_1218 = vector.multi_reduction <minimumf>, %select_n3A_1216, %reduce_min3A_1217 [0] : vector<144x256xf32> to vector<256xf32>
      %broadcast_in_dim3A_1219 = vector.shape_cast %reduce_min3A_1218 : vector<256xf32> to vector<1x256xf32>
      %eq3A_1220 = vector.broadcast %broadcast_in_dim3A_1219 : vector<1x256xf32> to vector<144x256xf32>
      %eq3A_1221 = arith.cmpf oeq, %select_n3A_1216, %eq3A_1220 : vector<144x256xf32>
      %jit3A_1222 = arith.constant 8192 : i32
      %broadcast_in_dim3A_1223 = vector.broadcast %jit3A_1222 : i32 to vector<144x256xi32>
      %select_n3A_1224 = arith.select %eq3A_1221, %concatenate3A_1120, %broadcast_in_dim3A_1223 : vector<144x256xi1>, vector<144x256xi32>
      %reduce_min3A_1225 = arith.constant dense<2147483647> : vector<256xi32>
      %reduce_min3A_1226 = vector.multi_reduction <minsi>, %select_n3A_1224, %reduce_min3A_1225 [0] : vector<144x256xi32> to vector<256xi32>
      %broadcast_in_dim3A_1227 = vector.shape_cast %reduce_min3A_1226 : vector<256xi32> to vector<1x256xi32>
      %eq3A_1228 = vector.broadcast %broadcast_in_dim3A_1227 : vector<1x256xi32> to vector<144x256xi32>
      %eq3A_1229 = arith.cmpi eq, %concatenate3A_1120, %eq3A_1228 : vector<144x256xi32>
      %and3A_1230 = arith.andi %eq3A_1221, %eq3A_1229 : vector<144x256xi1>
      %broadcast_in_dim3A_1231 = vector.broadcast %while3A : f32 to vector<144x256xf32>
      %select_n3A_1232 = arith.select %and3A_1230, %broadcast_in_dim3A_1231, %select_n3A_1216 : vector<144x256xi1>, vector<144x256xf32>
      %reduce_min3A_1233 = arith.constant dense<0x7F800000> : vector<256xf32>
      %reduce_min3A_1234 = vector.multi_reduction <minimumf>, %select_n3A_1232, %reduce_min3A_1233 [0] : vector<144x256xf32> to vector<256xf32>
      %broadcast_in_dim3A_1235 = vector.shape_cast %reduce_min3A_1234 : vector<256xf32> to vector<1x256xf32>
      %eq3A_1236 = vector.broadcast %broadcast_in_dim3A_1235 : vector<1x256xf32> to vector<144x256xf32>
      %eq3A_1237 = arith.cmpf oeq, %select_n3A_1232, %eq3A_1236 : vector<144x256xf32>
      %jit3A_1238 = arith.constant 8192 : i32
      %broadcast_in_dim3A_1239 = vector.broadcast %jit3A_1238 : i32 to vector<144x256xi32>
      %select_n3A_1240 = arith.select %eq3A_1237, %concatenate3A_1120, %broadcast_in_dim3A_1239 : vector<144x256xi1>, vector<144x256xi32>
      %reduce_min3A_1241 = arith.constant dense<2147483647> : vector<256xi32>
      %reduce_min3A_1242 = vector.multi_reduction <minsi>, %select_n3A_1240, %reduce_min3A_1241 [0] : vector<144x256xi32> to vector<256xi32>
      %broadcast_in_dim3A_1243 = vector.shape_cast %reduce_min3A_1242 : vector<256xi32> to vector<1x256xi32>
      %eq3A_1244 = vector.broadcast %broadcast_in_dim3A_1243 : vector<1x256xi32> to vector<144x256xi32>
      %eq3A_1245 = arith.cmpi eq, %concatenate3A_1120, %eq3A_1244 : vector<144x256xi32>
      %and3A_1246 = arith.andi %eq3A_1237, %eq3A_1245 : vector<144x256xi1>
      %broadcast_in_dim3A_1247 = vector.broadcast %while3A : f32 to vector<144x256xf32>
      %select_n3A_1248 = arith.select %and3A_1246, %broadcast_in_dim3A_1247, %select_n3A_1232 : vector<144x256xi1>, vector<144x256xf32>
      %reduce_min3A_1249 = arith.constant dense<0x7F800000> : vector<256xf32>
      %reduce_min3A_1250 = vector.multi_reduction <minimumf>, %select_n3A_1248, %reduce_min3A_1249 [0] : vector<144x256xf32> to vector<256xf32>
      %broadcast_in_dim3A_1251 = vector.shape_cast %reduce_min3A_1250 : vector<256xf32> to vector<1x256xf32>
      %eq3A_1252 = vector.broadcast %broadcast_in_dim3A_1251 : vector<1x256xf32> to vector<144x256xf32>
      %eq3A_1253 = arith.cmpf oeq, %select_n3A_1248, %eq3A_1252 : vector<144x256xf32>
      %jit3A_1254 = arith.constant 8192 : i32
      %broadcast_in_dim3A_1255 = vector.broadcast %jit3A_1254 : i32 to vector<144x256xi32>
      %select_n3A_1256 = arith.select %eq3A_1253, %concatenate3A_1120, %broadcast_in_dim3A_1255 : vector<144x256xi1>, vector<144x256xi32>
      %reduce_min3A_1257 = arith.constant dense<2147483647> : vector<256xi32>
      %reduce_min3A_1258 = vector.multi_reduction <minsi>, %select_n3A_1256, %reduce_min3A_1257 [0] : vector<144x256xi32> to vector<256xi32>
      %broadcast_in_dim3A_1259 = vector.shape_cast %reduce_min3A_1258 : vector<256xi32> to vector<1x256xi32>
      %eq3A_1260 = vector.broadcast %broadcast_in_dim3A_1259 : vector<1x256xi32> to vector<144x256xi32>
      %eq3A_1261 = arith.cmpi eq, %concatenate3A_1120, %eq3A_1260 : vector<144x256xi32>
      %and3A_1262 = arith.andi %eq3A_1253, %eq3A_1261 : vector<144x256xi1>
      %broadcast_in_dim3A_1263 = vector.broadcast %while3A : f32 to vector<144x256xf32>
      %select_n3A_1264 = arith.select %and3A_1262, %broadcast_in_dim3A_1263, %select_n3A_1248 : vector<144x256xi1>, vector<144x256xf32>
      %reduce_min3A_1265 = arith.constant dense<0x7F800000> : vector<256xf32>
      %reduce_min3A_1266 = vector.multi_reduction <minimumf>, %select_n3A_1264, %reduce_min3A_1265 [0] : vector<144x256xf32> to vector<256xf32>
      %broadcast_in_dim3A_1267 = vector.shape_cast %reduce_min3A_1266 : vector<256xf32> to vector<1x256xf32>
      %eq3A_1268 = vector.broadcast %broadcast_in_dim3A_1267 : vector<1x256xf32> to vector<144x256xf32>
      %eq3A_1269 = arith.cmpf oeq, %select_n3A_1264, %eq3A_1268 : vector<144x256xf32>
      %jit3A_1270 = arith.constant 8192 : i32
      %broadcast_in_dim3A_1271 = vector.broadcast %jit3A_1270 : i32 to vector<144x256xi32>
      %select_n3A_1272 = arith.select %eq3A_1269, %concatenate3A_1120, %broadcast_in_dim3A_1271 : vector<144x256xi1>, vector<144x256xi32>
      %reduce_min3A_1273 = arith.constant dense<2147483647> : vector<256xi32>
      %reduce_min3A_1274 = vector.multi_reduction <minsi>, %select_n3A_1272, %reduce_min3A_1273 [0] : vector<144x256xi32> to vector<256xi32>
      %broadcast_in_dim3A_1275 = vector.shape_cast %reduce_min3A_1274 : vector<256xi32> to vector<1x256xi32>
      %eq3A_1276 = vector.broadcast %broadcast_in_dim3A_1275 : vector<1x256xi32> to vector<144x256xi32>
      %eq3A_1277 = arith.cmpi eq, %concatenate3A_1120, %eq3A_1276 : vector<144x256xi32>
      %and3A_1278 = arith.andi %eq3A_1269, %eq3A_1277 : vector<144x256xi1>
      %broadcast_in_dim3A_1279 = vector.broadcast %while3A : f32 to vector<144x256xf32>
      %select_n3A_1280 = arith.select %and3A_1278, %broadcast_in_dim3A_1279, %select_n3A_1264 : vector<144x256xi1>, vector<144x256xf32>
      %reduce_min3A_1281 = arith.constant dense<0x7F800000> : vector<256xf32>
      %reduce_min3A_1282 = vector.multi_reduction <minimumf>, %select_n3A_1280, %reduce_min3A_1281 [0] : vector<144x256xf32> to vector<256xf32>
      %broadcast_in_dim3A_1283 = vector.shape_cast %reduce_min3A_1282 : vector<256xf32> to vector<1x256xf32>
      %eq3A_1284 = vector.broadcast %broadcast_in_dim3A_1283 : vector<1x256xf32> to vector<144x256xf32>
      %eq3A_1285 = arith.cmpf oeq, %select_n3A_1280, %eq3A_1284 : vector<144x256xf32>
      %jit3A_1286 = arith.constant 8192 : i32
      %broadcast_in_dim3A_1287 = vector.broadcast %jit3A_1286 : i32 to vector<144x256xi32>
      %select_n3A_1288 = arith.select %eq3A_1285, %concatenate3A_1120, %broadcast_in_dim3A_1287 : vector<144x256xi1>, vector<144x256xi32>
      %reduce_min3A_1289 = arith.constant dense<2147483647> : vector<256xi32>
      %reduce_min3A_1290 = vector.multi_reduction <minsi>, %select_n3A_1288, %reduce_min3A_1289 [0] : vector<144x256xi32> to vector<256xi32>
      %broadcast_in_dim3A_1291 = vector.shape_cast %reduce_min3A_1290 : vector<256xi32> to vector<1x256xi32>
      %eq3A_1292 = vector.broadcast %broadcast_in_dim3A_1291 : vector<1x256xi32> to vector<144x256xi32>
      %eq3A_1293 = arith.cmpi eq, %concatenate3A_1120, %eq3A_1292 : vector<144x256xi32>
      %and3A_1294 = arith.andi %eq3A_1285, %eq3A_1293 : vector<144x256xi1>
      %broadcast_in_dim3A_1295 = vector.broadcast %while3A : f32 to vector<144x256xf32>
      %select_n3A_1296 = arith.select %and3A_1294, %broadcast_in_dim3A_1295, %select_n3A_1280 : vector<144x256xi1>, vector<144x256xf32>
      %reduce_min3A_1297 = arith.constant dense<0x7F800000> : vector<256xf32>
      %reduce_min3A_1298 = vector.multi_reduction <minimumf>, %select_n3A_1296, %reduce_min3A_1297 [0] : vector<144x256xf32> to vector<256xf32>
      %broadcast_in_dim3A_1299 = vector.shape_cast %reduce_min3A_1298 : vector<256xf32> to vector<1x256xf32>
      %eq3A_1300 = vector.broadcast %broadcast_in_dim3A_1299 : vector<1x256xf32> to vector<144x256xf32>
      %eq3A_1301 = arith.cmpf oeq, %select_n3A_1296, %eq3A_1300 : vector<144x256xf32>
      %jit3A_1302 = arith.constant 8192 : i32
      %broadcast_in_dim3A_1303 = vector.broadcast %jit3A_1302 : i32 to vector<144x256xi32>
      %select_n3A_1304 = arith.select %eq3A_1301, %concatenate3A_1120, %broadcast_in_dim3A_1303 : vector<144x256xi1>, vector<144x256xi32>
      %reduce_min3A_1305 = arith.constant dense<2147483647> : vector<256xi32>
      %reduce_min3A_1306 = vector.multi_reduction <minsi>, %select_n3A_1304, %reduce_min3A_1305 [0] : vector<144x256xi32> to vector<256xi32>
      %broadcast_in_dim3A_1307 = vector.shape_cast %reduce_min3A_1306 : vector<256xi32> to vector<1x256xi32>
      %eq3A_1308 = vector.broadcast %broadcast_in_dim3A_1307 : vector<1x256xi32> to vector<144x256xi32>
      %eq3A_1309 = arith.cmpi eq, %concatenate3A_1120, %eq3A_1308 : vector<144x256xi32>
      %and3A_1310 = arith.andi %eq3A_1301, %eq3A_1309 : vector<144x256xi1>
      %broadcast_in_dim3A_1311 = vector.broadcast %while3A : f32 to vector<144x256xf32>
      %select_n3A_1312 = arith.select %and3A_1310, %broadcast_in_dim3A_1311, %select_n3A_1296 : vector<144x256xi1>, vector<144x256xf32>
      %reduce_min3A_1313 = arith.constant dense<0x7F800000> : vector<256xf32>
      %reduce_min3A_1314 = vector.multi_reduction <minimumf>, %select_n3A_1312, %reduce_min3A_1313 [0] : vector<144x256xf32> to vector<256xf32>
      %broadcast_in_dim3A_1315 = vector.shape_cast %reduce_min3A_1314 : vector<256xf32> to vector<1x256xf32>
      %eq3A_1316 = vector.broadcast %broadcast_in_dim3A_1315 : vector<1x256xf32> to vector<144x256xf32>
      %eq3A_1317 = arith.cmpf oeq, %select_n3A_1312, %eq3A_1316 : vector<144x256xf32>
      %jit3A_1318 = arith.constant 8192 : i32
      %broadcast_in_dim3A_1319 = vector.broadcast %jit3A_1318 : i32 to vector<144x256xi32>
      %select_n3A_1320 = arith.select %eq3A_1317, %concatenate3A_1120, %broadcast_in_dim3A_1319 : vector<144x256xi1>, vector<144x256xi32>
      %reduce_min3A_1321 = arith.constant dense<2147483647> : vector<256xi32>
      %reduce_min3A_1322 = vector.multi_reduction <minsi>, %select_n3A_1320, %reduce_min3A_1321 [0] : vector<144x256xi32> to vector<256xi32>
      %broadcast_in_dim3A_1323 = vector.shape_cast %reduce_min3A_1322 : vector<256xi32> to vector<1x256xi32>
      %eq3A_1324 = vector.broadcast %broadcast_in_dim3A_1323 : vector<1x256xi32> to vector<144x256xi32>
      %eq3A_1325 = arith.cmpi eq, %concatenate3A_1120, %eq3A_1324 : vector<144x256xi32>
      %and3A_1326 = arith.andi %eq3A_1317, %eq3A_1325 : vector<144x256xi1>
      %broadcast_in_dim3A_1327 = vector.broadcast %while3A : f32 to vector<144x256xf32>
      %select_n3A_1328 = arith.select %and3A_1326, %broadcast_in_dim3A_1327, %select_n3A_1312 : vector<144x256xi1>, vector<144x256xf32>
      %reduce_min3A_1329 = arith.constant dense<0x7F800000> : vector<256xf32>
      %reduce_min3A_1330 = vector.multi_reduction <minimumf>, %select_n3A_1328, %reduce_min3A_1329 [0] : vector<144x256xf32> to vector<256xf32>
      %broadcast_in_dim3A_1331 = vector.shape_cast %reduce_min3A_1330 : vector<256xf32> to vector<1x256xf32>
      %eq3A_1332 = vector.broadcast %broadcast_in_dim3A_1331 : vector<1x256xf32> to vector<144x256xf32>
      %eq3A_1333 = arith.cmpf oeq, %select_n3A_1328, %eq3A_1332 : vector<144x256xf32>
      %jit3A_1334 = arith.constant 8192 : i32
      %broadcast_in_dim3A_1335 = vector.broadcast %jit3A_1334 : i32 to vector<144x256xi32>
      %select_n3A_1336 = arith.select %eq3A_1333, %concatenate3A_1120, %broadcast_in_dim3A_1335 : vector<144x256xi1>, vector<144x256xi32>
      %reduce_min3A_1337 = arith.constant dense<2147483647> : vector<256xi32>
      %reduce_min3A_1338 = vector.multi_reduction <minsi>, %select_n3A_1336, %reduce_min3A_1337 [0] : vector<144x256xi32> to vector<256xi32>
      %broadcast_in_dim3A_1339 = vector.shape_cast %reduce_min3A_1338 : vector<256xi32> to vector<1x256xi32>
      %eq3A_1340 = vector.broadcast %broadcast_in_dim3A_1339 : vector<1x256xi32> to vector<144x256xi32>
      %eq3A_1341 = arith.cmpi eq, %concatenate3A_1120, %eq3A_1340 : vector<144x256xi32>
      %and3A_1342 = arith.andi %eq3A_1333, %eq3A_1341 : vector<144x256xi1>
      %broadcast_in_dim3A_1343 = vector.broadcast %while3A : f32 to vector<144x256xf32>
      %select_n3A_1344 = arith.select %and3A_1342, %broadcast_in_dim3A_1343, %select_n3A_1328 : vector<144x256xi1>, vector<144x256xf32>
      %reduce_min3A_1345 = arith.constant dense<0x7F800000> : vector<256xf32>
      %reduce_min3A_1346 = vector.multi_reduction <minimumf>, %select_n3A_1344, %reduce_min3A_1345 [0] : vector<144x256xf32> to vector<256xf32>
      %broadcast_in_dim3A_1347 = vector.shape_cast %reduce_min3A_1346 : vector<256xf32> to vector<1x256xf32>
      %eq3A_1348 = vector.broadcast %broadcast_in_dim3A_1347 : vector<1x256xf32> to vector<144x256xf32>
      %eq3A_1349 = arith.cmpf oeq, %select_n3A_1344, %eq3A_1348 : vector<144x256xf32>
      %jit3A_1350 = arith.constant 8192 : i32
      %broadcast_in_dim3A_1351 = vector.broadcast %jit3A_1350 : i32 to vector<144x256xi32>
      %select_n3A_1352 = arith.select %eq3A_1349, %concatenate3A_1120, %broadcast_in_dim3A_1351 : vector<144x256xi1>, vector<144x256xi32>
      %reduce_min3A_1353 = arith.constant dense<2147483647> : vector<256xi32>
      %reduce_min3A_1354 = vector.multi_reduction <minsi>, %select_n3A_1352, %reduce_min3A_1353 [0] : vector<144x256xi32> to vector<256xi32>
      %broadcast_in_dim3A_1355 = vector.shape_cast %reduce_min3A_1354 : vector<256xi32> to vector<1x256xi32>
      %eq3A_1356 = vector.broadcast %broadcast_in_dim3A_1355 : vector<1x256xi32> to vector<144x256xi32>
      %eq3A_1357 = arith.cmpi eq, %concatenate3A_1120, %eq3A_1356 : vector<144x256xi32>
      %and3A_1358 = arith.andi %eq3A_1349, %eq3A_1357 : vector<144x256xi1>
      %broadcast_in_dim3A_1359 = vector.broadcast %while3A : f32 to vector<144x256xf32>
      %select_n3A_1360 = arith.select %and3A_1358, %broadcast_in_dim3A_1359, %select_n3A_1344 : vector<144x256xi1>, vector<144x256xf32>
      %reduce_min3A_1361 = arith.constant dense<0x7F800000> : vector<256xf32>
      %reduce_min3A_1362 = vector.multi_reduction <minimumf>, %select_n3A_1360, %reduce_min3A_1361 [0] : vector<144x256xf32> to vector<256xf32>
      %broadcast_in_dim3A_1363 = vector.shape_cast %reduce_min3A_1362 : vector<256xf32> to vector<1x256xf32>
      %eq3A_1364 = vector.broadcast %broadcast_in_dim3A_1363 : vector<1x256xf32> to vector<144x256xf32>
      %eq3A_1365 = arith.cmpf oeq, %select_n3A_1360, %eq3A_1364 : vector<144x256xf32>
      %jit3A_1366 = arith.constant 8192 : i32
      %broadcast_in_dim3A_1367 = vector.broadcast %jit3A_1366 : i32 to vector<144x256xi32>
      %select_n3A_1368 = arith.select %eq3A_1365, %concatenate3A_1120, %broadcast_in_dim3A_1367 : vector<144x256xi1>, vector<144x256xi32>
      %reduce_min3A_1369 = arith.constant dense<2147483647> : vector<256xi32>
      %reduce_min3A_1370 = vector.multi_reduction <minsi>, %select_n3A_1368, %reduce_min3A_1369 [0] : vector<144x256xi32> to vector<256xi32>
      %broadcast_in_dim3A_1371 = vector.shape_cast %reduce_min3A_1370 : vector<256xi32> to vector<1x256xi32>
      %eq3A_1372 = vector.broadcast %broadcast_in_dim3A_1371 : vector<1x256xi32> to vector<144x256xi32>
      %eq3A_1373 = arith.cmpi eq, %concatenate3A_1120, %eq3A_1372 : vector<144x256xi32>
      %and3A_1374 = arith.andi %eq3A_1365, %eq3A_1373 : vector<144x256xi1>
      %broadcast_in_dim3A_1375 = vector.broadcast %while3A : f32 to vector<144x256xf32>
      %select_n3A_1376 = arith.select %and3A_1374, %broadcast_in_dim3A_1375, %select_n3A_1360 : vector<144x256xi1>, vector<144x256xf32>
      %stack3A_1377 = vector.shape_cast %reduce_min3A_1122 : vector<256xf32> to vector<1x256xf32>
      %stack3A_1378 = vector.shape_cast %reduce_min3A_1138 : vector<256xf32> to vector<1x256xf32>
      %stack3A_1379 = vector.shape_cast %reduce_min3A_1154 : vector<256xf32> to vector<1x256xf32>
      %stack3A_1380 = vector.shape_cast %reduce_min3A_1170 : vector<256xf32> to vector<1x256xf32>
      %stack3A_1381 = vector.shape_cast %reduce_min3A_1186 : vector<256xf32> to vector<1x256xf32>
      %stack3A_1382 = vector.shape_cast %reduce_min3A_1202 : vector<256xf32> to vector<1x256xf32>
      %stack3A_1383 = vector.shape_cast %reduce_min3A_1218 : vector<256xf32> to vector<1x256xf32>
      %stack3A_1384 = vector.shape_cast %reduce_min3A_1234 : vector<256xf32> to vector<1x256xf32>
      %stack3A_1385 = vector.shape_cast %reduce_min3A_1250 : vector<256xf32> to vector<1x256xf32>
      %stack3A_1386 = vector.shape_cast %reduce_min3A_1266 : vector<256xf32> to vector<1x256xf32>
      %stack3A_1387 = vector.shape_cast %reduce_min3A_1282 : vector<256xf32> to vector<1x256xf32>
      %stack3A_1388 = vector.shape_cast %reduce_min3A_1298 : vector<256xf32> to vector<1x256xf32>
      %stack3A_1389 = vector.shape_cast %reduce_min3A_1314 : vector<256xf32> to vector<1x256xf32>
      %stack3A_1390 = vector.shape_cast %reduce_min3A_1330 : vector<256xf32> to vector<1x256xf32>
      %stack3A_1391 = vector.shape_cast %reduce_min3A_1346 : vector<256xf32> to vector<1x256xf32>
      %stack3A_1392 = vector.shape_cast %reduce_min3A_1362 : vector<256xf32> to vector<1x256xf32>
      %stack3A_1393 = tpu.concatenate %stack3A_1377, %stack3A_1378, %stack3A_1379, %stack3A_1380, %stack3A_1381, %stack3A_1382, %stack3A_1383, %stack3A_1384, %stack3A_1385, %stack3A_1386, %stack3A_1387, %stack3A_1388, %stack3A_1389, %stack3A_1390, %stack3A_1391, %stack3A_1392 in 0 : vector<1x256xf32>, vector<1x256xf32>, vector<1x256xf32>, vector<1x256xf32>, vector<1x256xf32>, vector<1x256xf32>, vector<1x256xf32>, vector<1x256xf32>, vector<1x256xf32>, vector<1x256xf32>, vector<1x256xf32>, vector<1x256xf32>, vector<1x256xf32>, vector<1x256xf32>, vector<1x256xf32>, vector<1x256xf32> -> vector<16x256xf32>
      %stack3A_1394 = vector.shape_cast %reduce_min3A_1130 : vector<256xi32> to vector<1x256xi32>
      %stack3A_1395 = vector.shape_cast %reduce_min3A_1146 : vector<256xi32> to vector<1x256xi32>
      %stack3A_1396 = vector.shape_cast %reduce_min3A_1162 : vector<256xi32> to vector<1x256xi32>
      %stack3A_1397 = vector.shape_cast %reduce_min3A_1178 : vector<256xi32> to vector<1x256xi32>
      %stack3A_1398 = vector.shape_cast %reduce_min3A_1194 : vector<256xi32> to vector<1x256xi32>
      %stack3A_1399 = vector.shape_cast %reduce_min3A_1210 : vector<256xi32> to vector<1x256xi32>
      %stack3A_1400 = vector.shape_cast %reduce_min3A_1226 : vector<256xi32> to vector<1x256xi32>
      %stack3A_1401 = vector.shape_cast %reduce_min3A_1242 : vector<256xi32> to vector<1x256xi32>
      %stack3A_1402 = vector.shape_cast %reduce_min3A_1258 : vector<256xi32> to vector<1x256xi32>
      %stack3A_1403 = vector.shape_cast %reduce_min3A_1274 : vector<256xi32> to vector<1x256xi32>
      %stack3A_1404 = vector.shape_cast %reduce_min3A_1290 : vector<256xi32> to vector<1x256xi32>
      %stack3A_1405 = vector.shape_cast %reduce_min3A_1306 : vector<256xi32> to vector<1x256xi32>
      %stack3A_1406 = vector.shape_cast %reduce_min3A_1322 : vector<256xi32> to vector<1x256xi32>
      %stack3A_1407 = vector.shape_cast %reduce_min3A_1338 : vector<256xi32> to vector<1x256xi32>
      %stack3A_1408 = vector.shape_cast %reduce_min3A_1354 : vector<256xi32> to vector<1x256xi32>
      %stack3A_1409 = vector.shape_cast %reduce_min3A_1370 : vector<256xi32> to vector<1x256xi32>
      %stack3A_1410 = tpu.concatenate %stack3A_1394, %stack3A_1395, %stack3A_1396, %stack3A_1397, %stack3A_1398, %stack3A_1399, %stack3A_1400, %stack3A_1401, %stack3A_1402, %stack3A_1403, %stack3A_1404, %stack3A_1405, %stack3A_1406, %stack3A_1407, %stack3A_1408, %stack3A_1409 in 0 : vector<1x256xi32>, vector<1x256xi32>, vector<1x256xi32>, vector<1x256xi32>, vector<1x256xi32>, vector<1x256xi32>, vector<1x256xi32>, vector<1x256xi32>, vector<1x256xi32>, vector<1x256xi32>, vector<1x256xi32>, vector<1x256xi32>, vector<1x256xi32>, vector<1x256xi32>, vector<1x256xi32>, vector<1x256xi32> -> vector<16x256xi32>
      %iota3A_1411 = tpu.iota {dimensions = array<i32: 1>} : vector<128x64x256xi32>
      %broadcast_in_dim3A_1412 = vector.shape_cast %while3A_1115 : vector<128x256xi32> to vector<128x1x256xi32>
      %eq3A_1413 = vector.broadcast %broadcast_in_dim3A_1412 : vector<128x1x256xi32> to vector<128x64x256xi32>
      %eq3A_1414 = arith.cmpi eq, %iota3A_1411, %eq3A_1413 : vector<128x64x256xi32>
      %broadcast_in_dim3A_1415 = vector.broadcast %while3A : f32 to vector<128x64x256xf32>
      %select_n3A_1416 = arith.select %eq3A_1414, %broadcast_in_dim3A_1415, %while3A_1113 : vector<128x64x256xi1>, vector<128x64x256xf32>
      %slice3A_1417 = vector.extract_strided_slice %select_n3A_1416 {offsets = [0, 0, 0], sizes = [128, 32, 256], strides = [1, 1, 1]} : vector<128x64x256xf32> to vector<128x32x256xf32>
      %slice3A_1418 = vector.extract_strided_slice %select_n3A_1416 {offsets = [0, 32, 0], sizes = [128, 32, 256], strides = [1, 1, 1]} : vector<128x64x256xf32> to vector<128x32x256xf32>
      %lt3A_1419 = arith.cmpf olt, %slice3A_1418, %slice3A_1417 : vector<128x32x256xf32>
      %iota3A_1420 = tpu.iota {dimensions = array<i32: 1>} : vector<128x32x256xi32>
      %add3A_1421 = arith.constant 32 : i32
      %add3A_1422 = vector.broadcast %add3A_1421 : i32 to vector<128x32x256xi32>
      %add3A_1423 = arith.addi %iota3A_1420, %add3A_1422 : vector<128x32x256xi32>
      %select_n3A_1424 = arith.select %lt3A_1419, %slice3A_1418, %slice3A_1417 : vector<128x32x256xi1>, vector<128x32x256xf32>
      %select_n3A_1425 = arith.select %lt3A_1419, %add3A_1423, %iota3A_1420 : vector<128x32x256xi1>, vector<128x32x256xi32>
      %slice3A_1426 = vector.extract_strided_slice %select_n3A_1424 {offsets = [0, 0, 0], sizes = [128, 16, 256], strides = [1, 1, 1]} : vector<128x32x256xf32> to vector<128x16x256xf32>
      %slice3A_1427 = vector.extract_strided_slice %select_n3A_1424 {offsets = [0, 16, 0], sizes = [128, 16, 256], strides = [1, 1, 1]} : vector<128x32x256xf32> to vector<128x16x256xf32>
      %lt3A_1428 = arith.cmpf olt, %slice3A_1427, %slice3A_1426 : vector<128x16x256xf32>
      %slice3A_1429 = vector.extract_strided_slice %select_n3A_1425 {offsets = [0, 0, 0], sizes = [128, 16, 256], strides = [1, 1, 1]} : vector<128x32x256xi32> to vector<128x16x256xi32>
      %slice3A_1430 = vector.extract_strided_slice %select_n3A_1425 {offsets = [0, 16, 0], sizes = [128, 16, 256], strides = [1, 1, 1]} : vector<128x32x256xi32> to vector<128x16x256xi32>
      %select_n3A_1431 = arith.select %lt3A_1428, %slice3A_1427, %slice3A_1426 : vector<128x16x256xi1>, vector<128x16x256xf32>
      %select_n3A_1432 = arith.select %lt3A_1428, %slice3A_1430, %slice3A_1429 : vector<128x16x256xi1>, vector<128x16x256xi32>
      %slice3A_1433 = vector.extract_strided_slice %select_n3A_1431 {offsets = [0, 0, 0], sizes = [128, 8, 256], strides = [1, 1, 1]} : vector<128x16x256xf32> to vector<128x8x256xf32>
      %slice3A_1434 = vector.extract_strided_slice %select_n3A_1431 {offsets = [0, 8, 0], sizes = [128, 8, 256], strides = [1, 1, 1]} : vector<128x16x256xf32> to vector<128x8x256xf32>
      %lt3A_1435 = arith.cmpf olt, %slice3A_1434, %slice3A_1433 : vector<128x8x256xf32>
      %slice3A_1436 = vector.extract_strided_slice %select_n3A_1432 {offsets = [0, 0, 0], sizes = [128, 8, 256], strides = [1, 1, 1]} : vector<128x16x256xi32> to vector<128x8x256xi32>
      %slice3A_1437 = vector.extract_strided_slice %select_n3A_1432 {offsets = [0, 8, 0], sizes = [128, 8, 256], strides = [1, 1, 1]} : vector<128x16x256xi32> to vector<128x8x256xi32>
      %select_n3A_1438 = arith.select %lt3A_1435, %slice3A_1434, %slice3A_1433 : vector<128x8x256xi1>, vector<128x8x256xf32>
      %select_n3A_1439 = arith.select %lt3A_1435, %slice3A_1437, %slice3A_1436 : vector<128x8x256xi1>, vector<128x8x256xi32>
      %reduce_min3A_1440 = arith.constant dense<0x7F800000> : vector<128x256xf32>
      %reduce_min3A_1441 = vector.multi_reduction <minimumf>, %select_n3A_1438, %reduce_min3A_1440 [1] : vector<128x8x256xf32> to vector<128x256xf32>
      %broadcast_in_dim3A_1442 = vector.shape_cast %reduce_min3A_1441 : vector<128x256xf32> to vector<128x1x256xf32>
      %eq3A_1443 = vector.broadcast %broadcast_in_dim3A_1442 : vector<128x1x256xf32> to vector<128x8x256xf32>
      %eq3A_1444 = arith.cmpf oeq, %select_n3A_1438, %eq3A_1443 : vector<128x8x256xf32>
      %jit3A_1445 = arith.constant 8192 : i32
      %broadcast_in_dim3A_1446 = vector.broadcast %jit3A_1445 : i32 to vector<128x8x256xi32>
      %select_n3A_1447 = arith.select %eq3A_1444, %select_n3A_1439, %broadcast_in_dim3A_1446 : vector<128x8x256xi1>, vector<128x8x256xi32>
      %reduce_min3A_1448 = arith.constant dense<2147483647> : vector<128x256xi32>
      %reduce_min3A_1449 = vector.multi_reduction <minsi>, %select_n3A_1447, %reduce_min3A_1448 [1] : vector<128x8x256xi32> to vector<128x256xi32>
      %add3A_1450 = arith.addi %reduce_min3A_1449, %mul3A_23 : vector<128x256xi32>
      %slice3A_1451 = vector.extract_strided_slice %stack3A_1393 {offsets = [15, 0], sizes = [1, 256], strides = [1, 1]} : vector<16x256xf32> to vector<1x256xf32>
      %squeeze3A_1452 = vector.shape_cast %slice3A_1451 : vector<1x256xf32> to vector<256xf32>
      %slice3A_1453 = vector.extract_strided_slice %stack3A_1410 {offsets = [15, 0], sizes = [1, 256], strides = [1, 1]} : vector<16x256xi32> to vector<1x256xi32>
      %squeeze3A_1454 = vector.shape_cast %slice3A_1453 : vector<1x256xi32> to vector<256xi32>
      %broadcast_in_dim3A_1455 = vector.shape_cast %squeeze3A_1452 : vector<256xf32> to vector<1x256xf32>
      %lt3A_1456 = vector.broadcast %broadcast_in_dim3A_1455 : vector<1x256xf32> to vector<128x256xf32>
      %lt3A_1457 = arith.cmpf olt, %reduce_min3A_1441, %lt3A_1456 : vector<128x256xf32>
      %broadcast_in_dim3A_1458 = vector.shape_cast %squeeze3A_1452 : vector<256xf32> to vector<1x256xf32>
      %eq3A_1459 = vector.broadcast %broadcast_in_dim3A_1458 : vector<1x256xf32> to vector<128x256xf32>
      %eq3A_1460 = arith.cmpf oeq, %reduce_min3A_1441, %eq3A_1459 : vector<128x256xf32>
      %broadcast_in_dim3A_1461 = vector.shape_cast %squeeze3A_1454 : vector<256xi32> to vector<1x256xi32>
      %lt3A_1462 = vector.broadcast %broadcast_in_dim3A_1461 : vector<1x256xi32> to vector<128x256xi32>
      %lt3A_1463 = arith.cmpi slt, %add3A_1450, %lt3A_1462 : vector<128x256xi32>
      %and3A_1464 = arith.andi %eq3A_1460, %lt3A_1463 : vector<128x256xi1>
      %or3A_1465 = arith.ori %lt3A_1457, %and3A_1464 : vector<128x256xi1>
      %reduce_or3A_1466 = arith.constant 1.000000e+00 : f32
      %reduce_or3A_1467 = arith.constant 0.000000e+00 : f32
      %reduce_or3A_1468 = vector.broadcast %reduce_or3A_1466 : f32 to vector<128x256xf32>
      %reduce_or3A_1469 = vector.broadcast %reduce_or3A_1467 : f32 to vector<128x256xf32>
      %reduce_or3A_1470 = arith.select %or3A_1465, %reduce_or3A_1468, %reduce_or3A_1469 : vector<128x256xi1>, vector<128x256xf32>
      %reduce_or3A_1471 = vector.shape_cast %reduce_or3A_1470 : vector<128x256xf32> to vector<1x128x256xf32>
      %reduce_or3A_1472 = arith.constant dense<0xFF800000> : vector<1xf32>
      %reduce_or3A_1473 = vector.multi_reduction <maximumf>, %reduce_or3A_1471, %reduce_or3A_1472 [1, 2] : vector<1x128x256xf32> to vector<1xf32>
      %reduce_or3A_1474 = vector.shape_cast %reduce_or3A_1473 : vector<1xf32> to vector<1x1x1xf32>
      %reduce_or3A_1475 = vector.extract %reduce_or3A_1474[0, 0, 0] : f32 from vector<1x1x1xf32>
      %reduce_or3A_1476 = arith.constant 0.000000e+00 : f32
      %reduce_or3A_1477 = arith.cmpf ogt, %reduce_or3A_1475, %reduce_or3A_1476 : f32
      %not3A_1478 = arith.constant true
      %not3A_1479 = arith.xori %reduce_or3A_1477, %not3A_1478 : i1
      %add3A_1480 = arith.constant 1 : i32
      %add3A_1481 = arith.addi %while3A_1111, %add3A_1480 : i32
      scf.yield %add3A_1481, %not3A_1479, %select_n3A_1416, %reduce_min3A_1441, %reduce_min3A_1449, %add3A_1450, %stack3A_1393, %stack3A_1410 : i32, i1, vector<128x64x256xf32>, vector<128x256xf32>, vector<128x256xi32>, vector<128x256xi32>, vector<16x256xf32>, vector<16x256xi32>
    }
    %swap3A = arith.constant 0 : index
    %swap3A_1106 = arith.constant 0 : index
    %swap3A_1107 = arith.constant 0 : index
    %swap3A_1108 = vector.load %arg4[%swap3A, %swap3A_1106, %swap3A_1107] : memref<1x16x256xi32, #tpu.memory_space<vmem>>, vector<1x16x256xi32>
    %swap3A_1109 = vector.shape_cast %swap3A_1108 : vector<1x16x256xi32> to vector<16x256xi32>
    %swap3A_1110 = vector.shape_cast %while3A_1105#7 : vector<16x256xi32> to vector<1x16x256xi32>
    tpu.vector_store %arg4[%swap3A, %swap3A_1106, %swap3A_1107], %swap3A_1110 {strides = array<i32>} : memref<1x16x256xi32, #tpu.memory_space<vmem>>, vector<1x16x256xi32>,
    return
  }
  func.func @transform_0(%arg0: i32, %arg1: i32) -> (i32, i32, i32) {
    %c0_i32 = arith.constant 0 : i32
    %c0_i32_0 = arith.constant 0 : i32
    return %arg0, %arg1, %c0_i32 : i32, i32, i32
  }
  func.func @transform_1(%arg0: i32, %arg1: i32) -> (i32, i32, i32) {
    %c0_i32 = arith.constant 0 : i32
    %c0_i32_0 = arith.constant 0 : i32
    %c0_i32_1 = arith.constant 0 : i32
    return %arg0, %c0_i32, %c0_i32_0 : i32, i32, i32
  }
  func.func @transform_2(%arg0: i32, %arg1: i32) -> (i32, i32, i32) {
    %c0_i32 = arith.constant 0 : i32
    %c0_i32_0 = arith.constant 0 : i32
    return %arg0, %c0_i32, %arg1 : i32, i32, i32
  }
}

</mosaic_0001>

<sc_bundles>
// kernel: kernel.4.cloned.1.call-start
scs
__scs_entry_jumppad:
0x0: {  	(pc) =	sbr.rel $0x88, $3  }
0x1: {  	(tag) =	ssettag $0x0;
	lr =	simm.s32 $0x1  }
0x2: {  	[smem:$0x3F9E] =	sst lr;
	_ =	strace $0xD0000000  }
0x3: {  	_ = 	snop  }
0x4: {  	_ = 	snop  }
0x5: {  	_ = 	snop  }
0x6: {  	_ = 	snop  }
0x7: {  	_ = 	snop  }
__scs_overlays_trampoline_lowered:
0x8: {  	[smem:$0x3FAD] =	sst s0  }
0x9: {  	[smem:$0x3FAE] =	sst s1  }
0xa: {  	[smem:$0x3FAF] =	sst s2  }
0xb: {  	[smem:$0x3FB0] =	sst s3  }
0xc: {  	[smem:$0x3FB1] =	sst s4  }
0xd: {  	[smem:$0x3FB2] =	sst s5  }
0xe: {  	[smem:$0x3FB3] =	sst s6  }
0xf: {  	[smem:$0x3FB4] =	sst s7  }
0x10: {  	[smem:$0x3FB5] =	sst s8  }
0x11: {  	[smem:$0x3FB6] =	sst s9;
	s0 =	simm.s32 @!p0 $0x0  }
0x12: {  	s1 =	sld [smem:$0x3F9C];
	s0 =	simm.s32 @p0 $0x1  }
0x13: {  	[smem:$0x3FB7] =	sst s0;
	s0 =	simm.s32 @!p1 $0x0  }
0x14: {  	s2 =	sld [smem:$0x3F9B];
	s0 =	simm.s32 @p1 $0x1  }
0x15: {  	[smem:$0x3FB8] =	sst s0;
	s0 =	simm.s32 @!p2 $0x0  }
0x16: {  	s3 =	sld [smem:$0x3FDB];
	s0 =	simm.s32 @p2 $0x1  }
0x17: {  	s4 =	simm.s32 $0x1BF5;
	[smem:$0x3FBA] =	sst s0  }
0x18: {  	s0 =	sld [smem:$0x3F9D];
	_ =	swait.ge [sflag:s4], $0x0  }
0x19: {  	s7 =	sld [smem:$0x3F9E]  }
0x1a: {  	s8 =	sadd.s32 $0xFFFFE003, lr  }
0x1b: {  	s9 =	sadd.s32 $0xFFFFFEF7, lr;
	s5 =	simm.s32 $0xFFFFFFFF;
	p2 =	slt.u32 s8, $0xFFFFF086  }
0x1c: {  	p1 =	slt.u32 s9, $0xF7A;
	s5 =	simm.s32 @!p2 $0x0  }
0x1d: {  	s5 =	simm.s32 @p1 $0x1;
	p0 =	seq.s32 s7, s2  }
0x1e: {  	s7 =	smul.u32 @!p0 $0xF7A, s2;
	p2 =	seq.s32 @!p0 s5, $0x0  }
0x1f: {  	s9 =	smul.u32 $0xF7A, s1;
	s8 =	simm.s32 @!p0 $0x1BF5;
	p2 =	por !p2, p0  }
0x20: {  	[sflag:s8] =	ssyncset.s32 @!p0 $0xFFFFF086;
	s6 =	sadd.s32 @!p0 s3, s7;
	s7 =	simm.s32 @!p0 $0x108  }
0x21: {  	s3 =	sadd.s32 s3, s9;
	s6 =	sadd.s32 @!p0 $0x88, s6;
	s7 =	simm.s32 @p2 $0x1082  }
0x22: {  	[simem:s7], [sflag:s8] =	dma.local @!p0 [hbm:s6], $0xF7A  }
0x23: {  	s9 =	sor.u32 $0xD0000000, s2;
	s6 =	simm.s32 $0x108;
	_ =	swait.ge @!p0 [sflag:s8], $0x0  }
0x24: {  	s3 =	sadd.s32 $0x88, s3;
	s6 =	simm.s32 @!p1 $0x1082;
	[sflag:s4] =	ssyncset.s32 $0xFFFFF086  }
0x25: {  	[simem:s6], [sflag:s4] =	dma.local [hbm:s3], $0xF7A  }
0x26: {  	[smem:$0x3F9E] =	sst s1;
	(tag) =	ssettag s2;
	_ =	strace s9  }
0x27: {  	s1 =	sld [smem:$0x3FAE]  }
0x28: {  	s2 =	sld [smem:$0x3FAF]  }
0x29: {  	s4 =	sld [smem:$0x3FB1]  }
0x2a: {  	p0 =	seq.s32 s5, $0x0;
	s5 =	sld [smem:$0x3FB2]  }
0x2b: {  	s6 =	sld [smem:$0x3FB3]  }
0x2c: {  	s7 =	sld [smem:$0x3FB4]  }
0x2d: {  	s3 =	simm.s32 $0x108;
	s8 =	sld [smem:$0x3FB5]  }
0x2e: {  	s3 =	simm.s32 @!p0 $0x1082;
	s9 =	sld [smem:$0x3FB6]  }
0x2f: {  	lr =	sadd.s32 s0, s3;
	s0 =	sld [smem:$0x3FAD]  }
0x30: {  	s3 =	sld [smem:$0x3FB0]  }
0x31: {  	[smem:$0x3FB9] =	sst s10  }
0x32: {  	s10 =	sld [smem:$0x3FB7];
	_ =	sdelay $0x3  }
0x33: {  	p0 =	seq.s32 s10, $0x1;
	s10 =	sld [smem:$0x3FB9];
	_ =	sdelay $0x3  }
0x34: {  	[smem:$0x3FB9] =	sst s10  }
0x35: {  	s10 =	sld [smem:$0x3FB8];
	_ =	sdelay $0x3  }
0x36: {  	p1 =	seq.s32 s10, $0x1;
	s10 =	sld [smem:$0x3FB9];
	_ =	sdelay $0x3  }
0x37: {  	[smem:$0x3FB9] =	sst s10  }
0x38: {  	s10 =	sld [smem:$0x3FBA]  }
0x39: {  	_ = 	snop;
	(pc) =	sbr.ind lr, $3  }
0x3a: {  	_ = 	snop  }
0x3b: {  	_ = 	snop  }
0x3c: {  	p2 =	seq.s32 s10, $0x1;
	s10 =	sld [smem:$0x3FB9]  }
0x3d: {  	_ =	shalt  }
0x3e: {  	_ =	shalt  }
0x3f: {  	_ =	shalt  }
0x40: {  	_ =	shalt  }
0x41: {  	_ =	shalt  }
0x42: {  	_ =	shalt  }
0x43: {  	_ =	shalt  }
0x44: {  	_ =	shalt  }
0x45: {  	_ =	shalt  }
0x46: {  	_ =	shalt  }
0x47: {  	_ =	shalt  }
0x48: {  	_ =	shalt  }
0x49: {  	_ =	shalt  }
0x4a: {  	_ =	shalt  }
0x4b: {  	_ =	shalt  }
0x4c: {  	_ =	shalt  }
0x4d: {  	_ =	shalt  }
0x4e: {  	_ =	shalt  }
0x4f: {  	_ =	shalt  }
0x50: {  	_ =	shalt  }
0x51: {  	_ =	shalt  }
0x52: {  	_ =	shalt  }
0x53: {  	_ =	shalt  }
0x54: {  	_ =	shalt  }
0x55: {  	_ =	shalt  }
0x56: {  	_ =	shalt  }
0x57: {  	_ =	shalt  }
0x58: {  	_ =	shalt  }
0x59: {  	_ =	shalt  }
0x5a: {  	_ =	shalt  }
0x5b: {  	_ =	shalt  }
0x5c: {  	_ =	shalt  }
0x5d: {  	_ =	shalt  }
0x5e: {  	_ =	shalt  }
0x5f: {  	_ =	shalt  }
0x60: {  	_ =	shalt  }
0x61: {  	_ =	shalt  }
0x62: {  	_ =	shalt  }
0x63: {  	_ =	shalt  }
0x64: {  	_ =	shalt  }
0x65: {  	_ =	shalt  }
0x66: {  	_ =	shalt  }
0x67: {  	_ =	shalt  }
0x68: {  	_ =	shalt  }
0x69: {  	_ =	shalt  }
0x6a: {  	_ =	shalt  }
0x6b: {  	_ =	shalt  }
0x6c: {  	_ =	shalt  }
0x6d: {  	_ =	shalt  }
0x6e: {  	_ =	shalt  }
0x6f: {  	_ =	shalt  }
0x70: {  	_ =	shalt  }
0x71: {  	_ =	shalt  }
0x72: {  	_ =	shalt  }
0x73: {  	_ =	shalt  }
0x74: {  	_ =	shalt  }
0x75: {  	_ =	shalt  }
0x76: {  	_ =	shalt  }
0x77: {  	_ =	shalt  }
0x78: {  	_ =	shalt  }
0x79: {  	_ =	shalt  }
0x7a: {  	_ =	shalt  }
0x7b: {  	_ =	shalt  }
0x7c: {  	_ =	shalt  }
0x7d: {  	_ =	shalt  }
0x7e: {  	_ =	shalt  }
0x7f: {  	_ =	shalt  }
0x80: {  	_ =	shalt  }
0x81: {  	_ =	shalt  }
0x82: {  	_ =	shalt  }
0x83: {  	_ =	shalt  }
0x84: {  	_ =	shalt  }
0x85: {  	_ =	shalt  }
0x86: {  	_ =	shalt  }
0x87: {  	_ =	shalt  }
.Lfunc_end0:
.L_simem_size_0:
called_computation.1_lowered:
.L_overlay_start_0:
0x88: {  	s2 =	sld [smem:$0x3FD9]  }
0x89: {  	s3 =	sld [smem:$0x3FFE];
	_ =	sdelay $0x1  }
0x8a: {  	s1 =	srdreg.scid  }
0x8b: {  	s0 =	sand.u32 $0x1, s1  }
0x8c: {  	s14 =	sshll.u32 s0, $0xA;
	s2 =	sadd.s32 s3, s2  }
0x8d: {  	s2 =	sadd.s32 s2, s14  }
0x8e: {  	[smem:$0x3FC5] =	sst s2  }
0x8f: {  	_ = 	snop  }
0x90: {  	s2 =	sld [smem:$0x3FD0];
	_ =	sdelay $0x2  }
0x91: {  	s15 =	simm.s32 $0xA;
	s4 =	simm.s32 $0x10  }
0x92: {  	[smem:s4], [sflag:s15] =	dma.local [hbm:s2], $0x1  }
0x93: {  	_ =	swait.eq [sflag:s15], $0x1  }
0x94: {  	[sflag:s15] =	ssyncset.done $0x0  }
0x95: {  	s16 =	sld [smem:$0x10];
	[sflag:s15] =	ssyncadd.s32 $0xFFFFFFFF  }
0x96: {  	s17 =	sld [smem:$0x11];
	(tm) =	ssettm $0x1  }
0x97: {  	s18 =	sld [smem:$0x3FFB];
	_ =	sdelay $0x3  }
0x98: {  	_ =	strace s18  }
0x99: {  	s4 =	sld [smem:$0x3FFC];
	_ =	sdelay $0x3  }
0x9a: {  	_ =	strace s4  }
0x9b: {  	s4 =	sld [smem:$0x3FFD];
	_ =	sdelay $0x3  }
0x9c: {  	_ =	strace s4  }
0x9d: {  	_ =	strace $0x8FFFFFFF  }
0x9e: {  	s19 =	sld [smem:$0x3FDB];
	_ =	sdelay $0x1  }
0x9f: {  	s5 =	simm.s32 $_scs_section_size  }
0xa0: {  	s6 =	simm.s32 $_size__tile_overlayer_lowered;
	s7 =	simm.s32 $_tile_overlayer_lowered  }
0xa1: {  	s22 =	simm.s32 $0x1BFF;
	s21 =	sshll.u32 s7, $0x1;
	s4 =	sadd.s32 s5, s19  }
0xa2: {  	s8 =	simm.s32 $0x0;
	s20 =	sshll.u32 s6, $0x1;
	s6 =	sadd.s32 s21, s4  }
0xa3: {  	[timem:s8], [sflag:s22] =	dma.local [hbm:s6], s20  }
0xa4: {  	_ =	swait.ge [sflag:s22], s20  }
0xa5: {  	s5 =	ssub.s32 $0x0, s20;
	[sflag:s22] =	ssyncset.done $0x0  }
0xa6: {  	[sflag:s22] =	ssyncadd.s32 s5;
	_ =	sdelay $0x1  }
0xa7: {  	s23 =	simm.s32 $0x1B8B  }
0xa8: {  	_ =	swait.ge [sflag:s23], $0x1  }
0xa9: {  	[sflag:s23] =	ssyncset.done $0x0  }
0xaa: {  	s25 =	simm.s32 $0x1B8E;
	s24 =	sld [smem:$0x3FFE];
	[sflag:s23] =	ssyncadd.s32 $0xFFFFFFFF  }
0xab: {  	s26 =	simm.s32 $execute0_lowered;
	[smem:$0x3FD2] =	sst s25  }
0xac: {  	s6 =	sshll.u32 s26, $0x1;
	_ =	strace $0x80000046;
	[dreg:$0x1] =	wrdreg $0xFFFFFFFF  }
0xad: {  	s28 =	simm.s32 $_size_execute0_lowered;
	s4 =	sadd.s32 s4, s6;
	[dreg:$0x0] =	wrdreg $0x0  }
0xae: {  	s6 =	sshll.u32 s28, $0x1;
	[dreg:$0x2] =	wrdreg s4  }
0xaf: {  	[dreg:$0x3] =	wrdreg s6  }
0xb0: {  	[dreg:$0x4] =	wrdreg $0xC0  }
0xb1: {  	_ =	task [dreg:s8], $0x5FFFF  }
0xb2: {  	[dreg:$0x1] =	wrdreg $0xFFFFFFFF  }
0xb3: {  	[dreg:$0x0] =	wrdreg $0x60  }
0xb4: {  	[dreg:$0x2] =	wrdreg s24  }
0xb5: {  	[dreg:$0x3] =	wrdreg s16  }
0xb6: {  	[dreg:$0x4] =	wrdreg s17  }
0xb7: {  	[dreg:$0x5] =	wrdreg $0x9  }
0xb8: {  	_ =	task.clear_ibuf [dreg:s8], $0x6FFFF;
	_ =	strace $0x90000046  }
0xb9: {  	s29 =	simm.s32 $0x9;
	_ =	strace $0x80000048  }
0xba: {  	_ =	swait.ge [sflag:s29], $0x1  }
0xbb: {  	[sflag:s29] =	ssyncadd.s32 $0xFFFFFFFF  }
0xbc: {  	_ =	strace $0x90000048  }
0xbd: {  	_ =	sfence  }
0xbe: {  	s30 =	sld [smem:$0x0];
	_ =	sdelay $0x2  }
0xbf: {  	s31 =	sshll.u32 s1, $0xD;
	s1 =	sshrl.u32 s1, $0x2  }
0xc0: {  	s3 =	sand.u32 $0x4000, s31;
	s1 =	sadd.s32 s1, s30  }
0xc1: {  	s0 =	sor.u32 s3, s0;
	s1 =	sshll.u32 s1, $0x11  }
0xc2: {  	s0 =	sor.u32 s1, s0  }
0xc3: {  	s0 =	sadd.s32 $0x8F2B, s0  }
0xc4: {  	[sflag:s0] =	ssyncadd.remote.s32 $0x1  }
0xc5: {  	_ =	sfence.sel $0xFFFF  }
0xc6: {  	[dreg:$0x0] =	wrdreg $0xFFFFFFFF;
	(pc) =	sbr.abs _section_cstart, $3  }
0xc7: {  	[dreg:$0x1] =	wrdreg $0xFFFFFFFF  }
0xc8: {  	_ =	task.clear_ibuf [dreg:s8], $0x2FFFF;
	_ =	strace $0x9FFFFFFF  }
0xc9: {  	(tm) =	ssettm $0x7FFFFFFF  }
tec
execute0_lowered:
.L_overlay_start_1:
0x0: {  	(tag) =	ssettag $0x1  }
0x1: {  	s6 =	rddreg [dreg:$0x0]  }
0x2: {  	s1 =	rddreg [dreg:$0x1]  }
0x3: {  	s3 =	rddreg [dreg:$0x2]  }
0x4: {  	s0 =	rddreg [dreg:$0x3];
	s4 =	simm.s32 $0x0;
	s5 =	srdreg.scid  }
0x5: {  	s2 =	stileid.u32;
	s11 =	simm.s32 $0x3;
	s12 =	simm.s32 $0x80  }
0x6: {  	s13 =	simm.s32 $0x100;
	s14 =	simm.s32 $0x4100;
	s15 =	simm.s32 $0x1  }
0x7: {  	s16 =	simm.s32 $0x8100;
	s17 =	simm.s32 $0x8500;
	s18 =	simm.s32 $0xA700  }
0x8: {  	s19 =	simm.s32 $0x2;
	s20 =	simm.s32 $0x0;
	[smem:$0x7FF] =	sst s4  }
0x9: {  	s7 =	sand.u32 $0x1, s5;
	s31 =	sshll.u32 s2, $0x1;
	s5 =	sadd.s32 $0x1200, s6  }
0xa: {  	_ =	strace $0x80000047;
	s8 =	sor.u32 s7, s31;
	s7 =	ssub.s32 $0x2, s7  }
0xb: {  	s9 =	sshll.u32 s8, $0xA;
	s10 =	sshrl.u32 s7, $0x1;
	s8 =	sshll.u32 s8, $0x9  }
0xc: {  	s9 =	sadd.s32 s9, s6;
	s6 =	sadd.s32 $0x41200, s6;
	s10 =	ssub.s32 s7, s10  }
0xd: {  	s7 =	sadd.s32 $0x81200, s9;
	s9 =	sadd.s32 $0x81220, s9;
	s10 =	smax.u32 s10, $0x1  }
.LBB2_1:
0xe: {  	[tilespmem:s4], [sflag:$0x3] =	stream.linear.gather [hbm4b:s7+s4], $0x80, $0x38;
	[tilespmem:$0xA900] =	vst v63  }
0xf: {  	_ =	swait.ge [sflag:s11], $0x80  }
0x10: {  	[sflag:s11] =	ssyncset.done $0x0  }
0x11: {  	s21 =	simm.s32 $0x0;
	[sflag:s11] =	ssyncadd.s32 $0xFFFFFF80  }
0x12: {  	[tilespmem:s13], [sflag:$0x1] =	stream.indirect.gather [hbm4b:s5+s12], $0x80, s4, s12, $0xb8;
	[tilespmem:$0xA900] =	vst v63  }
.LBB2_2:
0x13: {  	s22 =	sshllo.u32 s21, $0x1  }
0x14: {  	s23 =	sshll.u32 s22, $0x4  }
0x15: {  	s24 =	sadd.s32 s23, s7;
	s23 =	simm.s32 $0x0  }
0x16: {  	[tilespmem:s12], [sflag:$0x3] =	stream.linear.gather [hbm4b:s24+s23], $0x80, $0x38;
	[tilespmem:$0xA900] =	vst v63  }
0x17: {  	_ =	swait.ge [sflag:s11], $0x80  }
0x18: {  	[sflag:s11] =	ssyncset.done $0x0  }
0x19: {  	s31 =	sshll.u32 s21, $0x4;
	[sflag:s11] =	ssyncadd.s32 $0xFFFFFF80  }
0x1a: {  	[tilespmem:s14], [sflag:$0x2] =	stream.indirect.gather [hbm4b:s5+s12], $0x80, s12, s12, $0xb8;
	[tilespmem:$0xA900] =	vst v63  }
0x1b: {  	s24 =	sadd.s32 s8, s31;
	_ =	swait.ge [sflag:s15], $0x4000  }
0x1c: {  	s25 =	sshll.u32 s24, $0x4;
	[sflag:s15] =	ssyncset.done $0x0  }
0x1d: {  	s25 =	sadd.s32 s6, s25;
	[sflag:s15] =	ssyncadd.s32 $0xFFFFC000  }
0x1e: {  	[tilespmem:s16], [sflag:$0x3] =	stream.linear.gather [hbm4b:s25+s23], $0x400, $0x38;
	[tilespmem:$0xA900] =	vst v63  }
0x1f: {  	_ =	swait.ge [sflag:s11], $0x400  }
0x20: {  	s26 =	simm.s32 $0x500;
	[sflag:s11] =	ssyncset.done $0x0  }
0x21: {  	s28 =	simm.s32 $0x8718;
	s25 =	simm.s32 $0xA718;
	[sflag:s11] =	ssyncadd.s32 $0xFFFFFC00  }
.LBB2_3:
0x22: {  	s29 =	sshra.s32 s23, $0x2;
	v1 =	vld [tilespmem:s26+$0xFFFFFC00]  }
0x23: {  	v0 =	vld [tilespmem:s29+$0x8100];
	_ =	sdelay $0x4  }
0x24: {  	v1 =	vsub.f32 v1, v0;
	_ =	sdelay $0x1  }
0x25: {  	[tilespmem:s28+$0xFFFFFDE8] =	vst v1  }
0x26: {  	v2 =	vld [tilespmem:s26+$0xFFFFFC10];
	_ =	sdelay $0x4  }
0x27: {  	[tilespmem:s28+$0xFFFFFDF8] =	vst v2  }
0x28: {  	v2 =	vld [tilespmem:s26+$0xFFFFFC20];
	_ =	sdelay $0x4  }
0x29: {  	[tilespmem:s28+$0xFFFFFE08] =	vst v2  }
0x2a: {  	v2 =	vld [tilespmem:s26+$0xFFFFFC30];
	_ =	sdelay $0x4  }
0x2b: {  	[tilespmem:s28+$0xFFFFFE18] =	vst v2  }
0x2c: {  	v2 =	vld [tilespmem:s26+$0xFFFFFC40];
	_ =	sdelay $0x4  }
0x2d: {  	[tilespmem:s28+$0xFFFFFE28] =	vst v2  }
0x2e: {  	[tilespmem:s25+$0xFFFFFFE8] =	vst v1  }
0x2f: {  	v1 =	vld [tilespmem:s26+$0xFFFFFC80];
	_ =	sdelay $0x4  }
0x30: {  	v1 =	vsub.f32 v1, v0;
	_ =	sdelay $0x1  }
0x31: {  	[tilespmem:s28+$0xFFFFFE2B] =	vst v1  }
0x32: {  	v2 =	vld [tilespmem:s26+$0xFFFFFC90];
	_ =	sdelay $0x4  }
0x33: {  	[tilespmem:s28+$0xFFFFFE3B] =	vst v2  }
0x34: {  	v2 =	vld [tilespmem:s26+$0xFFFFFCA0];
	_ =	sdelay $0x4  }
0x35: {  	[tilespmem:s28+$0xFFFFFE4B] =	vst v2  }
0x36: {  	v2 =	vld [tilespmem:s26+$0xFFFFFCB0];
	_ =	sdelay $0x4  }
0x37: {  	[tilespmem:s28+$0xFFFFFE5B] =	vst v2  }
0x38: {  	v2 =	vld [tilespmem:s26+$0xFFFFFCC0];
	_ =	sdelay $0x4  }
0x39: {  	[tilespmem:s28+$0xFFFFFE6B] =	vst v2  }
0x3a: {  	[tilespmem:s25+$0xFFFFFFEB] =	vst v1  }
0x3b: {  	v1 =	vld [tilespmem:s26+$0xFFFFFD00];
	_ =	sdelay $0x4  }
0x3c: {  	v1 =	vsub.f32 v1, v0;
	_ =	sdelay $0x1  }
0x3d: {  	[tilespmem:s28+$0xFFFFFE6E] =	vst v1  }
0x3e: {  	v2 =	vld [tilespmem:s26+$0xFFFFFD10];
	_ =	sdelay $0x4  }
0x3f: {  	[tilespmem:s28+$0xFFFFFE7E] =	vst v2  }
0x40: {  	v2 =	vld [tilespmem:s26+$0xFFFFFD20];
	_ =	sdelay $0x4  }
0x41: {  	[tilespmem:s28+$0xFFFFFE8E] =	vst v2  }
0x42: {  	v2 =	vld [tilespmem:s26+$0xFFFFFD30];
	_ =	sdelay $0x4  }
0x43: {  	[tilespmem:s28+$0xFFFFFE9E] =	vst v2  }
0x44: {  	v2 =	vld [tilespmem:s26+$0xFFFFFD40];
	_ =	sdelay $0x4  }
0x45: {  	[tilespmem:s28+$0xFFFFFEAE] =	vst v2  }
0x46: {  	[tilespmem:s25+$0xFFFFFFEE] =	vst v1  }
0x47: {  	v1 =	vld [tilespmem:s26+$0xFFFFFD80];
	_ =	sdelay $0x4  }
0x48: {  	v1 =	vsub.f32 v1, v0;
	_ =	sdelay $0x1  }
0x49: {  	[tilespmem:s28+$0xFFFFFEB1] =	vst v1  }
0x4a: {  	v2 =	vld [tilespmem:s26+$0xFFFFFD90];
	_ =	sdelay $0x4  }
0x4b: {  	[tilespmem:s28+$0xFFFFFEC1] =	vst v2  }
0x4c: {  	v2 =	vld [tilespmem:s26+$0xFFFFFDA0];
	_ =	sdelay $0x4  }
0x4d: {  	[tilespmem:s28+$0xFFFFFED1] =	vst v2  }
0x4e: {  	v2 =	vld [tilespmem:s26+$0xFFFFFDB0];
	_ =	sdelay $0x4  }
0x4f: {  	[tilespmem:s28+$0xFFFFFEE1] =	vst v2  }
0x50: {  	v2 =	vld [tilespmem:s26+$0xFFFFFDC0];
	_ =	sdelay $0x4  }
0x51: {  	[tilespmem:s28+$0xFFFFFEF1] =	vst v2  }
0x52: {  	[tilespmem:s25+$0xFFFFFFF1] =	vst v1  }
0x53: {  	v1 =	vld [tilespmem:s26+$0xFFFFFE00];
	_ =	sdelay $0x4  }
0x54: {  	v1 =	vsub.f32 v1, v0;
	_ =	sdelay $0x1  }
0x55: {  	[tilespmem:s28+$0xFFFFFEF4] =	vst v1  }
0x56: {  	v2 =	vld [tilespmem:s26+$0xFFFFFE10];
	_ =	sdelay $0x4  }
0x57: {  	[tilespmem:s28+$0xFFFFFF04] =	vst v2  }
0x58: {  	v2 =	vld [tilespmem:s26+$0xFFFFFE20];
	_ =	sdelay $0x4  }
0x59: {  	[tilespmem:s28+$0xFFFFFF14] =	vst v2  }
0x5a: {  	v2 =	vld [tilespmem:s26+$0xFFFFFE30];
	_ =	sdelay $0x4  }
0x5b: {  	[tilespmem:s28+$0xFFFFFF24] =	vst v2  }
0x5c: {  	v2 =	vld [tilespmem:s26+$0xFFFFFE40];
	_ =	sdelay $0x4  }
0x5d: {  	[tilespmem:s28+$0xFFFFFF34] =	vst v2  }
0x5e: {  	[tilespmem:s25+$0xFFFFFFF4] =	vst v1  }
0x5f: {  	v1 =	vld [tilespmem:s26+$0xFFFFFE80];
	_ =	sdelay $0x4  }
0x60: {  	v1 =	vsub.f32 v1, v0;
	_ =	sdelay $0x1  }
0x61: {  	[tilespmem:s28+$0xFFFFFF37] =	vst v1  }
0x62: {  	v2 =	vld [tilespmem:s26+$0xFFFFFE90];
	_ =	sdelay $0x4  }
0x63: {  	[tilespmem:s28+$0xFFFFFF47] =	vst v2  }
0x64: {  	v2 =	vld [tilespmem:s26+$0xFFFFFEA0];
	_ =	sdelay $0x4  }
0x65: {  	[tilespmem:s28+$0xFFFFFF57] =	vst v2  }
0x66: {  	v2 =	vld [tilespmem:s26+$0xFFFFFEB0];
	_ =	sdelay $0x4  }
0x67: {  	[tilespmem:s28+$0xFFFFFF67] =	vst v2  }
0x68: {  	v2 =	vld [tilespmem:s26+$0xFFFFFEC0];
	_ =	sdelay $0x4  }
0x69: {  	[tilespmem:s28+$0xFFFFFF77] =	vst v2  }
0x6a: {  	[tilespmem:s25+$0xFFFFFFF7] =	vst v1  }
0x6b: {  	v1 =	vld [tilespmem:s26+$0xFFFFFF00];
	_ =	sdelay $0x4  }
0x6c: {  	v1 =	vsub.f32 v1, v0;
	_ =	sdelay $0x1  }
0x6d: {  	[tilespmem:s28+$0xFFFFFF7A] =	vst v1  }
0x6e: {  	v2 =	vld [tilespmem:s26+$0xFFFFFF10];
	_ =	sdelay $0x4  }
0x6f: {  	[tilespmem:s28+$0xFFFFFF8A] =	vst v2  }
0x70: {  	v2 =	vld [tilespmem:s26+$0xFFFFFF20];
	_ =	sdelay $0x4  }
0x71: {  	[tilespmem:s28+$0xFFFFFF9A] =	vst v2  }
0x72: {  	v2 =	vld [tilespmem:s26+$0xFFFFFF30];
	_ =	sdelay $0x4  }
0x73: {  	[tilespmem:s28+$0xFFFFFFAA] =	vst v2  }
0x74: {  	v2 =	vld [tilespmem:s26+$0xFFFFFF40];
	_ =	sdelay $0x4  }
0x75: {  	[tilespmem:s28+$0xFFFFFFBA] =	vst v2  }
0x76: {  	[tilespmem:s25+$0xFFFFFFFA] =	vst v1  }
0x77: {  	v1 =	vld [tilespmem:s26+$0xFFFFFF80];
	_ =	sdelay $0x4  }
0x78: {  	v1 =	vsub.f32 v1, v0;
	_ =	sdelay $0x1  }
0x79: {  	[tilespmem:s28+$0xFFFFFFBD] =	vst v1  }
0x7a: {  	v2 =	vld [tilespmem:s26+$0xFFFFFF90];
	_ =	sdelay $0x4  }
0x7b: {  	[tilespmem:s28+$0xFFFFFFCD] =	vst v2  }
0x7c: {  	v2 =	vld [tilespmem:s26+$0xFFFFFFA0];
	_ =	sdelay $0x4  }
0x7d: {  	[tilespmem:s28+$0xFFFFFFDD] =	vst v2  }
0x7e: {  	v2 =	vld [tilespmem:s26+$0xFFFFFFB0];
	_ =	sdelay $0x4  }
0x7f: {  	[tilespmem:s28+$0xFFFFFFED] =	vst v2  }
0x80: {  	v2 =	vld [tilespmem:s26+$0xFFFFFFC0];
	_ =	sdelay $0x4  }
0x81: {  	[tilespmem:s28+$0xFFFFFFFD] =	vst v2  }
0x82: {  	[tilespmem:s25+$0xFFFFFFFD] =	vst v1  }
0x83: {  	v1 =	vld [tilespmem:s26+$0x0];
	_ =	sdelay $0x4  }
0x84: {  	v1 =	vsub.f32 v1, v0;
	_ =	sdelay $0x1  }
0x85: {  	[tilespmem:s28+$0x0] =	vst v1  }
0x86: {  	v2 =	vld [tilespmem:s26+$0x10];
	_ =	sdelay $0x4  }
0x87: {  	[tilespmem:s28+$0x10] =	vst v2  }
0x88: {  	v2 =	vld [tilespmem:s26+$0x20];
	_ =	sdelay $0x4  }
0x89: {  	[tilespmem:s28+$0x20] =	vst v2  }
0x8a: {  	v2 =	vld [tilespmem:s26+$0x30];
	_ =	sdelay $0x4  }
0x8b: {  	[tilespmem:s28+$0x30] =	vst v2  }
0x8c: {  	v2 =	vld [tilespmem:s26+$0x40];
	_ =	sdelay $0x4  }
0x8d: {  	[tilespmem:s28+$0x40] =	vst v2  }
0x8e: {  	[tilespmem:s25+$0x0] =	vst v1  }
0x8f: {  	v1 =	vld [tilespmem:s26+$0x80];
	_ =	sdelay $0x4  }
0x90: {  	v1 =	vsub.f32 v1, v0;
	_ =	sdelay $0x1  }
0x91: {  	[tilespmem:s28+$0x43] =	vst v1  }
0x92: {  	v2 =	vld [tilespmem:s26+$0x90];
	_ =	sdelay $0x4  }
0x93: {  	[tilespmem:s28+$0x53] =	vst v2  }
0x94: {  	v2 =	vld [tilespmem:s26+$0xA0];
	_ =	sdelay $0x4  }
0x95: {  	[tilespmem:s28+$0x63] =	vst v2  }
0x96: {  	v2 =	vld [tilespmem:s26+$0xB0];
	_ =	sdelay $0x4  }
0x97: {  	[tilespmem:s28+$0x73] =	vst v2  }
0x98: {  	v2 =	vld [tilespmem:s26+$0xC0];
	_ =	sdelay $0x4  }
0x99: {  	[tilespmem:s28+$0x83] =	vst v2  }
0x9a: {  	[tilespmem:s25+$0x3] =	vst v1  }
0x9b: {  	v1 =	vld [tilespmem:s26+$0x100];
	_ =	sdelay $0x4  }
0x9c: {  	v1 =	vsub.f32 v1, v0;
	_ =	sdelay $0x1  }
0x9d: {  	[tilespmem:s28+$0x86] =	vst v1  }
0x9e: {  	v2 =	vld [tilespmem:s26+$0x110];
	_ =	sdelay $0x4  }
0x9f: {  	[tilespmem:s28+$0x96] =	vst v2  }
0xa0: {  	v2 =	vld [tilespmem:s26+$0x120];
	_ =	sdelay $0x4  }
0xa1: {  	[tilespmem:s28+$0xA6] =	vst v2  }
0xa2: {  	v2 =	vld [tilespmem:s26+$0x130];
	_ =	sdelay $0x4  }
0xa3: {  	[tilespmem:s28+$0xB6] =	vst v2  }
0xa4: {  	v2 =	vld [tilespmem:s26+$0x140];
	_ =	sdelay $0x4  }
0xa5: {  	[tilespmem:s28+$0xC6] =	vst v2  }
0xa6: {  	[tilespmem:s25+$0x6] =	vst v1  }
0xa7: {  	v1 =	vld [tilespmem:s26+$0x180];
	_ =	sdelay $0x4  }
0xa8: {  	v1 =	vsub.f32 v1, v0;
	_ =	sdelay $0x1  }
0xa9: {  	[tilespmem:s28+$0xC9] =	vst v1  }
0xaa: {  	v2 =	vld [tilespmem:s26+$0x190];
	_ =	sdelay $0x4  }
0xab: {  	[tilespmem:s28+$0xD9] =	vst v2  }
0xac: {  	v2 =	vld [tilespmem:s26+$0x1A0];
	_ =	sdelay $0x4  }
0xad: {  	[tilespmem:s28+$0xE9] =	vst v2  }
0xae: {  	v2 =	vld [tilespmem:s26+$0x1B0];
	_ =	sdelay $0x4  }
0xaf: {  	[tilespmem:s28+$0xF9] =	vst v2  }
0xb0: {  	v2 =	vld [tilespmem:s26+$0x1C0];
	_ =	sdelay $0x4  }
0xb1: {  	[tilespmem:s28+$0x109] =	vst v2  }
0xb2: {  	[tilespmem:s25+$0x9] =	vst v1  }
0xb3: {  	v1 =	vld [tilespmem:s26+$0x200];
	_ =	sdelay $0x4  }
0xb4: {  	v1 =	vsub.f32 v1, v0;
	_ =	sdelay $0x1  }
0xb5: {  	[tilespmem:s28+$0x10C] =	vst v1  }
0xb6: {  	v2 =	vld [tilespmem:s26+$0x210];
	_ =	sdelay $0x4  }
0xb7: {  	[tilespmem:s28+$0x11C] =	vst v2  }
0xb8: {  	v2 =	vld [tilespmem:s26+$0x220];
	_ =	sdelay $0x4  }
0xb9: {  	[tilespmem:s28+$0x12C] =	vst v2  }
0xba: {  	v2 =	vld [tilespmem:s26+$0x230];
	_ =	sdelay $0x4  }
0xbb: {  	[tilespmem:s28+$0x13C] =	vst v2  }
0xbc: {  	v2 =	vld [tilespmem:s26+$0x240];
	_ =	sdelay $0x4  }
0xbd: {  	[tilespmem:s28+$0x14C] =	vst v2  }
0xbe: {  	[tilespmem:s25+$0xC] =	vst v1  }
0xbf: {  	v1 =	vld [tilespmem:s26+$0x280];
	_ =	sdelay $0x4  }
0xc0: {  	v1 =	vsub.f32 v1, v0;
	_ =	sdelay $0x1  }
0xc1: {  	[tilespmem:s28+$0x14F] =	vst v1  }
0xc2: {  	v2 =	vld [tilespmem:s26+$0x290];
	_ =	sdelay $0x4  }
0xc3: {  	[tilespmem:s28+$0x15F] =	vst v2  }
0xc4: {  	v2 =	vld [tilespmem:s26+$0x2A0];
	_ =	sdelay $0x4  }
0xc5: {  	[tilespmem:s28+$0x16F] =	vst v2  }
0xc6: {  	v2 =	vld [tilespmem:s26+$0x2B0];
	_ =	sdelay $0x4  }
0xc7: {  	[tilespmem:s28+$0x17F] =	vst v2  }
0xc8: {  	v2 =	vld [tilespmem:s26+$0x2C0];
	_ =	sdelay $0x4  }
0xc9: {  	[tilespmem:s28+$0x18F] =	vst v2  }
0xca: {  	[tilespmem:s25+$0xF] =	vst v1  }
0xcb: {  	v1 =	vld [tilespmem:s26+$0x300];
	_ =	sdelay $0x4  }
0xcc: {  	v1 =	vsub.f32 v1, v0;
	_ =	sdelay $0x1  }
0xcd: {  	[tilespmem:s28+$0x192] =	vst v1  }
0xce: {  	v2 =	vld [tilespmem:s26+$0x310];
	_ =	sdelay $0x4  }
0xcf: {  	[tilespmem:s28+$0x1A2] =	vst v2  }
0xd0: {  	v2 =	vld [tilespmem:s26+$0x320];
	_ =	sdelay $0x4  }
0xd1: {  	[tilespmem:s28+$0x1B2] =	vst v2  }
0xd2: {  	v2 =	vld [tilespmem:s26+$0x330];
	_ =	sdelay $0x4  }
0xd3: {  	[tilespmem:s28+$0x1C2] =	vst v2  }
0xd4: {  	v2 =	vld [tilespmem:s26+$0x340];
	_ =	sdelay $0x4  }
0xd5: {  	[tilespmem:s28+$0x1D2] =	vst v2  }
0xd6: {  	[tilespmem:s25+$0x12] =	vst v1  }
0xd7: {  	v1 =	vld [tilespmem:s26+$0x380];
	_ =	sdelay $0x4  }
0xd8: {  	v0 =	vsub.f32 v1, v0;
	_ =	sdelay $0x1  }
0xd9: {  	[tilespmem:s28+$0x1D5] =	vst v0  }
0xda: {  	v63 =	vld [tilespmem:s26+$0x390];
	_ =	sdelay $0x4  }
0xdb: {  	[tilespmem:s28+$0x1E5] =	vst v63  }
0xdc: {  	v1 =	vld [tilespmem:s26+$0x3A0];
	_ =	sdelay $0x4  }
0xdd: {  	[tilespmem:s28+$0x1F5] =	vst v1  }
0xde: {  	v1 =	vld [tilespmem:s26+$0x3B0];
	_ =	sdelay $0x4  }
0xdf: {  	[tilespmem:s28+$0x205] =	vst v1  }
0xe0: {  	v1 =	vld [tilespmem:s26+$0x3C0]  }
0xe1: {  	p0 =	sne.s32 s23, $0xE00  }
.Ltmp0:
0xe2: {  	_ = 	snop;
	(pc) =	sbr.rel @p0 .LBB2_3-.Ltmp0, $3  }
0xe3: {  	_ =	sdelay $0x1  }
0xe4: {  	s23 =	sadd.s32 $0x200, s23;
	[tilespmem:s28+$0x215] =	vst v1  }
0xe5: {  	s26 =	sadd.s32 $0x800, s26;
	s28 =	sadd.s32 $0x430, s28;
	[tilespmem:s25+$0x15] =	vst v0;
	s25 =	sadd.s32 $0x30, s25  }
0xe6: {  	s23 =	smul.u32 $0x86, s24;
	_ =	sdelay $0x1  }
0xe7: {  	s23 =	sadd.s32 s1, s23  }
0xe8: {  	[hbm4b:s23+s4] =	stream.linear.scatter [tilespmem:s17], [sflag:$0x3], $0x2180, $0x38;
	[tilespmem:$0xA900] =	vst v63  }
0xe9: {  	s29 =	smul.u32 $0x6, s24;
	_ =	swait.ge [sflag:s11], $0x2180  }
0xea: {  	[sflag:s11] =	ssyncset.done $0x0  }
0xeb: {  	s23 =	sadd.s32 s3, s29;
	[sflag:s11] =	ssyncadd.s32 $0xFFFFDE80  }
0xec: {  	[hbm4b:s23+s4] =	stream.linear.scatter [tilespmem:s18], [sflag:$0x3], $0x180, $0x38;
	[tilespmem:$0xA900] =	vst v63  }
0xed: {  	p0 =	seq.s32 s21, $0x1F;
	_ =	swait.ge [sflag:s11], $0x180  }
0xee: {  	s23 =	sshll.u32 @!p0 s21, $0x5;
	[sflag:s11] =	ssyncset.done $0x0  }
0xef: {  	s24 =	simm.s32 @!p0 $0x0;
	s23 =	sadd.s32 @!p0 s23, s9;
	[sflag:s11] =	ssyncadd.s32 $0xFFFFFE80  }
0xf0: {  	[tilespmem:s24], [sflag:$0x3] =	stream.linear.gather @!p0 [hbm4b:s23+s24], $0x80, $0x38;
	[tilespmem:$0xA900] =	vst v63  }
0xf1: {  	s23 =	simm.s32 @!p0 $0x3  }
0xf2: {  	_ =	swait.ge @!p0 [sflag:s23], $0x80  }
0xf3: {  	s22 =	sshll.u32 s22, $0x3;
	s25 =	simm.s32 @!p0 $0x100;
	[sflag:s23] =	ssyncset.done @!p0 $0x0  }
0xf4: {  	s22 =	sadd.s32 s8, s22;
	[sflag:s23] =	ssyncadd.s32 @!p0 $0xFFFFFF80;
	s23 =	simm.s32 @!p0 $0x80  }
0xf5: {  	[tilespmem:s25], [sflag:$0x1] =	stream.indirect.gather @!p0 [hbm4b:s5+s23], $0x80, s24, s23, $0xb8;
	[tilespmem:$0xA900] =	vst v63  }
0xf6: {  	s30 =	sshll.u32 s22, $0x4;
	_ =	swait.ge [sflag:s19], $0x4000  }
0xf7: {  	s31 =	sadd.s32 s6, s30;
	[sflag:s19] =	ssyncset.done $0x0  }
0xf8: {  	s23 =	simm.s32 $0x0;
	s24 =	simm.s32 $0x8100;
	[sflag:s19] =	ssyncadd.s32 $0xFFFFC000  }
0xf9: {  	[tilespmem:s24], [sflag:$0x3] =	stream.linear.gather [hbm4b:s31+s23], $0x400, $0x38;
	[tilespmem:$0xA900] =	vst v63  }
0xfa: {  	_ =	swait.ge [sflag:s11], $0x400  }
0xfb: {  	[sflag:s11] =	ssyncset.done $0x0  }
0xfc: {  	s26 =	simm.s32 $0x8718;
	s25 =	simm.s32 $0xA718;
	[sflag:s11] =	ssyncadd.s32 $0xFFFFFC00  }
.LBB2_5:
0xfd: {  	v0 =	vld [tilespmem:s24+$0x0];
	s28 =	sshra.s32 s23, $0x2  }
0xfe: {  	v1 =	vld [tilespmem:s28+$0x4100];
	_ =	sdelay $0x4  }
0xff: {  	v1 =	vsub.f32 v1, v0;
	_ =	sdelay $0x1  }
0x100: {  	[tilespmem:s26+$0xFFFFFDE8] =	vst v1  }
0x101: {  	v2 =	vld [tilespmem:s28+$0x4110];
	_ =	sdelay $0x4  }
0x102: {  	[tilespmem:s26+$0xFFFFFDF8] =	vst v2  }
0x103: {  	v2 =	vld [tilespmem:s28+$0x4120];
	_ =	sdelay $0x4  }
0x104: {  	[tilespmem:s26+$0xFFFFFE08] =	vst v2  }
0x105: {  	v2 =	vld [tilespmem:s28+$0x4130];
	_ =	sdelay $0x4  }
0x106: {  	[tilespmem:s26+$0xFFFFFE18] =	vst v2  }
0x107: {  	v2 =	vld [tilespmem:s28+$0x4140];
	_ =	sdelay $0x4  }
0x108: {  	[tilespmem:s26+$0xFFFFFE28] =	vst v2  }
0x109: {  	[tilespmem:s25+$0xFFFFFFE8] =	vst v1  }
0x10a: {  	v1 =	vld [tilespmem:s28+$0x4180];
	_ =	sdelay $0x4  }
0x10b: {  	v1 =	vsub.f32 v1, v0;
	_ =	sdelay $0x1  }
0x10c: {  	[tilespmem:s26+$0xFFFFFE2B] =	vst v1  }
0x10d: {  	v2 =	vld [tilespmem:s28+$0x4190];
	_ =	sdelay $0x4  }
0x10e: {  	[tilespmem:s26+$0xFFFFFE3B] =	vst v2  }
0x10f: {  	v2 =	vld [tilespmem:s28+$0x41A0];
	_ =	sdelay $0x4  }
0x110: {  	[tilespmem:s26+$0xFFFFFE4B] =	vst v2  }
0x111: {  	v2 =	vld [tilespmem:s28+$0x41B0];
	_ =	sdelay $0x4  }
0x112: {  	[tilespmem:s26+$0xFFFFFE5B] =	vst v2  }
0x113: {  	v2 =	vld [tilespmem:s28+$0x41C0];
	_ =	sdelay $0x4  }
0x114: {  	[tilespmem:s26+$0xFFFFFE6B] =	vst v2  }
0x115: {  	[tilespmem:s25+$0xFFFFFFEB] =	vst v1  }
0x116: {  	v1 =	vld [tilespmem:s28+$0x4200];
	_ =	sdelay $0x4  }
0x117: {  	v1 =	vsub.f32 v1, v0;
	_ =	sdelay $0x1  }
0x118: {  	[tilespmem:s26+$0xFFFFFE6E] =	vst v1  }
0x119: {  	v2 =	vld [tilespmem:s28+$0x4210];
	_ =	sdelay $0x4  }
0x11a: {  	[tilespmem:s26+$0xFFFFFE7E] =	vst v2  }
0x11b: {  	v2 =	vld [tilespmem:s28+$0x4220];
	_ =	sdelay $0x4  }
0x11c: {  	[tilespmem:s26+$0xFFFFFE8E] =	vst v2  }
0x11d: {  	v2 =	vld [tilespmem:s28+$0x4230];
	_ =	sdelay $0x4  }
0x11e: {  	[tilespmem:s26+$0xFFFFFE9E] =	vst v2  }
0x11f: {  	v2 =	vld [tilespmem:s28+$0x4240];
	_ =	sdelay $0x4  }
0x120: {  	[tilespmem:s26+$0xFFFFFEAE] =	vst v2  }
0x121: {  	[tilespmem:s25+$0xFFFFFFEE] =	vst v1  }
0x122: {  	v1 =	vld [tilespmem:s28+$0x4280];
	_ =	sdelay $0x4  }
0x123: {  	v1 =	vsub.f32 v1, v0;
	_ =	sdelay $0x1  }
0x124: {  	[tilespmem:s26+$0xFFFFFEB1] =	vst v1  }
0x125: {  	v2 =	vld [tilespmem:s28+$0x4290];
	_ =	sdelay $0x4  }
0x126: {  	[tilespmem:s26+$0xFFFFFEC1] =	vst v2  }
0x127: {  	v2 =	vld [tilespmem:s28+$0x42A0];
	_ =	sdelay $0x4  }
0x128: {  	[tilespmem:s26+$0xFFFFFED1] =	vst v2  }
0x129: {  	v2 =	vld [tilespmem:s28+$0x42B0];
	_ =	sdelay $0x4  }
0x12a: {  	[tilespmem:s26+$0xFFFFFEE1] =	vst v2  }
0x12b: {  	v2 =	vld [tilespmem:s28+$0x42C0];
	_ =	sdelay $0x4  }
0x12c: {  	[tilespmem:s26+$0xFFFFFEF1] =	vst v2  }
0x12d: {  	[tilespmem:s25+$0xFFFFFFF1] =	vst v1  }
0x12e: {  	v1 =	vld [tilespmem:s28+$0x4300];
	_ =	sdelay $0x4  }
0x12f: {  	v1 =	vsub.f32 v1, v0;
	_ =	sdelay $0x1  }
0x130: {  	[tilespmem:s26+$0xFFFFFEF4] =	vst v1  }
0x131: {  	v2 =	vld [tilespmem:s28+$0x4310];
	_ =	sdelay $0x4  }
0x132: {  	[tilespmem:s26+$0xFFFFFF04] =	vst v2  }
0x133: {  	v2 =	vld [tilespmem:s28+$0x4320];
	_ =	sdelay $0x4  }
0x134: {  	[tilespmem:s26+$0xFFFFFF14] =	vst v2  }
0x135: {  	v2 =	vld [tilespmem:s28+$0x4330];
	_ =	sdelay $0x4  }
0x136: {  	[tilespmem:s26+$0xFFFFFF24] =	vst v2  }
0x137: {  	v2 =	vld [tilespmem:s28+$0x4340];
	_ =	sdelay $0x4  }
0x138: {  	[tilespmem:s26+$0xFFFFFF34] =	vst v2  }
0x139: {  	[tilespmem:s25+$0xFFFFFFF4] =	vst v1  }
0x13a: {  	v1 =	vld [tilespmem:s28+$0x4380];
	_ =	sdelay $0x4  }
0x13b: {  	v1 =	vsub.f32 v1, v0;
	_ =	sdelay $0x1  }
0x13c: {  	[tilespmem:s26+$0xFFFFFF37] =	vst v1  }
0x13d: {  	v2 =	vld [tilespmem:s28+$0x4390];
	_ =	sdelay $0x4  }
0x13e: {  	[tilespmem:s26+$0xFFFFFF47] =	vst v2  }
0x13f: {  	v2 =	vld [tilespmem:s28+$0x43A0];
	_ =	sdelay $0x4  }
0x140: {  	[tilespmem:s26+$0xFFFFFF57] =	vst v2  }
0x141: {  	v2 =	vld [tilespmem:s28+$0x43B0];
	_ =	sdelay $0x4  }
0x142: {  	[tilespmem:s26+$0xFFFFFF67] =	vst v2  }
0x143: {  	v2 =	vld [tilespmem:s28+$0x43C0];
	_ =	sdelay $0x4  }
0x144: {  	[tilespmem:s26+$0xFFFFFF77] =	vst v2  }
0x145: {  	[tilespmem:s25+$0xFFFFFFF7] =	vst v1  }
0x146: {  	v1 =	vld [tilespmem:s28+$0x4400];
	_ =	sdelay $0x4  }
0x147: {  	v1 =	vsub.f32 v1, v0;
	_ =	sdelay $0x1  }
0x148: {  	[tilespmem:s26+$0xFFFFFF7A] =	vst v1  }
0x149: {  	v2 =	vld [tilespmem:s28+$0x4410];
	_ =	sdelay $0x4  }
0x14a: {  	[tilespmem:s26+$0xFFFFFF8A] =	vst v2  }
0x14b: {  	v2 =	vld [tilespmem:s28+$0x4420];
	_ =	sdelay $0x4  }
0x14c: {  	[tilespmem:s26+$0xFFFFFF9A] =	vst v2  }
0x14d: {  	v2 =	vld [tilespmem:s28+$0x4430];
	_ =	sdelay $0x4  }
0x14e: {  	[tilespmem:s26+$0xFFFFFFAA] =	vst v2  }
0x14f: {  	v2 =	vld [tilespmem:s28+$0x4440];
	_ =	sdelay $0x4  }
0x150: {  	[tilespmem:s26+$0xFFFFFFBA] =	vst v2  }
0x151: {  	[tilespmem:s25+$0xFFFFFFFA] =	vst v1  }
0x152: {  	v1 =	vld [tilespmem:s28+$0x4480];
	_ =	sdelay $0x4  }
0x153: {  	v1 =	vsub.f32 v1, v0;
	_ =	sdelay $0x1  }
0x154: {  	[tilespmem:s26+$0xFFFFFFBD] =	vst v1  }
0x155: {  	v2 =	vld [tilespmem:s28+$0x4490];
	_ =	sdelay $0x4  }
0x156: {  	[tilespmem:s26+$0xFFFFFFCD] =	vst v2  }
0x157: {  	v2 =	vld [tilespmem:s28+$0x44A0];
	_ =	sdelay $0x4  }
0x158: {  	[tilespmem:s26+$0xFFFFFFDD] =	vst v2  }
0x159: {  	v2 =	vld [tilespmem:s28+$0x44B0];
	_ =	sdelay $0x4  }
0x15a: {  	[tilespmem:s26+$0xFFFFFFED] =	vst v2  }
0x15b: {  	v2 =	vld [tilespmem:s28+$0x44C0];
	_ =	sdelay $0x4  }
0x15c: {  	[tilespmem:s26+$0xFFFFFFFD] =	vst v2  }
0x15d: {  	[tilespmem:s25+$0xFFFFFFFD] =	vst v1  }
0x15e: {  	v1 =	vld [tilespmem:s28+$0x4500];
	_ =	sdelay $0x4  }
0x15f: {  	v1 =	vsub.f32 v1, v0;
	_ =	sdelay $0x1  }
0x160: {  	[tilespmem:s26+$0x0] =	vst v1  }
0x161: {  	v2 =	vld [tilespmem:s28+$0x4510];
	_ =	sdelay $0x4  }
0x162: {  	[tilespmem:s26+$0x10] =	vst v2  }
0x163: {  	v2 =	vld [tilespmem:s28+$0x4520];
	_ =	sdelay $0x4  }
0x164: {  	[tilespmem:s26+$0x20] =	vst v2  }
0x165: {  	v2 =	vld [tilespmem:s28+$0x4530];
	_ =	sdelay $0x4  }
0x166: {  	[tilespmem:s26+$0x30] =	vst v2  }
0x167: {  	v2 =	vld [tilespmem:s28+$0x4540];
	_ =	sdelay $0x4  }
0x168: {  	[tilespmem:s26+$0x40] =	vst v2  }
0x169: {  	[tilespmem:s25+$0x0] =	vst v1  }
0x16a: {  	v1 =	vld [tilespmem:s28+$0x4580];
	_ =	sdelay $0x4  }
0x16b: {  	v1 =	vsub.f32 v1, v0;
	_ =	sdelay $0x1  }
0x16c: {  	[tilespmem:s26+$0x43] =	vst v1  }
0x16d: {  	v2 =	vld [tilespmem:s28+$0x4590];
	_ =	sdelay $0x4  }
0x16e: {  	[tilespmem:s26+$0x53] =	vst v2  }
0x16f: {  	v2 =	vld [tilespmem:s28+$0x45A0];
	_ =	sdelay $0x4  }
0x170: {  	[tilespmem:s26+$0x63] =	vst v2  }
0x171: {  	v2 =	vld [tilespmem:s28+$0x45B0];
	_ =	sdelay $0x4  }
0x172: {  	[tilespmem:s26+$0x73] =	vst v2  }
0x173: {  	v2 =	vld [tilespmem:s28+$0x45C0];
	_ =	sdelay $0x4  }
0x174: {  	[tilespmem:s26+$0x83] =	vst v2  }
0x175: {  	[tilespmem:s25+$0x3] =	vst v1  }
0x176: {  	v1 =	vld [tilespmem:s28+$0x4600];
	_ =	sdelay $0x4  }
0x177: {  	v1 =	vsub.f32 v1, v0;
	_ =	sdelay $0x1  }
0x178: {  	[tilespmem:s26+$0x86] =	vst v1  }
0x179: {  	v2 =	vld [tilespmem:s28+$0x4610];
	_ =	sdelay $0x4  }
0x17a: {  	[tilespmem:s26+$0x96] =	vst v2  }
0x17b: {  	v2 =	vld [tilespmem:s28+$0x4620];
	_ =	sdelay $0x4  }
0x17c: {  	[tilespmem:s26+$0xA6] =	vst v2  }
0x17d: {  	v2 =	vld [tilespmem:s28+$0x4630];
	_ =	sdelay $0x4  }
0x17e: {  	[tilespmem:s26+$0xB6] =	vst v2  }
0x17f: {  	v2 =	vld [tilespmem:s28+$0x4640];
	_ =	sdelay $0x4  }
0x180: {  	[tilespmem:s26+$0xC6] =	vst v2  }
0x181: {  	[tilespmem:s25+$0x6] =	vst v1  }
0x182: {  	v1 =	vld [tilespmem:s28+$0x4680];
	_ =	sdelay $0x4  }
0x183: {  	v1 =	vsub.f32 v1, v0;
	_ =	sdelay $0x1  }
0x184: {  	[tilespmem:s26+$0xC9] =	vst v1  }
0x185: {  	v2 =	vld [tilespmem:s28+$0x4690];
	_ =	sdelay $0x4  }
0x186: {  	[tilespmem:s26+$0xD9] =	vst v2  }
0x187: {  	v2 =	vld [tilespmem:s28+$0x46A0];
	_ =	sdelay $0x4  }
0x188: {  	[tilespmem:s26+$0xE9] =	vst v2  }
0x189: {  	v2 =	vld [tilespmem:s28+$0x46B0];
	_ =	sdelay $0x4  }
0x18a: {  	[tilespmem:s26+$0xF9] =	vst v2  }
0x18b: {  	v2 =	vld [tilespmem:s28+$0x46C0];
	_ =	sdelay $0x4  }
0x18c: {  	[tilespmem:s26+$0x109] =	vst v2  }
0x18d: {  	[tilespmem:s25+$0x9] =	vst v1  }
0x18e: {  	v1 =	vld [tilespmem:s28+$0x4700];
	_ =	sdelay $0x4  }
0x18f: {  	v1 =	vsub.f32 v1, v0;
	_ =	sdelay $0x1  }
0x190: {  	[tilespmem:s26+$0x10C] =	vst v1  }
0x191: {  	v2 =	vld [tilespmem:s28+$0x4710];
	_ =	sdelay $0x4  }
0x192: {  	[tilespmem:s26+$0x11C] =	vst v2  }
0x193: {  	v2 =	vld [tilespmem:s28+$0x4720];
	_ =	sdelay $0x4  }
0x194: {  	[tilespmem:s26+$0x12C] =	vst v2  }
0x195: {  	v2 =	vld [tilespmem:s28+$0x4730];
	_ =	sdelay $0x4  }
0x196: {  	[tilespmem:s26+$0x13C] =	vst v2  }
0x197: {  	v2 =	vld [tilespmem:s28+$0x4740];
	_ =	sdelay $0x4  }
0x198: {  	[tilespmem:s26+$0x14C] =	vst v2  }
0x199: {  	[tilespmem:s25+$0xC] =	vst v1  }
0x19a: {  	v1 =	vld [tilespmem:s28+$0x4780];
	_ =	sdelay $0x4  }
0x19b: {  	v1 =	vsub.f32 v1, v0;
	_ =	sdelay $0x1  }
0x19c: {  	[tilespmem:s26+$0x14F] =	vst v1  }
0x19d: {  	v2 =	vld [tilespmem:s28+$0x4790];
	_ =	sdelay $0x4  }
0x19e: {  	[tilespmem:s26+$0x15F] =	vst v2  }
0x19f: {  	v2 =	vld [tilespmem:s28+$0x47A0];
	_ =	sdelay $0x4  }
0x1a0: {  	[tilespmem:s26+$0x16F] =	vst v2  }
0x1a1: {  	v2 =	vld [tilespmem:s28+$0x47B0];
	_ =	sdelay $0x4  }
0x1a2: {  	[tilespmem:s26+$0x17F] =	vst v2  }
0x1a3: {  	v2 =	vld [tilespmem:s28+$0x47C0];
	_ =	sdelay $0x4  }
0x1a4: {  	[tilespmem:s26+$0x18F] =	vst v2  }
0x1a5: {  	[tilespmem:s25+$0xF] =	vst v1  }
0x1a6: {  	v1 =	vld [tilespmem:s28+$0x4800];
	_ =	sdelay $0x4  }
0x1a7: {  	v1 =	vsub.f32 v1, v0;
	_ =	sdelay $0x1  }
0x1a8: {  	[tilespmem:s26+$0x192] =	vst v1  }
0x1a9: {  	v2 =	vld [tilespmem:s28+$0x4810];
	_ =	sdelay $0x4  }
0x1aa: {  	[tilespmem:s26+$0x1A2] =	vst v2  }
0x1ab: {  	v2 =	vld [tilespmem:s28+$0x4820];
	_ =	sdelay $0x4  }
0x1ac: {  	[tilespmem:s26+$0x1B2] =	vst v2  }
0x1ad: {  	v2 =	vld [tilespmem:s28+$0x4830];
	_ =	sdelay $0x4  }
0x1ae: {  	[tilespmem:s26+$0x1C2] =	vst v2  }
0x1af: {  	v2 =	vld [tilespmem:s28+$0x4840];
	_ =	sdelay $0x4  }
0x1b0: {  	[tilespmem:s26+$0x1D2] =	vst v2  }
0x1b1: {  	[tilespmem:s25+$0x12] =	vst v1  }
0x1b2: {  	v1 =	vld [tilespmem:s28+$0x4880];
	_ =	sdelay $0x4  }
0x1b3: {  	v0 =	vsub.f32 v1, v0;
	_ =	sdelay $0x1  }
0x1b4: {  	[tilespmem:s26+$0x1D5] =	vst v0  }
0x1b5: {  	v63 =	vld [tilespmem:s28+$0x4890];
	_ =	sdelay $0x4  }
0x1b6: {  	[tilespmem:s26+$0x1E5] =	vst v63  }
0x1b7: {  	v1 =	vld [tilespmem:s28+$0x48A0];
	_ =	sdelay $0x4  }
0x1b8: {  	[tilespmem:s26+$0x1F5] =	vst v1  }
0x1b9: {  	v1 =	vld [tilespmem:s28+$0x48B0];
	_ =	sdelay $0x4  }
0x1ba: {  	[tilespmem:s26+$0x205] =	vst v1  }
0x1bb: {  	v1 =	vld [tilespmem:s28+$0x48C0]  }
0x1bc: {  	p0 =	sne.s32 s23, $0xE000  }
.Ltmp1:
0x1bd: {  	_ = 	snop;
	(pc) =	sbr.rel @p0 .LBB2_5-.Ltmp1, $3  }
0x1be: {  	_ =	sdelay $0x1  }
0x1bf: {  	s24 =	sadd.s32 $0x80, s24;
	[tilespmem:s26+$0x215] =	vst v1  }
0x1c0: {  	s23 =	sadd.s32 $0x2000, s23;
	s26 =	sadd.s32 $0x430, s26;
	[tilespmem:s25+$0x15] =	vst v0;
	s25 =	sadd.s32 $0x30, s25  }
0x1c1: {  	s23 =	smul.u32 $0x86, s22;
	_ =	sdelay $0x1  }
0x1c2: {  	s23 =	sadd.s32 s1, s23  }
0x1c3: {  	[hbm4b:s23+s4] =	stream.linear.scatter [tilespmem:s17], [sflag:$0x3], $0x2180, $0x38;
	[tilespmem:$0xA900] =	vst v63  }
0x1c4: {  	s31 =	smul.u32 $0x6, s22;
	s21 =	sadd.s32 $0x1, s21;
	_ =	swait.ge [sflag:s11], $0x2180  }
0x1c5: {  	p0 =	sne.s32 s21, $0x20;
	[sflag:s11] =	ssyncset.done $0x0  }
.Ltmp2:
0x1c6: {  	s22 =	sadd.s32 s3, s31;
	[sflag:s11] =	ssyncadd.s32 $0xFFFFDE80;
	(pc) =	sbr.rel @p0 .LBB2_2-.Ltmp2, $4  }
0x1c7: {  	[hbm4b:s22+s4] =	stream.linear.scatter [tilespmem:s18], [sflag:$0x3], $0x180, $0x38;
	[tilespmem:$0xA900] =	vst v63  }
0x1c8: {  	_ =	swait.ge [sflag:s11], $0x180  }
0x1c9: {  	[sflag:s11] =	ssyncset.done $0x0  }
0x1ca: {  	[sflag:s11] =	ssyncadd.s32 $0xFFFFFE80  }
0x1cb: {  	s20 =	sadd.s32 $0x1, s20  }
0x1cc: {  	p0 =	sne.s32 s20, s10  }
.Ltmp3:
0x1cd: {  	_ = 	snop;
	(pc) =	sbr.rel @p0 .LBB2_1-.Ltmp3, $1  }
0x1ce: {  	_ =	sdelay $0x3  }
0x1cf: {  	_ =	sfence.sel $0x180000  }
0x1d0: {  	[bflag:$0x0] =	sbarrier.arrive $0xFFFF  }
0x1d1: {  	p0 =	sne.s32 s2, $0x0;
	_ =	strace $0x90000047  }
0x1d2: {  	s0 =	sadd.s32 @!p0 $0x100000, s0;
	[bflag:$0x2] =	sbarrier.arrive $0xFFFF  }
0x1d3: {  	[sflag:s0] =	ssyncadd.tile.s32 @!p0 $0x1;
	_ =	shalt  }
.Lfunc_end2:
_tile_overlayer_lowered:
.L_overlay_start_2:
0x1d4: {  	(tag) =	ssettag $0x2  }
0x1d5: {  	s0 =	rddreg [dreg:$0x0];
	s2 =	stileid.u32  }
0x1d6: {  	s1 =	rddreg [dreg:$0x1];
	p0 =	sne.s32 s2, $0x0  }
0x1d7: {  	s3 =	rddreg [dreg:$0x2];
	[bflag:$0x3] =	sbarrier.arrive $0xFFFF;
	s2 =	simm.s32 @!p0 $0x1C03  }
0x1d8: {  	[timem:s3], [sflag:s2] =	dma.local @!p0 [hbm:s0], s1  }
0x1d9: {  	s0 =	simm.s32 @!p0 $0x3  }
0x1da: {  	_ =	swait.ge @!p0 [sflag:s0], s1  }
0x1db: {  	s1 =	ssub.s32 @!p0 $0x0, s1;
	[sflag:s0] =	ssyncset.done @!p0 $0x0  }
0x1dc: {  	[sflag:s0] =	ssyncadd.s32 @!p0 s1  }
0x1dd: {  	[bflag:$0x3] =	sbarrier.arrive $0xFFFF  }
0x1de: {  	_ =	shalt  }

// kernel: sparse-core-data-format-call.cloned.1.call-start
scs
called_computation_lowered:
.L_overlay_start_0:
0x0: {  	s2 =	sld [smem:$0x3FD9]  }
0x1: {  	s3 =	sld [smem:$0x3FFE];
	_ =	sdelay $0x1  }
0x2: {  	s1 =	srdreg.scid  }
0x3: {  	s0 =	sand.u32 $0x1, s1  }
0x4: {  	s15 =	sshll.u32 s0, $0xA;
	s2 =	sadd.s32 s3, s2  }
0x5: {  	s2 =	sadd.s32 s2, s15  }
0x6: {  	[smem:$0x3FC5] =	sst s2  }
0x7: {  	_ = 	snop  }
0x8: {  	s2 =	sld [smem:$0x3FD0];
	_ =	sdelay $0x2  }
0x9: {  	s16 =	simm.s32 $0xA;
	s4 =	simm.s32 $0x10  }
0xa: {  	[smem:s4], [sflag:s16] =	dma.local [hbm:s2], $0x1  }
0xb: {  	_ =	swait.eq [sflag:s16], $0x1  }
0xc: {  	[sflag:s16] =	ssyncset.done $0x0  }
0xd: {  	[sflag:s16] =	ssyncadd.s32 $0xFFFFFFFF  }
0xe: {  	s17 =	sld [smem:$0x10];
	(tm) =	ssettm $0x1  }
0xf: {  	s18 =	sld [smem:$0x3FFB];
	_ =	sdelay $0x3  }
0x10: {  	_ =	strace s18  }
0x11: {  	s3 =	sld [smem:$0x3FFC];
	_ =	sdelay $0x3  }
0x12: {  	_ =	strace s3  }
0x13: {  	s3 =	sld [smem:$0x3FFD];
	_ =	sdelay $0x3  }
0x14: {  	_ =	strace s3  }
0x15: {  	_ =	strace $0x8FFFFFFF  }
0x16: {  	s19 =	sld [smem:$0x3FDB];
	_ =	sdelay $0x1  }
0x17: {  	s20 =	simm.s32 $_scs_section_size  }
0x18: {  	s5 =	simm.s32 $_size__tile_overlayer_lowered;
	s6 =	simm.s32 $_tile_overlayer_lowered  }
0x19: {  	s23 =	simm.s32 $0x1BFF;
	s22 =	sshll.u32 s6, $0x1;
	s3 =	sadd.s32 s20, s19  }
0x1a: {  	s7 =	simm.s32 $0x0;
	s21 =	sshll.u32 s5, $0x1;
	s5 =	sadd.s32 s22, s3  }
0x1b: {  	[timem:s7], [sflag:s23] =	dma.local [hbm:s5], s21  }
0x1c: {  	_ =	swait.ge [sflag:s23], s21  }
0x1d: {  	s4 =	ssub.s32 $0x0, s21;
	[sflag:s23] =	ssyncset.done $0x0  }
0x1e: {  	[sflag:s23] =	ssyncadd.s32 s4;
	_ =	sdelay $0x1  }
0x1f: {  	s24 =	simm.s32 $0x1B8B  }
0x20: {  	_ =	swait.ge [sflag:s24], $0x1  }
0x21: {  	[sflag:s24] =	ssyncset.done $0x0  }
0x22: {  	s26 =	simm.s32 $0x1B8E;
	s25 =	sld [smem:$0x3FFE];
	[sflag:s24] =	ssyncadd.s32 $0xFFFFFFFF  }
0x23: {  	s27 =	simm.s32 $execute0_lowered;
	[smem:$0x3FD2] =	sst s26  }
0x24: {  	s5 =	sshll.u32 s27, $0x1;
	_ =	strace $0x80000049;
	[dreg:$0x1] =	wrdreg $0xFFFFFFFF  }
0x25: {  	s28 =	simm.s32 $_size_execute0_lowered;
	s3 =	sadd.s32 s3, s5;
	[dreg:$0x0] =	wrdreg $0x0  }
0x26: {  	s5 =	sshll.u32 s28, $0x1;
	[dreg:$0x2] =	wrdreg s3  }
0x27: {  	[dreg:$0x3] =	wrdreg s5  }
0x28: {  	[dreg:$0x4] =	wrdreg $0xC0  }
0x29: {  	_ =	task [dreg:s7], $0x5FFFF  }
0x2a: {  	[dreg:$0x1] =	wrdreg $0xFFFFFFFF  }
0x2b: {  	[dreg:$0x0] =	wrdreg $0x60  }
0x2c: {  	[dreg:$0x2] =	wrdreg s25  }
0x2d: {  	[dreg:$0x3] =	wrdreg s17  }
0x2e: {  	[dreg:$0x4] =	wrdreg $0x9  }
0x2f: {  	_ =	task.clear_ibuf [dreg:s7], $0x5FFFF;
	_ =	strace $0x90000049  }
0x30: {  	s29 =	simm.s32 $0x9;
	_ =	strace $0x8000004B  }
0x31: {  	_ =	swait.ge [sflag:s29], $0x1  }
0x32: {  	[sflag:s29] =	ssyncadd.s32 $0xFFFFFFFF  }
0x33: {  	_ =	strace $0x9000004B  }
0x34: {  	_ =	sfence  }
0x35: {  	s30 =	sld [smem:$0x0];
	_ =	sdelay $0x2  }
0x36: {  	s31 =	sshll.u32 s1, $0xD;
	s1 =	sshrl.u32 s1, $0x2  }
0x37: {  	s3 =	sand.u32 $0x4000, s31;
	s1 =	sadd.s32 s1, s30  }
0x38: {  	s0 =	sor.u32 s3, s0;
	s1 =	sshll.u32 s1, $0x11  }
0x39: {  	s0 =	sor.u32 s1, s0  }
0x3a: {  	s0 =	sadd.s32 $0x8F2B, s0  }
0x3b: {  	[sflag:s0] =	ssyncadd.remote.s32 $0x1  }
0x3c: {  	_ =	sfence.sel $0xFFFF  }
0x3d: {  	[dreg:$0x0] =	wrdreg $0xFFFFFFFF;
	(pc) =	sbr.abs _section_cstart, $3  }
0x3e: {  	[dreg:$0x1] =	wrdreg $0xFFFFFFFF  }
0x3f: {  	_ =	task.clear_ibuf [dreg:s7], $0x2FFFF;
	_ =	strace $0x9FFFFFFF  }
0x40: {  	(tm) =	ssettm $0x7FFFFFFF  }
0x41: {  	_ =	shalt  }
tec
execute0_lowered:
.L_overlay_start_1:
0x0: {  	(tag) =	ssettag $0x1  }
0x1: {  	s0 =	stileid.u32  }
0x2: {  	s1 =	srdreg.scid;
	s5 =	rddreg [dreg:$0x0];
	s31 =	simm.s32 $0x2  }
0x3: {  	s17 =	simm.s32 $0x0;
	s9 =	simm.s32 $0x20000;
	s18 =	simm.s32 $0x0  }
0x4: {  	s19 =	simm.s32 $0x0;
	s2 =	sshll.u32 s0, $0x6;
	s1 =	sshll.u32 s1, $0xA  }
0x5: {  	s10 =	simm.s32 $0x0;
	s11 =	simm.s32 $0x0;
	s1 =	sor.u32 s2, s1  }
0x6: {  	s12 =	simm.s32 $0x0;
	s13 =	simm.s32 $0x0;
	s1 =	sand.u32 $0x780, s1  }
0x7: {  	s16 =	simm.s32 $0x0;
	s2 =	sand.u32 $0x1, s0;
	s3 =	ssub.s32 $0x2000, s1  }
0x8: {  	s5 =	sadd.s32 $0x1200, s5;
	s4 =	ssub.s32 $0x2, s2;
	s6 =	sand.u32 $0x780, s3  }
0x9: {  	s7 =	sshrl.u32 s4, $0x1;
	p0 =	sne.s32 s6, $0x0;
	s6 =	simm.s32 $0x1  }
0xa: {  	s8 =	sand.u32 $0x1, s4;
	s3 =	sshrl.u32 s3, $0xB;
	s6 =	simm.s32 @!p0 $0x0  }
.Ltmp0:
0xb: {  	s7 =	sadd.s32 s8, s7;
	s6 =	sadd.s32 s6, s3;
	(pc) =	sbr.rel .LBB1_1-.Ltmp0, $4  }
0xc: {  	s15 =	smov.u32 s2;
	s4 =	rddreg [dreg:$0x1];
	s7 =	smul.u32 s6, s7  }
0xd: {  	s3 =	rddreg [dreg:$0x2];
	_ =	strace $0x8000004A;
	s6 =	simm.s32 $0x1  }
0xe: {  	s14 =	smov.u32 s1;
	[sflag:s6] =	ssyncpa.u1 $0x0;
	s7 =	sshll.u32 s7, $0x4  }
0xf: {  	p0 =	por $0x0, $0x0;
	[sflag:s31] =	ssyncpa.u1 $0x0;
	s8 =	sor.u32 $0x1, s7  }
.LBB1_4:
0x10: {  	s24 =	sshra.s32 s24, $0x2;
	s28 =	sshll.u32 s10, $0xD;
	s25 =	sshll.u32 s11, $0x3  }
0x11: {  	s26 =	sshra.s32 s12, $0x1F;
	p1 =	sgt.s32 s12, $0x1;
	p2 =	sgt.s32 s11, $0x1F80  }
0x12: {  	s29 =	sshra.s32 s11, $0x1F;
	s30 =	sshra.s32 s10, $0x1F;
	s23 =	sadd.s32 s24, s23  }
0x13: {  	s24 =	sand.u32 $0x10000, s28;
	s27 =	sand.u32 $0x1FC00, s25;
	s28 =	smov.u32 s12  }
0x14: {  	s26 =	sand.u32 s26, s12;
	s25 =	sand.u32 $0x1C00, s25;
	s24 =	sadd.s32 s27, s24  }
0x15: {  	s28 =	simm.s32 @!p1 $0x1;
	s26 =	sxor.u32 $0xFFFFFFFF, s26;
	s27 =	smov.u32 s11  }
0x16: {  	s26 =	sadd.s32 s26, s28;
	s27 =	simm.s32 @!p2 $0x1F80;
	s28 =	sand.u32 s29, s11  }
0x17: {  	v5 =	vld [tilespmem:s21+$0xFFFFFFD0];
	[tilespmem:s22+$0x2040 ss:$0x81] =	vst.msk $0xffff, v4;
	p2 =	sgt.s32 s10, $0xF;
	s29 =	smov.u32 s10;
	s24 =	sshrl.u32 s24, $0x3  }
0x18: {  	v58 =	vld [tilespmem:s21+$0xFFFFFFE0];
	[tilespmem:s22+$0x2850 ss:$0x81] =	vst.msk $0xffff, v3;
	p1 =	sgt.s32 s26, $0x0;
	s27 =	ssub.s32 s27, s28;
	s26 =	ssub.s32 $0x1, s26  }
0x19: {  	v59 =	vld [tilespmem:s21+$0xFFFFFFF0];
	[tilespmem:s22+$0x3060 ss:$0x81] =	vst.msk $0xffff, v2;
	s29 =	simm.s32 @!p2 $0xF;
	s28 =	sand.u32 s30, s10;
	s24 =	sand.u32 $0x3C00, s24  }
0x1a: {  	[tilespmem:s22+$0x0 ss:$0x81] =	vst.msk $0xffff, v1;
	v60 =	vld [tilespmem:s21+$0x0];
	s26 =	smul.u32 $0x43, s26;
	s28 =	ssub.s32 s29, s28;
	s31 =	sadd.s32 $0xFFFFE080, s27  }
0x1b: {  	v61 =	vld [tilespmem:s21+$0x10];
	[tilespmem:s23+$0x3870 ss:$0x81] =	vst.msk $0xffff, v0;
	s27 =	ssub.s32 $0x2000, s27;
	s29 =	sshll.u32 s10, $0x7;
	p2 =	sgt.s32 s31, $0x7F  }
0x1c: {  	v62 =	vld [tilespmem:s21+$0x20];
	[tilespmem:s23+$0x810 ss:$0x81] =	vst.msk $0xffff, v5;
	s30 =	sadd.s32 $0xFFFFFFF1, s28;
	s31 =	sand.u32 $0x78, s11;
	s26 =	simm.s32 @p1 $0x0  }
0x1d: {  	v63 =	vld [tilespmem:s21+$0xFFFFFFC0];
	[tilespmem:s23+$0x1020 ss:$0x81] =	vst.msk $0xffff, v58;
	s27 =	simm.s32 @p2 $0x0;
	s22 =	sor.u32 s31, s25;
	s31 =	smul.u32 $0x10C000, s12  }
0x1e: {  	[tilespmem:s23+$0x1830 ss:$0x81] =	vst.msk $0xffff, v59;
	p1 =	sgt.s32 s30, $0x0;
	s26 =	smul.u32 s26, s27;
	s27 =	ssub.s32 $0x10, s28  }
0x1f: {  	[tilespmem:s23+$0x2040 ss:$0x81] =	vst.msk $0xffff, v60;
	s30 =	sand.u32 $0x380, s29;
	s29 =	sand.u32 $0x7, s11;
	s27 =	simm.s32 @p1 $0x0  }
0x20: {  	[tilespmem:s23+$0x2850 ss:$0x81] =	vst.msk $0xffff, v61;
	s21 =	sor.u32 s30, s22;
	s25 =	sadd.s32 s4, s31;
	s28 =	smul.u32 s27, s26  }
0x21: {  	[tilespmem:s23+$0x3060 ss:$0x81] =	vst.msk $0xffff, v62;
	s30 =	sshll.u32 s29, $0x12;
	s21 =	sshrl.u32 s21, $0x3;
	s24 =	sadd.s32 s24, s25  }
0x22: {  	[tilespmem:s23+$0x0 ss:$0x81] =	vst.msk $0xffff, v63;
	s31 =	sor.u32 $0x80, s30;
	s21 =	sadd.s32 s21, s24;
	s22 =	sand.u32 $0x3FFFFFFF, s28  }
0x23: {  	[hbm4b:s21+s31] =	stream.strided.scatter [tilespmem:s20], [sflag:$0x2], s22, s9, s31, $0x20;
	[tilespmem:$0x10100] =	vst v63  }
.LBB1_5:
0x24: {  	p1 =	slt.u32 s16, $0x2  }
0x25: {  	p2 =	sgt.s32 @!p1 s19, $0x1;
	s20 =	sshra.s32 @!p1 s19, $0x1F  }
0x26: {  	s21 =	smov.u32 s19;
	p2 =	por !p2, p1;
	s19 =	sand.u32 @!p1 s20, s19  }
0x27: {  	s21 =	simm.s32 @p2 $0x1;
	s19 =	sxor.u32 @!p1 $0xFFFFFFFF, s19  }
0x28: {  	p3 =	sgt.s32 @!p1 s18, $0x1F80;
	s19 =	sadd.s32 @!p1 s19, s21  }
0x29: {  	p3 =	por !p3, p1;
	s21 =	sshra.s32 @!p1 s18, $0x1F;
	s20 =	ssub.s32 @!p1 $0x1, s19  }
0x2a: {  	p2 =	sgt.s32 @!p1 s19, $0x0;
	s19 =	smul.u32 @!p1 $0x43, s20;
	s20 =	smov.u32 s18  }
0x2b: {  	p2 =	por !p2, p1;
	s20 =	simm.s32 @p3 $0x1F80;
	p3 =	sgt.s32 @!p1 s17, $0xF  }
0x2c: {  	s18 =	sand.u32 @!p1 s21, s18;
	s21 =	smov.u32 s17;
	p3 =	por !p3, p1  }
0x2d: {  	s18 =	ssub.s32 @!p1 s20, s18;
	s20 =	sshra.s32 @!p1 s17, $0x1F;
	s19 =	simm.s32 @!p2 $0x0  }
0x2e: {  	s21 =	simm.s32 @p3 $0xF;
	s17 =	sand.u32 @!p1 s20, s17;
	s20 =	sadd.s32 @!p1 $0xFFFFE080, s18  }
0x2f: {  	s18 =	ssub.s32 @!p1 $0x2000, s18;
	s17 =	ssub.s32 @!p1 s21, s17;
	p2 =	sgt.s32 @!p1 s20, $0x7F  }
0x30: {  	s21 =	smov.u32 s14;
	s20 =	sadd.s32 @!p1 $0xFFFFFFF1, s17;
	p2 =	por !p2, p1  }
0x31: {  	s17 =	ssub.s32 @!p1 $0x10, s17;
	p3 =	sgt.s32 @!p1 s20, $0x0;
	s18 =	simm.s32 @!p2 $0x0  }
0x32: {  	s20 =	sadd.s32 $0x1, s13;
	p2 =	por !p3, p1;
	s18 =	smul.u32 @!p1 s19, s18  }
0x33: {  	s19 =	sadd.s32 $0x800, s14;
	s17 =	simm.s32 @!p2 $0x0;
	p2 =	sgt.s32 s20, $0xF  }
0x34: {  	s22 =	smov.u32 s15;
	s21 =	smov.u32 @p2 s19  }
0x35: {  	s17 =	smul.u32 @!p1 s17, s18;
	s18 =	sadd.s32 $0x2, s15;
	p3 =	sgt.s32 s21, $0x1FFF  }
0x36: {  	p0 =	por !p0, !p0;
	s23 =	simm.s32 @!p1 $0x2;
	s22 =	smov.u32 @p3 s18  }
0x37: {  	s20 =	simm.s32 @p2 $0x0;
	s19 =	smov.u32 s12;
	p2 =	sgt.s32 s22, $0x1  }
0x38: {  	s12 =	smov.u32 s15;
	s22 =	smov.u32 @p2 s2;
	p2 =	sne.s32 s16, s8  }
.Ltmp1:
0x39: {  	s17 =	sand.u32 @!p1 $0x3FFFFFFF, s17;
	s21 =	smov.u32 @p3 s1;
	(pc) =	sbr.rel @!p2 .LBB1_6-.Ltmp1, $4  }
0x3a: {  	s18 =	smov.u32 s11;
	s11 =	smov.u32 s14;
	_ =	swait.ge @!p1 [sflag:s23], s17  }
0x3b: {  	s24 =	ssub.s32 @!p1 $0x0, s17;
	s17 =	smov.u32 s10;
	s10 =	smov.u32 s13  }
0x3c: {  	s13 =	smov.u32 s20;
	s14 =	smov.u32 s21;
	[sflag:s23] =	ssyncset.done @!p1 $0x0  }
0x3d: {  	s16 =	sadd.s32 $0x1, s16;
	[sflag:s23] =	ssyncadd.s32 @!p1 s24;
	s15 =	smov.u32 s22  }
.LBB1_1:
0x3e: {  	p1 =	sge.u32 s16, s7;
	s31 =	sadd.s32 $0xFFFFFFFF, s16  }
0x3f: {  	s20 =	sxor.u32 @!p1 $0xFFFFFFFF, s16;
	s21 =	sshll.u32 @!p1 s15, $0x15;
	s22 =	sshll.u32 @!p1 s14, $0x8  }
0x40: {  	s23 =	sshll.u32 @!p1 s13, $0x4;
	s20 =	sshll.u32 @!p1 s20, $0xE;
	s21 =	sadd.s32 @!p1 s5, s21  }
0x41: {  	s23 =	sand.u32 @!p1 $0xF0, s23;
	s20 =	sand.u32 @!p1 $0x4000, s20;
	s21 =	sadd.s32 @!p1 s22, s21  }
0x42: {  	s22 =	simm.s32 @!p1 $0x80;
	s21 =	sadd.s32 @!p1 s23, s21;
	s23 =	simm.s32 @!p1 $0x800  }
0x43: {  	[tilespmem:s20], [sflag:$0x1] =	stream.strided.gather @!p1 [hbm4b:s21+s22], $0x4000, s23, s22, $0x38;
	[tilespmem:$0x10100] =	vst v63  }
0x44: {  	p1 =	sge.u32 s31, s7  }
.Ltmp2:
0x45: {  	_ = 	snop;
	(pc) =	sbr.rel @p1 .LBB1_5-.Ltmp2, $1  }
0x46: {  	_ =	sdelay $0x3  }
0x47: {  	s20 =	simm.s32 $0x1  }
0x48: {  	_ =	swait.ge [sflag:s6], $0x4000;
	s20 =	simm.s32 @!p0 $0x0  }
0x49: {  	[sflag:s6] =	ssyncset.done $0x0;
	s21 =	sshll.u32 s20, $0xE  }
0x4a: {  	[sflag:s6] =	ssyncadd.s32 $0xFFFFC000;
	s21 =	sor.u32 $0x40, s21  }
0x4b: {  	s20 =	smul.u32 $0x10200, s20;
	v0 =	vld [tilespmem:s21+$0x30]  }
0x4c: {  	v1 =	vld [tilespmem:s21+$0xFFFFFFD0]  }
0x4d: {  	s20 =	sshrl.u32 s20, $0x2;
	v5 =	vld [tilespmem:s21+$0xFFFFFFE0]  }
0x4e: {  	v6 =	vld [tilespmem:s21+$0xFFFFFFF0];
	s23 =	sor.u32 $0x8000, s20  }
0x4f: {  	s31 =	sand.u32 $0x1, s16;
	v4 =	vld [tilespmem:s21+$0x0];
	s22 =	sadd.s32 $0x0, s23  }
0x50: {  	v3 =	vld [tilespmem:s21+$0x10];
	s20 =	smul.u32 $0x10200, s31;
	[tilespmem:s22+$0x3870 ss:$0x81] =	vst.msk $0xffff, v0  }
0x51: {  	v2 =	vld [tilespmem:s21+$0x20];
	[tilespmem:s22+$0x810 ss:$0x81] =	vst.msk $0xffff, v1  }
0x52: {  	s20 =	sshrl.u32 s20, $0x2;
	v1 =	vld [tilespmem:s21+$0xFFFFFFC0];
	[tilespmem:s22+$0x1020 ss:$0x81] =	vst.msk $0xffff, v5;
	s21 =	sadd.s32 $0x80, s21  }
0x53: {  	s24 =	simm.s32 $0x4;
	s25 =	simm.s32 $0x8;
	s20 =	sor.u32 $0x8000, s20;
	[tilespmem:s22+$0x1830 ss:$0x81] =	vst.msk $0xffff, v6;
	v0 =	vld [tilespmem:s21+$0x30]  }
.LBB1_3:
0x54: {  	p1 =	sne.s32 s25, $0x1FC;
	v5 =	vld [tilespmem:s21+$0xFFFFFFD0];
	[tilespmem:s22+$0x2040 ss:$0x81] =	vst.msk $0xffff, v4  }
0x55: {  	v6 =	vld [tilespmem:s21+$0xFFFFFFE0];
	[tilespmem:s22+$0x2850 ss:$0x81] =	vst.msk $0xffff, v3  }
0x56: {  	s26 =	sshra.s32 s24, $0x2;
	s24 =	smov.u32 s25;
	v7 =	vld [tilespmem:s21+$0xFFFFFFF0];
	[tilespmem:s22+$0x3060 ss:$0x81] =	vst.msk $0xffff, v2  }
.Ltmp3:
0x57: {  	v4 =	vld [tilespmem:s21+$0x0];
	[tilespmem:s22+$0x0 ss:$0x81] =	vst.msk $0xffff, v1;
	s22 =	sadd.s32 s26, s23;
	(pc) =	sbr.rel @p1 .LBB1_3-.Ltmp3, $4  }
0x58: {  	v3 =	vld [tilespmem:s21+$0x10];
	[tilespmem:s22+$0x3870 ss:$0x81] =	vst.msk $0xffff, v0  }
0x59: {  	[tilespmem:s22+$0x810 ss:$0x81] =	vst.msk $0xffff, v5;
	v2 =	vld [tilespmem:s21+$0x20]  }
0x5a: {  	v1 =	vld [tilespmem:s21+$0xFFFFFFC0];
	[tilespmem:s22+$0x1020 ss:$0x81] =	vst.msk $0xffff, v6;
	s21 =	sadd.s32 $0x80, s21  }
0x5b: {  	s25 =	sadd.s32 $0x4, s25;
	v0 =	vld [tilespmem:s21+$0x30];
	[tilespmem:s22+$0x1830 ss:$0x81] =	vst.msk $0xffff, v7  }
.Ltmp4:
0x5c: {  	_ = 	snop;
	(pc) =	sbr.rel .LBB1_4-.Ltmp4, $1  }
0x5d: {  	_ =	sdelay $0x3  }
.LBB1_6:
0x5e: {  	_ =	sfence.sel $0x180000  }
0x5f: {  	s1 =	simm.s32 $0x1;
	[bflag:$0x0] =	sbarrier.arrive $0xFFFF  }
0x60: {  	s31 =	simm.s32 $0x2;
	[sflag:s1] =	ssyncpa.u1 $0x1  }
0x61: {  	[sflag:s31] =	ssyncpa.u1 $0x1  }
0x62: {  	p0 =	sne.s32 s0, $0x0;
	_ =	strace $0x9000004A  }
0x63: {  	s0 =	sadd.s32 @!p0 $0x100000, s3;
	[bflag:$0x2] =	sbarrier.arrive $0xFFFF  }
0x64: {  	[sflag:s0] =	ssyncadd.tile.s32 @!p0 $0x1;
	_ =	shalt  }
.Lfunc_end1:
_tile_overlayer_lowered:
.L_overlay_start_2:
0x65: {  	(tag) =	ssettag $0x2  }
0x66: {  	s0 =	rddreg [dreg:$0x0];
	s2 =	stileid.u32  }
0x67: {  	s1 =	rddreg [dreg:$0x1];
	p0 =	sne.s32 s2, $0x0  }
0x68: {  	s3 =	rddreg [dreg:$0x2];
	[bflag:$0x3] =	sbarrier.arrive $0xFFFF;
	s2 =	simm.s32 @!p0 $0x1C01  }
0x69: {  	[timem:s3], [sflag:s2] =	dma.local @!p0 [hbm:s0], s1  }
0x6a: {  	s0 =	simm.s32 @!p0 $0x1  }
0x6b: {  	_ =	swait.ge @!p0 [sflag:s0], s1  }
0x6c: {  	s1 =	ssub.s32 @!p0 $0x0, s1;
	[sflag:s0] =	ssyncset.done @!p0 $0x0  }
0x6d: {  	[sflag:s0] =	ssyncadd.s32 @!p0 s1  }
0x6e: {  	[bflag:$0x3] =	sbarrier.arrive $0xFFFF  }
0x6f: {  	_ =	shalt  }

</sc_bundles>
